<compile_context>
chip_gen: v7x
topology: tpu7x:2x2x1
jax: 0.10.2.dev20260603
libtpu: 0.0.44.dev20260713+nightly
codegen_flags: <defaults>
</compile_context>

<pallas_src>
import jax
import jax.numpy as jnp
from jax import lax
from jax.experimental import pallas as pl
from jax.experimental.pallas import tpu as pltpu
from jax.experimental.pallas import tpu_sc as plsc

N = 10000
D = 128
E = 320000
NG = 64
NC = 10

NCORES = 2
NSUB = 16
NW = NCORES * NSUB
EDGES_PER_TILE = E // NW
CHUNK = 80
STEPS = EDGES_PER_TILE // CHUNK
N_PAD = 10240
ROWS_PER_TILE = N_PAD // NSUB

BN = 1000
GRID = N // BN



NROWBUF = 4
NIDX = 8
PEEL = 8
LOOP_LO = PEEL
LOOP_HI = PEEL + ((STEPS - 1 - 6 - PEEL + 1) // PEEL) * PEEL


def _sc_agg_body(h_hbm, src_hbm, dst_hbm, zeros_hbm, out_hbm,
                 svs, dvs, rows, agg_sh, isems, gsems, ssem):
    cid = lax.axis_index("c")
    sid = lax.axis_index("s")
    wid = sid * NCORES + cid
    r0 = sid * ROWS_PER_TILE

    pltpu.sync_copy(zeros_hbm.at[pl.ds(r0, ROWS_PER_TILE)],
                    agg_sh.at[pl.ds(r0, ROWS_PER_TILE)])
    plsc.subcore_barrier()

    def load_idx(j, s):
        base = wid * EDGES_PER_TILE + j * CHUNK
        pltpu.async_copy(src_hbm.at[pl.ds(base, CHUNK)], svs[s], isems[s])
        pltpu.async_copy(dst_hbm.at[pl.ds(base, CHUNK)], dvs[s], isems[s])

    def wait_idx(s):
        pltpu.make_async_copy(src_hbm.at[pl.ds(0, CHUNK)], svs[s], isems[s]).wait()
        pltpu.make_async_copy(src_hbm.at[pl.ds(0, CHUNK)], dvs[s], isems[s]).wait()

    def start_gather(s, b):
        pltpu.async_copy(h_hbm.at[svs[s]], rows[b], gsems[b])

    def wait_gather(b):
        pltpu.make_async_copy(h_hbm.at[pl.ds(0, CHUNK)], rows[b], gsems[b]).wait()

    def scatter(b, s):
        pltpu.async_copy(rows[b], agg_sh.at[dvs[s]], ssem, add=True)

    def wait_scatter(b):
        pltpu.make_async_copy(rows[b], agg_sh.at[pl.ds(0, CHUNK)],
                              ssem).wait()

    def stage(j, u, do_load, do_gather, do_wait_sc):
        b = u % NROWBUF
        wait_gather(b)
        if do_wait_sc:
            wait_scatter((u + 3) % NROWBUF)
        scatter(b, u % NIDX)
        if do_load:
            load_idx(j + 6, (u + 6) % NIDX)
        if do_gather:
            wait_idx((u + 3) % NIDX)
            start_gather((u + 3) % NIDX, (u + 3) % NROWBUF)

    for t in range(6):
        load_idx(t, t)
    for t in range(3):
        wait_idx(t)
        start_gather(t, t)

    for j in range(PEEL):
        stage(j, j, True, True, j >= 1)

    def body(m, carry):
        j0 = LOOP_LO + m * PEEL
        for u in range(PEEL):
            stage(j0 + u, u, True, True, True)
        return carry

    lax.fori_loop(0, (LOOP_HI - LOOP_LO) // PEEL, body, 0)

    for j in range(LOOP_HI, STEPS):
        stage(j, j, j + 6 < STEPS, j + 3 < STEPS, True)

    wait_scatter((STEPS - 1) % NROWBUF)

    plsc.subcore_barrier()

    pltpu.sync_copy(agg_sh.at[pl.ds(r0, ROWS_PER_TILE)],
                    out_hbm.at[cid, pl.ds(r0, ROWS_PER_TILE)])


def _sc_aggregate(h, src, dst, zeros):
    return pl.kernel(
        _sc_agg_body,
        out_type=jax.ShapeDtypeStruct((NCORES, N_PAD, D), jnp.float32),
        mesh=plsc.VectorSubcoreMesh(core_axis_name="c", subcore_axis_name="s"),
        scratch_types=[
            [pltpu.VMEM((CHUNK,), jnp.int32) for _ in range(NIDX)],
            [pltpu.VMEM((CHUNK,), jnp.int32) for _ in range(NIDX)],
            [pltpu.VMEM((CHUNK, D), jnp.float32) for _ in range(NROWBUF)],
            pltpu.VMEM_SHARED((N_PAD, D), jnp.float32),
            [pltpu.SemaphoreType.DMA for _ in range(NIDX)],
            [pltpu.SemaphoreType.DMA for _ in range(NROWBUF)],
            pltpu.SemaphoreType.DMA,
        ],

    )(h, src, dst, zeros)



def _leaky(v):
    return jnp.where(v > 0, v, 0.01 * v)


def _conv_norm_body(h_ref, a0_ref, a1_ref, wa_ref, ba_ref, wb_ref, bb_ref,
                    g_ref, be_ref, out_ref, w_scr, acc_ref):
    p = pl.program_id(0)
    i = pl.program_id(1)

    @pl.when(p == 0)
    def _():
        t = h_ref[...] + a0_ref[0] + a1_ref[0]
        u = _leaky(jnp.dot(t, wa_ref[...], preferred_element_type=jnp.float32)
                   + ba_ref[...])
        v = (jnp.dot(u, wb_ref[...], preferred_element_type=jnp.float32)
             + bb_ref[...])
        w = _leaky(v)
        w_scr[pl.ds(i * BN, BN), :] = w

        @pl.when(i == 0)
        def _():
            acc_ref[...] = jnp.zeros_like(acc_ref)

        s = jnp.concatenate([jnp.sum(w, 0, keepdims=True),
                             jnp.sum(w * w, 0, keepdims=True)], axis=0)
        acc_ref[...] = acc_ref[...] + s
        out_ref[...] = w

    @pl.when(p == 1)
    def _():
        s = acc_ref[...]
        m = s[0:1, :] * (1.0 / N)
        var = s[1:2, :] * (1.0 / N) - m * m
        scale = g_ref[...] * lax.rsqrt(var + 1e-5)
        out_ref[...] = (w_scr[pl.ds(i * BN, BN), :] - m) * scale + be_ref[...]


def _conv_norm(h, agg, Wa, ba, Wb, bb, g, be):
    return pl.pallas_call(
        _conv_norm_body,
        grid=(2, GRID),
        in_specs=[
            pl.BlockSpec((BN, D), lambda p, i: (i * (1 - p), 0)),
            pl.BlockSpec((1, BN, D), lambda p, i: (0, i * (1 - p), 0)),
            pl.BlockSpec((1, BN, D), lambda p, i: (1, i * (1 - p), 0)),
            pl.BlockSpec((D, D), lambda p, i: (0, 0)),
            pl.BlockSpec((1, D), lambda p, i: (0, 0)),
            pl.BlockSpec((D, D), lambda p, i: (0, 0)),
            pl.BlockSpec((1, D), lambda p, i: (0, 0)),
            pl.BlockSpec((1, D), lambda p, i: (0, 0)),
            pl.BlockSpec((1, D), lambda p, i: (0, 0)),
        ],
        out_specs=pl.BlockSpec((BN, D), lambda p, i: (i, 0)),
        out_shape=jax.ShapeDtypeStruct((N, D), jnp.float32),
        scratch_shapes=[pltpu.VMEM((N, D), jnp.float32),
                        pltpu.VMEM((2, D), jnp.float32)],
    )(h, agg, agg, Wa, ba, Wb, bb, g, be)


def _conv_pool_body(h_ref, a0_ref, a1_ref, wa_ref, ba_ref, wb_ref, bb_ref,
                    g_ref, be_ref, batch_ref, wf1_ref, bf1_ref, wf2_ref,
                    bf2_ref, out_ref, w_scr, acc_ref, p_acc):
    p = pl.program_id(0)
    i = pl.program_id(1)

    @pl.when(p == 0)
    def _():
        t = h_ref[...] + a0_ref[0] + a1_ref[0]
        u = _leaky(jnp.dot(t, wa_ref[...], preferred_element_type=jnp.float32)
                   + ba_ref[...])
        v = (jnp.dot(u, wb_ref[...], preferred_element_type=jnp.float32)
             + bb_ref[...])
        w = _leaky(v)
        w_scr[pl.ds(i * BN, BN), :] = w

        @pl.when(i == 0)
        def _():
            acc_ref[...] = jnp.zeros_like(acc_ref)
            out_ref[...] = jnp.zeros_like(out_ref)

        s = jnp.concatenate([jnp.sum(w, 0, keepdims=True),
                             jnp.sum(w * w, 0, keepdims=True)], axis=0)
        acc_ref[...] = acc_ref[...] + s

    @pl.when(p == 1)
    def _():
        s = acc_ref[...]
        m = s[0:1, :] * (1.0 / N)
        var = s[1:2, :] * (1.0 / N) - m * m
        scale = g_ref[...] * lax.rsqrt(var + 1e-5)
        h2 = (w_scr[pl.ds(i * BN, BN), :] - m) * scale + be_ref[...]

        b = batch_ref[0]
        seg = jnp.where(
            lax.broadcasted_iota(jnp.int32, (NG, BN), 0) == b, 1.0, 0.0)

        @pl.when(i == 0)
        def _():
            p_acc[...] = jnp.zeros_like(p_acc)

        p_acc[...] = p_acc[...] + jnp.dot(seg, h2,
                                          preferred_element_type=jnp.float32)

        @pl.when(i == GRID - 1)
        def _():
            pv = p_acc[...]
            q = _leaky(jnp.dot(pv, wf1_ref[...],
                               preferred_element_type=jnp.float32)
                       + bf1_ref[...])
            z = (jnp.dot(q, wf2_ref[...], preferred_element_type=jnp.float32)
                 + bf2_ref[...])
            zmax = jnp.max(z, axis=-1, keepdims=True)
            e = jnp.exp(z - zmax)
            out_ref[...] = (z - zmax) - jnp.log(jnp.sum(e, -1, keepdims=True))


def _conv_pool(h, agg, Wa, ba, Wb, bb, g, be, batch3, Wf1, bf1, Wf2p, bf2p):
    return pl.pallas_call(
        _conv_pool_body,
        grid=(2, GRID),
        in_specs=[
            pl.BlockSpec((BN, D), lambda p, i: (i * (1 - p), 0)),
            pl.BlockSpec((1, BN, D), lambda p, i: (0, i * (1 - p), 0)),
            pl.BlockSpec((1, BN, D), lambda p, i: (1, i * (1 - p), 0)),
            pl.BlockSpec((D, D), lambda p, i: (0, 0)),
            pl.BlockSpec((1, D), lambda p, i: (0, 0)),
            pl.BlockSpec((D, D), lambda p, i: (0, 0)),
            pl.BlockSpec((1, D), lambda p, i: (0, 0)),
            pl.BlockSpec((1, D), lambda p, i: (0, 0)),
            pl.BlockSpec((1, D), lambda p, i: (0, 0)),
            pl.BlockSpec((1, 1, BN), lambda p, i: (i, 0, 0)),
            pl.BlockSpec((D, D), lambda p, i: (0, 0)),
            pl.BlockSpec((1, D), lambda p, i: (0, 0)),
            pl.BlockSpec((D, D), lambda p, i: (0, 0)),
            pl.BlockSpec((1, D), lambda p, i: (0, 0)),
        ],
        out_specs=pl.BlockSpec((NG, D), lambda p, i: (0, 0)),
        out_shape=jax.ShapeDtypeStruct((NG, D), jnp.float32),
        scratch_shapes=[pltpu.VMEM((N, D), jnp.float32),
                        pltpu.VMEM((2, D), jnp.float32),
                        pltpu.VMEM((NG, D), jnp.float32)],
    )(h, agg, agg, Wa, ba, Wb, bb, g, be, batch3, Wf1, bf1, Wf2p, bf2p)



def kernel(x, edge_index, batch, W1a, b1a, W1b, b1b, g1, be1,
           W2a, b2a, W2b, b2b, g2, be2, Wf1, bf1, Wf2, bf2):
    src = edge_index[0]
    dst = edge_index[1]
    zeros = jnp.zeros((N_PAD, D), jnp.float32)

    b1a2 = b1a.reshape(1, D)
    b1b2 = b1b.reshape(1, D)
    b2a2 = b2a.reshape(1, D)
    b2b2 = b2b.reshape(1, D)
    g1_2 = g1.reshape(1, D)
    be1_2 = be1.reshape(1, D)
    g2_2 = g2.reshape(1, D)
    be2_2 = be2.reshape(1, D)
    bf1_2 = bf1.reshape(1, D)
    Wf2p = jnp.zeros((D, D), jnp.float32).at[:, :NC].set(Wf2)
    bf2p = jnp.full((1, D), -1e30, jnp.float32).at[0, :NC].set(bf2)
    batch3 = batch.reshape(GRID, 1, BN)

    agg0 = _sc_aggregate(x, src, dst, zeros)
    h1 = _conv_norm(x, agg0, W1a, b1a2, W1b, b1b2, g1_2, be1_2)
    agg1 = _sc_aggregate(h1, src, dst, zeros)
    out = _conv_pool(h1, agg1, W2a, b2a2, W2b, b2b2, g2_2, be2_2,
                     batch3, Wf1, bf1_2, Wf2p, bf2p)
    return out[:, :NC]

# --- scband reference (transcript-rebuilt; emitter-appended) ---
"""Pipeline reference for scband-gin-74406013436496 (READ-ONLY COPY).

The authoritative reference and input builder live on the scoring server;
editing this copy changes nothing except your own understanding.
"""

import jax, jax.numpy as jnp
import numpy as np

N = 10000
E = 320000
DF = 128
DH = 128
NC = 10
NG = 64


def _xavier(k, shape):
    a = float(np.sqrt(6.0 / (shape[0] + shape[1])))
    return jax.random.uniform(k, shape, jnp.float32, -a, a)


def setup_inputs(seed: int = 0) -> dict:
    key = jax.random.key(seed)
    ks = jax.random.split(key, 12)
    x = jax.random.normal(ks[0], (N, DF), jnp.float32)
    edge_index = jax.random.randint(ks[1], (2, E), 0, N, jnp.int32)
    batch = jnp.sort(jax.random.randint(ks[2], (N,), 0, NG, jnp.int32))
    return {
        'x': x,
        'edge_index': edge_index,
        'batch': batch,
        'W1a': _xavier(ks[3], (DF, DH)), 'b1a': jnp.zeros((DH,), jnp.float32),
        'W1b': _xavier(ks[4], (DH, DH)), 'b1b': jnp.zeros((DH,), jnp.float32),
        'g1': jnp.ones((DH,), jnp.float32), 'be1': jnp.zeros((DH,), jnp.float32),
        'W2a': _xavier(ks[5], (DH, DH)), 'b2a': jnp.zeros((DH,), jnp.float32),
        'W2b': _xavier(ks[6], (DH, DH)), 'b2b': jnp.zeros((DH,), jnp.float32),
        'g2': jnp.ones((DH,), jnp.float32), 'be2': jnp.zeros((DH,), jnp.float32),
        'Wf1': _xavier(ks[7], (DH, DH)), 'bf1': jnp.zeros((DH,), jnp.float32),
        'Wf2': _xavier(ks[8], (DH, NC)), 'bf2': jnp.zeros((NC,), jnp.float32),
    }


def _leaky(v):
    return jax.nn.leaky_relu(v, 0.01)


def _gin_conv(h, edge_index, Wa, ba, Wb, bb, eps=0.0):
    src = edge_index[0]
    dst = edge_index[1]
    agg = jax.ops.segment_sum(h[src], dst, num_segments=h.shape[0])
    out = (1.0 + eps) * h + agg
    out = _leaky(out @ Wa + ba)
    out = out @ Wb + bb
    return out


def _bn_train(h, gamma, beta, eps=1e-5):
    m = jnp.mean(h, axis=0)
    v = jnp.var(h, axis=0)
    return gamma * (h - m) / jnp.sqrt(v + eps) + beta


def reference(x, edge_index, batch, W1a, b1a, W1b, b1b, g1, be1,
              W2a, b2a, W2b, b2b, g2, be2, Wf1, bf1, Wf2, bf2):
    h = _leaky(_gin_conv(x, edge_index, W1a, b1a, W1b, b1b))
    h = _bn_train(h, g1, be1)
    h = _leaky(_gin_conv(h, edge_index, W2a, b2a, W2b, b2b))
    h = _bn_train(h, g2, be2)
    p = jax.ops.segment_sum(h, batch, num_segments=NG)
    p = _leaky(p @ Wf1 + bf1)
    # dropout p=0.0 -> identity
    p = p @ Wf2 + bf2
    return jax.nn.log_softmax(p, axis=-1)

if __name__ == "__main__":
    import jax
    _d = setup_inputs()
    print(jax.jit(kernel)(*tuple(_d.values())))

</pallas_src>

<mosaic_0001>
#map = affine_map<(d0, d1) -> (0, 0)>
#map1 = affine_map<(d0, d1) -> (0)>
#map2 = affine_map<(d0, d1) -> (0, 0, 0)>
module attributes {stable_mosaic.version = 14 : i64} {
  func.func @_sc_agg_body(%arg0: i32, %arg1: i32, %arg2: memref<10000x128xf32, #tpu.memory_space<hbm>>, %arg3: memref<320000xi32, #tpu.memory_space<hbm>>, %arg4: memref<320000xi32, #tpu.memory_space<hbm>>, %arg5: memref<10240x128xf32, #tpu.memory_space<hbm>>, %arg6: memref<2x10240x128xf32, #tpu.memory_space<hbm>>, %arg7: memref<80xi32, #tpu.memory_space<vmem>>, %arg8: memref<80xi32, #tpu.memory_space<vmem>>, %arg9: memref<80xi32, #tpu.memory_space<vmem>>, %arg10: memref<80xi32, #tpu.memory_space<vmem>>, %arg11: memref<80xi32, #tpu.memory_space<vmem>>, %arg12: memref<80xi32, #tpu.memory_space<vmem>>, %arg13: memref<80xi32, #tpu.memory_space<vmem>>, %arg14: memref<80xi32, #tpu.memory_space<vmem>>, %arg15: memref<80xi32, #tpu.memory_space<vmem>>, %arg16: memref<80xi32, #tpu.memory_space<vmem>>, %arg17: memref<80xi32, #tpu.memory_space<vmem>>, %arg18: memref<80xi32, #tpu.memory_space<vmem>>, %arg19: memref<80xi32, #tpu.memory_space<vmem>>, %arg20: memref<80xi32, #tpu.memory_space<vmem>>, %arg21: memref<80xi32, #tpu.memory_space<vmem>>, %arg22: memref<80xi32, #tpu.memory_space<vmem>>, %arg23: memref<80x128xf32, #tpu.memory_space<vmem>>, %arg24: memref<80x128xf32, #tpu.memory_space<vmem>>, %arg25: memref<80x128xf32, #tpu.memory_space<vmem>>, %arg26: memref<80x128xf32, #tpu.memory_space<vmem>>, %arg27: memref<10240x128xf32, #tpu.memory_space<vmem_shared>>, %arg28: memref<!tpu.dma_semaphore, #tpu.memory_space<semaphore_mem>>, %arg29: memref<!tpu.dma_semaphore, #tpu.memory_space<semaphore_mem>>, %arg30: memref<!tpu.dma_semaphore, #tpu.memory_space<semaphore_mem>>, %arg31: memref<!tpu.dma_semaphore, #tpu.memory_space<semaphore_mem>>, %arg32: memref<!tpu.dma_semaphore, #tpu.memory_space<semaphore_mem>>, %arg33: memref<!tpu.dma_semaphore, #tpu.memory_space<semaphore_mem>>, %arg34: memref<!tpu.dma_semaphore, #tpu.memory_space<semaphore_mem>>, %arg35: memref<!tpu.dma_semaphore, #tpu.memory_space<semaphore_mem>>, %arg36: memref<!tpu.dma_semaphore, #tpu.memory_space<semaphore_mem>>, %arg37: memref<!tpu.dma_semaphore, #tpu.memory_space<semaphore_mem>>, %arg38: memref<!tpu.dma_semaphore, #tpu.memory_space<semaphore_mem>>, %arg39: memref<!tpu.dma_semaphore, #tpu.memory_space<semaphore_mem>>, %arg40: memref<!tpu.dma_semaphore, #tpu.memory_space<semaphore_mem>>) attributes {dimension_semantics = [#tpu.dimension_semantics<core_parallel>, #tpu.dimension_semantics<subcore_parallel>], iteration_bounds = array<i64: 2, 16>, scalar_prefetch = 0 : i64, scratch_operands = 34 : i64, tpu.core_type = #tpu.core_type<sc_vector_subcore>, window_params = [{transform_indices = #map}, {transform_indices = #map1}, {transform_indices = #map1}, {transform_indices = #map}, {transform_indices = #map2}]} {
    %mul3A = arith.constant 2 : i32
    %mul3A_0 = arith.muli %arg1, %mul3A : i32
    %add3A = arith.addi %mul3A_0, %arg0 : i32
    %mul3A_1 = arith.constant 640 : i32
    %mul3A_2 = arith.muli %arg1, %mul3A_1 : i32
    "tpu.region"() ({
      %run_scoped3A = tpu.sem_alloc : memref<!tpu.dma_semaphore, #tpu.memory_space<semaphore_mem>>
      %dma_start3A_721 = arith.constant 0 : i32
      %dma_start3A_722 = tpu.memref_slice %arg27[%mul3A_2, %dma_start3A_721] : memref<10240x128xf32, #tpu.memory_space<vmem_shared>> -> memref<640x128xf32, #tpu.memory_space<vmem_shared>>
      %dma_start3A_723 = arith.constant 0 : i32
      %dma_start3A_724 = tpu.memref_slice %arg5[%mul3A_2, %dma_start3A_723] : memref<10240x128xf32, #tpu.memory_space<hbm>> -> memref<640x128xf32, #tpu.memory_space<hbm>>
      tpu.enqueue_dma source(%dma_start3A_724 : memref<640x128xf32, #tpu.memory_space<hbm>>) target(%dma_start3A_722 : memref<640x128xf32, #tpu.memory_space<vmem_shared>>) target_semaphore(%run_scoped3A : memref<!tpu.dma_semaphore, #tpu.memory_space<semaphore_mem>>)
      %dma_wait3A_725 = arith.constant 0 : i32
      %dma_wait3A_726 = tpu.memref_slice %arg27[%mul3A_2, %dma_wait3A_725] : memref<10240x128xf32, #tpu.memory_space<vmem_shared>> -> memref<640x128xf32, #tpu.memory_space<vmem_shared>>
      %dma_wait3A_727 = arith.constant 0 : i32
      %dma_wait3A_728 = tpu.memref_slice %arg5[%mul3A_2, %dma_wait3A_727] : memref<10240x128xf32, #tpu.memory_space<hbm>> -> memref<640x128xf32, #tpu.memory_space<hbm>>
      tpu.wait_dma2 semaphore(%run_scoped3A : memref<!tpu.dma_semaphore, #tpu.memory_space<semaphore_mem>>) src(%dma_wait3A_728 : memref<640x128xf32, #tpu.memory_space<hbm>>) dst(%dma_wait3A_726 : memref<640x128xf32, #tpu.memory_space<vmem_shared>>)
      tpu.yield
    }) : () -> ()
    %barrier3A = arith.constant 0 : index
    tpu.barrier barrier_id(%barrier3A)
    %mul3A_3 = arith.constant 10000 : i32
    %mul3A_4 = arith.muli %add3A, %mul3A_3 : i32
    %add3A_5 = arith.constant 0 : i32
    %add3A_6 = arith.addi %mul3A_4, %add3A_5 : i32
    %dma_start3A = tpu.memref_slice %arg3[%add3A_6] : memref<320000xi32, #tpu.memory_space<hbm>> -> memref<80xi32, #tpu.memory_space<hbm>>
    %dma_start3A_7 = tpu.memref_slice %arg3[%add3A_6] : memref<320000xi32, #tpu.memory_space<hbm>> -> memref<80xi32, #tpu.memory_space<hbm>>
    tpu.enqueue_dma source(%dma_start3A_7 : memref<80xi32, #tpu.memory_space<hbm>>) target(%arg7 : memref<80xi32, #tpu.memory_space<vmem>>) target_semaphore(%arg28 : memref<!tpu.dma_semaphore, #tpu.memory_space<semaphore_mem>>)
    %dma_start3A_8 = tpu.memref_slice %arg4[%add3A_6] : memref<320000xi32, #tpu.memory_space<hbm>> -> memref<80xi32, #tpu.memory_space<hbm>>
    %dma_start3A_9 = tpu.memref_slice %arg4[%add3A_6] : memref<320000xi32, #tpu.memory_space<hbm>> -> memref<80xi32, #tpu.memory_space<hbm>>
    tpu.enqueue_dma source(%dma_start3A_9 : memref<80xi32, #tpu.memory_space<hbm>>) target(%arg15 : memref<80xi32, #tpu.memory_space<vmem>>) target_semaphore(%arg28 : memref<!tpu.dma_semaphore, #tpu.memory_space<semaphore_mem>>)
    %mul3A_10 = arith.constant 10000 : i32
    %mul3A_11 = arith.muli %add3A, %mul3A_10 : i32
    %add3A_12 = arith.constant 80 : i32
    %add3A_13 = arith.addi %mul3A_11, %add3A_12 : i32
    %dma_start3A_14 = tpu.memref_slice %arg3[%add3A_13] : memref<320000xi32, #tpu.memory_space<hbm>> -> memref<80xi32, #tpu.memory_space<hbm>>
    %dma_start3A_15 = tpu.memref_slice %arg3[%add3A_13] : memref<320000xi32, #tpu.memory_space<hbm>> -> memref<80xi32, #tpu.memory_space<hbm>>
    tpu.enqueue_dma source(%dma_start3A_15 : memref<80xi32, #tpu.memory_space<hbm>>) target(%arg8 : memref<80xi32, #tpu.memory_space<vmem>>) target_semaphore(%arg29 : memref<!tpu.dma_semaphore, #tpu.memory_space<semaphore_mem>>)
    %dma_start3A_16 = tpu.memref_slice %arg4[%add3A_13] : memref<320000xi32, #tpu.memory_space<hbm>> -> memref<80xi32, #tpu.memory_space<hbm>>
    %dma_start3A_17 = tpu.memref_slice %arg4[%add3A_13] : memref<320000xi32, #tpu.memory_space<hbm>> -> memref<80xi32, #tpu.memory_space<hbm>>
    tpu.enqueue_dma source(%dma_start3A_17 : memref<80xi32, #tpu.memory_space<hbm>>) target(%arg16 : memref<80xi32, #tpu.memory_space<vmem>>) target_semaphore(%arg29 : memref<!tpu.dma_semaphore, #tpu.memory_space<semaphore_mem>>)
    %mul3A_18 = arith.constant 10000 : i32
    %mul3A_19 = arith.muli %add3A, %mul3A_18 : i32
    %add3A_20 = arith.constant 160 : i32
    %add3A_21 = arith.addi %mul3A_19, %add3A_20 : i32
    %dma_start3A_22 = tpu.memref_slice %arg3[%add3A_21] : memref<320000xi32, #tpu.memory_space<hbm>> -> memref<80xi32, #tpu.memory_space<hbm>>
    %dma_start3A_23 = tpu.memref_slice %arg3[%add3A_21] : memref<320000xi32, #tpu.memory_space<hbm>> -> memref<80xi32, #tpu.memory_space<hbm>>
    tpu.enqueue_dma source(%dma_start3A_23 : memref<80xi32, #tpu.memory_space<hbm>>) target(%arg9 : memref<80xi32, #tpu.memory_space<vmem>>) target_semaphore(%arg30 : memref<!tpu.dma_semaphore, #tpu.memory_space<semaphore_mem>>)
    %dma_start3A_24 = tpu.memref_slice %arg4[%add3A_21] : memref<320000xi32, #tpu.memory_space<hbm>> -> memref<80xi32, #tpu.memory_space<hbm>>
    %dma_start3A_25 = tpu.memref_slice %arg4[%add3A_21] : memref<320000xi32, #tpu.memory_space<hbm>> -> memref<80xi32, #tpu.memory_space<hbm>>
    tpu.enqueue_dma source(%dma_start3A_25 : memref<80xi32, #tpu.memory_space<hbm>>) target(%arg17 : memref<80xi32, #tpu.memory_space<vmem>>) target_semaphore(%arg30 : memref<!tpu.dma_semaphore, #tpu.memory_space<semaphore_mem>>)
    %mul3A_26 = arith.constant 10000 : i32
    %mul3A_27 = arith.muli %add3A, %mul3A_26 : i32
    %add3A_28 = arith.constant 240 : i32
    %add3A_29 = arith.addi %mul3A_27, %add3A_28 : i32
    %dma_start3A_30 = tpu.memref_slice %arg3[%add3A_29] : memref<320000xi32, #tpu.memory_space<hbm>> -> memref<80xi32, #tpu.memory_space<hbm>>
    %dma_start3A_31 = tpu.memref_slice %arg3[%add3A_29] : memref<320000xi32, #tpu.memory_space<hbm>> -> memref<80xi32, #tpu.memory_space<hbm>>
    tpu.enqueue_dma source(%dma_start3A_31 : memref<80xi32, #tpu.memory_space<hbm>>) target(%arg10 : memref<80xi32, #tpu.memory_space<vmem>>) target_semaphore(%arg31 : memref<!tpu.dma_semaphore, #tpu.memory_space<semaphore_mem>>)
    %dma_start3A_32 = tpu.memref_slice %arg4[%add3A_29] : memref<320000xi32, #tpu.memory_space<hbm>> -> memref<80xi32, #tpu.memory_space<hbm>>
    %dma_start3A_33 = tpu.memref_slice %arg4[%add3A_29] : memref<320000xi32, #tpu.memory_space<hbm>> -> memref<80xi32, #tpu.memory_space<hbm>>
    tpu.enqueue_dma source(%dma_start3A_33 : memref<80xi32, #tpu.memory_space<hbm>>) target(%arg18 : memref<80xi32, #tpu.memory_space<vmem>>) target_semaphore(%arg31 : memref<!tpu.dma_semaphore, #tpu.memory_space<semaphore_mem>>)
    %mul3A_34 = arith.constant 10000 : i32
    %mul3A_35 = arith.muli %add3A, %mul3A_34 : i32
    %add3A_36 = arith.constant 320 : i32
    %add3A_37 = arith.addi %mul3A_35, %add3A_36 : i32
    %dma_start3A_38 = tpu.memref_slice %arg3[%add3A_37] : memref<320000xi32, #tpu.memory_space<hbm>> -> memref<80xi32, #tpu.memory_space<hbm>>
    %dma_start3A_39 = tpu.memref_slice %arg3[%add3A_37] : memref<320000xi32, #tpu.memory_space<hbm>> -> memref<80xi32, #tpu.memory_space<hbm>>
    tpu.enqueue_dma source(%dma_start3A_39 : memref<80xi32, #tpu.memory_space<hbm>>) target(%arg11 : memref<80xi32, #tpu.memory_space<vmem>>) target_semaphore(%arg32 : memref<!tpu.dma_semaphore, #tpu.memory_space<semaphore_mem>>)
    %dma_start3A_40 = tpu.memref_slice %arg4[%add3A_37] : memref<320000xi32, #tpu.memory_space<hbm>> -> memref<80xi32, #tpu.memory_space<hbm>>
    %dma_start3A_41 = tpu.memref_slice %arg4[%add3A_37] : memref<320000xi32, #tpu.memory_space<hbm>> -> memref<80xi32, #tpu.memory_space<hbm>>
    tpu.enqueue_dma source(%dma_start3A_41 : memref<80xi32, #tpu.memory_space<hbm>>) target(%arg19 : memref<80xi32, #tpu.memory_space<vmem>>) target_semaphore(%arg32 : memref<!tpu.dma_semaphore, #tpu.memory_space<semaphore_mem>>)
    %mul3A_42 = arith.constant 10000 : i32
    %mul3A_43 = arith.muli %add3A, %mul3A_42 : i32
    %add3A_44 = arith.constant 400 : i32
    %add3A_45 = arith.addi %mul3A_43, %add3A_44 : i32
    %dma_start3A_46 = tpu.memref_slice %arg3[%add3A_45] : memref<320000xi32, #tpu.memory_space<hbm>> -> memref<80xi32, #tpu.memory_space<hbm>>
    %dma_start3A_47 = tpu.memref_slice %arg3[%add3A_45] : memref<320000xi32, #tpu.memory_space<hbm>> -> memref<80xi32, #tpu.memory_space<hbm>>
    tpu.enqueue_dma source(%dma_start3A_47 : memref<80xi32, #tpu.memory_space<hbm>>) target(%arg12 : memref<80xi32, #tpu.memory_space<vmem>>) target_semaphore(%arg33 : memref<!tpu.dma_semaphore, #tpu.memory_space<semaphore_mem>>)
    %dma_start3A_48 = tpu.memref_slice %arg4[%add3A_45] : memref<320000xi32, #tpu.memory_space<hbm>> -> memref<80xi32, #tpu.memory_space<hbm>>
    %dma_start3A_49 = tpu.memref_slice %arg4[%add3A_45] : memref<320000xi32, #tpu.memory_space<hbm>> -> memref<80xi32, #tpu.memory_space<hbm>>
    tpu.enqueue_dma source(%dma_start3A_49 : memref<80xi32, #tpu.memory_space<hbm>>) target(%arg20 : memref<80xi32, #tpu.memory_space<vmem>>) target_semaphore(%arg33 : memref<!tpu.dma_semaphore, #tpu.memory_space<semaphore_mem>>)
    %dma_wait3A = arith.constant 0 : i32
    %dma_wait3A_50 = tpu.memref_slice %arg3[%dma_wait3A] : memref<320000xi32, #tpu.memory_space<hbm>> -> memref<80xi32, #tpu.memory_space<hbm>>
    %dma_wait3A_51 = arith.constant 0 : i32
    %dma_wait3A_52 = tpu.memref_slice %arg3[%dma_wait3A_51] : memref<320000xi32, #tpu.memory_space<hbm>> -> memref<80xi32, #tpu.memory_space<hbm>>
    tpu.wait_dma2 semaphore(%arg28 : memref<!tpu.dma_semaphore, #tpu.memory_space<semaphore_mem>>) src(%dma_wait3A_52 : memref<80xi32, #tpu.memory_space<hbm>>) dst(%arg7 : memref<80xi32, #tpu.memory_space<vmem>>)
    %dma_wait3A_53 = arith.constant 0 : i32
    %dma_wait3A_54 = tpu.memref_slice %arg3[%dma_wait3A_53] : memref<320000xi32, #tpu.memory_space<hbm>> -> memref<80xi32, #tpu.memory_space<hbm>>
    %dma_wait3A_55 = arith.constant 0 : i32
    %dma_wait3A_56 = tpu.memref_slice %arg3[%dma_wait3A_55] : memref<320000xi32, #tpu.memory_space<hbm>> -> memref<80xi32, #tpu.memory_space<hbm>>
    tpu.wait_dma2 semaphore(%arg28 : memref<!tpu.dma_semaphore, #tpu.memory_space<semaphore_mem>>) src(%dma_wait3A_56 : memref<80xi32, #tpu.memory_space<hbm>>) dst(%arg15 : memref<80xi32, #tpu.memory_space<vmem>>)
    %dma_start3A_57 = arith.constant 0 : i32
    %dma_start3A_58 = arith.constant 0 : i32
    %dma_start3A_59 = tpu.memref_slice %arg2[%dma_start3A_57, %dma_start3A_58] : memref<10000x128xf32, #tpu.memory_space<hbm>> -> memref<10000x128xf32, #tpu.memory_space<hbm>>
    tpu.enqueue_indirect_dma source(%dma_start3A_59 : memref<10000x128xf32, #tpu.memory_space<hbm>>) target(%arg23 : memref<80x128xf32, #tpu.memory_space<vmem>>) offsets(%arg7 : memref<80xi32, #tpu.memory_space<vmem>>) semaphore(%arg36 : memref<!tpu.dma_semaphore, #tpu.memory_space<semaphore_mem>>)
    %dma_wait3A_60 = arith.constant 0 : i32
    %dma_wait3A_61 = tpu.memref_slice %arg3[%dma_wait3A_60] : memref<320000xi32, #tpu.memory_space<hbm>> -> memref<80xi32, #tpu.memory_space<hbm>>
    %dma_wait3A_62 = arith.constant 0 : i32
    %dma_wait3A_63 = tpu.memref_slice %arg3[%dma_wait3A_62] : memref<320000xi32, #tpu.memory_space<hbm>> -> memref<80xi32, #tpu.memory_space<hbm>>
    tpu.wait_dma2 semaphore(%arg29 : memref<!tpu.dma_semaphore, #tpu.memory_space<semaphore_mem>>) src(%dma_wait3A_63 : memref<80xi32, #tpu.memory_space<hbm>>) dst(%arg8 : memref<80xi32, #tpu.memory_space<vmem>>)
    %dma_wait3A_64 = arith.constant 0 : i32
    %dma_wait3A_65 = tpu.memref_slice %arg3[%dma_wait3A_64] : memref<320000xi32, #tpu.memory_space<hbm>> -> memref<80xi32, #tpu.memory_space<hbm>>
    %dma_wait3A_66 = arith.constant 0 : i32
    %dma_wait3A_67 = tpu.memref_slice %arg3[%dma_wait3A_66] : memref<320000xi32, #tpu.memory_space<hbm>> -> memref<80xi32, #tpu.memory_space<hbm>>
    tpu.wait_dma2 semaphore(%arg29 : memref<!tpu.dma_semaphore, #tpu.memory_space<semaphore_mem>>) src(%dma_wait3A_67 : memref<80xi32, #tpu.memory_space<hbm>>) dst(%arg16 : memref<80xi32, #tpu.memory_space<vmem>>)
    %dma_start3A_68 = arith.constant 0 : i32
    %dma_start3A_69 = arith.constant 0 : i32
    %dma_start3A_70 = tpu.memref_slice %arg2[%dma_start3A_68, %dma_start3A_69] : memref<10000x128xf32, #tpu.memory_space<hbm>> -> memref<10000x128xf32, #tpu.memory_space<hbm>>
    tpu.enqueue_indirect_dma source(%dma_start3A_70 : memref<10000x128xf32, #tpu.memory_space<hbm>>) target(%arg24 : memref<80x128xf32, #tpu.memory_space<vmem>>) offsets(%arg8 : memref<80xi32, #tpu.memory_space<vmem>>) semaphore(%arg37 : memref<!tpu.dma_semaphore, #tpu.memory_space<semaphore_mem>>)
    %dma_wait3A_71 = arith.constant 0 : i32
    %dma_wait3A_72 = tpu.memref_slice %arg3[%dma_wait3A_71] : memref<320000xi32, #tpu.memory_space<hbm>> -> memref<80xi32, #tpu.memory_space<hbm>>
    %dma_wait3A_73 = arith.constant 0 : i32
    %dma_wait3A_74 = tpu.memref_slice %arg3[%dma_wait3A_73] : memref<320000xi32, #tpu.memory_space<hbm>> -> memref<80xi32, #tpu.memory_space<hbm>>
    tpu.wait_dma2 semaphore(%arg30 : memref<!tpu.dma_semaphore, #tpu.memory_space<semaphore_mem>>) src(%dma_wait3A_74 : memref<80xi32, #tpu.memory_space<hbm>>) dst(%arg9 : memref<80xi32, #tpu.memory_space<vmem>>)
    %dma_wait3A_75 = arith.constant 0 : i32
    %dma_wait3A_76 = tpu.memref_slice %arg3[%dma_wait3A_75] : memref<320000xi32, #tpu.memory_space<hbm>> -> memref<80xi32, #tpu.memory_space<hbm>>
    %dma_wait3A_77 = arith.constant 0 : i32
    %dma_wait3A_78 = tpu.memref_slice %arg3[%dma_wait3A_77] : memref<320000xi32, #tpu.memory_space<hbm>> -> memref<80xi32, #tpu.memory_space<hbm>>
    tpu.wait_dma2 semaphore(%arg30 : memref<!tpu.dma_semaphore, #tpu.memory_space<semaphore_mem>>) src(%dma_wait3A_78 : memref<80xi32, #tpu.memory_space<hbm>>) dst(%arg17 : memref<80xi32, #tpu.memory_space<vmem>>)
    %dma_start3A_79 = arith.constant 0 : i32
    %dma_start3A_80 = arith.constant 0 : i32
    %dma_start3A_81 = tpu.memref_slice %arg2[%dma_start3A_79, %dma_start3A_80] : memref<10000x128xf32, #tpu.memory_space<hbm>> -> memref<10000x128xf32, #tpu.memory_space<hbm>>
    tpu.enqueue_indirect_dma source(%dma_start3A_81 : memref<10000x128xf32, #tpu.memory_space<hbm>>) target(%arg25 : memref<80x128xf32, #tpu.memory_space<vmem>>) offsets(%arg9 : memref<80xi32, #tpu.memory_space<vmem>>) semaphore(%arg38 : memref<!tpu.dma_semaphore, #tpu.memory_space<semaphore_mem>>)
    %dma_wait3A_82 = arith.constant 0 : i32
    %dma_wait3A_83 = arith.constant 0 : i32
    %dma_wait3A_84 = tpu.memref_slice %arg2[%dma_wait3A_82, %dma_wait3A_83] : memref<10000x128xf32, #tpu.memory_space<hbm>> -> memref<80x128xf32, #tpu.memory_space<hbm>>
    %dma_wait3A_85 = arith.constant 0 : i32
    %dma_wait3A_86 = arith.constant 0 : i32
    %dma_wait3A_87 = tpu.memref_slice %arg2[%dma_wait3A_85, %dma_wait3A_86] : memref<10000x128xf32, #tpu.memory_space<hbm>> -> memref<80x128xf32, #tpu.memory_space<hbm>>
    tpu.wait_dma2 semaphore(%arg36 : memref<!tpu.dma_semaphore, #tpu.memory_space<semaphore_mem>>) src(%dma_wait3A_87 : memref<80x128xf32, #tpu.memory_space<hbm>>) dst(%arg23 : memref<80x128xf32, #tpu.memory_space<vmem>>)
    %dma_start3A_88 = arith.constant 0 : i32
    %dma_start3A_89 = arith.constant 0 : i32
    %dma_start3A_90 = tpu.memref_slice %arg27[%dma_start3A_88, %dma_start3A_89] : memref<10240x128xf32, #tpu.memory_space<vmem_shared>> -> memref<10240x128xf32, #tpu.memory_space<vmem_shared>>
    tpu.enqueue_indirect_dma source(%arg23 : memref<80x128xf32, #tpu.memory_space<vmem>>) target(%dma_start3A_90 : memref<10240x128xf32, #tpu.memory_space<vmem_shared>>) offsets(%arg15 : memref<80xi32, #tpu.memory_space<vmem>>) semaphore(%arg40 : memref<!tpu.dma_semaphore, #tpu.memory_space<semaphore_mem>>) {add = true}
    %mul3A_91 = arith.constant 10000 : i32
    %mul3A_92 = arith.muli %add3A, %mul3A_91 : i32
    %add3A_93 = arith.constant 480 : i32
    %add3A_94 = arith.addi %mul3A_92, %add3A_93 : i32
    %dma_start3A_95 = tpu.memref_slice %arg3[%add3A_94] : memref<320000xi32, #tpu.memory_space<hbm>> -> memref<80xi32, #tpu.memory_space<hbm>>
    %dma_start3A_96 = tpu.memref_slice %arg3[%add3A_94] : memref<320000xi32, #tpu.memory_space<hbm>> -> memref<80xi32, #tpu.memory_space<hbm>>
    tpu.enqueue_dma source(%dma_start3A_96 : memref<80xi32, #tpu.memory_space<hbm>>) target(%arg13 : memref<80xi32, #tpu.memory_space<vmem>>) target_semaphore(%arg34 : memref<!tpu.dma_semaphore, #tpu.memory_space<semaphore_mem>>)
    %dma_start3A_97 = tpu.memref_slice %arg4[%add3A_94] : memref<320000xi32, #tpu.memory_space<hbm>> -> memref<80xi32, #tpu.memory_space<hbm>>
    %dma_start3A_98 = tpu.memref_slice %arg4[%add3A_94] : memref<320000xi32, #tpu.memory_space<hbm>> -> memref<80xi32, #tpu.memory_space<hbm>>
    tpu.enqueue_dma source(%dma_start3A_98 : memref<80xi32, #tpu.memory_space<hbm>>) target(%arg21 : memref<80xi32, #tpu.memory_space<vmem>>) target_semaphore(%arg34 : memref<!tpu.dma_semaphore, #tpu.memory_space<semaphore_mem>>)
    %dma_wait3A_99 = arith.constant 0 : i32
    %dma_wait3A_100 = tpu.memref_slice %arg3[%dma_wait3A_99] : memref<320000xi32, #tpu.memory_space<hbm>> -> memref<80xi32, #tpu.memory_space<hbm>>
    %dma_wait3A_101 = arith.constant 0 : i32
    %dma_wait3A_102 = tpu.memref_slice %arg3[%dma_wait3A_101] : memref<320000xi32, #tpu.memory_space<hbm>> -> memref<80xi32, #tpu.memory_space<hbm>>
    tpu.wait_dma2 semaphore(%arg31 : memref<!tpu.dma_semaphore, #tpu.memory_space<semaphore_mem>>) src(%dma_wait3A_102 : memref<80xi32, #tpu.memory_space<hbm>>) dst(%arg10 : memref<80xi32, #tpu.memory_space<vmem>>)
    %dma_wait3A_103 = arith.constant 0 : i32
    %dma_wait3A_104 = tpu.memref_slice %arg3[%dma_wait3A_103] : memref<320000xi32, #tpu.memory_space<hbm>> -> memref<80xi32, #tpu.memory_space<hbm>>
    %dma_wait3A_105 = arith.constant 0 : i32
    %dma_wait3A_106 = tpu.memref_slice %arg3[%dma_wait3A_105] : memref<320000xi32, #tpu.memory_space<hbm>> -> memref<80xi32, #tpu.memory_space<hbm>>
    tpu.wait_dma2 semaphore(%arg31 : memref<!tpu.dma_semaphore, #tpu.memory_space<semaphore_mem>>) src(%dma_wait3A_106 : memref<80xi32, #tpu.memory_space<hbm>>) dst(%arg18 : memref<80xi32, #tpu.memory_space<vmem>>)
    %dma_start3A_107 = arith.constant 0 : i32
    %dma_start3A_108 = arith.constant 0 : i32
    %dma_start3A_109 = tpu.memref_slice %arg2[%dma_start3A_107, %dma_start3A_108] : memref<10000x128xf32, #tpu.memory_space<hbm>> -> memref<10000x128xf32, #tpu.memory_space<hbm>>
    tpu.enqueue_indirect_dma source(%dma_start3A_109 : memref<10000x128xf32, #tpu.memory_space<hbm>>) target(%arg26 : memref<80x128xf32, #tpu.memory_space<vmem>>) offsets(%arg10 : memref<80xi32, #tpu.memory_space<vmem>>) semaphore(%arg39 : memref<!tpu.dma_semaphore, #tpu.memory_space<semaphore_mem>>)
    %dma_wait3A_110 = arith.constant 0 : i32
    %dma_wait3A_111 = arith.constant 0 : i32
    %dma_wait3A_112 = tpu.memref_slice %arg2[%dma_wait3A_110, %dma_wait3A_111] : memref<10000x128xf32, #tpu.memory_space<hbm>> -> memref<80x128xf32, #tpu.memory_space<hbm>>
    %dma_wait3A_113 = arith.constant 0 : i32
    %dma_wait3A_114 = arith.constant 0 : i32
    %dma_wait3A_115 = tpu.memref_slice %arg2[%dma_wait3A_113, %dma_wait3A_114] : memref<10000x128xf32, #tpu.memory_space<hbm>> -> memref<80x128xf32, #tpu.memory_space<hbm>>
    tpu.wait_dma2 semaphore(%arg37 : memref<!tpu.dma_semaphore, #tpu.memory_space<semaphore_mem>>) src(%dma_wait3A_115 : memref<80x128xf32, #tpu.memory_space<hbm>>) dst(%arg24 : memref<80x128xf32, #tpu.memory_space<vmem>>)
    %dma_wait3A_116 = arith.constant 0 : i32
    %dma_wait3A_117 = arith.constant 0 : i32
    %dma_wait3A_118 = tpu.memref_slice %arg27[%dma_wait3A_116, %dma_wait3A_117] : memref<10240x128xf32, #tpu.memory_space<vmem_shared>> -> memref<80x128xf32, #tpu.memory_space<vmem_shared>>
    %dma_wait3A_119 = arith.constant 0 : i32
    %dma_wait3A_120 = arith.constant 0 : i32
    %dma_wait3A_121 = tpu.memref_slice %arg27[%dma_wait3A_119, %dma_wait3A_120] : memref<10240x128xf32, #tpu.memory_space<vmem_shared>> -> memref<80x128xf32, #tpu.memory_space<vmem_shared>>
    tpu.wait_dma2 semaphore(%arg40 : memref<!tpu.dma_semaphore, #tpu.memory_space<semaphore_mem>>) src(%arg23 : memref<80x128xf32, #tpu.memory_space<vmem>>) dst(%dma_wait3A_121 : memref<80x128xf32, #tpu.memory_space<vmem_shared>>)
    %dma_start3A_122 = arith.constant 0 : i32
    %dma_start3A_123 = arith.constant 0 : i32
    %dma_start3A_124 = tpu.memref_slice %arg27[%dma_start3A_122, %dma_start3A_123] : memref<10240x128xf32, #tpu.memory_space<vmem_shared>> -> memref<10240x128xf32, #tpu.memory_space<vmem_shared>>
    tpu.enqueue_indirect_dma source(%arg24 : memref<80x128xf32, #tpu.memory_space<vmem>>) target(%dma_start3A_124 : memref<10240x128xf32, #tpu.memory_space<vmem_shared>>) offsets(%arg16 : memref<80xi32, #tpu.memory_space<vmem>>) semaphore(%arg40 : memref<!tpu.dma_semaphore, #tpu.memory_space<semaphore_mem>>) {add = true}
    %mul3A_125 = arith.constant 10000 : i32
    %mul3A_126 = arith.muli %add3A, %mul3A_125 : i32
    %add3A_127 = arith.constant 560 : i32
    %add3A_128 = arith.addi %mul3A_126, %add3A_127 : i32
    %dma_start3A_129 = tpu.memref_slice %arg3[%add3A_128] : memref<320000xi32, #tpu.memory_space<hbm>> -> memref<80xi32, #tpu.memory_space<hbm>>
    %dma_start3A_130 = tpu.memref_slice %arg3[%add3A_128] : memref<320000xi32, #tpu.memory_space<hbm>> -> memref<80xi32, #tpu.memory_space<hbm>>
    tpu.enqueue_dma source(%dma_start3A_130 : memref<80xi32, #tpu.memory_space<hbm>>) target(%arg14 : memref<80xi32, #tpu.memory_space<vmem>>) target_semaphore(%arg35 : memref<!tpu.dma_semaphore, #tpu.memory_space<semaphore_mem>>)
    %dma_start3A_131 = tpu.memref_slice %arg4[%add3A_128] : memref<320000xi32, #tpu.memory_space<hbm>> -> memref<80xi32, #tpu.memory_space<hbm>>
    %dma_start3A_132 = tpu.memref_slice %arg4[%add3A_128] : memref<320000xi32, #tpu.memory_space<hbm>> -> memref<80xi32, #tpu.memory_space<hbm>>
    tpu.enqueue_dma source(%dma_start3A_132 : memref<80xi32, #tpu.memory_space<hbm>>) target(%arg22 : memref<80xi32, #tpu.memory_space<vmem>>) target_semaphore(%arg35 : memref<!tpu.dma_semaphore, #tpu.memory_space<semaphore_mem>>)
    %dma_wait3A_133 = arith.constant 0 : i32
    %dma_wait3A_134 = tpu.memref_slice %arg3[%dma_wait3A_133] : memref<320000xi32, #tpu.memory_space<hbm>> -> memref<80xi32, #tpu.memory_space<hbm>>
    %dma_wait3A_135 = arith.constant 0 : i32
    %dma_wait3A_136 = tpu.memref_slice %arg3[%dma_wait3A_135] : memref<320000xi32, #tpu.memory_space<hbm>> -> memref<80xi32, #tpu.memory_space<hbm>>
    tpu.wait_dma2 semaphore(%arg32 : memref<!tpu.dma_semaphore, #tpu.memory_space<semaphore_mem>>) src(%dma_wait3A_136 : memref<80xi32, #tpu.memory_space<hbm>>) dst(%arg11 : memref<80xi32, #tpu.memory_space<vmem>>)
    %dma_wait3A_137 = arith.constant 0 : i32
    %dma_wait3A_138 = tpu.memref_slice %arg3[%dma_wait3A_137] : memref<320000xi32, #tpu.memory_space<hbm>> -> memref<80xi32, #tpu.memory_space<hbm>>
    %dma_wait3A_139 = arith.constant 0 : i32
    %dma_wait3A_140 = tpu.memref_slice %arg3[%dma_wait3A_139] : memref<320000xi32, #tpu.memory_space<hbm>> -> memref<80xi32, #tpu.memory_space<hbm>>
    tpu.wait_dma2 semaphore(%arg32 : memref<!tpu.dma_semaphore, #tpu.memory_space<semaphore_mem>>) src(%dma_wait3A_140 : memref<80xi32, #tpu.memory_space<hbm>>) dst(%arg19 : memref<80xi32, #tpu.memory_space<vmem>>)
    %dma_start3A_141 = arith.constant 0 : i32
    %dma_start3A_142 = arith.constant 0 : i32
    %dma_start3A_143 = tpu.memref_slice %arg2[%dma_start3A_141, %dma_start3A_142] : memref<10000x128xf32, #tpu.memory_space<hbm>> -> memref<10000x128xf32, #tpu.memory_space<hbm>>
    tpu.enqueue_indirect_dma source(%dma_start3A_143 : memref<10000x128xf32, #tpu.memory_space<hbm>>) target(%arg23 : memref<80x128xf32, #tpu.memory_space<vmem>>) offsets(%arg11 : memref<80xi32, #tpu.memory_space<vmem>>) semaphore(%arg36 : memref<!tpu.dma_semaphore, #tpu.memory_space<semaphore_mem>>)
    %dma_wait3A_144 = arith.constant 0 : i32
    %dma_wait3A_145 = arith.constant 0 : i32
    %dma_wait3A_146 = tpu.memref_slice %arg2[%dma_wait3A_144, %dma_wait3A_145] : memref<10000x128xf32, #tpu.memory_space<hbm>> -> memref<80x128xf32, #tpu.memory_space<hbm>>
    %dma_wait3A_147 = arith.constant 0 : i32
    %dma_wait3A_148 = arith.constant 0 : i32
    %dma_wait3A_149 = tpu.memref_slice %arg2[%dma_wait3A_147, %dma_wait3A_148] : memref<10000x128xf32, #tpu.memory_space<hbm>> -> memref<80x128xf32, #tpu.memory_space<hbm>>
    tpu.wait_dma2 semaphore(%arg38 : memref<!tpu.dma_semaphore, #tpu.memory_space<semaphore_mem>>) src(%dma_wait3A_149 : memref<80x128xf32, #tpu.memory_space<hbm>>) dst(%arg25 : memref<80x128xf32, #tpu.memory_space<vmem>>)
    %dma_wait3A_150 = arith.constant 0 : i32
    %dma_wait3A_151 = arith.constant 0 : i32
    %dma_wait3A_152 = tpu.memref_slice %arg27[%dma_wait3A_150, %dma_wait3A_151] : memref<10240x128xf32, #tpu.memory_space<vmem_shared>> -> memref<80x128xf32, #tpu.memory_space<vmem_shared>>
    %dma_wait3A_153 = arith.constant 0 : i32
    %dma_wait3A_154 = arith.constant 0 : i32
    %dma_wait3A_155 = tpu.memref_slice %arg27[%dma_wait3A_153, %dma_wait3A_154] : memref<10240x128xf32, #tpu.memory_space<vmem_shared>> -> memref<80x128xf32, #tpu.memory_space<vmem_shared>>
    tpu.wait_dma2 semaphore(%arg40 : memref<!tpu.dma_semaphore, #tpu.memory_space<semaphore_mem>>) src(%arg24 : memref<80x128xf32, #tpu.memory_space<vmem>>) dst(%dma_wait3A_155 : memref<80x128xf32, #tpu.memory_space<vmem_shared>>)
    %dma_start3A_156 = arith.constant 0 : i32
    %dma_start3A_157 = arith.constant 0 : i32
    %dma_start3A_158 = tpu.memref_slice %arg27[%dma_start3A_156, %dma_start3A_157] : memref<10240x128xf32, #tpu.memory_space<vmem_shared>> -> memref<10240x128xf32, #tpu.memory_space<vmem_shared>>
    tpu.enqueue_indirect_dma source(%arg25 : memref<80x128xf32, #tpu.memory_space<vmem>>) target(%dma_start3A_158 : memref<10240x128xf32, #tpu.memory_space<vmem_shared>>) offsets(%arg17 : memref<80xi32, #tpu.memory_space<vmem>>) semaphore(%arg40 : memref<!tpu.dma_semaphore, #tpu.memory_space<semaphore_mem>>) {add = true}
    %mul3A_159 = arith.constant 10000 : i32
    %mul3A_160 = arith.muli %add3A, %mul3A_159 : i32
    %add3A_161 = arith.constant 640 : i32
    %add3A_162 = arith.addi %mul3A_160, %add3A_161 : i32
    %dma_start3A_163 = tpu.memref_slice %arg3[%add3A_162] : memref<320000xi32, #tpu.memory_space<hbm>> -> memref<80xi32, #tpu.memory_space<hbm>>
    %dma_start3A_164 = tpu.memref_slice %arg3[%add3A_162] : memref<320000xi32, #tpu.memory_space<hbm>> -> memref<80xi32, #tpu.memory_space<hbm>>
    tpu.enqueue_dma source(%dma_start3A_164 : memref<80xi32, #tpu.memory_space<hbm>>) target(%arg7 : memref<80xi32, #tpu.memory_space<vmem>>) target_semaphore(%arg28 : memref<!tpu.dma_semaphore, #tpu.memory_space<semaphore_mem>>)
    %dma_start3A_165 = tpu.memref_slice %arg4[%add3A_162] : memref<320000xi32, #tpu.memory_space<hbm>> -> memref<80xi32, #tpu.memory_space<hbm>>
    %dma_start3A_166 = tpu.memref_slice %arg4[%add3A_162] : memref<320000xi32, #tpu.memory_space<hbm>> -> memref<80xi32, #tpu.memory_space<hbm>>
    tpu.enqueue_dma source(%dma_start3A_166 : memref<80xi32, #tpu.memory_space<hbm>>) target(%arg15 : memref<80xi32, #tpu.memory_space<vmem>>) target_semaphore(%arg28 : memref<!tpu.dma_semaphore, #tpu.memory_space<semaphore_mem>>)
    %dma_wait3A_167 = arith.constant 0 : i32
    %dma_wait3A_168 = tpu.memref_slice %arg3[%dma_wait3A_167] : memref<320000xi32, #tpu.memory_space<hbm>> -> memref<80xi32, #tpu.memory_space<hbm>>
    %dma_wait3A_169 = arith.constant 0 : i32
    %dma_wait3A_170 = tpu.memref_slice %arg3[%dma_wait3A_169] : memref<320000xi32, #tpu.memory_space<hbm>> -> memref<80xi32, #tpu.memory_space<hbm>>
    tpu.wait_dma2 semaphore(%arg33 : memref<!tpu.dma_semaphore, #tpu.memory_space<semaphore_mem>>) src(%dma_wait3A_170 : memref<80xi32, #tpu.memory_space<hbm>>) dst(%arg12 : memref<80xi32, #tpu.memory_space<vmem>>)
    %dma_wait3A_171 = arith.constant 0 : i32
    %dma_wait3A_172 = tpu.memref_slice %arg3[%dma_wait3A_171] : memref<320000xi32, #tpu.memory_space<hbm>> -> memref<80xi32, #tpu.memory_space<hbm>>
    %dma_wait3A_173 = arith.constant 0 : i32
    %dma_wait3A_174 = tpu.memref_slice %arg3[%dma_wait3A_173] : memref<320000xi32, #tpu.memory_space<hbm>> -> memref<80xi32, #tpu.memory_space<hbm>>
    tpu.wait_dma2 semaphore(%arg33 : memref<!tpu.dma_semaphore, #tpu.memory_space<semaphore_mem>>) src(%dma_wait3A_174 : memref<80xi32, #tpu.memory_space<hbm>>) dst(%arg20 : memref<80xi32, #tpu.memory_space<vmem>>)
    %dma_start3A_175 = arith.constant 0 : i32
    %dma_start3A_176 = arith.constant 0 : i32
    %dma_start3A_177 = tpu.memref_slice %arg2[%dma_start3A_175, %dma_start3A_176] : memref<10000x128xf32, #tpu.memory_space<hbm>> -> memref<10000x128xf32, #tpu.memory_space<hbm>>
    tpu.enqueue_indirect_dma source(%dma_start3A_177 : memref<10000x128xf32, #tpu.memory_space<hbm>>) target(%arg24 : memref<80x128xf32, #tpu.memory_space<vmem>>) offsets(%arg12 : memref<80xi32, #tpu.memory_space<vmem>>) semaphore(%arg37 : memref<!tpu.dma_semaphore, #tpu.memory_space<semaphore_mem>>)
    %dma_wait3A_178 = arith.constant 0 : i32
    %dma_wait3A_179 = arith.constant 0 : i32
    %dma_wait3A_180 = tpu.memref_slice %arg2[%dma_wait3A_178, %dma_wait3A_179] : memref<10000x128xf32, #tpu.memory_space<hbm>> -> memref<80x128xf32, #tpu.memory_space<hbm>>
    %dma_wait3A_181 = arith.constant 0 : i32
    %dma_wait3A_182 = arith.constant 0 : i32
    %dma_wait3A_183 = tpu.memref_slice %arg2[%dma_wait3A_181, %dma_wait3A_182] : memref<10000x128xf32, #tpu.memory_space<hbm>> -> memref<80x128xf32, #tpu.memory_space<hbm>>
    tpu.wait_dma2 semaphore(%arg39 : memref<!tpu.dma_semaphore, #tpu.memory_space<semaphore_mem>>) src(%dma_wait3A_183 : memref<80x128xf32, #tpu.memory_space<hbm>>) dst(%arg26 : memref<80x128xf32, #tpu.memory_space<vmem>>)
    %dma_wait3A_184 = arith.constant 0 : i32
    %dma_wait3A_185 = arith.constant 0 : i32
    %dma_wait3A_186 = tpu.memref_slice %arg27[%dma_wait3A_184, %dma_wait3A_185] : memref<10240x128xf32, #tpu.memory_space<vmem_shared>> -> memref<80x128xf32, #tpu.memory_space<vmem_shared>>
    %dma_wait3A_187 = arith.constant 0 : i32
    %dma_wait3A_188 = arith.constant 0 : i32
    %dma_wait3A_189 = tpu.memref_slice %arg27[%dma_wait3A_187, %dma_wait3A_188] : memref<10240x128xf32, #tpu.memory_space<vmem_shared>> -> memref<80x128xf32, #tpu.memory_space<vmem_shared>>
    tpu.wait_dma2 semaphore(%arg40 : memref<!tpu.dma_semaphore, #tpu.memory_space<semaphore_mem>>) src(%arg25 : memref<80x128xf32, #tpu.memory_space<vmem>>) dst(%dma_wait3A_189 : memref<80x128xf32, #tpu.memory_space<vmem_shared>>)
    %dma_start3A_190 = arith.constant 0 : i32
    %dma_start3A_191 = arith.constant 0 : i32
    %dma_start3A_192 = tpu.memref_slice %arg27[%dma_start3A_190, %dma_start3A_191] : memref<10240x128xf32, #tpu.memory_space<vmem_shared>> -> memref<10240x128xf32, #tpu.memory_space<vmem_shared>>
    tpu.enqueue_indirect_dma source(%arg26 : memref<80x128xf32, #tpu.memory_space<vmem>>) target(%dma_start3A_192 : memref<10240x128xf32, #tpu.memory_space<vmem_shared>>) offsets(%arg18 : memref<80xi32, #tpu.memory_space<vmem>>) semaphore(%arg40 : memref<!tpu.dma_semaphore, #tpu.memory_space<semaphore_mem>>) {add = true}
    %mul3A_193 = arith.constant 10000 : i32
    %mul3A_194 = arith.muli %add3A, %mul3A_193 : i32
    %add3A_195 = arith.constant 720 : i32
    %add3A_196 = arith.addi %mul3A_194, %add3A_195 : i32
    %dma_start3A_197 = tpu.memref_slice %arg3[%add3A_196] : memref<320000xi32, #tpu.memory_space<hbm>> -> memref<80xi32, #tpu.memory_space<hbm>>
    %dma_start3A_198 = tpu.memref_slice %arg3[%add3A_196] : memref<320000xi32, #tpu.memory_space<hbm>> -> memref<80xi32, #tpu.memory_space<hbm>>
    tpu.enqueue_dma source(%dma_start3A_198 : memref<80xi32, #tpu.memory_space<hbm>>) target(%arg8 : memref<80xi32, #tpu.memory_space<vmem>>) target_semaphore(%arg29 : memref<!tpu.dma_semaphore, #tpu.memory_space<semaphore_mem>>)
    %dma_start3A_199 = tpu.memref_slice %arg4[%add3A_196] : memref<320000xi32, #tpu.memory_space<hbm>> -> memref<80xi32, #tpu.memory_space<hbm>>
    %dma_start3A_200 = tpu.memref_slice %arg4[%add3A_196] : memref<320000xi32, #tpu.memory_space<hbm>> -> memref<80xi32, #tpu.memory_space<hbm>>
    tpu.enqueue_dma source(%dma_start3A_200 : memref<80xi32, #tpu.memory_space<hbm>>) target(%arg16 : memref<80xi32, #tpu.memory_space<vmem>>) target_semaphore(%arg29 : memref<!tpu.dma_semaphore, #tpu.memory_space<semaphore_mem>>)
    %dma_wait3A_201 = arith.constant 0 : i32
    %dma_wait3A_202 = tpu.memref_slice %arg3[%dma_wait3A_201] : memref<320000xi32, #tpu.memory_space<hbm>> -> memref<80xi32, #tpu.memory_space<hbm>>
    %dma_wait3A_203 = arith.constant 0 : i32
    %dma_wait3A_204 = tpu.memref_slice %arg3[%dma_wait3A_203] : memref<320000xi32, #tpu.memory_space<hbm>> -> memref<80xi32, #tpu.memory_space<hbm>>
    tpu.wait_dma2 semaphore(%arg34 : memref<!tpu.dma_semaphore, #tpu.memory_space<semaphore_mem>>) src(%dma_wait3A_204 : memref<80xi32, #tpu.memory_space<hbm>>) dst(%arg13 : memref<80xi32, #tpu.memory_space<vmem>>)
    %dma_wait3A_205 = arith.constant 0 : i32
    %dma_wait3A_206 = tpu.memref_slice %arg3[%dma_wait3A_205] : memref<320000xi32, #tpu.memory_space<hbm>> -> memref<80xi32, #tpu.memory_space<hbm>>
    %dma_wait3A_207 = arith.constant 0 : i32
    %dma_wait3A_208 = tpu.memref_slice %arg3[%dma_wait3A_207] : memref<320000xi32, #tpu.memory_space<hbm>> -> memref<80xi32, #tpu.memory_space<hbm>>
    tpu.wait_dma2 semaphore(%arg34 : memref<!tpu.dma_semaphore, #tpu.memory_space<semaphore_mem>>) src(%dma_wait3A_208 : memref<80xi32, #tpu.memory_space<hbm>>) dst(%arg21 : memref<80xi32, #tpu.memory_space<vmem>>)
    %dma_start3A_209 = arith.constant 0 : i32
    %dma_start3A_210 = arith.constant 0 : i32
    %dma_start3A_211 = tpu.memref_slice %arg2[%dma_start3A_209, %dma_start3A_210] : memref<10000x128xf32, #tpu.memory_space<hbm>> -> memref<10000x128xf32, #tpu.memory_space<hbm>>
    tpu.enqueue_indirect_dma source(%dma_start3A_211 : memref<10000x128xf32, #tpu.memory_space<hbm>>) target(%arg25 : memref<80x128xf32, #tpu.memory_space<vmem>>) offsets(%arg13 : memref<80xi32, #tpu.memory_space<vmem>>) semaphore(%arg38 : memref<!tpu.dma_semaphore, #tpu.memory_space<semaphore_mem>>)
    %dma_wait3A_212 = arith.constant 0 : i32
    %dma_wait3A_213 = arith.constant 0 : i32
    %dma_wait3A_214 = tpu.memref_slice %arg2[%dma_wait3A_212, %dma_wait3A_213] : memref<10000x128xf32, #tpu.memory_space<hbm>> -> memref<80x128xf32, #tpu.memory_space<hbm>>
    %dma_wait3A_215 = arith.constant 0 : i32
    %dma_wait3A_216 = arith.constant 0 : i32
    %dma_wait3A_217 = tpu.memref_slice %arg2[%dma_wait3A_215, %dma_wait3A_216] : memref<10000x128xf32, #tpu.memory_space<hbm>> -> memref<80x128xf32, #tpu.memory_space<hbm>>
    tpu.wait_dma2 semaphore(%arg36 : memref<!tpu.dma_semaphore, #tpu.memory_space<semaphore_mem>>) src(%dma_wait3A_217 : memref<80x128xf32, #tpu.memory_space<hbm>>) dst(%arg23 : memref<80x128xf32, #tpu.memory_space<vmem>>)
    %dma_wait3A_218 = arith.constant 0 : i32
    %dma_wait3A_219 = arith.constant 0 : i32
    %dma_wait3A_220 = tpu.memref_slice %arg27[%dma_wait3A_218, %dma_wait3A_219] : memref<10240x128xf32, #tpu.memory_space<vmem_shared>> -> memref<80x128xf32, #tpu.memory_space<vmem_shared>>
    %dma_wait3A_221 = arith.constant 0 : i32
    %dma_wait3A_222 = arith.constant 0 : i32
    %dma_wait3A_223 = tpu.memref_slice %arg27[%dma_wait3A_221, %dma_wait3A_222] : memref<10240x128xf32, #tpu.memory_space<vmem_shared>> -> memref<80x128xf32, #tpu.memory_space<vmem_shared>>
    tpu.wait_dma2 semaphore(%arg40 : memref<!tpu.dma_semaphore, #tpu.memory_space<semaphore_mem>>) src(%arg26 : memref<80x128xf32, #tpu.memory_space<vmem>>) dst(%dma_wait3A_223 : memref<80x128xf32, #tpu.memory_space<vmem_shared>>)
    %dma_start3A_224 = arith.constant 0 : i32
    %dma_start3A_225 = arith.constant 0 : i32
    %dma_start3A_226 = tpu.memref_slice %arg27[%dma_start3A_224, %dma_start3A_225] : memref<10240x128xf32, #tpu.memory_space<vmem_shared>> -> memref<10240x128xf32, #tpu.memory_space<vmem_shared>>
    tpu.enqueue_indirect_dma source(%arg23 : memref<80x128xf32, #tpu.memory_space<vmem>>) target(%dma_start3A_226 : memref<10240x128xf32, #tpu.memory_space<vmem_shared>>) offsets(%arg19 : memref<80xi32, #tpu.memory_space<vmem>>) semaphore(%arg40 : memref<!tpu.dma_semaphore, #tpu.memory_space<semaphore_mem>>) {add = true}
    %mul3A_227 = arith.constant 10000 : i32
    %mul3A_228 = arith.muli %add3A, %mul3A_227 : i32
    %add3A_229 = arith.constant 800 : i32
    %add3A_230 = arith.addi %mul3A_228, %add3A_229 : i32
    %dma_start3A_231 = tpu.memref_slice %arg3[%add3A_230] : memref<320000xi32, #tpu.memory_space<hbm>> -> memref<80xi32, #tpu.memory_space<hbm>>
    %dma_start3A_232 = tpu.memref_slice %arg3[%add3A_230] : memref<320000xi32, #tpu.memory_space<hbm>> -> memref<80xi32, #tpu.memory_space<hbm>>
    tpu.enqueue_dma source(%dma_start3A_232 : memref<80xi32, #tpu.memory_space<hbm>>) target(%arg9 : memref<80xi32, #tpu.memory_space<vmem>>) target_semaphore(%arg30 : memref<!tpu.dma_semaphore, #tpu.memory_space<semaphore_mem>>)
    %dma_start3A_233 = tpu.memref_slice %arg4[%add3A_230] : memref<320000xi32, #tpu.memory_space<hbm>> -> memref<80xi32, #tpu.memory_space<hbm>>
    %dma_start3A_234 = tpu.memref_slice %arg4[%add3A_230] : memref<320000xi32, #tpu.memory_space<hbm>> -> memref<80xi32, #tpu.memory_space<hbm>>
    tpu.enqueue_dma source(%dma_start3A_234 : memref<80xi32, #tpu.memory_space<hbm>>) target(%arg17 : memref<80xi32, #tpu.memory_space<vmem>>) target_semaphore(%arg30 : memref<!tpu.dma_semaphore, #tpu.memory_space<semaphore_mem>>)
    %dma_wait3A_235 = arith.constant 0 : i32
    %dma_wait3A_236 = tpu.memref_slice %arg3[%dma_wait3A_235] : memref<320000xi32, #tpu.memory_space<hbm>> -> memref<80xi32, #tpu.memory_space<hbm>>
    %dma_wait3A_237 = arith.constant 0 : i32
    %dma_wait3A_238 = tpu.memref_slice %arg3[%dma_wait3A_237] : memref<320000xi32, #tpu.memory_space<hbm>> -> memref<80xi32, #tpu.memory_space<hbm>>
    tpu.wait_dma2 semaphore(%arg35 : memref<!tpu.dma_semaphore, #tpu.memory_space<semaphore_mem>>) src(%dma_wait3A_238 : memref<80xi32, #tpu.memory_space<hbm>>) dst(%arg14 : memref<80xi32, #tpu.memory_space<vmem>>)
    %dma_wait3A_239 = arith.constant 0 : i32
    %dma_wait3A_240 = tpu.memref_slice %arg3[%dma_wait3A_239] : memref<320000xi32, #tpu.memory_space<hbm>> -> memref<80xi32, #tpu.memory_space<hbm>>
    %dma_wait3A_241 = arith.constant 0 : i32
    %dma_wait3A_242 = tpu.memref_slice %arg3[%dma_wait3A_241] : memref<320000xi32, #tpu.memory_space<hbm>> -> memref<80xi32, #tpu.memory_space<hbm>>
    tpu.wait_dma2 semaphore(%arg35 : memref<!tpu.dma_semaphore, #tpu.memory_space<semaphore_mem>>) src(%dma_wait3A_242 : memref<80xi32, #tpu.memory_space<hbm>>) dst(%arg22 : memref<80xi32, #tpu.memory_space<vmem>>)
    %dma_start3A_243 = arith.constant 0 : i32
    %dma_start3A_244 = arith.constant 0 : i32
    %dma_start3A_245 = tpu.memref_slice %arg2[%dma_start3A_243, %dma_start3A_244] : memref<10000x128xf32, #tpu.memory_space<hbm>> -> memref<10000x128xf32, #tpu.memory_space<hbm>>
    tpu.enqueue_indirect_dma source(%dma_start3A_245 : memref<10000x128xf32, #tpu.memory_space<hbm>>) target(%arg26 : memref<80x128xf32, #tpu.memory_space<vmem>>) offsets(%arg14 : memref<80xi32, #tpu.memory_space<vmem>>) semaphore(%arg39 : memref<!tpu.dma_semaphore, #tpu.memory_space<semaphore_mem>>)
    %dma_wait3A_246 = arith.constant 0 : i32
    %dma_wait3A_247 = arith.constant 0 : i32
    %dma_wait3A_248 = tpu.memref_slice %arg2[%dma_wait3A_246, %dma_wait3A_247] : memref<10000x128xf32, #tpu.memory_space<hbm>> -> memref<80x128xf32, #tpu.memory_space<hbm>>
    %dma_wait3A_249 = arith.constant 0 : i32
    %dma_wait3A_250 = arith.constant 0 : i32
    %dma_wait3A_251 = tpu.memref_slice %arg2[%dma_wait3A_249, %dma_wait3A_250] : memref<10000x128xf32, #tpu.memory_space<hbm>> -> memref<80x128xf32, #tpu.memory_space<hbm>>
    tpu.wait_dma2 semaphore(%arg37 : memref<!tpu.dma_semaphore, #tpu.memory_space<semaphore_mem>>) src(%dma_wait3A_251 : memref<80x128xf32, #tpu.memory_space<hbm>>) dst(%arg24 : memref<80x128xf32, #tpu.memory_space<vmem>>)
    %dma_wait3A_252 = arith.constant 0 : i32
    %dma_wait3A_253 = arith.constant 0 : i32
    %dma_wait3A_254 = tpu.memref_slice %arg27[%dma_wait3A_252, %dma_wait3A_253] : memref<10240x128xf32, #tpu.memory_space<vmem_shared>> -> memref<80x128xf32, #tpu.memory_space<vmem_shared>>
    %dma_wait3A_255 = arith.constant 0 : i32
    %dma_wait3A_256 = arith.constant 0 : i32
    %dma_wait3A_257 = tpu.memref_slice %arg27[%dma_wait3A_255, %dma_wait3A_256] : memref<10240x128xf32, #tpu.memory_space<vmem_shared>> -> memref<80x128xf32, #tpu.memory_space<vmem_shared>>
    tpu.wait_dma2 semaphore(%arg40 : memref<!tpu.dma_semaphore, #tpu.memory_space<semaphore_mem>>) src(%arg23 : memref<80x128xf32, #tpu.memory_space<vmem>>) dst(%dma_wait3A_257 : memref<80x128xf32, #tpu.memory_space<vmem_shared>>)
    %dma_start3A_258 = arith.constant 0 : i32
    %dma_start3A_259 = arith.constant 0 : i32
    %dma_start3A_260 = tpu.memref_slice %arg27[%dma_start3A_258, %dma_start3A_259] : memref<10240x128xf32, #tpu.memory_space<vmem_shared>> -> memref<10240x128xf32, #tpu.memory_space<vmem_shared>>
    tpu.enqueue_indirect_dma source(%arg24 : memref<80x128xf32, #tpu.memory_space<vmem>>) target(%dma_start3A_260 : memref<10240x128xf32, #tpu.memory_space<vmem_shared>>) offsets(%arg20 : memref<80xi32, #tpu.memory_space<vmem>>) semaphore(%arg40 : memref<!tpu.dma_semaphore, #tpu.memory_space<semaphore_mem>>) {add = true}
    %mul3A_261 = arith.constant 10000 : i32
    %mul3A_262 = arith.muli %add3A, %mul3A_261 : i32
    %add3A_263 = arith.constant 880 : i32
    %add3A_264 = arith.addi %mul3A_262, %add3A_263 : i32
    %dma_start3A_265 = tpu.memref_slice %arg3[%add3A_264] : memref<320000xi32, #tpu.memory_space<hbm>> -> memref<80xi32, #tpu.memory_space<hbm>>
    %dma_start3A_266 = tpu.memref_slice %arg3[%add3A_264] : memref<320000xi32, #tpu.memory_space<hbm>> -> memref<80xi32, #tpu.memory_space<hbm>>
    tpu.enqueue_dma source(%dma_start3A_266 : memref<80xi32, #tpu.memory_space<hbm>>) target(%arg10 : memref<80xi32, #tpu.memory_space<vmem>>) target_semaphore(%arg31 : memref<!tpu.dma_semaphore, #tpu.memory_space<semaphore_mem>>)
    %dma_start3A_267 = tpu.memref_slice %arg4[%add3A_264] : memref<320000xi32, #tpu.memory_space<hbm>> -> memref<80xi32, #tpu.memory_space<hbm>>
    %dma_start3A_268 = tpu.memref_slice %arg4[%add3A_264] : memref<320000xi32, #tpu.memory_space<hbm>> -> memref<80xi32, #tpu.memory_space<hbm>>
    tpu.enqueue_dma source(%dma_start3A_268 : memref<80xi32, #tpu.memory_space<hbm>>) target(%arg18 : memref<80xi32, #tpu.memory_space<vmem>>) target_semaphore(%arg31 : memref<!tpu.dma_semaphore, #tpu.memory_space<semaphore_mem>>)
    %dma_wait3A_269 = arith.constant 0 : i32
    %dma_wait3A_270 = tpu.memref_slice %arg3[%dma_wait3A_269] : memref<320000xi32, #tpu.memory_space<hbm>> -> memref<80xi32, #tpu.memory_space<hbm>>
    %dma_wait3A_271 = arith.constant 0 : i32
    %dma_wait3A_272 = tpu.memref_slice %arg3[%dma_wait3A_271] : memref<320000xi32, #tpu.memory_space<hbm>> -> memref<80xi32, #tpu.memory_space<hbm>>
    tpu.wait_dma2 semaphore(%arg28 : memref<!tpu.dma_semaphore, #tpu.memory_space<semaphore_mem>>) src(%dma_wait3A_272 : memref<80xi32, #tpu.memory_space<hbm>>) dst(%arg7 : memref<80xi32, #tpu.memory_space<vmem>>)
    %dma_wait3A_273 = arith.constant 0 : i32
    %dma_wait3A_274 = tpu.memref_slice %arg3[%dma_wait3A_273] : memref<320000xi32, #tpu.memory_space<hbm>> -> memref<80xi32, #tpu.memory_space<hbm>>
    %dma_wait3A_275 = arith.constant 0 : i32
    %dma_wait3A_276 = tpu.memref_slice %arg3[%dma_wait3A_275] : memref<320000xi32, #tpu.memory_space<hbm>> -> memref<80xi32, #tpu.memory_space<hbm>>
    tpu.wait_dma2 semaphore(%arg28 : memref<!tpu.dma_semaphore, #tpu.memory_space<semaphore_mem>>) src(%dma_wait3A_276 : memref<80xi32, #tpu.memory_space<hbm>>) dst(%arg15 : memref<80xi32, #tpu.memory_space<vmem>>)
    %dma_start3A_277 = arith.constant 0 : i32
    %dma_start3A_278 = arith.constant 0 : i32
    %dma_start3A_279 = tpu.memref_slice %arg2[%dma_start3A_277, %dma_start3A_278] : memref<10000x128xf32, #tpu.memory_space<hbm>> -> memref<10000x128xf32, #tpu.memory_space<hbm>>
    tpu.enqueue_indirect_dma source(%dma_start3A_279 : memref<10000x128xf32, #tpu.memory_space<hbm>>) target(%arg23 : memref<80x128xf32, #tpu.memory_space<vmem>>) offsets(%arg7 : memref<80xi32, #tpu.memory_space<vmem>>) semaphore(%arg36 : memref<!tpu.dma_semaphore, #tpu.memory_space<semaphore_mem>>)
    %dma_wait3A_280 = arith.constant 0 : i32
    %dma_wait3A_281 = arith.constant 0 : i32
    %dma_wait3A_282 = tpu.memref_slice %arg2[%dma_wait3A_280, %dma_wait3A_281] : memref<10000x128xf32, #tpu.memory_space<hbm>> -> memref<80x128xf32, #tpu.memory_space<hbm>>
    %dma_wait3A_283 = arith.constant 0 : i32
    %dma_wait3A_284 = arith.constant 0 : i32
    %dma_wait3A_285 = tpu.memref_slice %arg2[%dma_wait3A_283, %dma_wait3A_284] : memref<10000x128xf32, #tpu.memory_space<hbm>> -> memref<80x128xf32, #tpu.memory_space<hbm>>
    tpu.wait_dma2 semaphore(%arg38 : memref<!tpu.dma_semaphore, #tpu.memory_space<semaphore_mem>>) src(%dma_wait3A_285 : memref<80x128xf32, #tpu.memory_space<hbm>>) dst(%arg25 : memref<80x128xf32, #tpu.memory_space<vmem>>)
    %dma_wait3A_286 = arith.constant 0 : i32
    %dma_wait3A_287 = arith.constant 0 : i32
    %dma_wait3A_288 = tpu.memref_slice %arg27[%dma_wait3A_286, %dma_wait3A_287] : memref<10240x128xf32, #tpu.memory_space<vmem_shared>> -> memref<80x128xf32, #tpu.memory_space<vmem_shared>>
    %dma_wait3A_289 = arith.constant 0 : i32
    %dma_wait3A_290 = arith.constant 0 : i32
    %dma_wait3A_291 = tpu.memref_slice %arg27[%dma_wait3A_289, %dma_wait3A_290] : memref<10240x128xf32, #tpu.memory_space<vmem_shared>> -> memref<80x128xf32, #tpu.memory_space<vmem_shared>>
    tpu.wait_dma2 semaphore(%arg40 : memref<!tpu.dma_semaphore, #tpu.memory_space<semaphore_mem>>) src(%arg24 : memref<80x128xf32, #tpu.memory_space<vmem>>) dst(%dma_wait3A_291 : memref<80x128xf32, #tpu.memory_space<vmem_shared>>)
    %dma_start3A_292 = arith.constant 0 : i32
    %dma_start3A_293 = arith.constant 0 : i32
    %dma_start3A_294 = tpu.memref_slice %arg27[%dma_start3A_292, %dma_start3A_293] : memref<10240x128xf32, #tpu.memory_space<vmem_shared>> -> memref<10240x128xf32, #tpu.memory_space<vmem_shared>>
    tpu.enqueue_indirect_dma source(%arg25 : memref<80x128xf32, #tpu.memory_space<vmem>>) target(%dma_start3A_294 : memref<10240x128xf32, #tpu.memory_space<vmem_shared>>) offsets(%arg21 : memref<80xi32, #tpu.memory_space<vmem>>) semaphore(%arg40 : memref<!tpu.dma_semaphore, #tpu.memory_space<semaphore_mem>>) {add = true}
    %mul3A_295 = arith.constant 10000 : i32
    %mul3A_296 = arith.muli %add3A, %mul3A_295 : i32
    %add3A_297 = arith.constant 960 : i32
    %add3A_298 = arith.addi %mul3A_296, %add3A_297 : i32
    %dma_start3A_299 = tpu.memref_slice %arg3[%add3A_298] : memref<320000xi32, #tpu.memory_space<hbm>> -> memref<80xi32, #tpu.memory_space<hbm>>
    %dma_start3A_300 = tpu.memref_slice %arg3[%add3A_298] : memref<320000xi32, #tpu.memory_space<hbm>> -> memref<80xi32, #tpu.memory_space<hbm>>
    tpu.enqueue_dma source(%dma_start3A_300 : memref<80xi32, #tpu.memory_space<hbm>>) target(%arg11 : memref<80xi32, #tpu.memory_space<vmem>>) target_semaphore(%arg32 : memref<!tpu.dma_semaphore, #tpu.memory_space<semaphore_mem>>)
    %dma_start3A_301 = tpu.memref_slice %arg4[%add3A_298] : memref<320000xi32, #tpu.memory_space<hbm>> -> memref<80xi32, #tpu.memory_space<hbm>>
    %dma_start3A_302 = tpu.memref_slice %arg4[%add3A_298] : memref<320000xi32, #tpu.memory_space<hbm>> -> memref<80xi32, #tpu.memory_space<hbm>>
    tpu.enqueue_dma source(%dma_start3A_302 : memref<80xi32, #tpu.memory_space<hbm>>) target(%arg19 : memref<80xi32, #tpu.memory_space<vmem>>) target_semaphore(%arg32 : memref<!tpu.dma_semaphore, #tpu.memory_space<semaphore_mem>>)
    %dma_wait3A_303 = arith.constant 0 : i32
    %dma_wait3A_304 = tpu.memref_slice %arg3[%dma_wait3A_303] : memref<320000xi32, #tpu.memory_space<hbm>> -> memref<80xi32, #tpu.memory_space<hbm>>
    %dma_wait3A_305 = arith.constant 0 : i32
    %dma_wait3A_306 = tpu.memref_slice %arg3[%dma_wait3A_305] : memref<320000xi32, #tpu.memory_space<hbm>> -> memref<80xi32, #tpu.memory_space<hbm>>
    tpu.wait_dma2 semaphore(%arg29 : memref<!tpu.dma_semaphore, #tpu.memory_space<semaphore_mem>>) src(%dma_wait3A_306 : memref<80xi32, #tpu.memory_space<hbm>>) dst(%arg8 : memref<80xi32, #tpu.memory_space<vmem>>)
    %dma_wait3A_307 = arith.constant 0 : i32
    %dma_wait3A_308 = tpu.memref_slice %arg3[%dma_wait3A_307] : memref<320000xi32, #tpu.memory_space<hbm>> -> memref<80xi32, #tpu.memory_space<hbm>>
    %dma_wait3A_309 = arith.constant 0 : i32
    %dma_wait3A_310 = tpu.memref_slice %arg3[%dma_wait3A_309] : memref<320000xi32, #tpu.memory_space<hbm>> -> memref<80xi32, #tpu.memory_space<hbm>>
    tpu.wait_dma2 semaphore(%arg29 : memref<!tpu.dma_semaphore, #tpu.memory_space<semaphore_mem>>) src(%dma_wait3A_310 : memref<80xi32, #tpu.memory_space<hbm>>) dst(%arg16 : memref<80xi32, #tpu.memory_space<vmem>>)
    %dma_start3A_311 = arith.constant 0 : i32
    %dma_start3A_312 = arith.constant 0 : i32
    %dma_start3A_313 = tpu.memref_slice %arg2[%dma_start3A_311, %dma_start3A_312] : memref<10000x128xf32, #tpu.memory_space<hbm>> -> memref<10000x128xf32, #tpu.memory_space<hbm>>
    tpu.enqueue_indirect_dma source(%dma_start3A_313 : memref<10000x128xf32, #tpu.memory_space<hbm>>) target(%arg24 : memref<80x128xf32, #tpu.memory_space<vmem>>) offsets(%arg8 : memref<80xi32, #tpu.memory_space<vmem>>) semaphore(%arg37 : memref<!tpu.dma_semaphore, #tpu.memory_space<semaphore_mem>>)
    %dma_wait3A_314 = arith.constant 0 : i32
    %dma_wait3A_315 = arith.constant 0 : i32
    %dma_wait3A_316 = tpu.memref_slice %arg2[%dma_wait3A_314, %dma_wait3A_315] : memref<10000x128xf32, #tpu.memory_space<hbm>> -> memref<80x128xf32, #tpu.memory_space<hbm>>
    %dma_wait3A_317 = arith.constant 0 : i32
    %dma_wait3A_318 = arith.constant 0 : i32
    %dma_wait3A_319 = tpu.memref_slice %arg2[%dma_wait3A_317, %dma_wait3A_318] : memref<10000x128xf32, #tpu.memory_space<hbm>> -> memref<80x128xf32, #tpu.memory_space<hbm>>
    tpu.wait_dma2 semaphore(%arg39 : memref<!tpu.dma_semaphore, #tpu.memory_space<semaphore_mem>>) src(%dma_wait3A_319 : memref<80x128xf32, #tpu.memory_space<hbm>>) dst(%arg26 : memref<80x128xf32, #tpu.memory_space<vmem>>)
    %dma_wait3A_320 = arith.constant 0 : i32
    %dma_wait3A_321 = arith.constant 0 : i32
    %dma_wait3A_322 = tpu.memref_slice %arg27[%dma_wait3A_320, %dma_wait3A_321] : memref<10240x128xf32, #tpu.memory_space<vmem_shared>> -> memref<80x128xf32, #tpu.memory_space<vmem_shared>>
    %dma_wait3A_323 = arith.constant 0 : i32
    %dma_wait3A_324 = arith.constant 0 : i32
    %dma_wait3A_325 = tpu.memref_slice %arg27[%dma_wait3A_323, %dma_wait3A_324] : memref<10240x128xf32, #tpu.memory_space<vmem_shared>> -> memref<80x128xf32, #tpu.memory_space<vmem_shared>>
    tpu.wait_dma2 semaphore(%arg40 : memref<!tpu.dma_semaphore, #tpu.memory_space<semaphore_mem>>) src(%arg25 : memref<80x128xf32, #tpu.memory_space<vmem>>) dst(%dma_wait3A_325 : memref<80x128xf32, #tpu.memory_space<vmem_shared>>)
    %dma_start3A_326 = arith.constant 0 : i32
    %dma_start3A_327 = arith.constant 0 : i32
    %dma_start3A_328 = tpu.memref_slice %arg27[%dma_start3A_326, %dma_start3A_327] : memref<10240x128xf32, #tpu.memory_space<vmem_shared>> -> memref<10240x128xf32, #tpu.memory_space<vmem_shared>>
    tpu.enqueue_indirect_dma source(%arg26 : memref<80x128xf32, #tpu.memory_space<vmem>>) target(%dma_start3A_328 : memref<10240x128xf32, #tpu.memory_space<vmem_shared>>) offsets(%arg22 : memref<80xi32, #tpu.memory_space<vmem>>) semaphore(%arg40 : memref<!tpu.dma_semaphore, #tpu.memory_space<semaphore_mem>>) {add = true}
    %mul3A_329 = arith.constant 10000 : i32
    %mul3A_330 = arith.muli %add3A, %mul3A_329 : i32
    %add3A_331 = arith.constant 1040 : i32
    %add3A_332 = arith.addi %mul3A_330, %add3A_331 : i32
    %dma_start3A_333 = tpu.memref_slice %arg3[%add3A_332] : memref<320000xi32, #tpu.memory_space<hbm>> -> memref<80xi32, #tpu.memory_space<hbm>>
    %dma_start3A_334 = tpu.memref_slice %arg3[%add3A_332] : memref<320000xi32, #tpu.memory_space<hbm>> -> memref<80xi32, #tpu.memory_space<hbm>>
    tpu.enqueue_dma source(%dma_start3A_334 : memref<80xi32, #tpu.memory_space<hbm>>) target(%arg12 : memref<80xi32, #tpu.memory_space<vmem>>) target_semaphore(%arg33 : memref<!tpu.dma_semaphore, #tpu.memory_space<semaphore_mem>>)
    %dma_start3A_335 = tpu.memref_slice %arg4[%add3A_332] : memref<320000xi32, #tpu.memory_space<hbm>> -> memref<80xi32, #tpu.memory_space<hbm>>
    %dma_start3A_336 = tpu.memref_slice %arg4[%add3A_332] : memref<320000xi32, #tpu.memory_space<hbm>> -> memref<80xi32, #tpu.memory_space<hbm>>
    tpu.enqueue_dma source(%dma_start3A_336 : memref<80xi32, #tpu.memory_space<hbm>>) target(%arg20 : memref<80xi32, #tpu.memory_space<vmem>>) target_semaphore(%arg33 : memref<!tpu.dma_semaphore, #tpu.memory_space<semaphore_mem>>)
    %dma_wait3A_337 = arith.constant 0 : i32
    %dma_wait3A_338 = tpu.memref_slice %arg3[%dma_wait3A_337] : memref<320000xi32, #tpu.memory_space<hbm>> -> memref<80xi32, #tpu.memory_space<hbm>>
    %dma_wait3A_339 = arith.constant 0 : i32
    %dma_wait3A_340 = tpu.memref_slice %arg3[%dma_wait3A_339] : memref<320000xi32, #tpu.memory_space<hbm>> -> memref<80xi32, #tpu.memory_space<hbm>>
    tpu.wait_dma2 semaphore(%arg30 : memref<!tpu.dma_semaphore, #tpu.memory_space<semaphore_mem>>) src(%dma_wait3A_340 : memref<80xi32, #tpu.memory_space<hbm>>) dst(%arg9 : memref<80xi32, #tpu.memory_space<vmem>>)
    %dma_wait3A_341 = arith.constant 0 : i32
    %dma_wait3A_342 = tpu.memref_slice %arg3[%dma_wait3A_341] : memref<320000xi32, #tpu.memory_space<hbm>> -> memref<80xi32, #tpu.memory_space<hbm>>
    %dma_wait3A_343 = arith.constant 0 : i32
    %dma_wait3A_344 = tpu.memref_slice %arg3[%dma_wait3A_343] : memref<320000xi32, #tpu.memory_space<hbm>> -> memref<80xi32, #tpu.memory_space<hbm>>
    tpu.wait_dma2 semaphore(%arg30 : memref<!tpu.dma_semaphore, #tpu.memory_space<semaphore_mem>>) src(%dma_wait3A_344 : memref<80xi32, #tpu.memory_space<hbm>>) dst(%arg17 : memref<80xi32, #tpu.memory_space<vmem>>)
    %dma_start3A_345 = arith.constant 0 : i32
    %dma_start3A_346 = arith.constant 0 : i32
    %dma_start3A_347 = tpu.memref_slice %arg2[%dma_start3A_345, %dma_start3A_346] : memref<10000x128xf32, #tpu.memory_space<hbm>> -> memref<10000x128xf32, #tpu.memory_space<hbm>>
    tpu.enqueue_indirect_dma source(%dma_start3A_347 : memref<10000x128xf32, #tpu.memory_space<hbm>>) target(%arg25 : memref<80x128xf32, #tpu.memory_space<vmem>>) offsets(%arg9 : memref<80xi32, #tpu.memory_space<vmem>>) semaphore(%arg38 : memref<!tpu.dma_semaphore, #tpu.memory_space<semaphore_mem>>)
    %scan3A = arith.constant 0 : i32
    %scan3A_348 = arith.constant 0 : i32
    %scan3A_349 = arith.constant 13 : i32
    %scan3A_350 = arith.addi %scan3A_348, %scan3A_349 : i32
    %scan3A_351 = arith.constant 1 : i32
    scf.for %scan3A_721 = %scan3A_348 to %scan3A_350 step %scan3A_351  : i32 {
      %mul3A_722 = arith.constant 8 : i32
      %mul3A_723 = arith.muli %scan3A_721, %mul3A_722 : i32
      %add3A_724 = arith.constant 8 : i32
      %add3A_725 = arith.addi %add3A_724, %mul3A_723 : i32
      %add3A_726 = arith.constant 0 : i32
      %add3A_727 = arith.addi %add3A_725, %add3A_726 : i32
      %dma_wait3A_728 = arith.constant 0 : i32
      %dma_wait3A_729 = arith.constant 0 : i32
      %dma_wait3A_730 = tpu.memref_slice %arg2[%dma_wait3A_728, %dma_wait3A_729] : memref<10000x128xf32, #tpu.memory_space<hbm>> -> memref<80x128xf32, #tpu.memory_space<hbm>>
      %dma_wait3A_731 = arith.constant 0 : i32
      %dma_wait3A_732 = arith.constant 0 : i32
      %dma_wait3A_733 = tpu.memref_slice %arg2[%dma_wait3A_731, %dma_wait3A_732] : memref<10000x128xf32, #tpu.memory_space<hbm>> -> memref<80x128xf32, #tpu.memory_space<hbm>>
      tpu.wait_dma2 semaphore(%arg36 : memref<!tpu.dma_semaphore, #tpu.memory_space<semaphore_mem>>) src(%dma_wait3A_733 : memref<80x128xf32, #tpu.memory_space<hbm>>) dst(%arg23 : memref<80x128xf32, #tpu.memory_space<vmem>>)
      %dma_wait3A_734 = arith.constant 0 : i32
      %dma_wait3A_735 = arith.constant 0 : i32
      %dma_wait3A_736 = tpu.memref_slice %arg27[%dma_wait3A_734, %dma_wait3A_735] : memref<10240x128xf32, #tpu.memory_space<vmem_shared>> -> memref<80x128xf32, #tpu.memory_space<vmem_shared>>
      %dma_wait3A_737 = arith.constant 0 : i32
      %dma_wait3A_738 = arith.constant 0 : i32
      %dma_wait3A_739 = tpu.memref_slice %arg27[%dma_wait3A_737, %dma_wait3A_738] : memref<10240x128xf32, #tpu.memory_space<vmem_shared>> -> memref<80x128xf32, #tpu.memory_space<vmem_shared>>
      tpu.wait_dma2 semaphore(%arg40 : memref<!tpu.dma_semaphore, #tpu.memory_space<semaphore_mem>>) src(%arg26 : memref<80x128xf32, #tpu.memory_space<vmem>>) dst(%dma_wait3A_739 : memref<80x128xf32, #tpu.memory_space<vmem_shared>>)
      %dma_start3A_740 = arith.constant 0 : i32
      %dma_start3A_741 = arith.constant 0 : i32
      %dma_start3A_742 = tpu.memref_slice %arg27[%dma_start3A_740, %dma_start3A_741] : memref<10240x128xf32, #tpu.memory_space<vmem_shared>> -> memref<10240x128xf32, #tpu.memory_space<vmem_shared>>
      tpu.enqueue_indirect_dma source(%arg23 : memref<80x128xf32, #tpu.memory_space<vmem>>) target(%dma_start3A_742 : memref<10240x128xf32, #tpu.memory_space<vmem_shared>>) offsets(%arg15 : memref<80xi32, #tpu.memory_space<vmem>>) semaphore(%arg40 : memref<!tpu.dma_semaphore, #tpu.memory_space<semaphore_mem>>) {add = true}
      %add3A_743 = arith.constant 6 : i32
      %add3A_744 = arith.addi %add3A_727, %add3A_743 : i32
      %mul3A_745 = arith.constant 10000 : i32
      %mul3A_746 = arith.muli %add3A, %mul3A_745 : i32
      %mul3A_747 = arith.constant 80 : i32
      %mul3A_748 = arith.muli %add3A_744, %mul3A_747 : i32
      %add3A_749 = arith.addi %mul3A_746, %mul3A_748 : i32
      %dma_start3A_750 = tpu.memref_slice %arg3[%add3A_749] : memref<320000xi32, #tpu.memory_space<hbm>> -> memref<80xi32, #tpu.memory_space<hbm>>
      %dma_start3A_751 = tpu.memref_slice %arg3[%add3A_749] : memref<320000xi32, #tpu.memory_space<hbm>> -> memref<80xi32, #tpu.memory_space<hbm>>
      tpu.enqueue_dma source(%dma_start3A_751 : memref<80xi32, #tpu.memory_space<hbm>>) target(%arg13 : memref<80xi32, #tpu.memory_space<vmem>>) target_semaphore(%arg34 : memref<!tpu.dma_semaphore, #tpu.memory_space<semaphore_mem>>)
      %dma_start3A_752 = tpu.memref_slice %arg4[%add3A_749] : memref<320000xi32, #tpu.memory_space<hbm>> -> memref<80xi32, #tpu.memory_space<hbm>>
      %dma_start3A_753 = tpu.memref_slice %arg4[%add3A_749] : memref<320000xi32, #tpu.memory_space<hbm>> -> memref<80xi32, #tpu.memory_space<hbm>>
      tpu.enqueue_dma source(%dma_start3A_753 : memref<80xi32, #tpu.memory_space<hbm>>) target(%arg21 : memref<80xi32, #tpu.memory_space<vmem>>) target_semaphore(%arg34 : memref<!tpu.dma_semaphore, #tpu.memory_space<semaphore_mem>>)
      %dma_wait3A_754 = arith.constant 0 : i32
      %dma_wait3A_755 = tpu.memref_slice %arg3[%dma_wait3A_754] : memref<320000xi32, #tpu.memory_space<hbm>> -> memref<80xi32, #tpu.memory_space<hbm>>
      %dma_wait3A_756 = arith.constant 0 : i32
      %dma_wait3A_757 = tpu.memref_slice %arg3[%dma_wait3A_756] : memref<320000xi32, #tpu.memory_space<hbm>> -> memref<80xi32, #tpu.memory_space<hbm>>
      tpu.wait_dma2 semaphore(%arg31 : memref<!tpu.dma_semaphore, #tpu.memory_space<semaphore_mem>>) src(%dma_wait3A_757 : memref<80xi32, #tpu.memory_space<hbm>>) dst(%arg10 : memref<80xi32, #tpu.memory_space<vmem>>)
      %dma_wait3A_758 = arith.constant 0 : i32
      %dma_wait3A_759 = tpu.memref_slice %arg3[%dma_wait3A_758] : memref<320000xi32, #tpu.memory_space<hbm>> -> memref<80xi32, #tpu.memory_space<hbm>>
      %dma_wait3A_760 = arith.constant 0 : i32
      %dma_wait3A_761 = tpu.memref_slice %arg3[%dma_wait3A_760] : memref<320000xi32, #tpu.memory_space<hbm>> -> memref<80xi32, #tpu.memory_space<hbm>>
      tpu.wait_dma2 semaphore(%arg31 : memref<!tpu.dma_semaphore, #tpu.memory_space<semaphore_mem>>) src(%dma_wait3A_761 : memref<80xi32, #tpu.memory_space<hbm>>) dst(%arg18 : memref<80xi32, #tpu.memory_space<vmem>>)
      %dma_start3A_762 = arith.constant 0 : i32
      %dma_start3A_763 = arith.constant 0 : i32
      %dma_start3A_764 = tpu.memref_slice %arg2[%dma_start3A_762, %dma_start3A_763] : memref<10000x128xf32, #tpu.memory_space<hbm>> -> memref<10000x128xf32, #tpu.memory_space<hbm>>
      tpu.enqueue_indirect_dma source(%dma_start3A_764 : memref<10000x128xf32, #tpu.memory_space<hbm>>) target(%arg26 : memref<80x128xf32, #tpu.memory_space<vmem>>) offsets(%arg10 : memref<80xi32, #tpu.memory_space<vmem>>) semaphore(%arg39 : memref<!tpu.dma_semaphore, #tpu.memory_space<semaphore_mem>>)
      %add3A_765 = arith.constant 1 : i32
      %add3A_766 = arith.addi %add3A_725, %add3A_765 : i32
      %dma_wait3A_767 = arith.constant 0 : i32
      %dma_wait3A_768 = arith.constant 0 : i32
      %dma_wait3A_769 = tpu.memref_slice %arg2[%dma_wait3A_767, %dma_wait3A_768] : memref<10000x128xf32, #tpu.memory_space<hbm>> -> memref<80x128xf32, #tpu.memory_space<hbm>>
      %dma_wait3A_770 = arith.constant 0 : i32
      %dma_wait3A_771 = arith.constant 0 : i32
      %dma_wait3A_772 = tpu.memref_slice %arg2[%dma_wait3A_770, %dma_wait3A_771] : memref<10000x128xf32, #tpu.memory_space<hbm>> -> memref<80x128xf32, #tpu.memory_space<hbm>>
      tpu.wait_dma2 semaphore(%arg37 : memref<!tpu.dma_semaphore, #tpu.memory_space<semaphore_mem>>) src(%dma_wait3A_772 : memref<80x128xf32, #tpu.memory_space<hbm>>) dst(%arg24 : memref<80x128xf32, #tpu.memory_space<vmem>>)
      %dma_wait3A_773 = arith.constant 0 : i32
      %dma_wait3A_774 = arith.constant 0 : i32
      %dma_wait3A_775 = tpu.memref_slice %arg27[%dma_wait3A_773, %dma_wait3A_774] : memref<10240x128xf32, #tpu.memory_space<vmem_shared>> -> memref<80x128xf32, #tpu.memory_space<vmem_shared>>
      %dma_wait3A_776 = arith.constant 0 : i32
      %dma_wait3A_777 = arith.constant 0 : i32
      %dma_wait3A_778 = tpu.memref_slice %arg27[%dma_wait3A_776, %dma_wait3A_777] : memref<10240x128xf32, #tpu.memory_space<vmem_shared>> -> memref<80x128xf32, #tpu.memory_space<vmem_shared>>
      tpu.wait_dma2 semaphore(%arg40 : memref<!tpu.dma_semaphore, #tpu.memory_space<semaphore_mem>>) src(%arg23 : memref<80x128xf32, #tpu.memory_space<vmem>>) dst(%dma_wait3A_778 : memref<80x128xf32, #tpu.memory_space<vmem_shared>>)
      %dma_start3A_779 = arith.constant 0 : i32
      %dma_start3A_780 = arith.constant 0 : i32
      %dma_start3A_781 = tpu.memref_slice %arg27[%dma_start3A_779, %dma_start3A_780] : memref<10240x128xf32, #tpu.memory_space<vmem_shared>> -> memref<10240x128xf32, #tpu.memory_space<vmem_shared>>
      tpu.enqueue_indirect_dma source(%arg24 : memref<80x128xf32, #tpu.memory_space<vmem>>) target(%dma_start3A_781 : memref<10240x128xf32, #tpu.memory_space<vmem_shared>>) offsets(%arg16 : memref<80xi32, #tpu.memory_space<vmem>>) semaphore(%arg40 : memref<!tpu.dma_semaphore, #tpu.memory_space<semaphore_mem>>) {add = true}
      %add3A_782 = arith.constant 6 : i32
      %add3A_783 = arith.addi %add3A_766, %add3A_782 : i32
      %mul3A_784 = arith.constant 10000 : i32
      %mul3A_785 = arith.muli %add3A, %mul3A_784 : i32
      %mul3A_786 = arith.constant 80 : i32
      %mul3A_787 = arith.muli %add3A_783, %mul3A_786 : i32
      %add3A_788 = arith.addi %mul3A_785, %mul3A_787 : i32
      %dma_start3A_789 = tpu.memref_slice %arg3[%add3A_788] : memref<320000xi32, #tpu.memory_space<hbm>> -> memref<80xi32, #tpu.memory_space<hbm>>
      %dma_start3A_790 = tpu.memref_slice %arg3[%add3A_788] : memref<320000xi32, #tpu.memory_space<hbm>> -> memref<80xi32, #tpu.memory_space<hbm>>
      tpu.enqueue_dma source(%dma_start3A_790 : memref<80xi32, #tpu.memory_space<hbm>>) target(%arg14 : memref<80xi32, #tpu.memory_space<vmem>>) target_semaphore(%arg35 : memref<!tpu.dma_semaphore, #tpu.memory_space<semaphore_mem>>)
      %dma_start3A_791 = tpu.memref_slice %arg4[%add3A_788] : memref<320000xi32, #tpu.memory_space<hbm>> -> memref<80xi32, #tpu.memory_space<hbm>>
      %dma_start3A_792 = tpu.memref_slice %arg4[%add3A_788] : memref<320000xi32, #tpu.memory_space<hbm>> -> memref<80xi32, #tpu.memory_space<hbm>>
      tpu.enqueue_dma source(%dma_start3A_792 : memref<80xi32, #tpu.memory_space<hbm>>) target(%arg22 : memref<80xi32, #tpu.memory_space<vmem>>) target_semaphore(%arg35 : memref<!tpu.dma_semaphore, #tpu.memory_space<semaphore_mem>>)
      %dma_wait3A_793 = arith.constant 0 : i32
      %dma_wait3A_794 = tpu.memref_slice %arg3[%dma_wait3A_793] : memref<320000xi32, #tpu.memory_space<hbm>> -> memref<80xi32, #tpu.memory_space<hbm>>
      %dma_wait3A_795 = arith.constant 0 : i32
      %dma_wait3A_796 = tpu.memref_slice %arg3[%dma_wait3A_795] : memref<320000xi32, #tpu.memory_space<hbm>> -> memref<80xi32, #tpu.memory_space<hbm>>
      tpu.wait_dma2 semaphore(%arg32 : memref<!tpu.dma_semaphore, #tpu.memory_space<semaphore_mem>>) src(%dma_wait3A_796 : memref<80xi32, #tpu.memory_space<hbm>>) dst(%arg11 : memref<80xi32, #tpu.memory_space<vmem>>)
      %dma_wait3A_797 = arith.constant 0 : i32
      %dma_wait3A_798 = tpu.memref_slice %arg3[%dma_wait3A_797] : memref<320000xi32, #tpu.memory_space<hbm>> -> memref<80xi32, #tpu.memory_space<hbm>>
      %dma_wait3A_799 = arith.constant 0 : i32
      %dma_wait3A_800 = tpu.memref_slice %arg3[%dma_wait3A_799] : memref<320000xi32, #tpu.memory_space<hbm>> -> memref<80xi32, #tpu.memory_space<hbm>>
      tpu.wait_dma2 semaphore(%arg32 : memref<!tpu.dma_semaphore, #tpu.memory_space<semaphore_mem>>) src(%dma_wait3A_800 : memref<80xi32, #tpu.memory_space<hbm>>) dst(%arg19 : memref<80xi32, #tpu.memory_space<vmem>>)
      %dma_start3A_801 = arith.constant 0 : i32
      %dma_start3A_802 = arith.constant 0 : i32
      %dma_start3A_803 = tpu.memref_slice %arg2[%dma_start3A_801, %dma_start3A_802] : memref<10000x128xf32, #tpu.memory_space<hbm>> -> memref<10000x128xf32, #tpu.memory_space<hbm>>
      tpu.enqueue_indirect_dma source(%dma_start3A_803 : memref<10000x128xf32, #tpu.memory_space<hbm>>) target(%arg23 : memref<80x128xf32, #tpu.memory_space<vmem>>) offsets(%arg11 : memref<80xi32, #tpu.memory_space<vmem>>) semaphore(%arg36 : memref<!tpu.dma_semaphore, #tpu.memory_space<semaphore_mem>>)
      %add3A_804 = arith.constant 2 : i32
      %add3A_805 = arith.addi %add3A_725, %add3A_804 : i32
      %dma_wait3A_806 = arith.constant 0 : i32
      %dma_wait3A_807 = arith.constant 0 : i32
      %dma_wait3A_808 = tpu.memref_slice %arg2[%dma_wait3A_806, %dma_wait3A_807] : memref<10000x128xf32, #tpu.memory_space<hbm>> -> memref<80x128xf32, #tpu.memory_space<hbm>>
      %dma_wait3A_809 = arith.constant 0 : i32
      %dma_wait3A_810 = arith.constant 0 : i32
      %dma_wait3A_811 = tpu.memref_slice %arg2[%dma_wait3A_809, %dma_wait3A_810] : memref<10000x128xf32, #tpu.memory_space<hbm>> -> memref<80x128xf32, #tpu.memory_space<hbm>>
      tpu.wait_dma2 semaphore(%arg38 : memref<!tpu.dma_semaphore, #tpu.memory_space<semaphore_mem>>) src(%dma_wait3A_811 : memref<80x128xf32, #tpu.memory_space<hbm>>) dst(%arg25 : memref<80x128xf32, #tpu.memory_space<vmem>>)
      %dma_wait3A_812 = arith.constant 0 : i32
      %dma_wait3A_813 = arith.constant 0 : i32
      %dma_wait3A_814 = tpu.memref_slice %arg27[%dma_wait3A_812, %dma_wait3A_813] : memref<10240x128xf32, #tpu.memory_space<vmem_shared>> -> memref<80x128xf32, #tpu.memory_space<vmem_shared>>
      %dma_wait3A_815 = arith.constant 0 : i32
      %dma_wait3A_816 = arith.constant 0 : i32
      %dma_wait3A_817 = tpu.memref_slice %arg27[%dma_wait3A_815, %dma_wait3A_816] : memref<10240x128xf32, #tpu.memory_space<vmem_shared>> -> memref<80x128xf32, #tpu.memory_space<vmem_shared>>
      tpu.wait_dma2 semaphore(%arg40 : memref<!tpu.dma_semaphore, #tpu.memory_space<semaphore_mem>>) src(%arg24 : memref<80x128xf32, #tpu.memory_space<vmem>>) dst(%dma_wait3A_817 : memref<80x128xf32, #tpu.memory_space<vmem_shared>>)
      %dma_start3A_818 = arith.constant 0 : i32
      %dma_start3A_819 = arith.constant 0 : i32
      %dma_start3A_820 = tpu.memref_slice %arg27[%dma_start3A_818, %dma_start3A_819] : memref<10240x128xf32, #tpu.memory_space<vmem_shared>> -> memref<10240x128xf32, #tpu.memory_space<vmem_shared>>
      tpu.enqueue_indirect_dma source(%arg25 : memref<80x128xf32, #tpu.memory_space<vmem>>) target(%dma_start3A_820 : memref<10240x128xf32, #tpu.memory_space<vmem_shared>>) offsets(%arg17 : memref<80xi32, #tpu.memory_space<vmem>>) semaphore(%arg40 : memref<!tpu.dma_semaphore, #tpu.memory_space<semaphore_mem>>) {add = true}
      %add3A_821 = arith.constant 6 : i32
      %add3A_822 = arith.addi %add3A_805, %add3A_821 : i32
      %mul3A_823 = arith.constant 10000 : i32
      %mul3A_824 = arith.muli %add3A, %mul3A_823 : i32
      %mul3A_825 = arith.constant 80 : i32
      %mul3A_826 = arith.muli %add3A_822, %mul3A_825 : i32
      %add3A_827 = arith.addi %mul3A_824, %mul3A_826 : i32
      %dma_start3A_828 = tpu.memref_slice %arg3[%add3A_827] : memref<320000xi32, #tpu.memory_space<hbm>> -> memref<80xi32, #tpu.memory_space<hbm>>
      %dma_start3A_829 = tpu.memref_slice %arg3[%add3A_827] : memref<320000xi32, #tpu.memory_space<hbm>> -> memref<80xi32, #tpu.memory_space<hbm>>
      tpu.enqueue_dma source(%dma_start3A_829 : memref<80xi32, #tpu.memory_space<hbm>>) target(%arg7 : memref<80xi32, #tpu.memory_space<vmem>>) target_semaphore(%arg28 : memref<!tpu.dma_semaphore, #tpu.memory_space<semaphore_mem>>)
      %dma_start3A_830 = tpu.memref_slice %arg4[%add3A_827] : memref<320000xi32, #tpu.memory_space<hbm>> -> memref<80xi32, #tpu.memory_space<hbm>>
      %dma_start3A_831 = tpu.memref_slice %arg4[%add3A_827] : memref<320000xi32, #tpu.memory_space<hbm>> -> memref<80xi32, #tpu.memory_space<hbm>>
      tpu.enqueue_dma source(%dma_start3A_831 : memref<80xi32, #tpu.memory_space<hbm>>) target(%arg15 : memref<80xi32, #tpu.memory_space<vmem>>) target_semaphore(%arg28 : memref<!tpu.dma_semaphore, #tpu.memory_space<semaphore_mem>>)
      %dma_wait3A_832 = arith.constant 0 : i32
      %dma_wait3A_833 = tpu.memref_slice %arg3[%dma_wait3A_832] : memref<320000xi32, #tpu.memory_space<hbm>> -> memref<80xi32, #tpu.memory_space<hbm>>
      %dma_wait3A_834 = arith.constant 0 : i32
      %dma_wait3A_835 = tpu.memref_slice %arg3[%dma_wait3A_834] : memref<320000xi32, #tpu.memory_space<hbm>> -> memref<80xi32, #tpu.memory_space<hbm>>
      tpu.wait_dma2 semaphore(%arg33 : memref<!tpu.dma_semaphore, #tpu.memory_space<semaphore_mem>>) src(%dma_wait3A_835 : memref<80xi32, #tpu.memory_space<hbm>>) dst(%arg12 : memref<80xi32, #tpu.memory_space<vmem>>)
      %dma_wait3A_836 = arith.constant 0 : i32
      %dma_wait3A_837 = tpu.memref_slice %arg3[%dma_wait3A_836] : memref<320000xi32, #tpu.memory_space<hbm>> -> memref<80xi32, #tpu.memory_space<hbm>>
      %dma_wait3A_838 = arith.constant 0 : i32
      %dma_wait3A_839 = tpu.memref_slice %arg3[%dma_wait3A_838] : memref<320000xi32, #tpu.memory_space<hbm>> -> memref<80xi32, #tpu.memory_space<hbm>>
      tpu.wait_dma2 semaphore(%arg33 : memref<!tpu.dma_semaphore, #tpu.memory_space<semaphore_mem>>) src(%dma_wait3A_839 : memref<80xi32, #tpu.memory_space<hbm>>) dst(%arg20 : memref<80xi32, #tpu.memory_space<vmem>>)
      %dma_start3A_840 = arith.constant 0 : i32
      %dma_start3A_841 = arith.constant 0 : i32
      %dma_start3A_842 = tpu.memref_slice %arg2[%dma_start3A_840, %dma_start3A_841] : memref<10000x128xf32, #tpu.memory_space<hbm>> -> memref<10000x128xf32, #tpu.memory_space<hbm>>
      tpu.enqueue_indirect_dma source(%dma_start3A_842 : memref<10000x128xf32, #tpu.memory_space<hbm>>) target(%arg24 : memref<80x128xf32, #tpu.memory_space<vmem>>) offsets(%arg12 : memref<80xi32, #tpu.memory_space<vmem>>) semaphore(%arg37 : memref<!tpu.dma_semaphore, #tpu.memory_space<semaphore_mem>>)
      %add3A_843 = arith.constant 3 : i32
      %add3A_844 = arith.addi %add3A_725, %add3A_843 : i32
      %dma_wait3A_845 = arith.constant 0 : i32
      %dma_wait3A_846 = arith.constant 0 : i32
      %dma_wait3A_847 = tpu.memref_slice %arg2[%dma_wait3A_845, %dma_wait3A_846] : memref<10000x128xf32, #tpu.memory_space<hbm>> -> memref<80x128xf32, #tpu.memory_space<hbm>>
      %dma_wait3A_848 = arith.constant 0 : i32
      %dma_wait3A_849 = arith.constant 0 : i32
      %dma_wait3A_850 = tpu.memref_slice %arg2[%dma_wait3A_848, %dma_wait3A_849] : memref<10000x128xf32, #tpu.memory_space<hbm>> -> memref<80x128xf32, #tpu.memory_space<hbm>>
      tpu.wait_dma2 semaphore(%arg39 : memref<!tpu.dma_semaphore, #tpu.memory_space<semaphore_mem>>) src(%dma_wait3A_850 : memref<80x128xf32, #tpu.memory_space<hbm>>) dst(%arg26 : memref<80x128xf32, #tpu.memory_space<vmem>>)
      %dma_wait3A_851 = arith.constant 0 : i32
      %dma_wait3A_852 = arith.constant 0 : i32
      %dma_wait3A_853 = tpu.memref_slice %arg27[%dma_wait3A_851, %dma_wait3A_852] : memref<10240x128xf32, #tpu.memory_space<vmem_shared>> -> memref<80x128xf32, #tpu.memory_space<vmem_shared>>
      %dma_wait3A_854 = arith.constant 0 : i32
      %dma_wait3A_855 = arith.constant 0 : i32
      %dma_wait3A_856 = tpu.memref_slice %arg27[%dma_wait3A_854, %dma_wait3A_855] : memref<10240x128xf32, #tpu.memory_space<vmem_shared>> -> memref<80x128xf32, #tpu.memory_space<vmem_shared>>
      tpu.wait_dma2 semaphore(%arg40 : memref<!tpu.dma_semaphore, #tpu.memory_space<semaphore_mem>>) src(%arg25 : memref<80x128xf32, #tpu.memory_space<vmem>>) dst(%dma_wait3A_856 : memref<80x128xf32, #tpu.memory_space<vmem_shared>>)
      %dma_start3A_857 = arith.constant 0 : i32
      %dma_start3A_858 = arith.constant 0 : i32
      %dma_start3A_859 = tpu.memref_slice %arg27[%dma_start3A_857, %dma_start3A_858] : memref<10240x128xf32, #tpu.memory_space<vmem_shared>> -> memref<10240x128xf32, #tpu.memory_space<vmem_shared>>
      tpu.enqueue_indirect_dma source(%arg26 : memref<80x128xf32, #tpu.memory_space<vmem>>) target(%dma_start3A_859 : memref<10240x128xf32, #tpu.memory_space<vmem_shared>>) offsets(%arg18 : memref<80xi32, #tpu.memory_space<vmem>>) semaphore(%arg40 : memref<!tpu.dma_semaphore, #tpu.memory_space<semaphore_mem>>) {add = true}
      %add3A_860 = arith.constant 6 : i32
      %add3A_861 = arith.addi %add3A_844, %add3A_860 : i32
      %mul3A_862 = arith.constant 10000 : i32
      %mul3A_863 = arith.muli %add3A, %mul3A_862 : i32
      %mul3A_864 = arith.constant 80 : i32
      %mul3A_865 = arith.muli %add3A_861, %mul3A_864 : i32
      %add3A_866 = arith.addi %mul3A_863, %mul3A_865 : i32
      %dma_start3A_867 = tpu.memref_slice %arg3[%add3A_866] : memref<320000xi32, #tpu.memory_space<hbm>> -> memref<80xi32, #tpu.memory_space<hbm>>
      %dma_start3A_868 = tpu.memref_slice %arg3[%add3A_866] : memref<320000xi32, #tpu.memory_space<hbm>> -> memref<80xi32, #tpu.memory_space<hbm>>
      tpu.enqueue_dma source(%dma_start3A_868 : memref<80xi32, #tpu.memory_space<hbm>>) target(%arg8 : memref<80xi32, #tpu.memory_space<vmem>>) target_semaphore(%arg29 : memref<!tpu.dma_semaphore, #tpu.memory_space<semaphore_mem>>)
      %dma_start3A_869 = tpu.memref_slice %arg4[%add3A_866] : memref<320000xi32, #tpu.memory_space<hbm>> -> memref<80xi32, #tpu.memory_space<hbm>>
      %dma_start3A_870 = tpu.memref_slice %arg4[%add3A_866] : memref<320000xi32, #tpu.memory_space<hbm>> -> memref<80xi32, #tpu.memory_space<hbm>>
      tpu.enqueue_dma source(%dma_start3A_870 : memref<80xi32, #tpu.memory_space<hbm>>) target(%arg16 : memref<80xi32, #tpu.memory_space<vmem>>) target_semaphore(%arg29 : memref<!tpu.dma_semaphore, #tpu.memory_space<semaphore_mem>>)
      %dma_wait3A_871 = arith.constant 0 : i32
      %dma_wait3A_872 = tpu.memref_slice %arg3[%dma_wait3A_871] : memref<320000xi32, #tpu.memory_space<hbm>> -> memref<80xi32, #tpu.memory_space<hbm>>
      %dma_wait3A_873 = arith.constant 0 : i32
      %dma_wait3A_874 = tpu.memref_slice %arg3[%dma_wait3A_873] : memref<320000xi32, #tpu.memory_space<hbm>> -> memref<80xi32, #tpu.memory_space<hbm>>
      tpu.wait_dma2 semaphore(%arg34 : memref<!tpu.dma_semaphore, #tpu.memory_space<semaphore_mem>>) src(%dma_wait3A_874 : memref<80xi32, #tpu.memory_space<hbm>>) dst(%arg13 : memref<80xi32, #tpu.memory_space<vmem>>)
      %dma_wait3A_875 = arith.constant 0 : i32
      %dma_wait3A_876 = tpu.memref_slice %arg3[%dma_wait3A_875] : memref<320000xi32, #tpu.memory_space<hbm>> -> memref<80xi32, #tpu.memory_space<hbm>>
      %dma_wait3A_877 = arith.constant 0 : i32
      %dma_wait3A_878 = tpu.memref_slice %arg3[%dma_wait3A_877] : memref<320000xi32, #tpu.memory_space<hbm>> -> memref<80xi32, #tpu.memory_space<hbm>>
      tpu.wait_dma2 semaphore(%arg34 : memref<!tpu.dma_semaphore, #tpu.memory_space<semaphore_mem>>) src(%dma_wait3A_878 : memref<80xi32, #tpu.memory_space<hbm>>) dst(%arg21 : memref<80xi32, #tpu.memory_space<vmem>>)
      %dma_start3A_879 = arith.constant 0 : i32
      %dma_start3A_880 = arith.constant 0 : i32
      %dma_start3A_881 = tpu.memref_slice %arg2[%dma_start3A_879, %dma_start3A_880] : memref<10000x128xf32, #tpu.memory_space<hbm>> -> memref<10000x128xf32, #tpu.memory_space<hbm>>
      tpu.enqueue_indirect_dma source(%dma_start3A_881 : memref<10000x128xf32, #tpu.memory_space<hbm>>) target(%arg25 : memref<80x128xf32, #tpu.memory_space<vmem>>) offsets(%arg13 : memref<80xi32, #tpu.memory_space<vmem>>) semaphore(%arg38 : memref<!tpu.dma_semaphore, #tpu.memory_space<semaphore_mem>>)
      %add3A_882 = arith.constant 4 : i32
      %add3A_883 = arith.addi %add3A_725, %add3A_882 : i32
      %dma_wait3A_884 = arith.constant 0 : i32
      %dma_wait3A_885 = arith.constant 0 : i32
      %dma_wait3A_886 = tpu.memref_slice %arg2[%dma_wait3A_884, %dma_wait3A_885] : memref<10000x128xf32, #tpu.memory_space<hbm>> -> memref<80x128xf32, #tpu.memory_space<hbm>>
      %dma_wait3A_887 = arith.constant 0 : i32
      %dma_wait3A_888 = arith.constant 0 : i32
      %dma_wait3A_889 = tpu.memref_slice %arg2[%dma_wait3A_887, %dma_wait3A_888] : memref<10000x128xf32, #tpu.memory_space<hbm>> -> memref<80x128xf32, #tpu.memory_space<hbm>>
      tpu.wait_dma2 semaphore(%arg36 : memref<!tpu.dma_semaphore, #tpu.memory_space<semaphore_mem>>) src(%dma_wait3A_889 : memref<80x128xf32, #tpu.memory_space<hbm>>) dst(%arg23 : memref<80x128xf32, #tpu.memory_space<vmem>>)
      %dma_wait3A_890 = arith.constant 0 : i32
      %dma_wait3A_891 = arith.constant 0 : i32
      %dma_wait3A_892 = tpu.memref_slice %arg27[%dma_wait3A_890, %dma_wait3A_891] : memref<10240x128xf32, #tpu.memory_space<vmem_shared>> -> memref<80x128xf32, #tpu.memory_space<vmem_shared>>
      %dma_wait3A_893 = arith.constant 0 : i32
      %dma_wait3A_894 = arith.constant 0 : i32
      %dma_wait3A_895 = tpu.memref_slice %arg27[%dma_wait3A_893, %dma_wait3A_894] : memref<10240x128xf32, #tpu.memory_space<vmem_shared>> -> memref<80x128xf32, #tpu.memory_space<vmem_shared>>
      tpu.wait_dma2 semaphore(%arg40 : memref<!tpu.dma_semaphore, #tpu.memory_space<semaphore_mem>>) src(%arg26 : memref<80x128xf32, #tpu.memory_space<vmem>>) dst(%dma_wait3A_895 : memref<80x128xf32, #tpu.memory_space<vmem_shared>>)
      %dma_start3A_896 = arith.constant 0 : i32
      %dma_start3A_897 = arith.constant 0 : i32
      %dma_start3A_898 = tpu.memref_slice %arg27[%dma_start3A_896, %dma_start3A_897] : memref<10240x128xf32, #tpu.memory_space<vmem_shared>> -> memref<10240x128xf32, #tpu.memory_space<vmem_shared>>
      tpu.enqueue_indirect_dma source(%arg23 : memref<80x128xf32, #tpu.memory_space<vmem>>) target(%dma_start3A_898 : memref<10240x128xf32, #tpu.memory_space<vmem_shared>>) offsets(%arg19 : memref<80xi32, #tpu.memory_space<vmem>>) semaphore(%arg40 : memref<!tpu.dma_semaphore, #tpu.memory_space<semaphore_mem>>) {add = true}
      %add3A_899 = arith.constant 6 : i32
      %add3A_900 = arith.addi %add3A_883, %add3A_899 : i32
      %mul3A_901 = arith.constant 10000 : i32
      %mul3A_902 = arith.muli %add3A, %mul3A_901 : i32
      %mul3A_903 = arith.constant 80 : i32
      %mul3A_904 = arith.muli %add3A_900, %mul3A_903 : i32
      %add3A_905 = arith.addi %mul3A_902, %mul3A_904 : i32
      %dma_start3A_906 = tpu.memref_slice %arg3[%add3A_905] : memref<320000xi32, #tpu.memory_space<hbm>> -> memref<80xi32, #tpu.memory_space<hbm>>
      %dma_start3A_907 = tpu.memref_slice %arg3[%add3A_905] : memref<320000xi32, #tpu.memory_space<hbm>> -> memref<80xi32, #tpu.memory_space<hbm>>
      tpu.enqueue_dma source(%dma_start3A_907 : memref<80xi32, #tpu.memory_space<hbm>>) target(%arg9 : memref<80xi32, #tpu.memory_space<vmem>>) target_semaphore(%arg30 : memref<!tpu.dma_semaphore, #tpu.memory_space<semaphore_mem>>)
      %dma_start3A_908 = tpu.memref_slice %arg4[%add3A_905] : memref<320000xi32, #tpu.memory_space<hbm>> -> memref<80xi32, #tpu.memory_space<hbm>>
      %dma_start3A_909 = tpu.memref_slice %arg4[%add3A_905] : memref<320000xi32, #tpu.memory_space<hbm>> -> memref<80xi32, #tpu.memory_space<hbm>>
      tpu.enqueue_dma source(%dma_start3A_909 : memref<80xi32, #tpu.memory_space<hbm>>) target(%arg17 : memref<80xi32, #tpu.memory_space<vmem>>) target_semaphore(%arg30 : memref<!tpu.dma_semaphore, #tpu.memory_space<semaphore_mem>>)
      %dma_wait3A_910 = arith.constant 0 : i32
      %dma_wait3A_911 = tpu.memref_slice %arg3[%dma_wait3A_910] : memref<320000xi32, #tpu.memory_space<hbm>> -> memref<80xi32, #tpu.memory_space<hbm>>
      %dma_wait3A_912 = arith.constant 0 : i32
      %dma_wait3A_913 = tpu.memref_slice %arg3[%dma_wait3A_912] : memref<320000xi32, #tpu.memory_space<hbm>> -> memref<80xi32, #tpu.memory_space<hbm>>
      tpu.wait_dma2 semaphore(%arg35 : memref<!tpu.dma_semaphore, #tpu.memory_space<semaphore_mem>>) src(%dma_wait3A_913 : memref<80xi32, #tpu.memory_space<hbm>>) dst(%arg14 : memref<80xi32, #tpu.memory_space<vmem>>)
      %dma_wait3A_914 = arith.constant 0 : i32
      %dma_wait3A_915 = tpu.memref_slice %arg3[%dma_wait3A_914] : memref<320000xi32, #tpu.memory_space<hbm>> -> memref<80xi32, #tpu.memory_space<hbm>>
      %dma_wait3A_916 = arith.constant 0 : i32
      %dma_wait3A_917 = tpu.memref_slice %arg3[%dma_wait3A_916] : memref<320000xi32, #tpu.memory_space<hbm>> -> memref<80xi32, #tpu.memory_space<hbm>>
      tpu.wait_dma2 semaphore(%arg35 : memref<!tpu.dma_semaphore, #tpu.memory_space<semaphore_mem>>) src(%dma_wait3A_917 : memref<80xi32, #tpu.memory_space<hbm>>) dst(%arg22 : memref<80xi32, #tpu.memory_space<vmem>>)
      %dma_start3A_918 = arith.constant 0 : i32
      %dma_start3A_919 = arith.constant 0 : i32
      %dma_start3A_920 = tpu.memref_slice %arg2[%dma_start3A_918, %dma_start3A_919] : memref<10000x128xf32, #tpu.memory_space<hbm>> -> memref<10000x128xf32, #tpu.memory_space<hbm>>
      tpu.enqueue_indirect_dma source(%dma_start3A_920 : memref<10000x128xf32, #tpu.memory_space<hbm>>) target(%arg26 : memref<80x128xf32, #tpu.memory_space<vmem>>) offsets(%arg14 : memref<80xi32, #tpu.memory_space<vmem>>) semaphore(%arg39 : memref<!tpu.dma_semaphore, #tpu.memory_space<semaphore_mem>>)
      %add3A_921 = arith.constant 5 : i32
      %add3A_922 = arith.addi %add3A_725, %add3A_921 : i32
      %dma_wait3A_923 = arith.constant 0 : i32
      %dma_wait3A_924 = arith.constant 0 : i32
      %dma_wait3A_925 = tpu.memref_slice %arg2[%dma_wait3A_923, %dma_wait3A_924] : memref<10000x128xf32, #tpu.memory_space<hbm>> -> memref<80x128xf32, #tpu.memory_space<hbm>>
      %dma_wait3A_926 = arith.constant 0 : i32
      %dma_wait3A_927 = arith.constant 0 : i32
      %dma_wait3A_928 = tpu.memref_slice %arg2[%dma_wait3A_926, %dma_wait3A_927] : memref<10000x128xf32, #tpu.memory_space<hbm>> -> memref<80x128xf32, #tpu.memory_space<hbm>>
      tpu.wait_dma2 semaphore(%arg37 : memref<!tpu.dma_semaphore, #tpu.memory_space<semaphore_mem>>) src(%dma_wait3A_928 : memref<80x128xf32, #tpu.memory_space<hbm>>) dst(%arg24 : memref<80x128xf32, #tpu.memory_space<vmem>>)
      %dma_wait3A_929 = arith.constant 0 : i32
      %dma_wait3A_930 = arith.constant 0 : i32
      %dma_wait3A_931 = tpu.memref_slice %arg27[%dma_wait3A_929, %dma_wait3A_930] : memref<10240x128xf32, #tpu.memory_space<vmem_shared>> -> memref<80x128xf32, #tpu.memory_space<vmem_shared>>
      %dma_wait3A_932 = arith.constant 0 : i32
      %dma_wait3A_933 = arith.constant 0 : i32
      %dma_wait3A_934 = tpu.memref_slice %arg27[%dma_wait3A_932, %dma_wait3A_933] : memref<10240x128xf32, #tpu.memory_space<vmem_shared>> -> memref<80x128xf32, #tpu.memory_space<vmem_shared>>
      tpu.wait_dma2 semaphore(%arg40 : memref<!tpu.dma_semaphore, #tpu.memory_space<semaphore_mem>>) src(%arg23 : memref<80x128xf32, #tpu.memory_space<vmem>>) dst(%dma_wait3A_934 : memref<80x128xf32, #tpu.memory_space<vmem_shared>>)
      %dma_start3A_935 = arith.constant 0 : i32
      %dma_start3A_936 = arith.constant 0 : i32
      %dma_start3A_937 = tpu.memref_slice %arg27[%dma_start3A_935, %dma_start3A_936] : memref<10240x128xf32, #tpu.memory_space<vmem_shared>> -> memref<10240x128xf32, #tpu.memory_space<vmem_shared>>
      tpu.enqueue_indirect_dma source(%arg24 : memref<80x128xf32, #tpu.memory_space<vmem>>) target(%dma_start3A_937 : memref<10240x128xf32, #tpu.memory_space<vmem_shared>>) offsets(%arg20 : memref<80xi32, #tpu.memory_space<vmem>>) semaphore(%arg40 : memref<!tpu.dma_semaphore, #tpu.memory_space<semaphore_mem>>) {add = true}
      %add3A_938 = arith.constant 6 : i32
      %add3A_939 = arith.addi %add3A_922, %add3A_938 : i32
      %mul3A_940 = arith.constant 10000 : i32
      %mul3A_941 = arith.muli %add3A, %mul3A_940 : i32
      %mul3A_942 = arith.constant 80 : i32
      %mul3A_943 = arith.muli %add3A_939, %mul3A_942 : i32
      %add3A_944 = arith.addi %mul3A_941, %mul3A_943 : i32
      %dma_start3A_945 = tpu.memref_slice %arg3[%add3A_944] : memref<320000xi32, #tpu.memory_space<hbm>> -> memref<80xi32, #tpu.memory_space<hbm>>
      %dma_start3A_946 = tpu.memref_slice %arg3[%add3A_944] : memref<320000xi32, #tpu.memory_space<hbm>> -> memref<80xi32, #tpu.memory_space<hbm>>
      tpu.enqueue_dma source(%dma_start3A_946 : memref<80xi32, #tpu.memory_space<hbm>>) target(%arg10 : memref<80xi32, #tpu.memory_space<vmem>>) target_semaphore(%arg31 : memref<!tpu.dma_semaphore, #tpu.memory_space<semaphore_mem>>)
      %dma_start3A_947 = tpu.memref_slice %arg4[%add3A_944] : memref<320000xi32, #tpu.memory_space<hbm>> -> memref<80xi32, #tpu.memory_space<hbm>>
      %dma_start3A_948 = tpu.memref_slice %arg4[%add3A_944] : memref<320000xi32, #tpu.memory_space<hbm>> -> memref<80xi32, #tpu.memory_space<hbm>>
      tpu.enqueue_dma source(%dma_start3A_948 : memref<80xi32, #tpu.memory_space<hbm>>) target(%arg18 : memref<80xi32, #tpu.memory_space<vmem>>) target_semaphore(%arg31 : memref<!tpu.dma_semaphore, #tpu.memory_space<semaphore_mem>>)
      %dma_wait3A_949 = arith.constant 0 : i32
      %dma_wait3A_950 = tpu.memref_slice %arg3[%dma_wait3A_949] : memref<320000xi32, #tpu.memory_space<hbm>> -> memref<80xi32, #tpu.memory_space<hbm>>
      %dma_wait3A_951 = arith.constant 0 : i32
      %dma_wait3A_952 = tpu.memref_slice %arg3[%dma_wait3A_951] : memref<320000xi32, #tpu.memory_space<hbm>> -> memref<80xi32, #tpu.memory_space<hbm>>
      tpu.wait_dma2 semaphore(%arg28 : memref<!tpu.dma_semaphore, #tpu.memory_space<semaphore_mem>>) src(%dma_wait3A_952 : memref<80xi32, #tpu.memory_space<hbm>>) dst(%arg7 : memref<80xi32, #tpu.memory_space<vmem>>)
      %dma_wait3A_953 = arith.constant 0 : i32
      %dma_wait3A_954 = tpu.memref_slice %arg3[%dma_wait3A_953] : memref<320000xi32, #tpu.memory_space<hbm>> -> memref<80xi32, #tpu.memory_space<hbm>>
      %dma_wait3A_955 = arith.constant 0 : i32
      %dma_wait3A_956 = tpu.memref_slice %arg3[%dma_wait3A_955] : memref<320000xi32, #tpu.memory_space<hbm>> -> memref<80xi32, #tpu.memory_space<hbm>>
      tpu.wait_dma2 semaphore(%arg28 : memref<!tpu.dma_semaphore, #tpu.memory_space<semaphore_mem>>) src(%dma_wait3A_956 : memref<80xi32, #tpu.memory_space<hbm>>) dst(%arg15 : memref<80xi32, #tpu.memory_space<vmem>>)
      %dma_start3A_957 = arith.constant 0 : i32
      %dma_start3A_958 = arith.constant 0 : i32
      %dma_start3A_959 = tpu.memref_slice %arg2[%dma_start3A_957, %dma_start3A_958] : memref<10000x128xf32, #tpu.memory_space<hbm>> -> memref<10000x128xf32, #tpu.memory_space<hbm>>
      tpu.enqueue_indirect_dma source(%dma_start3A_959 : memref<10000x128xf32, #tpu.memory_space<hbm>>) target(%arg23 : memref<80x128xf32, #tpu.memory_space<vmem>>) offsets(%arg7 : memref<80xi32, #tpu.memory_space<vmem>>) semaphore(%arg36 : memref<!tpu.dma_semaphore, #tpu.memory_space<semaphore_mem>>)
      %add3A_960 = arith.constant 6 : i32
      %add3A_961 = arith.addi %add3A_725, %add3A_960 : i32
      %dma_wait3A_962 = arith.constant 0 : i32
      %dma_wait3A_963 = arith.constant 0 : i32
      %dma_wait3A_964 = tpu.memref_slice %arg2[%dma_wait3A_962, %dma_wait3A_963] : memref<10000x128xf32, #tpu.memory_space<hbm>> -> memref<80x128xf32, #tpu.memory_space<hbm>>
      %dma_wait3A_965 = arith.constant 0 : i32
      %dma_wait3A_966 = arith.constant 0 : i32
      %dma_wait3A_967 = tpu.memref_slice %arg2[%dma_wait3A_965, %dma_wait3A_966] : memref<10000x128xf32, #tpu.memory_space<hbm>> -> memref<80x128xf32, #tpu.memory_space<hbm>>
      tpu.wait_dma2 semaphore(%arg38 : memref<!tpu.dma_semaphore, #tpu.memory_space<semaphore_mem>>) src(%dma_wait3A_967 : memref<80x128xf32, #tpu.memory_space<hbm>>) dst(%arg25 : memref<80x128xf32, #tpu.memory_space<vmem>>)
      %dma_wait3A_968 = arith.constant 0 : i32
      %dma_wait3A_969 = arith.constant 0 : i32
      %dma_wait3A_970 = tpu.memref_slice %arg27[%dma_wait3A_968, %dma_wait3A_969] : memref<10240x128xf32, #tpu.memory_space<vmem_shared>> -> memref<80x128xf32, #tpu.memory_space<vmem_shared>>
      %dma_wait3A_971 = arith.constant 0 : i32
      %dma_wait3A_972 = arith.constant 0 : i32
      %dma_wait3A_973 = tpu.memref_slice %arg27[%dma_wait3A_971, %dma_wait3A_972] : memref<10240x128xf32, #tpu.memory_space<vmem_shared>> -> memref<80x128xf32, #tpu.memory_space<vmem_shared>>
      tpu.wait_dma2 semaphore(%arg40 : memref<!tpu.dma_semaphore, #tpu.memory_space<semaphore_mem>>) src(%arg24 : memref<80x128xf32, #tpu.memory_space<vmem>>) dst(%dma_wait3A_973 : memref<80x128xf32, #tpu.memory_space<vmem_shared>>)
      %dma_start3A_974 = arith.constant 0 : i32
      %dma_start3A_975 = arith.constant 0 : i32
      %dma_start3A_976 = tpu.memref_slice %arg27[%dma_start3A_974, %dma_start3A_975] : memref<10240x128xf32, #tpu.memory_space<vmem_shared>> -> memref<10240x128xf32, #tpu.memory_space<vmem_shared>>
      tpu.enqueue_indirect_dma source(%arg25 : memref<80x128xf32, #tpu.memory_space<vmem>>) target(%dma_start3A_976 : memref<10240x128xf32, #tpu.memory_space<vmem_shared>>) offsets(%arg21 : memref<80xi32, #tpu.memory_space<vmem>>) semaphore(%arg40 : memref<!tpu.dma_semaphore, #tpu.memory_space<semaphore_mem>>) {add = true}
      %add3A_977 = arith.constant 6 : i32
      %add3A_978 = arith.addi %add3A_961, %add3A_977 : i32
      %mul3A_979 = arith.constant 10000 : i32
      %mul3A_980 = arith.muli %add3A, %mul3A_979 : i32
      %mul3A_981 = arith.constant 80 : i32
      %mul3A_982 = arith.muli %add3A_978, %mul3A_981 : i32
      %add3A_983 = arith.addi %mul3A_980, %mul3A_982 : i32
      %dma_start3A_984 = tpu.memref_slice %arg3[%add3A_983] : memref<320000xi32, #tpu.memory_space<hbm>> -> memref<80xi32, #tpu.memory_space<hbm>>
      %dma_start3A_985 = tpu.memref_slice %arg3[%add3A_983] : memref<320000xi32, #tpu.memory_space<hbm>> -> memref<80xi32, #tpu.memory_space<hbm>>
      tpu.enqueue_dma source(%dma_start3A_985 : memref<80xi32, #tpu.memory_space<hbm>>) target(%arg11 : memref<80xi32, #tpu.memory_space<vmem>>) target_semaphore(%arg32 : memref<!tpu.dma_semaphore, #tpu.memory_space<semaphore_mem>>)
      %dma_start3A_986 = tpu.memref_slice %arg4[%add3A_983] : memref<320000xi32, #tpu.memory_space<hbm>> -> memref<80xi32, #tpu.memory_space<hbm>>
      %dma_start3A_987 = tpu.memref_slice %arg4[%add3A_983] : memref<320000xi32, #tpu.memory_space<hbm>> -> memref<80xi32, #tpu.memory_space<hbm>>
      tpu.enqueue_dma source(%dma_start3A_987 : memref<80xi32, #tpu.memory_space<hbm>>) target(%arg19 : memref<80xi32, #tpu.memory_space<vmem>>) target_semaphore(%arg32 : memref<!tpu.dma_semaphore, #tpu.memory_space<semaphore_mem>>)
      %dma_wait3A_988 = arith.constant 0 : i32
      %dma_wait3A_989 = tpu.memref_slice %arg3[%dma_wait3A_988] : memref<320000xi32, #tpu.memory_space<hbm>> -> memref<80xi32, #tpu.memory_space<hbm>>
      %dma_wait3A_990 = arith.constant 0 : i32
      %dma_wait3A_991 = tpu.memref_slice %arg3[%dma_wait3A_990] : memref<320000xi32, #tpu.memory_space<hbm>> -> memref<80xi32, #tpu.memory_space<hbm>>
      tpu.wait_dma2 semaphore(%arg29 : memref<!tpu.dma_semaphore, #tpu.memory_space<semaphore_mem>>) src(%dma_wait3A_991 : memref<80xi32, #tpu.memory_space<hbm>>) dst(%arg8 : memref<80xi32, #tpu.memory_space<vmem>>)
      %dma_wait3A_992 = arith.constant 0 : i32
      %dma_wait3A_993 = tpu.memref_slice %arg3[%dma_wait3A_992] : memref<320000xi32, #tpu.memory_space<hbm>> -> memref<80xi32, #tpu.memory_space<hbm>>
      %dma_wait3A_994 = arith.constant 0 : i32
      %dma_wait3A_995 = tpu.memref_slice %arg3[%dma_wait3A_994] : memref<320000xi32, #tpu.memory_space<hbm>> -> memref<80xi32, #tpu.memory_space<hbm>>
      tpu.wait_dma2 semaphore(%arg29 : memref<!tpu.dma_semaphore, #tpu.memory_space<semaphore_mem>>) src(%dma_wait3A_995 : memref<80xi32, #tpu.memory_space<hbm>>) dst(%arg16 : memref<80xi32, #tpu.memory_space<vmem>>)
      %dma_start3A_996 = arith.constant 0 : i32
      %dma_start3A_997 = arith.constant 0 : i32
      %dma_start3A_998 = tpu.memref_slice %arg2[%dma_start3A_996, %dma_start3A_997] : memref<10000x128xf32, #tpu.memory_space<hbm>> -> memref<10000x128xf32, #tpu.memory_space<hbm>>
      tpu.enqueue_indirect_dma source(%dma_start3A_998 : memref<10000x128xf32, #tpu.memory_space<hbm>>) target(%arg24 : memref<80x128xf32, #tpu.memory_space<vmem>>) offsets(%arg8 : memref<80xi32, #tpu.memory_space<vmem>>) semaphore(%arg37 : memref<!tpu.dma_semaphore, #tpu.memory_space<semaphore_mem>>)
      %add3A_999 = arith.constant 7 : i32
      %add3A_1000 = arith.addi %add3A_725, %add3A_999 : i32
      %dma_wait3A_1001 = arith.constant 0 : i32
      %dma_wait3A_1002 = arith.constant 0 : i32
      %dma_wait3A_1003 = tpu.memref_slice %arg2[%dma_wait3A_1001, %dma_wait3A_1002] : memref<10000x128xf32, #tpu.memory_space<hbm>> -> memref<80x128xf32, #tpu.memory_space<hbm>>
      %dma_wait3A_1004 = arith.constant 0 : i32
      %dma_wait3A_1005 = arith.constant 0 : i32
      %dma_wait3A_1006 = tpu.memref_slice %arg2[%dma_wait3A_1004, %dma_wait3A_1005] : memref<10000x128xf32, #tpu.memory_space<hbm>> -> memref<80x128xf32, #tpu.memory_space<hbm>>
      tpu.wait_dma2 semaphore(%arg39 : memref<!tpu.dma_semaphore, #tpu.memory_space<semaphore_mem>>) src(%dma_wait3A_1006 : memref<80x128xf32, #tpu.memory_space<hbm>>) dst(%arg26 : memref<80x128xf32, #tpu.memory_space<vmem>>)
      %dma_wait3A_1007 = arith.constant 0 : i32
      %dma_wait3A_1008 = arith.constant 0 : i32
      %dma_wait3A_1009 = tpu.memref_slice %arg27[%dma_wait3A_1007, %dma_wait3A_1008] : memref<10240x128xf32, #tpu.memory_space<vmem_shared>> -> memref<80x128xf32, #tpu.memory_space<vmem_shared>>
      %dma_wait3A_1010 = arith.constant 0 : i32
      %dma_wait3A_1011 = arith.constant 0 : i32
      %dma_wait3A_1012 = tpu.memref_slice %arg27[%dma_wait3A_1010, %dma_wait3A_1011] : memref<10240x128xf32, #tpu.memory_space<vmem_shared>> -> memref<80x128xf32, #tpu.memory_space<vmem_shared>>
      tpu.wait_dma2 semaphore(%arg40 : memref<!tpu.dma_semaphore, #tpu.memory_space<semaphore_mem>>) src(%arg25 : memref<80x128xf32, #tpu.memory_space<vmem>>) dst(%dma_wait3A_1012 : memref<80x128xf32, #tpu.memory_space<vmem_shared>>)
      %dma_start3A_1013 = arith.constant 0 : i32
      %dma_start3A_1014 = arith.constant 0 : i32
      %dma_start3A_1015 = tpu.memref_slice %arg27[%dma_start3A_1013, %dma_start3A_1014] : memref<10240x128xf32, #tpu.memory_space<vmem_shared>> -> memref<10240x128xf32, #tpu.memory_space<vmem_shared>>
      tpu.enqueue_indirect_dma source(%arg26 : memref<80x128xf32, #tpu.memory_space<vmem>>) target(%dma_start3A_1015 : memref<10240x128xf32, #tpu.memory_space<vmem_shared>>) offsets(%arg22 : memref<80xi32, #tpu.memory_space<vmem>>) semaphore(%arg40 : memref<!tpu.dma_semaphore, #tpu.memory_space<semaphore_mem>>) {add = true}
      %add3A_1016 = arith.constant 6 : i32
      %add3A_1017 = arith.addi %add3A_1000, %add3A_1016 : i32
      %mul3A_1018 = arith.constant 10000 : i32
      %mul3A_1019 = arith.muli %add3A, %mul3A_1018 : i32
      %mul3A_1020 = arith.constant 80 : i32
      %mul3A_1021 = arith.muli %add3A_1017, %mul3A_1020 : i32
      %add3A_1022 = arith.addi %mul3A_1019, %mul3A_1021 : i32
      %dma_start3A_1023 = tpu.memref_slice %arg3[%add3A_1022] : memref<320000xi32, #tpu.memory_space<hbm>> -> memref<80xi32, #tpu.memory_space<hbm>>
      %dma_start3A_1024 = tpu.memref_slice %arg3[%add3A_1022] : memref<320000xi32, #tpu.memory_space<hbm>> -> memref<80xi32, #tpu.memory_space<hbm>>
      tpu.enqueue_dma source(%dma_start3A_1024 : memref<80xi32, #tpu.memory_space<hbm>>) target(%arg12 : memref<80xi32, #tpu.memory_space<vmem>>) target_semaphore(%arg33 : memref<!tpu.dma_semaphore, #tpu.memory_space<semaphore_mem>>)
      %dma_start3A_1025 = tpu.memref_slice %arg4[%add3A_1022] : memref<320000xi32, #tpu.memory_space<hbm>> -> memref<80xi32, #tpu.memory_space<hbm>>
      %dma_start3A_1026 = tpu.memref_slice %arg4[%add3A_1022] : memref<320000xi32, #tpu.memory_space<hbm>> -> memref<80xi32, #tpu.memory_space<hbm>>
      tpu.enqueue_dma source(%dma_start3A_1026 : memref<80xi32, #tpu.memory_space<hbm>>) target(%arg20 : memref<80xi32, #tpu.memory_space<vmem>>) target_semaphore(%arg33 : memref<!tpu.dma_semaphore, #tpu.memory_space<semaphore_mem>>)
      %dma_wait3A_1027 = arith.constant 0 : i32
      %dma_wait3A_1028 = tpu.memref_slice %arg3[%dma_wait3A_1027] : memref<320000xi32, #tpu.memory_space<hbm>> -> memref<80xi32, #tpu.memory_space<hbm>>
      %dma_wait3A_1029 = arith.constant 0 : i32
      %dma_wait3A_1030 = tpu.memref_slice %arg3[%dma_wait3A_1029] : memref<320000xi32, #tpu.memory_space<hbm>> -> memref<80xi32, #tpu.memory_space<hbm>>
      tpu.wait_dma2 semaphore(%arg30 : memref<!tpu.dma_semaphore, #tpu.memory_space<semaphore_mem>>) src(%dma_wait3A_1030 : memref<80xi32, #tpu.memory_space<hbm>>) dst(%arg9 : memref<80xi32, #tpu.memory_space<vmem>>)
      %dma_wait3A_1031 = arith.constant 0 : i32
      %dma_wait3A_1032 = tpu.memref_slice %arg3[%dma_wait3A_1031] : memref<320000xi32, #tpu.memory_space<hbm>> -> memref<80xi32, #tpu.memory_space<hbm>>
      %dma_wait3A_1033 = arith.constant 0 : i32
      %dma_wait3A_1034 = tpu.memref_slice %arg3[%dma_wait3A_1033] : memref<320000xi32, #tpu.memory_space<hbm>> -> memref<80xi32, #tpu.memory_space<hbm>>
      tpu.wait_dma2 semaphore(%arg30 : memref<!tpu.dma_semaphore, #tpu.memory_space<semaphore_mem>>) src(%dma_wait3A_1034 : memref<80xi32, #tpu.memory_space<hbm>>) dst(%arg17 : memref<80xi32, #tpu.memory_space<vmem>>)
      %dma_start3A_1035 = arith.constant 0 : i32
      %dma_start3A_1036 = arith.constant 0 : i32
      %dma_start3A_1037 = tpu.memref_slice %arg2[%dma_start3A_1035, %dma_start3A_1036] : memref<10000x128xf32, #tpu.memory_space<hbm>> -> memref<10000x128xf32, #tpu.memory_space<hbm>>
      tpu.enqueue_indirect_dma source(%dma_start3A_1037 : memref<10000x128xf32, #tpu.memory_space<hbm>>) target(%arg25 : memref<80x128xf32, #tpu.memory_space<vmem>>) offsets(%arg9 : memref<80xi32, #tpu.memory_space<vmem>>) semaphore(%arg38 : memref<!tpu.dma_semaphore, #tpu.memory_space<semaphore_mem>>)
    }
    %scan3A_352 = arith.constant 13 : i32
    %dma_wait3A_353 = arith.constant 0 : i32
    %dma_wait3A_354 = arith.constant 0 : i32
    %dma_wait3A_355 = tpu.memref_slice %arg2[%dma_wait3A_353, %dma_wait3A_354] : memref<10000x128xf32, #tpu.memory_space<hbm>> -> memref<80x128xf32, #tpu.memory_space<hbm>>
    %dma_wait3A_356 = arith.constant 0 : i32
    %dma_wait3A_357 = arith.constant 0 : i32
    %dma_wait3A_358 = tpu.memref_slice %arg2[%dma_wait3A_356, %dma_wait3A_357] : memref<10000x128xf32, #tpu.memory_space<hbm>> -> memref<80x128xf32, #tpu.memory_space<hbm>>
    tpu.wait_dma2 semaphore(%arg36 : memref<!tpu.dma_semaphore, #tpu.memory_space<semaphore_mem>>) src(%dma_wait3A_358 : memref<80x128xf32, #tpu.memory_space<hbm>>) dst(%arg23 : memref<80x128xf32, #tpu.memory_space<vmem>>)
    %dma_wait3A_359 = arith.constant 0 : i32
    %dma_wait3A_360 = arith.constant 0 : i32
    %dma_wait3A_361 = tpu.memref_slice %arg27[%dma_wait3A_359, %dma_wait3A_360] : memref<10240x128xf32, #tpu.memory_space<vmem_shared>> -> memref<80x128xf32, #tpu.memory_space<vmem_shared>>
    %dma_wait3A_362 = arith.constant 0 : i32
    %dma_wait3A_363 = arith.constant 0 : i32
    %dma_wait3A_364 = tpu.memref_slice %arg27[%dma_wait3A_362, %dma_wait3A_363] : memref<10240x128xf32, #tpu.memory_space<vmem_shared>> -> memref<80x128xf32, #tpu.memory_space<vmem_shared>>
    tpu.wait_dma2 semaphore(%arg40 : memref<!tpu.dma_semaphore, #tpu.memory_space<semaphore_mem>>) src(%arg26 : memref<80x128xf32, #tpu.memory_space<vmem>>) dst(%dma_wait3A_364 : memref<80x128xf32, #tpu.memory_space<vmem_shared>>)
    %dma_start3A_365 = arith.constant 0 : i32
    %dma_start3A_366 = arith.constant 0 : i32
    %dma_start3A_367 = tpu.memref_slice %arg27[%dma_start3A_365, %dma_start3A_366] : memref<10240x128xf32, #tpu.memory_space<vmem_shared>> -> memref<10240x128xf32, #tpu.memory_space<vmem_shared>>
    tpu.enqueue_indirect_dma source(%arg23 : memref<80x128xf32, #tpu.memory_space<vmem>>) target(%dma_start3A_367 : memref<10240x128xf32, #tpu.memory_space<vmem_shared>>) offsets(%arg15 : memref<80xi32, #tpu.memory_space<vmem>>) semaphore(%arg40 : memref<!tpu.dma_semaphore, #tpu.memory_space<semaphore_mem>>) {add = true}
    %mul3A_368 = arith.constant 10000 : i32
    %mul3A_369 = arith.muli %add3A, %mul3A_368 : i32
    %add3A_370 = arith.constant 9440 : i32
    %add3A_371 = arith.addi %mul3A_369, %add3A_370 : i32
    %dma_start3A_372 = tpu.memref_slice %arg3[%add3A_371] : memref<320000xi32, #tpu.memory_space<hbm>> -> memref<80xi32, #tpu.memory_space<hbm>>
    %dma_start3A_373 = tpu.memref_slice %arg3[%add3A_371] : memref<320000xi32, #tpu.memory_space<hbm>> -> memref<80xi32, #tpu.memory_space<hbm>>
    tpu.enqueue_dma source(%dma_start3A_373 : memref<80xi32, #tpu.memory_space<hbm>>) target(%arg13 : memref<80xi32, #tpu.memory_space<vmem>>) target_semaphore(%arg34 : memref<!tpu.dma_semaphore, #tpu.memory_space<semaphore_mem>>)
    %dma_start3A_374 = tpu.memref_slice %arg4[%add3A_371] : memref<320000xi32, #tpu.memory_space<hbm>> -> memref<80xi32, #tpu.memory_space<hbm>>
    %dma_start3A_375 = tpu.memref_slice %arg4[%add3A_371] : memref<320000xi32, #tpu.memory_space<hbm>> -> memref<80xi32, #tpu.memory_space<hbm>>
    tpu.enqueue_dma source(%dma_start3A_375 : memref<80xi32, #tpu.memory_space<hbm>>) target(%arg21 : memref<80xi32, #tpu.memory_space<vmem>>) target_semaphore(%arg34 : memref<!tpu.dma_semaphore, #tpu.memory_space<semaphore_mem>>)
    %dma_wait3A_376 = arith.constant 0 : i32
    %dma_wait3A_377 = tpu.memref_slice %arg3[%dma_wait3A_376] : memref<320000xi32, #tpu.memory_space<hbm>> -> memref<80xi32, #tpu.memory_space<hbm>>
    %dma_wait3A_378 = arith.constant 0 : i32
    %dma_wait3A_379 = tpu.memref_slice %arg3[%dma_wait3A_378] : memref<320000xi32, #tpu.memory_space<hbm>> -> memref<80xi32, #tpu.memory_space<hbm>>
    tpu.wait_dma2 semaphore(%arg31 : memref<!tpu.dma_semaphore, #tpu.memory_space<semaphore_mem>>) src(%dma_wait3A_379 : memref<80xi32, #tpu.memory_space<hbm>>) dst(%arg10 : memref<80xi32, #tpu.memory_space<vmem>>)
    %dma_wait3A_380 = arith.constant 0 : i32
    %dma_wait3A_381 = tpu.memref_slice %arg3[%dma_wait3A_380] : memref<320000xi32, #tpu.memory_space<hbm>> -> memref<80xi32, #tpu.memory_space<hbm>>
    %dma_wait3A_382 = arith.constant 0 : i32
    %dma_wait3A_383 = tpu.memref_slice %arg3[%dma_wait3A_382] : memref<320000xi32, #tpu.memory_space<hbm>> -> memref<80xi32, #tpu.memory_space<hbm>>
    tpu.wait_dma2 semaphore(%arg31 : memref<!tpu.dma_semaphore, #tpu.memory_space<semaphore_mem>>) src(%dma_wait3A_383 : memref<80xi32, #tpu.memory_space<hbm>>) dst(%arg18 : memref<80xi32, #tpu.memory_space<vmem>>)
    %dma_start3A_384 = arith.constant 0 : i32
    %dma_start3A_385 = arith.constant 0 : i32
    %dma_start3A_386 = tpu.memref_slice %arg2[%dma_start3A_384, %dma_start3A_385] : memref<10000x128xf32, #tpu.memory_space<hbm>> -> memref<10000x128xf32, #tpu.memory_space<hbm>>
    tpu.enqueue_indirect_dma source(%dma_start3A_386 : memref<10000x128xf32, #tpu.memory_space<hbm>>) target(%arg26 : memref<80x128xf32, #tpu.memory_space<vmem>>) offsets(%arg10 : memref<80xi32, #tpu.memory_space<vmem>>) semaphore(%arg39 : memref<!tpu.dma_semaphore, #tpu.memory_space<semaphore_mem>>)
    %dma_wait3A_387 = arith.constant 0 : i32
    %dma_wait3A_388 = arith.constant 0 : i32
    %dma_wait3A_389 = tpu.memref_slice %arg2[%dma_wait3A_387, %dma_wait3A_388] : memref<10000x128xf32, #tpu.memory_space<hbm>> -> memref<80x128xf32, #tpu.memory_space<hbm>>
    %dma_wait3A_390 = arith.constant 0 : i32
    %dma_wait3A_391 = arith.constant 0 : i32
    %dma_wait3A_392 = tpu.memref_slice %arg2[%dma_wait3A_390, %dma_wait3A_391] : memref<10000x128xf32, #tpu.memory_space<hbm>> -> memref<80x128xf32, #tpu.memory_space<hbm>>
    tpu.wait_dma2 semaphore(%arg37 : memref<!tpu.dma_semaphore, #tpu.memory_space<semaphore_mem>>) src(%dma_wait3A_392 : memref<80x128xf32, #tpu.memory_space<hbm>>) dst(%arg24 : memref<80x128xf32, #tpu.memory_space<vmem>>)
    %dma_wait3A_393 = arith.constant 0 : i32
    %dma_wait3A_394 = arith.constant 0 : i32
    %dma_wait3A_395 = tpu.memref_slice %arg27[%dma_wait3A_393, %dma_wait3A_394] : memref<10240x128xf32, #tpu.memory_space<vmem_shared>> -> memref<80x128xf32, #tpu.memory_space<vmem_shared>>
    %dma_wait3A_396 = arith.constant 0 : i32
    %dma_wait3A_397 = arith.constant 0 : i32
    %dma_wait3A_398 = tpu.memref_slice %arg27[%dma_wait3A_396, %dma_wait3A_397] : memref<10240x128xf32, #tpu.memory_space<vmem_shared>> -> memref<80x128xf32, #tpu.memory_space<vmem_shared>>
    tpu.wait_dma2 semaphore(%arg40 : memref<!tpu.dma_semaphore, #tpu.memory_space<semaphore_mem>>) src(%arg23 : memref<80x128xf32, #tpu.memory_space<vmem>>) dst(%dma_wait3A_398 : memref<80x128xf32, #tpu.memory_space<vmem_shared>>)
    %dma_start3A_399 = arith.constant 0 : i32
    %dma_start3A_400 = arith.constant 0 : i32
    %dma_start3A_401 = tpu.memref_slice %arg27[%dma_start3A_399, %dma_start3A_400] : memref<10240x128xf32, #tpu.memory_space<vmem_shared>> -> memref<10240x128xf32, #tpu.memory_space<vmem_shared>>
    tpu.enqueue_indirect_dma source(%arg24 : memref<80x128xf32, #tpu.memory_space<vmem>>) target(%dma_start3A_401 : memref<10240x128xf32, #tpu.memory_space<vmem_shared>>) offsets(%arg16 : memref<80xi32, #tpu.memory_space<vmem>>) semaphore(%arg40 : memref<!tpu.dma_semaphore, #tpu.memory_space<semaphore_mem>>) {add = true}
    %mul3A_402 = arith.constant 10000 : i32
    %mul3A_403 = arith.muli %add3A, %mul3A_402 : i32
    %add3A_404 = arith.constant 9520 : i32
    %add3A_405 = arith.addi %mul3A_403, %add3A_404 : i32
    %dma_start3A_406 = tpu.memref_slice %arg3[%add3A_405] : memref<320000xi32, #tpu.memory_space<hbm>> -> memref<80xi32, #tpu.memory_space<hbm>>
    %dma_start3A_407 = tpu.memref_slice %arg3[%add3A_405] : memref<320000xi32, #tpu.memory_space<hbm>> -> memref<80xi32, #tpu.memory_space<hbm>>
    tpu.enqueue_dma source(%dma_start3A_407 : memref<80xi32, #tpu.memory_space<hbm>>) target(%arg14 : memref<80xi32, #tpu.memory_space<vmem>>) target_semaphore(%arg35 : memref<!tpu.dma_semaphore, #tpu.memory_space<semaphore_mem>>)
    %dma_start3A_408 = tpu.memref_slice %arg4[%add3A_405] : memref<320000xi32, #tpu.memory_space<hbm>> -> memref<80xi32, #tpu.memory_space<hbm>>
    %dma_start3A_409 = tpu.memref_slice %arg4[%add3A_405] : memref<320000xi32, #tpu.memory_space<hbm>> -> memref<80xi32, #tpu.memory_space<hbm>>
    tpu.enqueue_dma source(%dma_start3A_409 : memref<80xi32, #tpu.memory_space<hbm>>) target(%arg22 : memref<80xi32, #tpu.memory_space<vmem>>) target_semaphore(%arg35 : memref<!tpu.dma_semaphore, #tpu.memory_space<semaphore_mem>>)
    %dma_wait3A_410 = arith.constant 0 : i32
    %dma_wait3A_411 = tpu.memref_slice %arg3[%dma_wait3A_410] : memref<320000xi32, #tpu.memory_space<hbm>> -> memref<80xi32, #tpu.memory_space<hbm>>
    %dma_wait3A_412 = arith.constant 0 : i32
    %dma_wait3A_413 = tpu.memref_slice %arg3[%dma_wait3A_412] : memref<320000xi32, #tpu.memory_space<hbm>> -> memref<80xi32, #tpu.memory_space<hbm>>
    tpu.wait_dma2 semaphore(%arg32 : memref<!tpu.dma_semaphore, #tpu.memory_space<semaphore_mem>>) src(%dma_wait3A_413 : memref<80xi32, #tpu.memory_space<hbm>>) dst(%arg11 : memref<80xi32, #tpu.memory_space<vmem>>)
    %dma_wait3A_414 = arith.constant 0 : i32
    %dma_wait3A_415 = tpu.memref_slice %arg3[%dma_wait3A_414] : memref<320000xi32, #tpu.memory_space<hbm>> -> memref<80xi32, #tpu.memory_space<hbm>>
    %dma_wait3A_416 = arith.constant 0 : i32
    %dma_wait3A_417 = tpu.memref_slice %arg3[%dma_wait3A_416] : memref<320000xi32, #tpu.memory_space<hbm>> -> memref<80xi32, #tpu.memory_space<hbm>>
    tpu.wait_dma2 semaphore(%arg32 : memref<!tpu.dma_semaphore, #tpu.memory_space<semaphore_mem>>) src(%dma_wait3A_417 : memref<80xi32, #tpu.memory_space<hbm>>) dst(%arg19 : memref<80xi32, #tpu.memory_space<vmem>>)
    %dma_start3A_418 = arith.constant 0 : i32
    %dma_start3A_419 = arith.constant 0 : i32
    %dma_start3A_420 = tpu.memref_slice %arg2[%dma_start3A_418, %dma_start3A_419] : memref<10000x128xf32, #tpu.memory_space<hbm>> -> memref<10000x128xf32, #tpu.memory_space<hbm>>
    tpu.enqueue_indirect_dma source(%dma_start3A_420 : memref<10000x128xf32, #tpu.memory_space<hbm>>) target(%arg23 : memref<80x128xf32, #tpu.memory_space<vmem>>) offsets(%arg11 : memref<80xi32, #tpu.memory_space<vmem>>) semaphore(%arg36 : memref<!tpu.dma_semaphore, #tpu.memory_space<semaphore_mem>>)
    %dma_wait3A_421 = arith.constant 0 : i32
    %dma_wait3A_422 = arith.constant 0 : i32
    %dma_wait3A_423 = tpu.memref_slice %arg2[%dma_wait3A_421, %dma_wait3A_422] : memref<10000x128xf32, #tpu.memory_space<hbm>> -> memref<80x128xf32, #tpu.memory_space<hbm>>
    %dma_wait3A_424 = arith.constant 0 : i32
    %dma_wait3A_425 = arith.constant 0 : i32
    %dma_wait3A_426 = tpu.memref_slice %arg2[%dma_wait3A_424, %dma_wait3A_425] : memref<10000x128xf32, #tpu.memory_space<hbm>> -> memref<80x128xf32, #tpu.memory_space<hbm>>
    tpu.wait_dma2 semaphore(%arg38 : memref<!tpu.dma_semaphore, #tpu.memory_space<semaphore_mem>>) src(%dma_wait3A_426 : memref<80x128xf32, #tpu.memory_space<hbm>>) dst(%arg25 : memref<80x128xf32, #tpu.memory_space<vmem>>)
    %dma_wait3A_427 = arith.constant 0 : i32
    %dma_wait3A_428 = arith.constant 0 : i32
    %dma_wait3A_429 = tpu.memref_slice %arg27[%dma_wait3A_427, %dma_wait3A_428] : memref<10240x128xf32, #tpu.memory_space<vmem_shared>> -> memref<80x128xf32, #tpu.memory_space<vmem_shared>>
    %dma_wait3A_430 = arith.constant 0 : i32
    %dma_wait3A_431 = arith.constant 0 : i32
    %dma_wait3A_432 = tpu.memref_slice %arg27[%dma_wait3A_430, %dma_wait3A_431] : memref<10240x128xf32, #tpu.memory_space<vmem_shared>> -> memref<80x128xf32, #tpu.memory_space<vmem_shared>>
    tpu.wait_dma2 semaphore(%arg40 : memref<!tpu.dma_semaphore, #tpu.memory_space<semaphore_mem>>) src(%arg24 : memref<80x128xf32, #tpu.memory_space<vmem>>) dst(%dma_wait3A_432 : memref<80x128xf32, #tpu.memory_space<vmem_shared>>)
    %dma_start3A_433 = arith.constant 0 : i32
    %dma_start3A_434 = arith.constant 0 : i32
    %dma_start3A_435 = tpu.memref_slice %arg27[%dma_start3A_433, %dma_start3A_434] : memref<10240x128xf32, #tpu.memory_space<vmem_shared>> -> memref<10240x128xf32, #tpu.memory_space<vmem_shared>>
    tpu.enqueue_indirect_dma source(%arg25 : memref<80x128xf32, #tpu.memory_space<vmem>>) target(%dma_start3A_435 : memref<10240x128xf32, #tpu.memory_space<vmem_shared>>) offsets(%arg17 : memref<80xi32, #tpu.memory_space<vmem>>) semaphore(%arg40 : memref<!tpu.dma_semaphore, #tpu.memory_space<semaphore_mem>>) {add = true}
    %mul3A_436 = arith.constant 10000 : i32
    %mul3A_437 = arith.muli %add3A, %mul3A_436 : i32
    %add3A_438 = arith.constant 9600 : i32
    %add3A_439 = arith.addi %mul3A_437, %add3A_438 : i32
    %dma_start3A_440 = tpu.memref_slice %arg3[%add3A_439] : memref<320000xi32, #tpu.memory_space<hbm>> -> memref<80xi32, #tpu.memory_space<hbm>>
    %dma_start3A_441 = tpu.memref_slice %arg3[%add3A_439] : memref<320000xi32, #tpu.memory_space<hbm>> -> memref<80xi32, #tpu.memory_space<hbm>>
    tpu.enqueue_dma source(%dma_start3A_441 : memref<80xi32, #tpu.memory_space<hbm>>) target(%arg7 : memref<80xi32, #tpu.memory_space<vmem>>) target_semaphore(%arg28 : memref<!tpu.dma_semaphore, #tpu.memory_space<semaphore_mem>>)
    %dma_start3A_442 = tpu.memref_slice %arg4[%add3A_439] : memref<320000xi32, #tpu.memory_space<hbm>> -> memref<80xi32, #tpu.memory_space<hbm>>
    %dma_start3A_443 = tpu.memref_slice %arg4[%add3A_439] : memref<320000xi32, #tpu.memory_space<hbm>> -> memref<80xi32, #tpu.memory_space<hbm>>
    tpu.enqueue_dma source(%dma_start3A_443 : memref<80xi32, #tpu.memory_space<hbm>>) target(%arg15 : memref<80xi32, #tpu.memory_space<vmem>>) target_semaphore(%arg28 : memref<!tpu.dma_semaphore, #tpu.memory_space<semaphore_mem>>)
    %dma_wait3A_444 = arith.constant 0 : i32
    %dma_wait3A_445 = tpu.memref_slice %arg3[%dma_wait3A_444] : memref<320000xi32, #tpu.memory_space<hbm>> -> memref<80xi32, #tpu.memory_space<hbm>>
    %dma_wait3A_446 = arith.constant 0 : i32
    %dma_wait3A_447 = tpu.memref_slice %arg3[%dma_wait3A_446] : memref<320000xi32, #tpu.memory_space<hbm>> -> memref<80xi32, #tpu.memory_space<hbm>>
    tpu.wait_dma2 semaphore(%arg33 : memref<!tpu.dma_semaphore, #tpu.memory_space<semaphore_mem>>) src(%dma_wait3A_447 : memref<80xi32, #tpu.memory_space<hbm>>) dst(%arg12 : memref<80xi32, #tpu.memory_space<vmem>>)
    %dma_wait3A_448 = arith.constant 0 : i32
    %dma_wait3A_449 = tpu.memref_slice %arg3[%dma_wait3A_448] : memref<320000xi32, #tpu.memory_space<hbm>> -> memref<80xi32, #tpu.memory_space<hbm>>
    %dma_wait3A_450 = arith.constant 0 : i32
    %dma_wait3A_451 = tpu.memref_slice %arg3[%dma_wait3A_450] : memref<320000xi32, #tpu.memory_space<hbm>> -> memref<80xi32, #tpu.memory_space<hbm>>
    tpu.wait_dma2 semaphore(%arg33 : memref<!tpu.dma_semaphore, #tpu.memory_space<semaphore_mem>>) src(%dma_wait3A_451 : memref<80xi32, #tpu.memory_space<hbm>>) dst(%arg20 : memref<80xi32, #tpu.memory_space<vmem>>)
    %dma_start3A_452 = arith.constant 0 : i32
    %dma_start3A_453 = arith.constant 0 : i32
    %dma_start3A_454 = tpu.memref_slice %arg2[%dma_start3A_452, %dma_start3A_453] : memref<10000x128xf32, #tpu.memory_space<hbm>> -> memref<10000x128xf32, #tpu.memory_space<hbm>>
    tpu.enqueue_indirect_dma source(%dma_start3A_454 : memref<10000x128xf32, #tpu.memory_space<hbm>>) target(%arg24 : memref<80x128xf32, #tpu.memory_space<vmem>>) offsets(%arg12 : memref<80xi32, #tpu.memory_space<vmem>>) semaphore(%arg37 : memref<!tpu.dma_semaphore, #tpu.memory_space<semaphore_mem>>)
    %dma_wait3A_455 = arith.constant 0 : i32
    %dma_wait3A_456 = arith.constant 0 : i32
    %dma_wait3A_457 = tpu.memref_slice %arg2[%dma_wait3A_455, %dma_wait3A_456] : memref<10000x128xf32, #tpu.memory_space<hbm>> -> memref<80x128xf32, #tpu.memory_space<hbm>>
    %dma_wait3A_458 = arith.constant 0 : i32
    %dma_wait3A_459 = arith.constant 0 : i32
    %dma_wait3A_460 = tpu.memref_slice %arg2[%dma_wait3A_458, %dma_wait3A_459] : memref<10000x128xf32, #tpu.memory_space<hbm>> -> memref<80x128xf32, #tpu.memory_space<hbm>>
    tpu.wait_dma2 semaphore(%arg39 : memref<!tpu.dma_semaphore, #tpu.memory_space<semaphore_mem>>) src(%dma_wait3A_460 : memref<80x128xf32, #tpu.memory_space<hbm>>) dst(%arg26 : memref<80x128xf32, #tpu.memory_space<vmem>>)
    %dma_wait3A_461 = arith.constant 0 : i32
    %dma_wait3A_462 = arith.constant 0 : i32
    %dma_wait3A_463 = tpu.memref_slice %arg27[%dma_wait3A_461, %dma_wait3A_462] : memref<10240x128xf32, #tpu.memory_space<vmem_shared>> -> memref<80x128xf32, #tpu.memory_space<vmem_shared>>
    %dma_wait3A_464 = arith.constant 0 : i32
    %dma_wait3A_465 = arith.constant 0 : i32
    %dma_wait3A_466 = tpu.memref_slice %arg27[%dma_wait3A_464, %dma_wait3A_465] : memref<10240x128xf32, #tpu.memory_space<vmem_shared>> -> memref<80x128xf32, #tpu.memory_space<vmem_shared>>
    tpu.wait_dma2 semaphore(%arg40 : memref<!tpu.dma_semaphore, #tpu.memory_space<semaphore_mem>>) src(%arg25 : memref<80x128xf32, #tpu.memory_space<vmem>>) dst(%dma_wait3A_466 : memref<80x128xf32, #tpu.memory_space<vmem_shared>>)
    %dma_start3A_467 = arith.constant 0 : i32
    %dma_start3A_468 = arith.constant 0 : i32
    %dma_start3A_469 = tpu.memref_slice %arg27[%dma_start3A_467, %dma_start3A_468] : memref<10240x128xf32, #tpu.memory_space<vmem_shared>> -> memref<10240x128xf32, #tpu.memory_space<vmem_shared>>
    tpu.enqueue_indirect_dma source(%arg26 : memref<80x128xf32, #tpu.memory_space<vmem>>) target(%dma_start3A_469 : memref<10240x128xf32, #tpu.memory_space<vmem_shared>>) offsets(%arg18 : memref<80xi32, #tpu.memory_space<vmem>>) semaphore(%arg40 : memref<!tpu.dma_semaphore, #tpu.memory_space<semaphore_mem>>) {add = true}
    %mul3A_470 = arith.constant 10000 : i32
    %mul3A_471 = arith.muli %add3A, %mul3A_470 : i32
    %add3A_472 = arith.constant 9680 : i32
    %add3A_473 = arith.addi %mul3A_471, %add3A_472 : i32
    %dma_start3A_474 = tpu.memref_slice %arg3[%add3A_473] : memref<320000xi32, #tpu.memory_space<hbm>> -> memref<80xi32, #tpu.memory_space<hbm>>
    %dma_start3A_475 = tpu.memref_slice %arg3[%add3A_473] : memref<320000xi32, #tpu.memory_space<hbm>> -> memref<80xi32, #tpu.memory_space<hbm>>
    tpu.enqueue_dma source(%dma_start3A_475 : memref<80xi32, #tpu.memory_space<hbm>>) target(%arg8 : memref<80xi32, #tpu.memory_space<vmem>>) target_semaphore(%arg29 : memref<!tpu.dma_semaphore, #tpu.memory_space<semaphore_mem>>)
    %dma_start3A_476 = tpu.memref_slice %arg4[%add3A_473] : memref<320000xi32, #tpu.memory_space<hbm>> -> memref<80xi32, #tpu.memory_space<hbm>>
    %dma_start3A_477 = tpu.memref_slice %arg4[%add3A_473] : memref<320000xi32, #tpu.memory_space<hbm>> -> memref<80xi32, #tpu.memory_space<hbm>>
    tpu.enqueue_dma source(%dma_start3A_477 : memref<80xi32, #tpu.memory_space<hbm>>) target(%arg16 : memref<80xi32, #tpu.memory_space<vmem>>) target_semaphore(%arg29 : memref<!tpu.dma_semaphore, #tpu.memory_space<semaphore_mem>>)
    %dma_wait3A_478 = arith.constant 0 : i32
    %dma_wait3A_479 = tpu.memref_slice %arg3[%dma_wait3A_478] : memref<320000xi32, #tpu.memory_space<hbm>> -> memref<80xi32, #tpu.memory_space<hbm>>
    %dma_wait3A_480 = arith.constant 0 : i32
    %dma_wait3A_481 = tpu.memref_slice %arg3[%dma_wait3A_480] : memref<320000xi32, #tpu.memory_space<hbm>> -> memref<80xi32, #tpu.memory_space<hbm>>
    tpu.wait_dma2 semaphore(%arg34 : memref<!tpu.dma_semaphore, #tpu.memory_space<semaphore_mem>>) src(%dma_wait3A_481 : memref<80xi32, #tpu.memory_space<hbm>>) dst(%arg13 : memref<80xi32, #tpu.memory_space<vmem>>)
    %dma_wait3A_482 = arith.constant 0 : i32
    %dma_wait3A_483 = tpu.memref_slice %arg3[%dma_wait3A_482] : memref<320000xi32, #tpu.memory_space<hbm>> -> memref<80xi32, #tpu.memory_space<hbm>>
    %dma_wait3A_484 = arith.constant 0 : i32
    %dma_wait3A_485 = tpu.memref_slice %arg3[%dma_wait3A_484] : memref<320000xi32, #tpu.memory_space<hbm>> -> memref<80xi32, #tpu.memory_space<hbm>>
    tpu.wait_dma2 semaphore(%arg34 : memref<!tpu.dma_semaphore, #tpu.memory_space<semaphore_mem>>) src(%dma_wait3A_485 : memref<80xi32, #tpu.memory_space<hbm>>) dst(%arg21 : memref<80xi32, #tpu.memory_space<vmem>>)
    %dma_start3A_486 = arith.constant 0 : i32
    %dma_start3A_487 = arith.constant 0 : i32
    %dma_start3A_488 = tpu.memref_slice %arg2[%dma_start3A_486, %dma_start3A_487] : memref<10000x128xf32, #tpu.memory_space<hbm>> -> memref<10000x128xf32, #tpu.memory_space<hbm>>
    tpu.enqueue_indirect_dma source(%dma_start3A_488 : memref<10000x128xf32, #tpu.memory_space<hbm>>) target(%arg25 : memref<80x128xf32, #tpu.memory_space<vmem>>) offsets(%arg13 : memref<80xi32, #tpu.memory_space<vmem>>) semaphore(%arg38 : memref<!tpu.dma_semaphore, #tpu.memory_space<semaphore_mem>>)
    %dma_wait3A_489 = arith.constant 0 : i32
    %dma_wait3A_490 = arith.constant 0 : i32
    %dma_wait3A_491 = tpu.memref_slice %arg2[%dma_wait3A_489, %dma_wait3A_490] : memref<10000x128xf32, #tpu.memory_space<hbm>> -> memref<80x128xf32, #tpu.memory_space<hbm>>
    %dma_wait3A_492 = arith.constant 0 : i32
    %dma_wait3A_493 = arith.constant 0 : i32
    %dma_wait3A_494 = tpu.memref_slice %arg2[%dma_wait3A_492, %dma_wait3A_493] : memref<10000x128xf32, #tpu.memory_space<hbm>> -> memref<80x128xf32, #tpu.memory_space<hbm>>
    tpu.wait_dma2 semaphore(%arg36 : memref<!tpu.dma_semaphore, #tpu.memory_space<semaphore_mem>>) src(%dma_wait3A_494 : memref<80x128xf32, #tpu.memory_space<hbm>>) dst(%arg23 : memref<80x128xf32, #tpu.memory_space<vmem>>)
    %dma_wait3A_495 = arith.constant 0 : i32
    %dma_wait3A_496 = arith.constant 0 : i32
    %dma_wait3A_497 = tpu.memref_slice %arg27[%dma_wait3A_495, %dma_wait3A_496] : memref<10240x128xf32, #tpu.memory_space<vmem_shared>> -> memref<80x128xf32, #tpu.memory_space<vmem_shared>>
    %dma_wait3A_498 = arith.constant 0 : i32
    %dma_wait3A_499 = arith.constant 0 : i32
    %dma_wait3A_500 = tpu.memref_slice %arg27[%dma_wait3A_498, %dma_wait3A_499] : memref<10240x128xf32, #tpu.memory_space<vmem_shared>> -> memref<80x128xf32, #tpu.memory_space<vmem_shared>>
    tpu.wait_dma2 semaphore(%arg40 : memref<!tpu.dma_semaphore, #tpu.memory_space<semaphore_mem>>) src(%arg26 : memref<80x128xf32, #tpu.memory_space<vmem>>) dst(%dma_wait3A_500 : memref<80x128xf32, #tpu.memory_space<vmem_shared>>)
    %dma_start3A_501 = arith.constant 0 : i32
    %dma_start3A_502 = arith.constant 0 : i32
    %dma_start3A_503 = tpu.memref_slice %arg27[%dma_start3A_501, %dma_start3A_502] : memref<10240x128xf32, #tpu.memory_space<vmem_shared>> -> memref<10240x128xf32, #tpu.memory_space<vmem_shared>>
    tpu.enqueue_indirect_dma source(%arg23 : memref<80x128xf32, #tpu.memory_space<vmem>>) target(%dma_start3A_503 : memref<10240x128xf32, #tpu.memory_space<vmem_shared>>) offsets(%arg19 : memref<80xi32, #tpu.memory_space<vmem>>) semaphore(%arg40 : memref<!tpu.dma_semaphore, #tpu.memory_space<semaphore_mem>>) {add = true}
    %mul3A_504 = arith.constant 10000 : i32
    %mul3A_505 = arith.muli %add3A, %mul3A_504 : i32
    %add3A_506 = arith.constant 9760 : i32
    %add3A_507 = arith.addi %mul3A_505, %add3A_506 : i32
    %dma_start3A_508 = tpu.memref_slice %arg3[%add3A_507] : memref<320000xi32, #tpu.memory_space<hbm>> -> memref<80xi32, #tpu.memory_space<hbm>>
    %dma_start3A_509 = tpu.memref_slice %arg3[%add3A_507] : memref<320000xi32, #tpu.memory_space<hbm>> -> memref<80xi32, #tpu.memory_space<hbm>>
    tpu.enqueue_dma source(%dma_start3A_509 : memref<80xi32, #tpu.memory_space<hbm>>) target(%arg9 : memref<80xi32, #tpu.memory_space<vmem>>) target_semaphore(%arg30 : memref<!tpu.dma_semaphore, #tpu.memory_space<semaphore_mem>>)
    %dma_start3A_510 = tpu.memref_slice %arg4[%add3A_507] : memref<320000xi32, #tpu.memory_space<hbm>> -> memref<80xi32, #tpu.memory_space<hbm>>
    %dma_start3A_511 = tpu.memref_slice %arg4[%add3A_507] : memref<320000xi32, #tpu.memory_space<hbm>> -> memref<80xi32, #tpu.memory_space<hbm>>
    tpu.enqueue_dma source(%dma_start3A_511 : memref<80xi32, #tpu.memory_space<hbm>>) target(%arg17 : memref<80xi32, #tpu.memory_space<vmem>>) target_semaphore(%arg30 : memref<!tpu.dma_semaphore, #tpu.memory_space<semaphore_mem>>)
    %dma_wait3A_512 = arith.constant 0 : i32
    %dma_wait3A_513 = tpu.memref_slice %arg3[%dma_wait3A_512] : memref<320000xi32, #tpu.memory_space<hbm>> -> memref<80xi32, #tpu.memory_space<hbm>>
    %dma_wait3A_514 = arith.constant 0 : i32
    %dma_wait3A_515 = tpu.memref_slice %arg3[%dma_wait3A_514] : memref<320000xi32, #tpu.memory_space<hbm>> -> memref<80xi32, #tpu.memory_space<hbm>>
    tpu.wait_dma2 semaphore(%arg35 : memref<!tpu.dma_semaphore, #tpu.memory_space<semaphore_mem>>) src(%dma_wait3A_515 : memref<80xi32, #tpu.memory_space<hbm>>) dst(%arg14 : memref<80xi32, #tpu.memory_space<vmem>>)
    %dma_wait3A_516 = arith.constant 0 : i32
    %dma_wait3A_517 = tpu.memref_slice %arg3[%dma_wait3A_516] : memref<320000xi32, #tpu.memory_space<hbm>> -> memref<80xi32, #tpu.memory_space<hbm>>
    %dma_wait3A_518 = arith.constant 0 : i32
    %dma_wait3A_519 = tpu.memref_slice %arg3[%dma_wait3A_518] : memref<320000xi32, #tpu.memory_space<hbm>> -> memref<80xi32, #tpu.memory_space<hbm>>
    tpu.wait_dma2 semaphore(%arg35 : memref<!tpu.dma_semaphore, #tpu.memory_space<semaphore_mem>>) src(%dma_wait3A_519 : memref<80xi32, #tpu.memory_space<hbm>>) dst(%arg22 : memref<80xi32, #tpu.memory_space<vmem>>)
    %dma_start3A_520 = arith.constant 0 : i32
    %dma_start3A_521 = arith.constant 0 : i32
    %dma_start3A_522 = tpu.memref_slice %arg2[%dma_start3A_520, %dma_start3A_521] : memref<10000x128xf32, #tpu.memory_space<hbm>> -> memref<10000x128xf32, #tpu.memory_space<hbm>>
    tpu.enqueue_indirect_dma source(%dma_start3A_522 : memref<10000x128xf32, #tpu.memory_space<hbm>>) target(%arg26 : memref<80x128xf32, #tpu.memory_space<vmem>>) offsets(%arg14 : memref<80xi32, #tpu.memory_space<vmem>>) semaphore(%arg39 : memref<!tpu.dma_semaphore, #tpu.memory_space<semaphore_mem>>)
    %dma_wait3A_523 = arith.constant 0 : i32
    %dma_wait3A_524 = arith.constant 0 : i32
    %dma_wait3A_525 = tpu.memref_slice %arg2[%dma_wait3A_523, %dma_wait3A_524] : memref<10000x128xf32, #tpu.memory_space<hbm>> -> memref<80x128xf32, #tpu.memory_space<hbm>>
    %dma_wait3A_526 = arith.constant 0 : i32
    %dma_wait3A_527 = arith.constant 0 : i32
    %dma_wait3A_528 = tpu.memref_slice %arg2[%dma_wait3A_526, %dma_wait3A_527] : memref<10000x128xf32, #tpu.memory_space<hbm>> -> memref<80x128xf32, #tpu.memory_space<hbm>>
    tpu.wait_dma2 semaphore(%arg37 : memref<!tpu.dma_semaphore, #tpu.memory_space<semaphore_mem>>) src(%dma_wait3A_528 : memref<80x128xf32, #tpu.memory_space<hbm>>) dst(%arg24 : memref<80x128xf32, #tpu.memory_space<vmem>>)
    %dma_wait3A_529 = arith.constant 0 : i32
    %dma_wait3A_530 = arith.constant 0 : i32
    %dma_wait3A_531 = tpu.memref_slice %arg27[%dma_wait3A_529, %dma_wait3A_530] : memref<10240x128xf32, #tpu.memory_space<vmem_shared>> -> memref<80x128xf32, #tpu.memory_space<vmem_shared>>
    %dma_wait3A_532 = arith.constant 0 : i32
    %dma_wait3A_533 = arith.constant 0 : i32
    %dma_wait3A_534 = tpu.memref_slice %arg27[%dma_wait3A_532, %dma_wait3A_533] : memref<10240x128xf32, #tpu.memory_space<vmem_shared>> -> memref<80x128xf32, #tpu.memory_space<vmem_shared>>
    tpu.wait_dma2 semaphore(%arg40 : memref<!tpu.dma_semaphore, #tpu.memory_space<semaphore_mem>>) src(%arg23 : memref<80x128xf32, #tpu.memory_space<vmem>>) dst(%dma_wait3A_534 : memref<80x128xf32, #tpu.memory_space<vmem_shared>>)
    %dma_start3A_535 = arith.constant 0 : i32
    %dma_start3A_536 = arith.constant 0 : i32
    %dma_start3A_537 = tpu.memref_slice %arg27[%dma_start3A_535, %dma_start3A_536] : memref<10240x128xf32, #tpu.memory_space<vmem_shared>> -> memref<10240x128xf32, #tpu.memory_space<vmem_shared>>
    tpu.enqueue_indirect_dma source(%arg24 : memref<80x128xf32, #tpu.memory_space<vmem>>) target(%dma_start3A_537 : memref<10240x128xf32, #tpu.memory_space<vmem_shared>>) offsets(%arg20 : memref<80xi32, #tpu.memory_space<vmem>>) semaphore(%arg40 : memref<!tpu.dma_semaphore, #tpu.memory_space<semaphore_mem>>) {add = true}
    %mul3A_538 = arith.constant 10000 : i32
    %mul3A_539 = arith.muli %add3A, %mul3A_538 : i32
    %add3A_540 = arith.constant 9840 : i32
    %add3A_541 = arith.addi %mul3A_539, %add3A_540 : i32
    %dma_start3A_542 = tpu.memref_slice %arg3[%add3A_541] : memref<320000xi32, #tpu.memory_space<hbm>> -> memref<80xi32, #tpu.memory_space<hbm>>
    %dma_start3A_543 = tpu.memref_slice %arg3[%add3A_541] : memref<320000xi32, #tpu.memory_space<hbm>> -> memref<80xi32, #tpu.memory_space<hbm>>
    tpu.enqueue_dma source(%dma_start3A_543 : memref<80xi32, #tpu.memory_space<hbm>>) target(%arg10 : memref<80xi32, #tpu.memory_space<vmem>>) target_semaphore(%arg31 : memref<!tpu.dma_semaphore, #tpu.memory_space<semaphore_mem>>)
    %dma_start3A_544 = tpu.memref_slice %arg4[%add3A_541] : memref<320000xi32, #tpu.memory_space<hbm>> -> memref<80xi32, #tpu.memory_space<hbm>>
    %dma_start3A_545 = tpu.memref_slice %arg4[%add3A_541] : memref<320000xi32, #tpu.memory_space<hbm>> -> memref<80xi32, #tpu.memory_space<hbm>>
    tpu.enqueue_dma source(%dma_start3A_545 : memref<80xi32, #tpu.memory_space<hbm>>) target(%arg18 : memref<80xi32, #tpu.memory_space<vmem>>) target_semaphore(%arg31 : memref<!tpu.dma_semaphore, #tpu.memory_space<semaphore_mem>>)
    %dma_wait3A_546 = arith.constant 0 : i32
    %dma_wait3A_547 = tpu.memref_slice %arg3[%dma_wait3A_546] : memref<320000xi32, #tpu.memory_space<hbm>> -> memref<80xi32, #tpu.memory_space<hbm>>
    %dma_wait3A_548 = arith.constant 0 : i32
    %dma_wait3A_549 = tpu.memref_slice %arg3[%dma_wait3A_548] : memref<320000xi32, #tpu.memory_space<hbm>> -> memref<80xi32, #tpu.memory_space<hbm>>
    tpu.wait_dma2 semaphore(%arg28 : memref<!tpu.dma_semaphore, #tpu.memory_space<semaphore_mem>>) src(%dma_wait3A_549 : memref<80xi32, #tpu.memory_space<hbm>>) dst(%arg7 : memref<80xi32, #tpu.memory_space<vmem>>)
    %dma_wait3A_550 = arith.constant 0 : i32
    %dma_wait3A_551 = tpu.memref_slice %arg3[%dma_wait3A_550] : memref<320000xi32, #tpu.memory_space<hbm>> -> memref<80xi32, #tpu.memory_space<hbm>>
    %dma_wait3A_552 = arith.constant 0 : i32
    %dma_wait3A_553 = tpu.memref_slice %arg3[%dma_wait3A_552] : memref<320000xi32, #tpu.memory_space<hbm>> -> memref<80xi32, #tpu.memory_space<hbm>>
    tpu.wait_dma2 semaphore(%arg28 : memref<!tpu.dma_semaphore, #tpu.memory_space<semaphore_mem>>) src(%dma_wait3A_553 : memref<80xi32, #tpu.memory_space<hbm>>) dst(%arg15 : memref<80xi32, #tpu.memory_space<vmem>>)
    %dma_start3A_554 = arith.constant 0 : i32
    %dma_start3A_555 = arith.constant 0 : i32
    %dma_start3A_556 = tpu.memref_slice %arg2[%dma_start3A_554, %dma_start3A_555] : memref<10000x128xf32, #tpu.memory_space<hbm>> -> memref<10000x128xf32, #tpu.memory_space<hbm>>
    tpu.enqueue_indirect_dma source(%dma_start3A_556 : memref<10000x128xf32, #tpu.memory_space<hbm>>) target(%arg23 : memref<80x128xf32, #tpu.memory_space<vmem>>) offsets(%arg7 : memref<80xi32, #tpu.memory_space<vmem>>) semaphore(%arg36 : memref<!tpu.dma_semaphore, #tpu.memory_space<semaphore_mem>>)
    %dma_wait3A_557 = arith.constant 0 : i32
    %dma_wait3A_558 = arith.constant 0 : i32
    %dma_wait3A_559 = tpu.memref_slice %arg2[%dma_wait3A_557, %dma_wait3A_558] : memref<10000x128xf32, #tpu.memory_space<hbm>> -> memref<80x128xf32, #tpu.memory_space<hbm>>
    %dma_wait3A_560 = arith.constant 0 : i32
    %dma_wait3A_561 = arith.constant 0 : i32
    %dma_wait3A_562 = tpu.memref_slice %arg2[%dma_wait3A_560, %dma_wait3A_561] : memref<10000x128xf32, #tpu.memory_space<hbm>> -> memref<80x128xf32, #tpu.memory_space<hbm>>
    tpu.wait_dma2 semaphore(%arg38 : memref<!tpu.dma_semaphore, #tpu.memory_space<semaphore_mem>>) src(%dma_wait3A_562 : memref<80x128xf32, #tpu.memory_space<hbm>>) dst(%arg25 : memref<80x128xf32, #tpu.memory_space<vmem>>)
    %dma_wait3A_563 = arith.constant 0 : i32
    %dma_wait3A_564 = arith.constant 0 : i32
    %dma_wait3A_565 = tpu.memref_slice %arg27[%dma_wait3A_563, %dma_wait3A_564] : memref<10240x128xf32, #tpu.memory_space<vmem_shared>> -> memref<80x128xf32, #tpu.memory_space<vmem_shared>>
    %dma_wait3A_566 = arith.constant 0 : i32
    %dma_wait3A_567 = arith.constant 0 : i32
    %dma_wait3A_568 = tpu.memref_slice %arg27[%dma_wait3A_566, %dma_wait3A_567] : memref<10240x128xf32, #tpu.memory_space<vmem_shared>> -> memref<80x128xf32, #tpu.memory_space<vmem_shared>>
    tpu.wait_dma2 semaphore(%arg40 : memref<!tpu.dma_semaphore, #tpu.memory_space<semaphore_mem>>) src(%arg24 : memref<80x128xf32, #tpu.memory_space<vmem>>) dst(%dma_wait3A_568 : memref<80x128xf32, #tpu.memory_space<vmem_shared>>)
    %dma_start3A_569 = arith.constant 0 : i32
    %dma_start3A_570 = arith.constant 0 : i32
    %dma_start3A_571 = tpu.memref_slice %arg27[%dma_start3A_569, %dma_start3A_570] : memref<10240x128xf32, #tpu.memory_space<vmem_shared>> -> memref<10240x128xf32, #tpu.memory_space<vmem_shared>>
    tpu.enqueue_indirect_dma source(%arg25 : memref<80x128xf32, #tpu.memory_space<vmem>>) target(%dma_start3A_571 : memref<10240x128xf32, #tpu.memory_space<vmem_shared>>) offsets(%arg21 : memref<80xi32, #tpu.memory_space<vmem>>) semaphore(%arg40 : memref<!tpu.dma_semaphore, #tpu.memory_space<semaphore_mem>>) {add = true}
    %mul3A_572 = arith.constant 10000 : i32
    %mul3A_573 = arith.muli %add3A, %mul3A_572 : i32
    %add3A_574 = arith.constant 9920 : i32
    %add3A_575 = arith.addi %mul3A_573, %add3A_574 : i32
    %dma_start3A_576 = tpu.memref_slice %arg3[%add3A_575] : memref<320000xi32, #tpu.memory_space<hbm>> -> memref<80xi32, #tpu.memory_space<hbm>>
    %dma_start3A_577 = tpu.memref_slice %arg3[%add3A_575] : memref<320000xi32, #tpu.memory_space<hbm>> -> memref<80xi32, #tpu.memory_space<hbm>>
    tpu.enqueue_dma source(%dma_start3A_577 : memref<80xi32, #tpu.memory_space<hbm>>) target(%arg11 : memref<80xi32, #tpu.memory_space<vmem>>) target_semaphore(%arg32 : memref<!tpu.dma_semaphore, #tpu.memory_space<semaphore_mem>>)
    %dma_start3A_578 = tpu.memref_slice %arg4[%add3A_575] : memref<320000xi32, #tpu.memory_space<hbm>> -> memref<80xi32, #tpu.memory_space<hbm>>
    %dma_start3A_579 = tpu.memref_slice %arg4[%add3A_575] : memref<320000xi32, #tpu.memory_space<hbm>> -> memref<80xi32, #tpu.memory_space<hbm>>
    tpu.enqueue_dma source(%dma_start3A_579 : memref<80xi32, #tpu.memory_space<hbm>>) target(%arg19 : memref<80xi32, #tpu.memory_space<vmem>>) target_semaphore(%arg32 : memref<!tpu.dma_semaphore, #tpu.memory_space<semaphore_mem>>)
    %dma_wait3A_580 = arith.constant 0 : i32
    %dma_wait3A_581 = tpu.memref_slice %arg3[%dma_wait3A_580] : memref<320000xi32, #tpu.memory_space<hbm>> -> memref<80xi32, #tpu.memory_space<hbm>>
    %dma_wait3A_582 = arith.constant 0 : i32
    %dma_wait3A_583 = tpu.memref_slice %arg3[%dma_wait3A_582] : memref<320000xi32, #tpu.memory_space<hbm>> -> memref<80xi32, #tpu.memory_space<hbm>>
    tpu.wait_dma2 semaphore(%arg29 : memref<!tpu.dma_semaphore, #tpu.memory_space<semaphore_mem>>) src(%dma_wait3A_583 : memref<80xi32, #tpu.memory_space<hbm>>) dst(%arg8 : memref<80xi32, #tpu.memory_space<vmem>>)
    %dma_wait3A_584 = arith.constant 0 : i32
    %dma_wait3A_585 = tpu.memref_slice %arg3[%dma_wait3A_584] : memref<320000xi32, #tpu.memory_space<hbm>> -> memref<80xi32, #tpu.memory_space<hbm>>
    %dma_wait3A_586 = arith.constant 0 : i32
    %dma_wait3A_587 = tpu.memref_slice %arg3[%dma_wait3A_586] : memref<320000xi32, #tpu.memory_space<hbm>> -> memref<80xi32, #tpu.memory_space<hbm>>
    tpu.wait_dma2 semaphore(%arg29 : memref<!tpu.dma_semaphore, #tpu.memory_space<semaphore_mem>>) src(%dma_wait3A_587 : memref<80xi32, #tpu.memory_space<hbm>>) dst(%arg16 : memref<80xi32, #tpu.memory_space<vmem>>)
    %dma_start3A_588 = arith.constant 0 : i32
    %dma_start3A_589 = arith.constant 0 : i32
    %dma_start3A_590 = tpu.memref_slice %arg2[%dma_start3A_588, %dma_start3A_589] : memref<10000x128xf32, #tpu.memory_space<hbm>> -> memref<10000x128xf32, #tpu.memory_space<hbm>>
    tpu.enqueue_indirect_dma source(%dma_start3A_590 : memref<10000x128xf32, #tpu.memory_space<hbm>>) target(%arg24 : memref<80x128xf32, #tpu.memory_space<vmem>>) offsets(%arg8 : memref<80xi32, #tpu.memory_space<vmem>>) semaphore(%arg37 : memref<!tpu.dma_semaphore, #tpu.memory_space<semaphore_mem>>)
    %dma_wait3A_591 = arith.constant 0 : i32
    %dma_wait3A_592 = arith.constant 0 : i32
    %dma_wait3A_593 = tpu.memref_slice %arg2[%dma_wait3A_591, %dma_wait3A_592] : memref<10000x128xf32, #tpu.memory_space<hbm>> -> memref<80x128xf32, #tpu.memory_space<hbm>>
    %dma_wait3A_594 = arith.constant 0 : i32
    %dma_wait3A_595 = arith.constant 0 : i32
    %dma_wait3A_596 = tpu.memref_slice %arg2[%dma_wait3A_594, %dma_wait3A_595] : memref<10000x128xf32, #tpu.memory_space<hbm>> -> memref<80x128xf32, #tpu.memory_space<hbm>>
    tpu.wait_dma2 semaphore(%arg39 : memref<!tpu.dma_semaphore, #tpu.memory_space<semaphore_mem>>) src(%dma_wait3A_596 : memref<80x128xf32, #tpu.memory_space<hbm>>) dst(%arg26 : memref<80x128xf32, #tpu.memory_space<vmem>>)
    %dma_wait3A_597 = arith.constant 0 : i32
    %dma_wait3A_598 = arith.constant 0 : i32
    %dma_wait3A_599 = tpu.memref_slice %arg27[%dma_wait3A_597, %dma_wait3A_598] : memref<10240x128xf32, #tpu.memory_space<vmem_shared>> -> memref<80x128xf32, #tpu.memory_space<vmem_shared>>
    %dma_wait3A_600 = arith.constant 0 : i32
    %dma_wait3A_601 = arith.constant 0 : i32
    %dma_wait3A_602 = tpu.memref_slice %arg27[%dma_wait3A_600, %dma_wait3A_601] : memref<10240x128xf32, #tpu.memory_space<vmem_shared>> -> memref<80x128xf32, #tpu.memory_space<vmem_shared>>
    tpu.wait_dma2 semaphore(%arg40 : memref<!tpu.dma_semaphore, #tpu.memory_space<semaphore_mem>>) src(%arg25 : memref<80x128xf32, #tpu.memory_space<vmem>>) dst(%dma_wait3A_602 : memref<80x128xf32, #tpu.memory_space<vmem_shared>>)
    %dma_start3A_603 = arith.constant 0 : i32
    %dma_start3A_604 = arith.constant 0 : i32
    %dma_start3A_605 = tpu.memref_slice %arg27[%dma_start3A_603, %dma_start3A_604] : memref<10240x128xf32, #tpu.memory_space<vmem_shared>> -> memref<10240x128xf32, #tpu.memory_space<vmem_shared>>
    tpu.enqueue_indirect_dma source(%arg26 : memref<80x128xf32, #tpu.memory_space<vmem>>) target(%dma_start3A_605 : memref<10240x128xf32, #tpu.memory_space<vmem_shared>>) offsets(%arg22 : memref<80xi32, #tpu.memory_space<vmem>>) semaphore(%arg40 : memref<!tpu.dma_semaphore, #tpu.memory_space<semaphore_mem>>) {add = true}
    %dma_wait3A_606 = arith.constant 0 : i32
    %dma_wait3A_607 = tpu.memref_slice %arg3[%dma_wait3A_606] : memref<320000xi32, #tpu.memory_space<hbm>> -> memref<80xi32, #tpu.memory_space<hbm>>
    %dma_wait3A_608 = arith.constant 0 : i32
    %dma_wait3A_609 = tpu.memref_slice %arg3[%dma_wait3A_608] : memref<320000xi32, #tpu.memory_space<hbm>> -> memref<80xi32, #tpu.memory_space<hbm>>
    tpu.wait_dma2 semaphore(%arg30 : memref<!tpu.dma_semaphore, #tpu.memory_space<semaphore_mem>>) src(%dma_wait3A_609 : memref<80xi32, #tpu.memory_space<hbm>>) dst(%arg9 : memref<80xi32, #tpu.memory_space<vmem>>)
    %dma_wait3A_610 = arith.constant 0 : i32
    %dma_wait3A_611 = tpu.memref_slice %arg3[%dma_wait3A_610] : memref<320000xi32, #tpu.memory_space<hbm>> -> memref<80xi32, #tpu.memory_space<hbm>>
    %dma_wait3A_612 = arith.constant 0 : i32
    %dma_wait3A_613 = tpu.memref_slice %arg3[%dma_wait3A_612] : memref<320000xi32, #tpu.memory_space<hbm>> -> memref<80xi32, #tpu.memory_space<hbm>>
    tpu.wait_dma2 semaphore(%arg30 : memref<!tpu.dma_semaphore, #tpu.memory_space<semaphore_mem>>) src(%dma_wait3A_613 : memref<80xi32, #tpu.memory_space<hbm>>) dst(%arg17 : memref<80xi32, #tpu.memory_space<vmem>>)
    %dma_start3A_614 = arith.constant 0 : i32
    %dma_start3A_615 = arith.constant 0 : i32
    %dma_start3A_616 = tpu.memref_slice %arg2[%dma_start3A_614, %dma_start3A_615] : memref<10000x128xf32, #tpu.memory_space<hbm>> -> memref<10000x128xf32, #tpu.memory_space<hbm>>
    tpu.enqueue_indirect_dma source(%dma_start3A_616 : memref<10000x128xf32, #tpu.memory_space<hbm>>) target(%arg25 : memref<80x128xf32, #tpu.memory_space<vmem>>) offsets(%arg9 : memref<80xi32, #tpu.memory_space<vmem>>) semaphore(%arg38 : memref<!tpu.dma_semaphore, #tpu.memory_space<semaphore_mem>>)
    %dma_wait3A_617 = arith.constant 0 : i32
    %dma_wait3A_618 = arith.constant 0 : i32
    %dma_wait3A_619 = tpu.memref_slice %arg2[%dma_wait3A_617, %dma_wait3A_618] : memref<10000x128xf32, #tpu.memory_space<hbm>> -> memref<80x128xf32, #tpu.memory_space<hbm>>
    %dma_wait3A_620 = arith.constant 0 : i32
    %dma_wait3A_621 = arith.constant 0 : i32
    %dma_wait3A_622 = tpu.memref_slice %arg2[%dma_wait3A_620, %dma_wait3A_621] : memref<10000x128xf32, #tpu.memory_space<hbm>> -> memref<80x128xf32, #tpu.memory_space<hbm>>
    tpu.wait_dma2 semaphore(%arg36 : memref<!tpu.dma_semaphore, #tpu.memory_space<semaphore_mem>>) src(%dma_wait3A_622 : memref<80x128xf32, #tpu.memory_space<hbm>>) dst(%arg23 : memref<80x128xf32, #tpu.memory_space<vmem>>)
    %dma_wait3A_623 = arith.constant 0 : i32
    %dma_wait3A_624 = arith.constant 0 : i32
    %dma_wait3A_625 = tpu.memref_slice %arg27[%dma_wait3A_623, %dma_wait3A_624] : memref<10240x128xf32, #tpu.memory_space<vmem_shared>> -> memref<80x128xf32, #tpu.memory_space<vmem_shared>>
    %dma_wait3A_626 = arith.constant 0 : i32
    %dma_wait3A_627 = arith.constant 0 : i32
    %dma_wait3A_628 = tpu.memref_slice %arg27[%dma_wait3A_626, %dma_wait3A_627] : memref<10240x128xf32, #tpu.memory_space<vmem_shared>> -> memref<80x128xf32, #tpu.memory_space<vmem_shared>>
    tpu.wait_dma2 semaphore(%arg40 : memref<!tpu.dma_semaphore, #tpu.memory_space<semaphore_mem>>) src(%arg26 : memref<80x128xf32, #tpu.memory_space<vmem>>) dst(%dma_wait3A_628 : memref<80x128xf32, #tpu.memory_space<vmem_shared>>)
    %dma_start3A_629 = arith.constant 0 : i32
    %dma_start3A_630 = arith.constant 0 : i32
    %dma_start3A_631 = tpu.memref_slice %arg27[%dma_start3A_629, %dma_start3A_630] : memref<10240x128xf32, #tpu.memory_space<vmem_shared>> -> memref<10240x128xf32, #tpu.memory_space<vmem_shared>>
    tpu.enqueue_indirect_dma source(%arg23 : memref<80x128xf32, #tpu.memory_space<vmem>>) target(%dma_start3A_631 : memref<10240x128xf32, #tpu.memory_space<vmem_shared>>) offsets(%arg15 : memref<80xi32, #tpu.memory_space<vmem>>) semaphore(%arg40 : memref<!tpu.dma_semaphore, #tpu.memory_space<semaphore_mem>>) {add = true}
    %dma_wait3A_632 = arith.constant 0 : i32
    %dma_wait3A_633 = tpu.memref_slice %arg3[%dma_wait3A_632] : memref<320000xi32, #tpu.memory_space<hbm>> -> memref<80xi32, #tpu.memory_space<hbm>>
    %dma_wait3A_634 = arith.constant 0 : i32
    %dma_wait3A_635 = tpu.memref_slice %arg3[%dma_wait3A_634] : memref<320000xi32, #tpu.memory_space<hbm>> -> memref<80xi32, #tpu.memory_space<hbm>>
    tpu.wait_dma2 semaphore(%arg31 : memref<!tpu.dma_semaphore, #tpu.memory_space<semaphore_mem>>) src(%dma_wait3A_635 : memref<80xi32, #tpu.memory_space<hbm>>) dst(%arg10 : memref<80xi32, #tpu.memory_space<vmem>>)
    %dma_wait3A_636 = arith.constant 0 : i32
    %dma_wait3A_637 = tpu.memref_slice %arg3[%dma_wait3A_636] : memref<320000xi32, #tpu.memory_space<hbm>> -> memref<80xi32, #tpu.memory_space<hbm>>
    %dma_wait3A_638 = arith.constant 0 : i32
    %dma_wait3A_639 = tpu.memref_slice %arg3[%dma_wait3A_638] : memref<320000xi32, #tpu.memory_space<hbm>> -> memref<80xi32, #tpu.memory_space<hbm>>
    tpu.wait_dma2 semaphore(%arg31 : memref<!tpu.dma_semaphore, #tpu.memory_space<semaphore_mem>>) src(%dma_wait3A_639 : memref<80xi32, #tpu.memory_space<hbm>>) dst(%arg18 : memref<80xi32, #tpu.memory_space<vmem>>)
    %dma_start3A_640 = arith.constant 0 : i32
    %dma_start3A_641 = arith.constant 0 : i32
    %dma_start3A_642 = tpu.memref_slice %arg2[%dma_start3A_640, %dma_start3A_641] : memref<10000x128xf32, #tpu.memory_space<hbm>> -> memref<10000x128xf32, #tpu.memory_space<hbm>>
    tpu.enqueue_indirect_dma source(%dma_start3A_642 : memref<10000x128xf32, #tpu.memory_space<hbm>>) target(%arg26 : memref<80x128xf32, #tpu.memory_space<vmem>>) offsets(%arg10 : memref<80xi32, #tpu.memory_space<vmem>>) semaphore(%arg39 : memref<!tpu.dma_semaphore, #tpu.memory_space<semaphore_mem>>)
    %dma_wait3A_643 = arith.constant 0 : i32
    %dma_wait3A_644 = arith.constant 0 : i32
    %dma_wait3A_645 = tpu.memref_slice %arg2[%dma_wait3A_643, %dma_wait3A_644] : memref<10000x128xf32, #tpu.memory_space<hbm>> -> memref<80x128xf32, #tpu.memory_space<hbm>>
    %dma_wait3A_646 = arith.constant 0 : i32
    %dma_wait3A_647 = arith.constant 0 : i32
    %dma_wait3A_648 = tpu.memref_slice %arg2[%dma_wait3A_646, %dma_wait3A_647] : memref<10000x128xf32, #tpu.memory_space<hbm>> -> memref<80x128xf32, #tpu.memory_space<hbm>>
    tpu.wait_dma2 semaphore(%arg37 : memref<!tpu.dma_semaphore, #tpu.memory_space<semaphore_mem>>) src(%dma_wait3A_648 : memref<80x128xf32, #tpu.memory_space<hbm>>) dst(%arg24 : memref<80x128xf32, #tpu.memory_space<vmem>>)
    %dma_wait3A_649 = arith.constant 0 : i32
    %dma_wait3A_650 = arith.constant 0 : i32
    %dma_wait3A_651 = tpu.memref_slice %arg27[%dma_wait3A_649, %dma_wait3A_650] : memref<10240x128xf32, #tpu.memory_space<vmem_shared>> -> memref<80x128xf32, #tpu.memory_space<vmem_shared>>
    %dma_wait3A_652 = arith.constant 0 : i32
    %dma_wait3A_653 = arith.constant 0 : i32
    %dma_wait3A_654 = tpu.memref_slice %arg27[%dma_wait3A_652, %dma_wait3A_653] : memref<10240x128xf32, #tpu.memory_space<vmem_shared>> -> memref<80x128xf32, #tpu.memory_space<vmem_shared>>
    tpu.wait_dma2 semaphore(%arg40 : memref<!tpu.dma_semaphore, #tpu.memory_space<semaphore_mem>>) src(%arg23 : memref<80x128xf32, #tpu.memory_space<vmem>>) dst(%dma_wait3A_654 : memref<80x128xf32, #tpu.memory_space<vmem_shared>>)
    %dma_start3A_655 = arith.constant 0 : i32
    %dma_start3A_656 = arith.constant 0 : i32
    %dma_start3A_657 = tpu.memref_slice %arg27[%dma_start3A_655, %dma_start3A_656] : memref<10240x128xf32, #tpu.memory_space<vmem_shared>> -> memref<10240x128xf32, #tpu.memory_space<vmem_shared>>
    tpu.enqueue_indirect_dma source(%arg24 : memref<80x128xf32, #tpu.memory_space<vmem>>) target(%dma_start3A_657 : memref<10240x128xf32, #tpu.memory_space<vmem_shared>>) offsets(%arg16 : memref<80xi32, #tpu.memory_space<vmem>>) semaphore(%arg40 : memref<!tpu.dma_semaphore, #tpu.memory_space<semaphore_mem>>) {add = true}
    %dma_wait3A_658 = arith.constant 0 : i32
    %dma_wait3A_659 = tpu.memref_slice %arg3[%dma_wait3A_658] : memref<320000xi32, #tpu.memory_space<hbm>> -> memref<80xi32, #tpu.memory_space<hbm>>
    %dma_wait3A_660 = arith.constant 0 : i32
    %dma_wait3A_661 = tpu.memref_slice %arg3[%dma_wait3A_660] : memref<320000xi32, #tpu.memory_space<hbm>> -> memref<80xi32, #tpu.memory_space<hbm>>
    tpu.wait_dma2 semaphore(%arg32 : memref<!tpu.dma_semaphore, #tpu.memory_space<semaphore_mem>>) src(%dma_wait3A_661 : memref<80xi32, #tpu.memory_space<hbm>>) dst(%arg11 : memref<80xi32, #tpu.memory_space<vmem>>)
    %dma_wait3A_662 = arith.constant 0 : i32
    %dma_wait3A_663 = tpu.memref_slice %arg3[%dma_wait3A_662] : memref<320000xi32, #tpu.memory_space<hbm>> -> memref<80xi32, #tpu.memory_space<hbm>>
    %dma_wait3A_664 = arith.constant 0 : i32
    %dma_wait3A_665 = tpu.memref_slice %arg3[%dma_wait3A_664] : memref<320000xi32, #tpu.memory_space<hbm>> -> memref<80xi32, #tpu.memory_space<hbm>>
    tpu.wait_dma2 semaphore(%arg32 : memref<!tpu.dma_semaphore, #tpu.memory_space<semaphore_mem>>) src(%dma_wait3A_665 : memref<80xi32, #tpu.memory_space<hbm>>) dst(%arg19 : memref<80xi32, #tpu.memory_space<vmem>>)
    %dma_start3A_666 = arith.constant 0 : i32
    %dma_start3A_667 = arith.constant 0 : i32
    %dma_start3A_668 = tpu.memref_slice %arg2[%dma_start3A_666, %dma_start3A_667] : memref<10000x128xf32, #tpu.memory_space<hbm>> -> memref<10000x128xf32, #tpu.memory_space<hbm>>
    tpu.enqueue_indirect_dma source(%dma_start3A_668 : memref<10000x128xf32, #tpu.memory_space<hbm>>) target(%arg23 : memref<80x128xf32, #tpu.memory_space<vmem>>) offsets(%arg11 : memref<80xi32, #tpu.memory_space<vmem>>) semaphore(%arg36 : memref<!tpu.dma_semaphore, #tpu.memory_space<semaphore_mem>>)
    %dma_wait3A_669 = arith.constant 0 : i32
    %dma_wait3A_670 = arith.constant 0 : i32
    %dma_wait3A_671 = tpu.memref_slice %arg2[%dma_wait3A_669, %dma_wait3A_670] : memref<10000x128xf32, #tpu.memory_space<hbm>> -> memref<80x128xf32, #tpu.memory_space<hbm>>
    %dma_wait3A_672 = arith.constant 0 : i32
    %dma_wait3A_673 = arith.constant 0 : i32
    %dma_wait3A_674 = tpu.memref_slice %arg2[%dma_wait3A_672, %dma_wait3A_673] : memref<10000x128xf32, #tpu.memory_space<hbm>> -> memref<80x128xf32, #tpu.memory_space<hbm>>
    tpu.wait_dma2 semaphore(%arg38 : memref<!tpu.dma_semaphore, #tpu.memory_space<semaphore_mem>>) src(%dma_wait3A_674 : memref<80x128xf32, #tpu.memory_space<hbm>>) dst(%arg25 : memref<80x128xf32, #tpu.memory_space<vmem>>)
    %dma_wait3A_675 = arith.constant 0 : i32
    %dma_wait3A_676 = arith.constant 0 : i32
    %dma_wait3A_677 = tpu.memref_slice %arg27[%dma_wait3A_675, %dma_wait3A_676] : memref<10240x128xf32, #tpu.memory_space<vmem_shared>> -> memref<80x128xf32, #tpu.memory_space<vmem_shared>>
    %dma_wait3A_678 = arith.constant 0 : i32
    %dma_wait3A_679 = arith.constant 0 : i32
    %dma_wait3A_680 = tpu.memref_slice %arg27[%dma_wait3A_678, %dma_wait3A_679] : memref<10240x128xf32, #tpu.memory_space<vmem_shared>> -> memref<80x128xf32, #tpu.memory_space<vmem_shared>>
    tpu.wait_dma2 semaphore(%arg40 : memref<!tpu.dma_semaphore, #tpu.memory_space<semaphore_mem>>) src(%arg24 : memref<80x128xf32, #tpu.memory_space<vmem>>) dst(%dma_wait3A_680 : memref<80x128xf32, #tpu.memory_space<vmem_shared>>)
    %dma_start3A_681 = arith.constant 0 : i32
    %dma_start3A_682 = arith.constant 0 : i32
    %dma_start3A_683 = tpu.memref_slice %arg27[%dma_start3A_681, %dma_start3A_682] : memref<10240x128xf32, #tpu.memory_space<vmem_shared>> -> memref<10240x128xf32, #tpu.memory_space<vmem_shared>>
    tpu.enqueue_indirect_dma source(%arg25 : memref<80x128xf32, #tpu.memory_space<vmem>>) target(%dma_start3A_683 : memref<10240x128xf32, #tpu.memory_space<vmem_shared>>) offsets(%arg17 : memref<80xi32, #tpu.memory_space<vmem>>) semaphore(%arg40 : memref<!tpu.dma_semaphore, #tpu.memory_space<semaphore_mem>>) {add = true}
    %dma_wait3A_684 = arith.constant 0 : i32
    %dma_wait3A_685 = arith.constant 0 : i32
    %dma_wait3A_686 = tpu.memref_slice %arg2[%dma_wait3A_684, %dma_wait3A_685] : memref<10000x128xf32, #tpu.memory_space<hbm>> -> memref<80x128xf32, #tpu.memory_space<hbm>>
    %dma_wait3A_687 = arith.constant 0 : i32
    %dma_wait3A_688 = arith.constant 0 : i32
    %dma_wait3A_689 = tpu.memref_slice %arg2[%dma_wait3A_687, %dma_wait3A_688] : memref<10000x128xf32, #tpu.memory_space<hbm>> -> memref<80x128xf32, #tpu.memory_space<hbm>>
    tpu.wait_dma2 semaphore(%arg39 : memref<!tpu.dma_semaphore, #tpu.memory_space<semaphore_mem>>) src(%dma_wait3A_689 : memref<80x128xf32, #tpu.memory_space<hbm>>) dst(%arg26 : memref<80x128xf32, #tpu.memory_space<vmem>>)
    %dma_wait3A_690 = arith.constant 0 : i32
    %dma_wait3A_691 = arith.constant 0 : i32
    %dma_wait3A_692 = tpu.memref_slice %arg27[%dma_wait3A_690, %dma_wait3A_691] : memref<10240x128xf32, #tpu.memory_space<vmem_shared>> -> memref<80x128xf32, #tpu.memory_space<vmem_shared>>
    %dma_wait3A_693 = arith.constant 0 : i32
    %dma_wait3A_694 = arith.constant 0 : i32
    %dma_wait3A_695 = tpu.memref_slice %arg27[%dma_wait3A_693, %dma_wait3A_694] : memref<10240x128xf32, #tpu.memory_space<vmem_shared>> -> memref<80x128xf32, #tpu.memory_space<vmem_shared>>
    tpu.wait_dma2 semaphore(%arg40 : memref<!tpu.dma_semaphore, #tpu.memory_space<semaphore_mem>>) src(%arg25 : memref<80x128xf32, #tpu.memory_space<vmem>>) dst(%dma_wait3A_695 : memref<80x128xf32, #tpu.memory_space<vmem_shared>>)
    %dma_start3A_696 = arith.constant 0 : i32
    %dma_start3A_697 = arith.constant 0 : i32
    %dma_start3A_698 = tpu.memref_slice %arg27[%dma_start3A_696, %dma_start3A_697] : memref<10240x128xf32, #tpu.memory_space<vmem_shared>> -> memref<10240x128xf32, #tpu.memory_space<vmem_shared>>
    tpu.enqueue_indirect_dma source(%arg26 : memref<80x128xf32, #tpu.memory_space<vmem>>) target(%dma_start3A_698 : memref<10240x128xf32, #tpu.memory_space<vmem_shared>>) offsets(%arg18 : memref<80xi32, #tpu.memory_space<vmem>>) semaphore(%arg40 : memref<!tpu.dma_semaphore, #tpu.memory_space<semaphore_mem>>) {add = true}
    %dma_wait3A_699 = arith.constant 0 : i32
    %dma_wait3A_700 = arith.constant 0 : i32
    %dma_wait3A_701 = tpu.memref_slice %arg2[%dma_wait3A_699, %dma_wait3A_700] : memref<10000x128xf32, #tpu.memory_space<hbm>> -> memref<80x128xf32, #tpu.memory_space<hbm>>
    %dma_wait3A_702 = arith.constant 0 : i32
    %dma_wait3A_703 = arith.constant 0 : i32
    %dma_wait3A_704 = tpu.memref_slice %arg2[%dma_wait3A_702, %dma_wait3A_703] : memref<10000x128xf32, #tpu.memory_space<hbm>> -> memref<80x128xf32, #tpu.memory_space<hbm>>
    tpu.wait_dma2 semaphore(%arg36 : memref<!tpu.dma_semaphore, #tpu.memory_space<semaphore_mem>>) src(%dma_wait3A_704 : memref<80x128xf32, #tpu.memory_space<hbm>>) dst(%arg23 : memref<80x128xf32, #tpu.memory_space<vmem>>)
    %dma_wait3A_705 = arith.constant 0 : i32
    %dma_wait3A_706 = arith.constant 0 : i32
    %dma_wait3A_707 = tpu.memref_slice %arg27[%dma_wait3A_705, %dma_wait3A_706] : memref<10240x128xf32, #tpu.memory_space<vmem_shared>> -> memref<80x128xf32, #tpu.memory_space<vmem_shared>>
    %dma_wait3A_708 = arith.constant 0 : i32
    %dma_wait3A_709 = arith.constant 0 : i32
    %dma_wait3A_710 = tpu.memref_slice %arg27[%dma_wait3A_708, %dma_wait3A_709] : memref<10240x128xf32, #tpu.memory_space<vmem_shared>> -> memref<80x128xf32, #tpu.memory_space<vmem_shared>>
    tpu.wait_dma2 semaphore(%arg40 : memref<!tpu.dma_semaphore, #tpu.memory_space<semaphore_mem>>) src(%arg26 : memref<80x128xf32, #tpu.memory_space<vmem>>) dst(%dma_wait3A_710 : memref<80x128xf32, #tpu.memory_space<vmem_shared>>)
    %dma_start3A_711 = arith.constant 0 : i32
    %dma_start3A_712 = arith.constant 0 : i32
    %dma_start3A_713 = tpu.memref_slice %arg27[%dma_start3A_711, %dma_start3A_712] : memref<10240x128xf32, #tpu.memory_space<vmem_shared>> -> memref<10240x128xf32, #tpu.memory_space<vmem_shared>>
    tpu.enqueue_indirect_dma source(%arg23 : memref<80x128xf32, #tpu.memory_space<vmem>>) target(%dma_start3A_713 : memref<10240x128xf32, #tpu.memory_space<vmem_shared>>) offsets(%arg19 : memref<80xi32, #tpu.memory_space<vmem>>) semaphore(%arg40 : memref<!tpu.dma_semaphore, #tpu.memory_space<semaphore_mem>>) {add = true}
    %dma_wait3A_714 = arith.constant 0 : i32
    %dma_wait3A_715 = arith.constant 0 : i32
    %dma_wait3A_716 = tpu.memref_slice %arg27[%dma_wait3A_714, %dma_wait3A_715] : memref<10240x128xf32, #tpu.memory_space<vmem_shared>> -> memref<80x128xf32, #tpu.memory_space<vmem_shared>>
    %dma_wait3A_717 = arith.constant 0 : i32
    %dma_wait3A_718 = arith.constant 0 : i32
    %dma_wait3A_719 = tpu.memref_slice %arg27[%dma_wait3A_717, %dma_wait3A_718] : memref<10240x128xf32, #tpu.memory_space<vmem_shared>> -> memref<80x128xf32, #tpu.memory_space<vmem_shared>>
    tpu.wait_dma2 semaphore(%arg40 : memref<!tpu.dma_semaphore, #tpu.memory_space<semaphore_mem>>) src(%arg23 : memref<80x128xf32, #tpu.memory_space<vmem>>) dst(%dma_wait3A_719 : memref<80x128xf32, #tpu.memory_space<vmem_shared>>)
    %barrier3A_720 = arith.constant 0 : index
    tpu.barrier barrier_id(%barrier3A_720)
    "tpu.region"() ({
      %run_scoped3A = tpu.sem_alloc : memref<!tpu.dma_semaphore, #tpu.memory_space<semaphore_mem>>
      %dma_start3A_721 = arith.constant 0 : i32
      %dma_start3A_722 = tpu.memref_slice %arg6[%arg0, %mul3A_2, %dma_start3A_721] : memref<2x10240x128xf32, #tpu.memory_space<hbm>> -> memref<1x640x128xf32, #tpu.memory_space<hbm>>
      %dma_start3A_723 = tpu.memref_squeeze %dma_start3A_722 : memref<1x640x128xf32, #tpu.memory_space<hbm>> -> memref<640x128xf32, #tpu.memory_space<hbm>>
      %dma_start3A_724 = arith.constant 0 : i32
      %dma_start3A_725 = tpu.memref_slice %arg27[%mul3A_2, %dma_start3A_724] : memref<10240x128xf32, #tpu.memory_space<vmem_shared>> -> memref<640x128xf32, #tpu.memory_space<vmem_shared>>
      tpu.enqueue_dma source(%dma_start3A_725 : memref<640x128xf32, #tpu.memory_space<vmem_shared>>) target(%dma_start3A_723 : memref<640x128xf32, #tpu.memory_space<hbm>>) target_semaphore(%run_scoped3A : memref<!tpu.dma_semaphore, #tpu.memory_space<semaphore_mem>>)
      %dma_wait3A_726 = arith.constant 0 : i32
      %dma_wait3A_727 = tpu.memref_slice %arg6[%arg0, %mul3A_2, %dma_wait3A_726] : memref<2x10240x128xf32, #tpu.memory_space<hbm>> -> memref<1x640x128xf32, #tpu.memory_space<hbm>>
      %dma_wait3A_728 = tpu.memref_squeeze %dma_wait3A_727 : memref<1x640x128xf32, #tpu.memory_space<hbm>> -> memref<640x128xf32, #tpu.memory_space<hbm>>
      %dma_wait3A_729 = arith.constant 0 : i32
      %dma_wait3A_730 = tpu.memref_slice %arg27[%mul3A_2, %dma_wait3A_729] : memref<10240x128xf32, #tpu.memory_space<vmem_shared>> -> memref<640x128xf32, #tpu.memory_space<vmem_shared>>
      tpu.wait_dma2 semaphore(%run_scoped3A : memref<!tpu.dma_semaphore, #tpu.memory_space<semaphore_mem>>) src(%dma_wait3A_730 : memref<640x128xf32, #tpu.memory_space<vmem_shared>>) dst(%dma_wait3A_728 : memref<640x128xf32, #tpu.memory_space<hbm>>)
      tpu.yield
    }) : () -> ()
    return
  }
}

#map = affine_map<(d0, d1) -> (0, 0)>
#map1 = affine_map<(d0, d1) -> (0)>
#map2 = affine_map<(d0, d1) -> (0, 0, 0)>
module attributes {stable_mosaic.version = 14 : i64} {
  func.func @_sc_agg_body(%arg0: i32, %arg1: i32, %arg2: memref<10000x128xf32, #tpu.memory_space<hbm>>, %arg3: memref<320000xi32, #tpu.memory_space<hbm>>, %arg4: memref<320000xi32, #tpu.memory_space<hbm>>, %arg5: memref<10240x128xf32, #tpu.memory_space<hbm>>, %arg6: memref<2x10240x128xf32, #tpu.memory_space<hbm>>, %arg7: memref<80xi32, #tpu.memory_space<vmem>>, %arg8: memref<80xi32, #tpu.memory_space<vmem>>, %arg9: memref<80xi32, #tpu.memory_space<vmem>>, %arg10: memref<80xi32, #tpu.memory_space<vmem>>, %arg11: memref<80xi32, #tpu.memory_space<vmem>>, %arg12: memref<80xi32, #tpu.memory_space<vmem>>, %arg13: memref<80xi32, #tpu.memory_space<vmem>>, %arg14: memref<80xi32, #tpu.memory_space<vmem>>, %arg15: memref<80xi32, #tpu.memory_space<vmem>>, %arg16: memref<80xi32, #tpu.memory_space<vmem>>, %arg17: memref<80xi32, #tpu.memory_space<vmem>>, %arg18: memref<80xi32, #tpu.memory_space<vmem>>, %arg19: memref<80xi32, #tpu.memory_space<vmem>>, %arg20: memref<80xi32, #tpu.memory_space<vmem>>, %arg21: memref<80xi32, #tpu.memory_space<vmem>>, %arg22: memref<80xi32, #tpu.memory_space<vmem>>, %arg23: memref<80x128xf32, #tpu.memory_space<vmem>>, %arg24: memref<80x128xf32, #tpu.memory_space<vmem>>, %arg25: memref<80x128xf32, #tpu.memory_space<vmem>>, %arg26: memref<80x128xf32, #tpu.memory_space<vmem>>, %arg27: memref<10240x128xf32, #tpu.memory_space<vmem_shared>>, %arg28: memref<!tpu.dma_semaphore, #tpu.memory_space<semaphore_mem>>, %arg29: memref<!tpu.dma_semaphore, #tpu.memory_space<semaphore_mem>>, %arg30: memref<!tpu.dma_semaphore, #tpu.memory_space<semaphore_mem>>, %arg31: memref<!tpu.dma_semaphore, #tpu.memory_space<semaphore_mem>>, %arg32: memref<!tpu.dma_semaphore, #tpu.memory_space<semaphore_mem>>, %arg33: memref<!tpu.dma_semaphore, #tpu.memory_space<semaphore_mem>>, %arg34: memref<!tpu.dma_semaphore, #tpu.memory_space<semaphore_mem>>, %arg35: memref<!tpu.dma_semaphore, #tpu.memory_space<semaphore_mem>>, %arg36: memref<!tpu.dma_semaphore, #tpu.memory_space<semaphore_mem>>, %arg37: memref<!tpu.dma_semaphore, #tpu.memory_space<semaphore_mem>>, %arg38: memref<!tpu.dma_semaphore, #tpu.memory_space<semaphore_mem>>, %arg39: memref<!tpu.dma_semaphore, #tpu.memory_space<semaphore_mem>>, %arg40: memref<!tpu.dma_semaphore, #tpu.memory_space<semaphore_mem>>) attributes {dimension_semantics = [#tpu.dimension_semantics<core_parallel>, #tpu.dimension_semantics<subcore_parallel>], iteration_bounds = array<i64: 2, 16>, scalar_prefetch = 0 : i64, scratch_operands = 34 : i64, tpu.core_type = #tpu.core_type<sc_vector_subcore>, window_params = [{transform_indices = #map}, {transform_indices = #map1}, {transform_indices = #map1}, {transform_indices = #map}, {transform_indices = #map2}]} {
    %mul3A = arith.constant 2 : i32
    %mul3A_0 = arith.muli %arg1, %mul3A : i32
    %add3A = arith.addi %mul3A_0, %arg0 : i32
    %mul3A_1 = arith.constant 640 : i32
    %mul3A_2 = arith.muli %arg1, %mul3A_1 : i32
    "tpu.region"() ({
      %run_scoped3A = tpu.sem_alloc : memref<!tpu.dma_semaphore, #tpu.memory_space<semaphore_mem>>
      %dma_start3A_721 = arith.constant 0 : i32
      %dma_start3A_722 = tpu.memref_slice %arg27[%mul3A_2, %dma_start3A_721] : memref<10240x128xf32, #tpu.memory_space<vmem_shared>> -> memref<640x128xf32, #tpu.memory_space<vmem_shared>>
      %dma_start3A_723 = arith.constant 0 : i32
      %dma_start3A_724 = tpu.memref_slice %arg5[%mul3A_2, %dma_start3A_723] : memref<10240x128xf32, #tpu.memory_space<hbm>> -> memref<640x128xf32, #tpu.memory_space<hbm>>
      tpu.enqueue_dma source(%dma_start3A_724 : memref<640x128xf32, #tpu.memory_space<hbm>>) target(%dma_start3A_722 : memref<640x128xf32, #tpu.memory_space<vmem_shared>>) target_semaphore(%run_scoped3A : memref<!tpu.dma_semaphore, #tpu.memory_space<semaphore_mem>>)
      %dma_wait3A_725 = arith.constant 0 : i32
      %dma_wait3A_726 = tpu.memref_slice %arg27[%mul3A_2, %dma_wait3A_725] : memref<10240x128xf32, #tpu.memory_space<vmem_shared>> -> memref<640x128xf32, #tpu.memory_space<vmem_shared>>
      %dma_wait3A_727 = arith.constant 0 : i32
      %dma_wait3A_728 = tpu.memref_slice %arg5[%mul3A_2, %dma_wait3A_727] : memref<10240x128xf32, #tpu.memory_space<hbm>> -> memref<640x128xf32, #tpu.memory_space<hbm>>
      tpu.wait_dma2 semaphore(%run_scoped3A : memref<!tpu.dma_semaphore, #tpu.memory_space<semaphore_mem>>) src(%dma_wait3A_728 : memref<640x128xf32, #tpu.memory_space<hbm>>) dst(%dma_wait3A_726 : memref<640x128xf32, #tpu.memory_space<vmem_shared>>)
      tpu.yield
    }) : () -> ()
    %barrier3A = arith.constant 0 : index
    tpu.barrier barrier_id(%barrier3A)
    %mul3A_3 = arith.constant 10000 : i32
    %mul3A_4 = arith.muli %add3A, %mul3A_3 : i32
    %add3A_5 = arith.constant 0 : i32
    %add3A_6 = arith.addi %mul3A_4, %add3A_5 : i32
    %dma_start3A = tpu.memref_slice %arg3[%add3A_6] : memref<320000xi32, #tpu.memory_space<hbm>> -> memref<80xi32, #tpu.memory_space<hbm>>
    %dma_start3A_7 = tpu.memref_slice %arg3[%add3A_6] : memref<320000xi32, #tpu.memory_space<hbm>> -> memref<80xi32, #tpu.memory_space<hbm>>
    tpu.enqueue_dma source(%dma_start3A_7 : memref<80xi32, #tpu.memory_space<hbm>>) target(%arg7 : memref<80xi32, #tpu.memory_space<vmem>>) target_semaphore(%arg28 : memref<!tpu.dma_semaphore, #tpu.memory_space<semaphore_mem>>)
    %dma_start3A_8 = tpu.memref_slice %arg4[%add3A_6] : memref<320000xi32, #tpu.memory_space<hbm>> -> memref<80xi32, #tpu.memory_space<hbm>>
    %dma_start3A_9 = tpu.memref_slice %arg4[%add3A_6] : memref<320000xi32, #tpu.memory_space<hbm>> -> memref<80xi32, #tpu.memory_space<hbm>>
    tpu.enqueue_dma source(%dma_start3A_9 : memref<80xi32, #tpu.memory_space<hbm>>) target(%arg15 : memref<80xi32, #tpu.memory_space<vmem>>) target_semaphore(%arg28 : memref<!tpu.dma_semaphore, #tpu.memory_space<semaphore_mem>>)
    %mul3A_10 = arith.constant 10000 : i32
    %mul3A_11 = arith.muli %add3A, %mul3A_10 : i32
    %add3A_12 = arith.constant 80 : i32
    %add3A_13 = arith.addi %mul3A_11, %add3A_12 : i32
    %dma_start3A_14 = tpu.memref_slice %arg3[%add3A_13] : memref<320000xi32, #tpu.memory_space<hbm>> -> memref<80xi32, #tpu.memory_space<hbm>>
    %dma_start3A_15 = tpu.memref_slice %arg3[%add3A_13] : memref<320000xi32, #tpu.memory_space<hbm>> -> memref<80xi32, #tpu.memory_space<hbm>>
    tpu.enqueue_dma source(%dma_start3A_15 : memref<80xi32, #tpu.memory_space<hbm>>) target(%arg8 : memref<80xi32, #tpu.memory_space<vmem>>) target_semaphore(%arg29 : memref<!tpu.dma_semaphore, #tpu.memory_space<semaphore_mem>>)
    %dma_start3A_16 = tpu.memref_slice %arg4[%add3A_13] : memref<320000xi32, #tpu.memory_space<hbm>> -> memref<80xi32, #tpu.memory_space<hbm>>
    %dma_start3A_17 = tpu.memref_slice %arg4[%add3A_13] : memref<320000xi32, #tpu.memory_space<hbm>> -> memref<80xi32, #tpu.memory_space<hbm>>
    tpu.enqueue_dma source(%dma_start3A_17 : memref<80xi32, #tpu.memory_space<hbm>>) target(%arg16 : memref<80xi32, #tpu.memory_space<vmem>>) target_semaphore(%arg29 : memref<!tpu.dma_semaphore, #tpu.memory_space<semaphore_mem>>)
    %mul3A_18 = arith.constant 10000 : i32
    %mul3A_19 = arith.muli %add3A, %mul3A_18 : i32
    %add3A_20 = arith.constant 160 : i32
    %add3A_21 = arith.addi %mul3A_19, %add3A_20 : i32
    %dma_start3A_22 = tpu.memref_slice %arg3[%add3A_21] : memref<320000xi32, #tpu.memory_space<hbm>> -> memref<80xi32, #tpu.memory_space<hbm>>
    %dma_start3A_23 = tpu.memref_slice %arg3[%add3A_21] : memref<320000xi32, #tpu.memory_space<hbm>> -> memref<80xi32, #tpu.memory_space<hbm>>
    tpu.enqueue_dma source(%dma_start3A_23 : memref<80xi32, #tpu.memory_space<hbm>>) target(%arg9 : memref<80xi32, #tpu.memory_space<vmem>>) target_semaphore(%arg30 : memref<!tpu.dma_semaphore, #tpu.memory_space<semaphore_mem>>)
    %dma_start3A_24 = tpu.memref_slice %arg4[%add3A_21] : memref<320000xi32, #tpu.memory_space<hbm>> -> memref<80xi32, #tpu.memory_space<hbm>>
    %dma_start3A_25 = tpu.memref_slice %arg4[%add3A_21] : memref<320000xi32, #tpu.memory_space<hbm>> -> memref<80xi32, #tpu.memory_space<hbm>>
    tpu.enqueue_dma source(%dma_start3A_25 : memref<80xi32, #tpu.memory_space<hbm>>) target(%arg17 : memref<80xi32, #tpu.memory_space<vmem>>) target_semaphore(%arg30 : memref<!tpu.dma_semaphore, #tpu.memory_space<semaphore_mem>>)
    %mul3A_26 = arith.constant 10000 : i32
    %mul3A_27 = arith.muli %add3A, %mul3A_26 : i32
    %add3A_28 = arith.constant 240 : i32
    %add3A_29 = arith.addi %mul3A_27, %add3A_28 : i32
    %dma_start3A_30 = tpu.memref_slice %arg3[%add3A_29] : memref<320000xi32, #tpu.memory_space<hbm>> -> memref<80xi32, #tpu.memory_space<hbm>>
    %dma_start3A_31 = tpu.memref_slice %arg3[%add3A_29] : memref<320000xi32, #tpu.memory_space<hbm>> -> memref<80xi32, #tpu.memory_space<hbm>>
    tpu.enqueue_dma source(%dma_start3A_31 : memref<80xi32, #tpu.memory_space<hbm>>) target(%arg10 : memref<80xi32, #tpu.memory_space<vmem>>) target_semaphore(%arg31 : memref<!tpu.dma_semaphore, #tpu.memory_space<semaphore_mem>>)
    %dma_start3A_32 = tpu.memref_slice %arg4[%add3A_29] : memref<320000xi32, #tpu.memory_space<hbm>> -> memref<80xi32, #tpu.memory_space<hbm>>
    %dma_start3A_33 = tpu.memref_slice %arg4[%add3A_29] : memref<320000xi32, #tpu.memory_space<hbm>> -> memref<80xi32, #tpu.memory_space<hbm>>
    tpu.enqueue_dma source(%dma_start3A_33 : memref<80xi32, #tpu.memory_space<hbm>>) target(%arg18 : memref<80xi32, #tpu.memory_space<vmem>>) target_semaphore(%arg31 : memref<!tpu.dma_semaphore, #tpu.memory_space<semaphore_mem>>)
    %mul3A_34 = arith.constant 10000 : i32
    %mul3A_35 = arith.muli %add3A, %mul3A_34 : i32
    %add3A_36 = arith.constant 320 : i32
    %add3A_37 = arith.addi %mul3A_35, %add3A_36 : i32
    %dma_start3A_38 = tpu.memref_slice %arg3[%add3A_37] : memref<320000xi32, #tpu.memory_space<hbm>> -> memref<80xi32, #tpu.memory_space<hbm>>
    %dma_start3A_39 = tpu.memref_slice %arg3[%add3A_37] : memref<320000xi32, #tpu.memory_space<hbm>> -> memref<80xi32, #tpu.memory_space<hbm>>
    tpu.enqueue_dma source(%dma_start3A_39 : memref<80xi32, #tpu.memory_space<hbm>>) target(%arg11 : memref<80xi32, #tpu.memory_space<vmem>>) target_semaphore(%arg32 : memref<!tpu.dma_semaphore, #tpu.memory_space<semaphore_mem>>)
    %dma_start3A_40 = tpu.memref_slice %arg4[%add3A_37] : memref<320000xi32, #tpu.memory_space<hbm>> -> memref<80xi32, #tpu.memory_space<hbm>>
    %dma_start3A_41 = tpu.memref_slice %arg4[%add3A_37] : memref<320000xi32, #tpu.memory_space<hbm>> -> memref<80xi32, #tpu.memory_space<hbm>>
    tpu.enqueue_dma source(%dma_start3A_41 : memref<80xi32, #tpu.memory_space<hbm>>) target(%arg19 : memref<80xi32, #tpu.memory_space<vmem>>) target_semaphore(%arg32 : memref<!tpu.dma_semaphore, #tpu.memory_space<semaphore_mem>>)
    %mul3A_42 = arith.constant 10000 : i32
    %mul3A_43 = arith.muli %add3A, %mul3A_42 : i32
    %add3A_44 = arith.constant 400 : i32
    %add3A_45 = arith.addi %mul3A_43, %add3A_44 : i32
    %dma_start3A_46 = tpu.memref_slice %arg3[%add3A_45] : memref<320000xi32, #tpu.memory_space<hbm>> -> memref<80xi32, #tpu.memory_space<hbm>>
    %dma_start3A_47 = tpu.memref_slice %arg3[%add3A_45] : memref<320000xi32, #tpu.memory_space<hbm>> -> memref<80xi32, #tpu.memory_space<hbm>>
    tpu.enqueue_dma source(%dma_start3A_47 : memref<80xi32, #tpu.memory_space<hbm>>) target(%arg12 : memref<80xi32, #tpu.memory_space<vmem>>) target_semaphore(%arg33 : memref<!tpu.dma_semaphore, #tpu.memory_space<semaphore_mem>>)
    %dma_start3A_48 = tpu.memref_slice %arg4[%add3A_45] : memref<320000xi32, #tpu.memory_space<hbm>> -> memref<80xi32, #tpu.memory_space<hbm>>
    %dma_start3A_49 = tpu.memref_slice %arg4[%add3A_45] : memref<320000xi32, #tpu.memory_space<hbm>> -> memref<80xi32, #tpu.memory_space<hbm>>
    tpu.enqueue_dma source(%dma_start3A_49 : memref<80xi32, #tpu.memory_space<hbm>>) target(%arg20 : memref<80xi32, #tpu.memory_space<vmem>>) target_semaphore(%arg33 : memref<!tpu.dma_semaphore, #tpu.memory_space<semaphore_mem>>)
    %dma_wait3A = arith.constant 0 : i32
    %dma_wait3A_50 = tpu.memref_slice %arg3[%dma_wait3A] : memref<320000xi32, #tpu.memory_space<hbm>> -> memref<80xi32, #tpu.memory_space<hbm>>
    %dma_wait3A_51 = arith.constant 0 : i32
    %dma_wait3A_52 = tpu.memref_slice %arg3[%dma_wait3A_51] : memref<320000xi32, #tpu.memory_space<hbm>> -> memref<80xi32, #tpu.memory_space<hbm>>
    tpu.wait_dma2 semaphore(%arg28 : memref<!tpu.dma_semaphore, #tpu.memory_space<semaphore_mem>>) src(%dma_wait3A_52 : memref<80xi32, #tpu.memory_space<hbm>>) dst(%arg7 : memref<80xi32, #tpu.memory_space<vmem>>)
    %dma_wait3A_53 = arith.constant 0 : i32
    %dma_wait3A_54 = tpu.memref_slice %arg3[%dma_wait3A_53] : memref<320000xi32, #tpu.memory_space<hbm>> -> memref<80xi32, #tpu.memory_space<hbm>>
    %dma_wait3A_55 = arith.constant 0 : i32
    %dma_wait3A_56 = tpu.memref_slice %arg3[%dma_wait3A_55] : memref<320000xi32, #tpu.memory_space<hbm>> -> memref<80xi32, #tpu.memory_space<hbm>>
    tpu.wait_dma2 semaphore(%arg28 : memref<!tpu.dma_semaphore, #tpu.memory_space<semaphore_mem>>) src(%dma_wait3A_56 : memref<80xi32, #tpu.memory_space<hbm>>) dst(%arg15 : memref<80xi32, #tpu.memory_space<vmem>>)
    %dma_start3A_57 = arith.constant 0 : i32
    %dma_start3A_58 = arith.constant 0 : i32
    %dma_start3A_59 = tpu.memref_slice %arg2[%dma_start3A_57, %dma_start3A_58] : memref<10000x128xf32, #tpu.memory_space<hbm>> -> memref<10000x128xf32, #tpu.memory_space<hbm>>
    tpu.enqueue_indirect_dma source(%dma_start3A_59 : memref<10000x128xf32, #tpu.memory_space<hbm>>) target(%arg23 : memref<80x128xf32, #tpu.memory_space<vmem>>) offsets(%arg7 : memref<80xi32, #tpu.memory_space<vmem>>) semaphore(%arg36 : memref<!tpu.dma_semaphore, #tpu.memory_space<semaphore_mem>>)
    %dma_wait3A_60 = arith.constant 0 : i32
    %dma_wait3A_61 = tpu.memref_slice %arg3[%dma_wait3A_60] : memref<320000xi32, #tpu.memory_space<hbm>> -> memref<80xi32, #tpu.memory_space<hbm>>
    %dma_wait3A_62 = arith.constant 0 : i32
    %dma_wait3A_63 = tpu.memref_slice %arg3[%dma_wait3A_62] : memref<320000xi32, #tpu.memory_space<hbm>> -> memref<80xi32, #tpu.memory_space<hbm>>
    tpu.wait_dma2 semaphore(%arg29 : memref<!tpu.dma_semaphore, #tpu.memory_space<semaphore_mem>>) src(%dma_wait3A_63 : memref<80xi32, #tpu.memory_space<hbm>>) dst(%arg8 : memref<80xi32, #tpu.memory_space<vmem>>)
    %dma_wait3A_64 = arith.constant 0 : i32
    %dma_wait3A_65 = tpu.memref_slice %arg3[%dma_wait3A_64] : memref<320000xi32, #tpu.memory_space<hbm>> -> memref<80xi32, #tpu.memory_space<hbm>>
    %dma_wait3A_66 = arith.constant 0 : i32
    %dma_wait3A_67 = tpu.memref_slice %arg3[%dma_wait3A_66] : memref<320000xi32, #tpu.memory_space<hbm>> -> memref<80xi32, #tpu.memory_space<hbm>>
    tpu.wait_dma2 semaphore(%arg29 : memref<!tpu.dma_semaphore, #tpu.memory_space<semaphore_mem>>) src(%dma_wait3A_67 : memref<80xi32, #tpu.memory_space<hbm>>) dst(%arg16 : memref<80xi32, #tpu.memory_space<vmem>>)
    %dma_start3A_68 = arith.constant 0 : i32
    %dma_start3A_69 = arith.constant 0 : i32
    %dma_start3A_70 = tpu.memref_slice %arg2[%dma_start3A_68, %dma_start3A_69] : memref<10000x128xf32, #tpu.memory_space<hbm>> -> memref<10000x128xf32, #tpu.memory_space<hbm>>
    tpu.enqueue_indirect_dma source(%dma_start3A_70 : memref<10000x128xf32, #tpu.memory_space<hbm>>) target(%arg24 : memref<80x128xf32, #tpu.memory_space<vmem>>) offsets(%arg8 : memref<80xi32, #tpu.memory_space<vmem>>) semaphore(%arg37 : memref<!tpu.dma_semaphore, #tpu.memory_space<semaphore_mem>>)
    %dma_wait3A_71 = arith.constant 0 : i32
    %dma_wait3A_72 = tpu.memref_slice %arg3[%dma_wait3A_71] : memref<320000xi32, #tpu.memory_space<hbm>> -> memref<80xi32, #tpu.memory_space<hbm>>
    %dma_wait3A_73 = arith.constant 0 : i32
    %dma_wait3A_74 = tpu.memref_slice %arg3[%dma_wait3A_73] : memref<320000xi32, #tpu.memory_space<hbm>> -> memref<80xi32, #tpu.memory_space<hbm>>
    tpu.wait_dma2 semaphore(%arg30 : memref<!tpu.dma_semaphore, #tpu.memory_space<semaphore_mem>>) src(%dma_wait3A_74 : memref<80xi32, #tpu.memory_space<hbm>>) dst(%arg9 : memref<80xi32, #tpu.memory_space<vmem>>)
    %dma_wait3A_75 = arith.constant 0 : i32
    %dma_wait3A_76 = tpu.memref_slice %arg3[%dma_wait3A_75] : memref<320000xi32, #tpu.memory_space<hbm>> -> memref<80xi32, #tpu.memory_space<hbm>>
    %dma_wait3A_77 = arith.constant 0 : i32
    %dma_wait3A_78 = tpu.memref_slice %arg3[%dma_wait3A_77] : memref<320000xi32, #tpu.memory_space<hbm>> -> memref<80xi32, #tpu.memory_space<hbm>>
    tpu.wait_dma2 semaphore(%arg30 : memref<!tpu.dma_semaphore, #tpu.memory_space<semaphore_mem>>) src(%dma_wait3A_78 : memref<80xi32, #tpu.memory_space<hbm>>) dst(%arg17 : memref<80xi32, #tpu.memory_space<vmem>>)
    %dma_start3A_79 = arith.constant 0 : i32
    %dma_start3A_80 = arith.constant 0 : i32
    %dma_start3A_81 = tpu.memref_slice %arg2[%dma_start3A_79, %dma_start3A_80] : memref<10000x128xf32, #tpu.memory_space<hbm>> -> memref<10000x128xf32, #tpu.memory_space<hbm>>
    tpu.enqueue_indirect_dma source(%dma_start3A_81 : memref<10000x128xf32, #tpu.memory_space<hbm>>) target(%arg25 : memref<80x128xf32, #tpu.memory_space<vmem>>) offsets(%arg9 : memref<80xi32, #tpu.memory_space<vmem>>) semaphore(%arg38 : memref<!tpu.dma_semaphore, #tpu.memory_space<semaphore_mem>>)
    %dma_wait3A_82 = arith.constant 0 : i32
    %dma_wait3A_83 = arith.constant 0 : i32
    %dma_wait3A_84 = tpu.memref_slice %arg2[%dma_wait3A_82, %dma_wait3A_83] : memref<10000x128xf32, #tpu.memory_space<hbm>> -> memref<80x128xf32, #tpu.memory_space<hbm>>
    %dma_wait3A_85 = arith.constant 0 : i32
    %dma_wait3A_86 = arith.constant 0 : i32
    %dma_wait3A_87 = tpu.memref_slice %arg2[%dma_wait3A_85, %dma_wait3A_86] : memref<10000x128xf32, #tpu.memory_space<hbm>> -> memref<80x128xf32, #tpu.memory_space<hbm>>
    tpu.wait_dma2 semaphore(%arg36 : memref<!tpu.dma_semaphore, #tpu.memory_space<semaphore_mem>>) src(%dma_wait3A_87 : memref<80x128xf32, #tpu.memory_space<hbm>>) dst(%arg23 : memref<80x128xf32, #tpu.memory_space<vmem>>)
    %dma_start3A_88 = arith.constant 0 : i32
    %dma_start3A_89 = arith.constant 0 : i32
    %dma_start3A_90 = tpu.memref_slice %arg27[%dma_start3A_88, %dma_start3A_89] : memref<10240x128xf32, #tpu.memory_space<vmem_shared>> -> memref<10240x128xf32, #tpu.memory_space<vmem_shared>>
    tpu.enqueue_indirect_dma source(%arg23 : memref<80x128xf32, #tpu.memory_space<vmem>>) target(%dma_start3A_90 : memref<10240x128xf32, #tpu.memory_space<vmem_shared>>) offsets(%arg15 : memref<80xi32, #tpu.memory_space<vmem>>) semaphore(%arg40 : memref<!tpu.dma_semaphore, #tpu.memory_space<semaphore_mem>>) {add = true}
    %mul3A_91 = arith.constant 10000 : i32
    %mul3A_92 = arith.muli %add3A, %mul3A_91 : i32
    %add3A_93 = arith.constant 480 : i32
    %add3A_94 = arith.addi %mul3A_92, %add3A_93 : i32
    %dma_start3A_95 = tpu.memref_slice %arg3[%add3A_94] : memref<320000xi32, #tpu.memory_space<hbm>> -> memref<80xi32, #tpu.memory_space<hbm>>
    %dma_start3A_96 = tpu.memref_slice %arg3[%add3A_94] : memref<320000xi32, #tpu.memory_space<hbm>> -> memref<80xi32, #tpu.memory_space<hbm>>
    tpu.enqueue_dma source(%dma_start3A_96 : memref<80xi32, #tpu.memory_space<hbm>>) target(%arg13 : memref<80xi32, #tpu.memory_space<vmem>>) target_semaphore(%arg34 : memref<!tpu.dma_semaphore, #tpu.memory_space<semaphore_mem>>)
    %dma_start3A_97 = tpu.memref_slice %arg4[%add3A_94] : memref<320000xi32, #tpu.memory_space<hbm>> -> memref<80xi32, #tpu.memory_space<hbm>>
    %dma_start3A_98 = tpu.memref_slice %arg4[%add3A_94] : memref<320000xi32, #tpu.memory_space<hbm>> -> memref<80xi32, #tpu.memory_space<hbm>>
    tpu.enqueue_dma source(%dma_start3A_98 : memref<80xi32, #tpu.memory_space<hbm>>) target(%arg21 : memref<80xi32, #tpu.memory_space<vmem>>) target_semaphore(%arg34 : memref<!tpu.dma_semaphore, #tpu.memory_space<semaphore_mem>>)
    %dma_wait3A_99 = arith.constant 0 : i32
    %dma_wait3A_100 = tpu.memref_slice %arg3[%dma_wait3A_99] : memref<320000xi32, #tpu.memory_space<hbm>> -> memref<80xi32, #tpu.memory_space<hbm>>
    %dma_wait3A_101 = arith.constant 0 : i32
    %dma_wait3A_102 = tpu.memref_slice %arg3[%dma_wait3A_101] : memref<320000xi32, #tpu.memory_space<hbm>> -> memref<80xi32, #tpu.memory_space<hbm>>
    tpu.wait_dma2 semaphore(%arg31 : memref<!tpu.dma_semaphore, #tpu.memory_space<semaphore_mem>>) src(%dma_wait3A_102 : memref<80xi32, #tpu.memory_space<hbm>>) dst(%arg10 : memref<80xi32, #tpu.memory_space<vmem>>)
    %dma_wait3A_103 = arith.constant 0 : i32
    %dma_wait3A_104 = tpu.memref_slice %arg3[%dma_wait3A_103] : memref<320000xi32, #tpu.memory_space<hbm>> -> memref<80xi32, #tpu.memory_space<hbm>>
    %dma_wait3A_105 = arith.constant 0 : i32
    %dma_wait3A_106 = tpu.memref_slice %arg3[%dma_wait3A_105] : memref<320000xi32, #tpu.memory_space<hbm>> -> memref<80xi32, #tpu.memory_space<hbm>>
    tpu.wait_dma2 semaphore(%arg31 : memref<!tpu.dma_semaphore, #tpu.memory_space<semaphore_mem>>) src(%dma_wait3A_106 : memref<80xi32, #tpu.memory_space<hbm>>) dst(%arg18 : memref<80xi32, #tpu.memory_space<vmem>>)
    %dma_start3A_107 = arith.constant 0 : i32
    %dma_start3A_108 = arith.constant 0 : i32
    %dma_start3A_109 = tpu.memref_slice %arg2[%dma_start3A_107, %dma_start3A_108] : memref<10000x128xf32, #tpu.memory_space<hbm>> -> memref<10000x128xf32, #tpu.memory_space<hbm>>
    tpu.enqueue_indirect_dma source(%dma_start3A_109 : memref<10000x128xf32, #tpu.memory_space<hbm>>) target(%arg26 : memref<80x128xf32, #tpu.memory_space<vmem>>) offsets(%arg10 : memref<80xi32, #tpu.memory_space<vmem>>) semaphore(%arg39 : memref<!tpu.dma_semaphore, #tpu.memory_space<semaphore_mem>>)
    %dma_wait3A_110 = arith.constant 0 : i32
    %dma_wait3A_111 = arith.constant 0 : i32
    %dma_wait3A_112 = tpu.memref_slice %arg2[%dma_wait3A_110, %dma_wait3A_111] : memref<10000x128xf32, #tpu.memory_space<hbm>> -> memref<80x128xf32, #tpu.memory_space<hbm>>
    %dma_wait3A_113 = arith.constant 0 : i32
    %dma_wait3A_114 = arith.constant 0 : i32
    %dma_wait3A_115 = tpu.memref_slice %arg2[%dma_wait3A_113, %dma_wait3A_114] : memref<10000x128xf32, #tpu.memory_space<hbm>> -> memref<80x128xf32, #tpu.memory_space<hbm>>
    tpu.wait_dma2 semaphore(%arg37 : memref<!tpu.dma_semaphore, #tpu.memory_space<semaphore_mem>>) src(%dma_wait3A_115 : memref<80x128xf32, #tpu.memory_space<hbm>>) dst(%arg24 : memref<80x128xf32, #tpu.memory_space<vmem>>)
    %dma_wait3A_116 = arith.constant 0 : i32
    %dma_wait3A_117 = arith.constant 0 : i32
    %dma_wait3A_118 = tpu.memref_slice %arg27[%dma_wait3A_116, %dma_wait3A_117] : memref<10240x128xf32, #tpu.memory_space<vmem_shared>> -> memref<80x128xf32, #tpu.memory_space<vmem_shared>>
    %dma_wait3A_119 = arith.constant 0 : i32
    %dma_wait3A_120 = arith.constant 0 : i32
    %dma_wait3A_121 = tpu.memref_slice %arg27[%dma_wait3A_119, %dma_wait3A_120] : memref<10240x128xf32, #tpu.memory_space<vmem_shared>> -> memref<80x128xf32, #tpu.memory_space<vmem_shared>>
    tpu.wait_dma2 semaphore(%arg40 : memref<!tpu.dma_semaphore, #tpu.memory_space<semaphore_mem>>) src(%arg23 : memref<80x128xf32, #tpu.memory_space<vmem>>) dst(%dma_wait3A_121 : memref<80x128xf32, #tpu.memory_space<vmem_shared>>)
    %dma_start3A_122 = arith.constant 0 : i32
    %dma_start3A_123 = arith.constant 0 : i32
    %dma_start3A_124 = tpu.memref_slice %arg27[%dma_start3A_122, %dma_start3A_123] : memref<10240x128xf32, #tpu.memory_space<vmem_shared>> -> memref<10240x128xf32, #tpu.memory_space<vmem_shared>>
    tpu.enqueue_indirect_dma source(%arg24 : memref<80x128xf32, #tpu.memory_space<vmem>>) target(%dma_start3A_124 : memref<10240x128xf32, #tpu.memory_space<vmem_shared>>) offsets(%arg16 : memref<80xi32, #tpu.memory_space<vmem>>) semaphore(%arg40 : memref<!tpu.dma_semaphore, #tpu.memory_space<semaphore_mem>>) {add = true}
    %mul3A_125 = arith.constant 10000 : i32
    %mul3A_126 = arith.muli %add3A, %mul3A_125 : i32
    %add3A_127 = arith.constant 560 : i32
    %add3A_128 = arith.addi %mul3A_126, %add3A_127 : i32
    %dma_start3A_129 = tpu.memref_slice %arg3[%add3A_128] : memref<320000xi32, #tpu.memory_space<hbm>> -> memref<80xi32, #tpu.memory_space<hbm>>
    %dma_start3A_130 = tpu.memref_slice %arg3[%add3A_128] : memref<320000xi32, #tpu.memory_space<hbm>> -> memref<80xi32, #tpu.memory_space<hbm>>
    tpu.enqueue_dma source(%dma_start3A_130 : memref<80xi32, #tpu.memory_space<hbm>>) target(%arg14 : memref<80xi32, #tpu.memory_space<vmem>>) target_semaphore(%arg35 : memref<!tpu.dma_semaphore, #tpu.memory_space<semaphore_mem>>)
    %dma_start3A_131 = tpu.memref_slice %arg4[%add3A_128] : memref<320000xi32, #tpu.memory_space<hbm>> -> memref<80xi32, #tpu.memory_space<hbm>>
    %dma_start3A_132 = tpu.memref_slice %arg4[%add3A_128] : memref<320000xi32, #tpu.memory_space<hbm>> -> memref<80xi32, #tpu.memory_space<hbm>>
    tpu.enqueue_dma source(%dma_start3A_132 : memref<80xi32, #tpu.memory_space<hbm>>) target(%arg22 : memref<80xi32, #tpu.memory_space<vmem>>) target_semaphore(%arg35 : memref<!tpu.dma_semaphore, #tpu.memory_space<semaphore_mem>>)
    %dma_wait3A_133 = arith.constant 0 : i32
    %dma_wait3A_134 = tpu.memref_slice %arg3[%dma_wait3A_133] : memref<320000xi32, #tpu.memory_space<hbm>> -> memref<80xi32, #tpu.memory_space<hbm>>
    %dma_wait3A_135 = arith.constant 0 : i32
    %dma_wait3A_136 = tpu.memref_slice %arg3[%dma_wait3A_135] : memref<320000xi32, #tpu.memory_space<hbm>> -> memref<80xi32, #tpu.memory_space<hbm>>
    tpu.wait_dma2 semaphore(%arg32 : memref<!tpu.dma_semaphore, #tpu.memory_space<semaphore_mem>>) src(%dma_wait3A_136 : memref<80xi32, #tpu.memory_space<hbm>>) dst(%arg11 : memref<80xi32, #tpu.memory_space<vmem>>)
    %dma_wait3A_137 = arith.constant 0 : i32
    %dma_wait3A_138 = tpu.memref_slice %arg3[%dma_wait3A_137] : memref<320000xi32, #tpu.memory_space<hbm>> -> memref<80xi32, #tpu.memory_space<hbm>>
    %dma_wait3A_139 = arith.constant 0 : i32
    %dma_wait3A_140 = tpu.memref_slice %arg3[%dma_wait3A_139] : memref<320000xi32, #tpu.memory_space<hbm>> -> memref<80xi32, #tpu.memory_space<hbm>>
    tpu.wait_dma2 semaphore(%arg32 : memref<!tpu.dma_semaphore, #tpu.memory_space<semaphore_mem>>) src(%dma_wait3A_140 : memref<80xi32, #tpu.memory_space<hbm>>) dst(%arg19 : memref<80xi32, #tpu.memory_space<vmem>>)
    %dma_start3A_141 = arith.constant 0 : i32
    %dma_start3A_142 = arith.constant 0 : i32
    %dma_start3A_143 = tpu.memref_slice %arg2[%dma_start3A_141, %dma_start3A_142] : memref<10000x128xf32, #tpu.memory_space<hbm>> -> memref<10000x128xf32, #tpu.memory_space<hbm>>
    tpu.enqueue_indirect_dma source(%dma_start3A_143 : memref<10000x128xf32, #tpu.memory_space<hbm>>) target(%arg23 : memref<80x128xf32, #tpu.memory_space<vmem>>) offsets(%arg11 : memref<80xi32, #tpu.memory_space<vmem>>) semaphore(%arg36 : memref<!tpu.dma_semaphore, #tpu.memory_space<semaphore_mem>>)
    %dma_wait3A_144 = arith.constant 0 : i32
    %dma_wait3A_145 = arith.constant 0 : i32
    %dma_wait3A_146 = tpu.memref_slice %arg2[%dma_wait3A_144, %dma_wait3A_145] : memref<10000x128xf32, #tpu.memory_space<hbm>> -> memref<80x128xf32, #tpu.memory_space<hbm>>
    %dma_wait3A_147 = arith.constant 0 : i32
    %dma_wait3A_148 = arith.constant 0 : i32
    %dma_wait3A_149 = tpu.memref_slice %arg2[%dma_wait3A_147, %dma_wait3A_148] : memref<10000x128xf32, #tpu.memory_space<hbm>> -> memref<80x128xf32, #tpu.memory_space<hbm>>
    tpu.wait_dma2 semaphore(%arg38 : memref<!tpu.dma_semaphore, #tpu.memory_space<semaphore_mem>>) src(%dma_wait3A_149 : memref<80x128xf32, #tpu.memory_space<hbm>>) dst(%arg25 : memref<80x128xf32, #tpu.memory_space<vmem>>)
    %dma_wait3A_150 = arith.constant 0 : i32
    %dma_wait3A_151 = arith.constant 0 : i32
    %dma_wait3A_152 = tpu.memref_slice %arg27[%dma_wait3A_150, %dma_wait3A_151] : memref<10240x128xf32, #tpu.memory_space<vmem_shared>> -> memref<80x128xf32, #tpu.memory_space<vmem_shared>>
    %dma_wait3A_153 = arith.constant 0 : i32
    %dma_wait3A_154 = arith.constant 0 : i32
    %dma_wait3A_155 = tpu.memref_slice %arg27[%dma_wait3A_153, %dma_wait3A_154] : memref<10240x128xf32, #tpu.memory_space<vmem_shared>> -> memref<80x128xf32, #tpu.memory_space<vmem_shared>>
    tpu.wait_dma2 semaphore(%arg40 : memref<!tpu.dma_semaphore, #tpu.memory_space<semaphore_mem>>) src(%arg24 : memref<80x128xf32, #tpu.memory_space<vmem>>) dst(%dma_wait3A_155 : memref<80x128xf32, #tpu.memory_space<vmem_shared>>)
    %dma_start3A_156 = arith.constant 0 : i32
    %dma_start3A_157 = arith.constant 0 : i32
    %dma_start3A_158 = tpu.memref_slice %arg27[%dma_start3A_156, %dma_start3A_157] : memref<10240x128xf32, #tpu.memory_space<vmem_shared>> -> memref<10240x128xf32, #tpu.memory_space<vmem_shared>>
    tpu.enqueue_indirect_dma source(%arg25 : memref<80x128xf32, #tpu.memory_space<vmem>>) target(%dma_start3A_158 : memref<10240x128xf32, #tpu.memory_space<vmem_shared>>) offsets(%arg17 : memref<80xi32, #tpu.memory_space<vmem>>) semaphore(%arg40 : memref<!tpu.dma_semaphore, #tpu.memory_space<semaphore_mem>>) {add = true}
    %mul3A_159 = arith.constant 10000 : i32
    %mul3A_160 = arith.muli %add3A, %mul3A_159 : i32
    %add3A_161 = arith.constant 640 : i32
    %add3A_162 = arith.addi %mul3A_160, %add3A_161 : i32
    %dma_start3A_163 = tpu.memref_slice %arg3[%add3A_162] : memref<320000xi32, #tpu.memory_space<hbm>> -> memref<80xi32, #tpu.memory_space<hbm>>
    %dma_start3A_164 = tpu.memref_slice %arg3[%add3A_162] : memref<320000xi32, #tpu.memory_space<hbm>> -> memref<80xi32, #tpu.memory_space<hbm>>
    tpu.enqueue_dma source(%dma_start3A_164 : memref<80xi32, #tpu.memory_space<hbm>>) target(%arg7 : memref<80xi32, #tpu.memory_space<vmem>>) target_semaphore(%arg28 : memref<!tpu.dma_semaphore, #tpu.memory_space<semaphore_mem>>)
    %dma_start3A_165 = tpu.memref_slice %arg4[%add3A_162] : memref<320000xi32, #tpu.memory_space<hbm>> -> memref<80xi32, #tpu.memory_space<hbm>>
    %dma_start3A_166 = tpu.memref_slice %arg4[%add3A_162] : memref<320000xi32, #tpu.memory_space<hbm>> -> memref<80xi32, #tpu.memory_space<hbm>>
    tpu.enqueue_dma source(%dma_start3A_166 : memref<80xi32, #tpu.memory_space<hbm>>) target(%arg15 : memref<80xi32, #tpu.memory_space<vmem>>) target_semaphore(%arg28 : memref<!tpu.dma_semaphore, #tpu.memory_space<semaphore_mem>>)
    %dma_wait3A_167 = arith.constant 0 : i32
    %dma_wait3A_168 = tpu.memref_slice %arg3[%dma_wait3A_167] : memref<320000xi32, #tpu.memory_space<hbm>> -> memref<80xi32, #tpu.memory_space<hbm>>
    %dma_wait3A_169 = arith.constant 0 : i32
    %dma_wait3A_170 = tpu.memref_slice %arg3[%dma_wait3A_169] : memref<320000xi32, #tpu.memory_space<hbm>> -> memref<80xi32, #tpu.memory_space<hbm>>
    tpu.wait_dma2 semaphore(%arg33 : memref<!tpu.dma_semaphore, #tpu.memory_space<semaphore_mem>>) src(%dma_wait3A_170 : memref<80xi32, #tpu.memory_space<hbm>>) dst(%arg12 : memref<80xi32, #tpu.memory_space<vmem>>)
    %dma_wait3A_171 = arith.constant 0 : i32
    %dma_wait3A_172 = tpu.memref_slice %arg3[%dma_wait3A_171] : memref<320000xi32, #tpu.memory_space<hbm>> -> memref<80xi32, #tpu.memory_space<hbm>>
    %dma_wait3A_173 = arith.constant 0 : i32
    %dma_wait3A_174 = tpu.memref_slice %arg3[%dma_wait3A_173] : memref<320000xi32, #tpu.memory_space<hbm>> -> memref<80xi32, #tpu.memory_space<hbm>>
    tpu.wait_dma2 semaphore(%arg33 : memref<!tpu.dma_semaphore, #tpu.memory_space<semaphore_mem>>) src(%dma_wait3A_174 : memref<80xi32, #tpu.memory_space<hbm>>) dst(%arg20 : memref<80xi32, #tpu.memory_space<vmem>>)
    %dma_start3A_175 = arith.constant 0 : i32
    %dma_start3A_176 = arith.constant 0 : i32
    %dma_start3A_177 = tpu.memref_slice %arg2[%dma_start3A_175, %dma_start3A_176] : memref<10000x128xf32, #tpu.memory_space<hbm>> -> memref<10000x128xf32, #tpu.memory_space<hbm>>
    tpu.enqueue_indirect_dma source(%dma_start3A_177 : memref<10000x128xf32, #tpu.memory_space<hbm>>) target(%arg24 : memref<80x128xf32, #tpu.memory_space<vmem>>) offsets(%arg12 : memref<80xi32, #tpu.memory_space<vmem>>) semaphore(%arg37 : memref<!tpu.dma_semaphore, #tpu.memory_space<semaphore_mem>>)
    %dma_wait3A_178 = arith.constant 0 : i32
    %dma_wait3A_179 = arith.constant 0 : i32
    %dma_wait3A_180 = tpu.memref_slice %arg2[%dma_wait3A_178, %dma_wait3A_179] : memref<10000x128xf32, #tpu.memory_space<hbm>> -> memref<80x128xf32, #tpu.memory_space<hbm>>
    %dma_wait3A_181 = arith.constant 0 : i32
    %dma_wait3A_182 = arith.constant 0 : i32
    %dma_wait3A_183 = tpu.memref_slice %arg2[%dma_wait3A_181, %dma_wait3A_182] : memref<10000x128xf32, #tpu.memory_space<hbm>> -> memref<80x128xf32, #tpu.memory_space<hbm>>
    tpu.wait_dma2 semaphore(%arg39 : memref<!tpu.dma_semaphore, #tpu.memory_space<semaphore_mem>>) src(%dma_wait3A_183 : memref<80x128xf32, #tpu.memory_space<hbm>>) dst(%arg26 : memref<80x128xf32, #tpu.memory_space<vmem>>)
    %dma_wait3A_184 = arith.constant 0 : i32
    %dma_wait3A_185 = arith.constant 0 : i32
    %dma_wait3A_186 = tpu.memref_slice %arg27[%dma_wait3A_184, %dma_wait3A_185] : memref<10240x128xf32, #tpu.memory_space<vmem_shared>> -> memref<80x128xf32, #tpu.memory_space<vmem_shared>>
    %dma_wait3A_187 = arith.constant 0 : i32
    %dma_wait3A_188 = arith.constant 0 : i32
    %dma_wait3A_189 = tpu.memref_slice %arg27[%dma_wait3A_187, %dma_wait3A_188] : memref<10240x128xf32, #tpu.memory_space<vmem_shared>> -> memref<80x128xf32, #tpu.memory_space<vmem_shared>>
    tpu.wait_dma2 semaphore(%arg40 : memref<!tpu.dma_semaphore, #tpu.memory_space<semaphore_mem>>) src(%arg25 : memref<80x128xf32, #tpu.memory_space<vmem>>) dst(%dma_wait3A_189 : memref<80x128xf32, #tpu.memory_space<vmem_shared>>)
    %dma_start3A_190 = arith.constant 0 : i32
    %dma_start3A_191 = arith.constant 0 : i32
    %dma_start3A_192 = tpu.memref_slice %arg27[%dma_start3A_190, %dma_start3A_191] : memref<10240x128xf32, #tpu.memory_space<vmem_shared>> -> memref<10240x128xf32, #tpu.memory_space<vmem_shared>>
    tpu.enqueue_indirect_dma source(%arg26 : memref<80x128xf32, #tpu.memory_space<vmem>>) target(%dma_start3A_192 : memref<10240x128xf32, #tpu.memory_space<vmem_shared>>) offsets(%arg18 : memref<80xi32, #tpu.memory_space<vmem>>) semaphore(%arg40 : memref<!tpu.dma_semaphore, #tpu.memory_space<semaphore_mem>>) {add = true}
    %mul3A_193 = arith.constant 10000 : i32
    %mul3A_194 = arith.muli %add3A, %mul3A_193 : i32
    %add3A_195 = arith.constant 720 : i32
    %add3A_196 = arith.addi %mul3A_194, %add3A_195 : i32
    %dma_start3A_197 = tpu.memref_slice %arg3[%add3A_196] : memref<320000xi32, #tpu.memory_space<hbm>> -> memref<80xi32, #tpu.memory_space<hbm>>
    %dma_start3A_198 = tpu.memref_slice %arg3[%add3A_196] : memref<320000xi32, #tpu.memory_space<hbm>> -> memref<80xi32, #tpu.memory_space<hbm>>
    tpu.enqueue_dma source(%dma_start3A_198 : memref<80xi32, #tpu.memory_space<hbm>>) target(%arg8 : memref<80xi32, #tpu.memory_space<vmem>>) target_semaphore(%arg29 : memref<!tpu.dma_semaphore, #tpu.memory_space<semaphore_mem>>)
    %dma_start3A_199 = tpu.memref_slice %arg4[%add3A_196] : memref<320000xi32, #tpu.memory_space<hbm>> -> memref<80xi32, #tpu.memory_space<hbm>>
    %dma_start3A_200 = tpu.memref_slice %arg4[%add3A_196] : memref<320000xi32, #tpu.memory_space<hbm>> -> memref<80xi32, #tpu.memory_space<hbm>>
    tpu.enqueue_dma source(%dma_start3A_200 : memref<80xi32, #tpu.memory_space<hbm>>) target(%arg16 : memref<80xi32, #tpu.memory_space<vmem>>) target_semaphore(%arg29 : memref<!tpu.dma_semaphore, #tpu.memory_space<semaphore_mem>>)
    %dma_wait3A_201 = arith.constant 0 : i32
    %dma_wait3A_202 = tpu.memref_slice %arg3[%dma_wait3A_201] : memref<320000xi32, #tpu.memory_space<hbm>> -> memref<80xi32, #tpu.memory_space<hbm>>
    %dma_wait3A_203 = arith.constant 0 : i32
    %dma_wait3A_204 = tpu.memref_slice %arg3[%dma_wait3A_203] : memref<320000xi32, #tpu.memory_space<hbm>> -> memref<80xi32, #tpu.memory_space<hbm>>
    tpu.wait_dma2 semaphore(%arg34 : memref<!tpu.dma_semaphore, #tpu.memory_space<semaphore_mem>>) src(%dma_wait3A_204 : memref<80xi32, #tpu.memory_space<hbm>>) dst(%arg13 : memref<80xi32, #tpu.memory_space<vmem>>)
    %dma_wait3A_205 = arith.constant 0 : i32
    %dma_wait3A_206 = tpu.memref_slice %arg3[%dma_wait3A_205] : memref<320000xi32, #tpu.memory_space<hbm>> -> memref<80xi32, #tpu.memory_space<hbm>>
    %dma_wait3A_207 = arith.constant 0 : i32
    %dma_wait3A_208 = tpu.memref_slice %arg3[%dma_wait3A_207] : memref<320000xi32, #tpu.memory_space<hbm>> -> memref<80xi32, #tpu.memory_space<hbm>>
    tpu.wait_dma2 semaphore(%arg34 : memref<!tpu.dma_semaphore, #tpu.memory_space<semaphore_mem>>) src(%dma_wait3A_208 : memref<80xi32, #tpu.memory_space<hbm>>) dst(%arg21 : memref<80xi32, #tpu.memory_space<vmem>>)
    %dma_start3A_209 = arith.constant 0 : i32
    %dma_start3A_210 = arith.constant 0 : i32
    %dma_start3A_211 = tpu.memref_slice %arg2[%dma_start3A_209, %dma_start3A_210] : memref<10000x128xf32, #tpu.memory_space<hbm>> -> memref<10000x128xf32, #tpu.memory_space<hbm>>
    tpu.enqueue_indirect_dma source(%dma_start3A_211 : memref<10000x128xf32, #tpu.memory_space<hbm>>) target(%arg25 : memref<80x128xf32, #tpu.memory_space<vmem>>) offsets(%arg13 : memref<80xi32, #tpu.memory_space<vmem>>) semaphore(%arg38 : memref<!tpu.dma_semaphore, #tpu.memory_space<semaphore_mem>>)
    %dma_wait3A_212 = arith.constant 0 : i32
    %dma_wait3A_213 = arith.constant 0 : i32
    %dma_wait3A_214 = tpu.memref_slice %arg2[%dma_wait3A_212, %dma_wait3A_213] : memref<10000x128xf32, #tpu.memory_space<hbm>> -> memref<80x128xf32, #tpu.memory_space<hbm>>
    %dma_wait3A_215 = arith.constant 0 : i32
    %dma_wait3A_216 = arith.constant 0 : i32
    %dma_wait3A_217 = tpu.memref_slice %arg2[%dma_wait3A_215, %dma_wait3A_216] : memref<10000x128xf32, #tpu.memory_space<hbm>> -> memref<80x128xf32, #tpu.memory_space<hbm>>
    tpu.wait_dma2 semaphore(%arg36 : memref<!tpu.dma_semaphore, #tpu.memory_space<semaphore_mem>>) src(%dma_wait3A_217 : memref<80x128xf32, #tpu.memory_space<hbm>>) dst(%arg23 : memref<80x128xf32, #tpu.memory_space<vmem>>)
    %dma_wait3A_218 = arith.constant 0 : i32
    %dma_wait3A_219 = arith.constant 0 : i32
    %dma_wait3A_220 = tpu.memref_slice %arg27[%dma_wait3A_218, %dma_wait3A_219] : memref<10240x128xf32, #tpu.memory_space<vmem_shared>> -> memref<80x128xf32, #tpu.memory_space<vmem_shared>>
    %dma_wait3A_221 = arith.constant 0 : i32
    %dma_wait3A_222 = arith.constant 0 : i32
    %dma_wait3A_223 = tpu.memref_slice %arg27[%dma_wait3A_221, %dma_wait3A_222] : memref<10240x128xf32, #tpu.memory_space<vmem_shared>> -> memref<80x128xf32, #tpu.memory_space<vmem_shared>>
    tpu.wait_dma2 semaphore(%arg40 : memref<!tpu.dma_semaphore, #tpu.memory_space<semaphore_mem>>) src(%arg26 : memref<80x128xf32, #tpu.memory_space<vmem>>) dst(%dma_wait3A_223 : memref<80x128xf32, #tpu.memory_space<vmem_shared>>)
    %dma_start3A_224 = arith.constant 0 : i32
    %dma_start3A_225 = arith.constant 0 : i32
    %dma_start3A_226 = tpu.memref_slice %arg27[%dma_start3A_224, %dma_start3A_225] : memref<10240x128xf32, #tpu.memory_space<vmem_shared>> -> memref<10240x128xf32, #tpu.memory_space<vmem_shared>>
    tpu.enqueue_indirect_dma source(%arg23 : memref<80x128xf32, #tpu.memory_space<vmem>>) target(%dma_start3A_226 : memref<10240x128xf32, #tpu.memory_space<vmem_shared>>) offsets(%arg19 : memref<80xi32, #tpu.memory_space<vmem>>) semaphore(%arg40 : memref<!tpu.dma_semaphore, #tpu.memory_space<semaphore_mem>>) {add = true}
    %mul3A_227 = arith.constant 10000 : i32
    %mul3A_228 = arith.muli %add3A, %mul3A_227 : i32
    %add3A_229 = arith.constant 800 : i32
    %add3A_230 = arith.addi %mul3A_228, %add3A_229 : i32
    %dma_start3A_231 = tpu.memref_slice %arg3[%add3A_230] : memref<320000xi32, #tpu.memory_space<hbm>> -> memref<80xi32, #tpu.memory_space<hbm>>
    %dma_start3A_232 = tpu.memref_slice %arg3[%add3A_230] : memref<320000xi32, #tpu.memory_space<hbm>> -> memref<80xi32, #tpu.memory_space<hbm>>
    tpu.enqueue_dma source(%dma_start3A_232 : memref<80xi32, #tpu.memory_space<hbm>>) target(%arg9 : memref<80xi32, #tpu.memory_space<vmem>>) target_semaphore(%arg30 : memref<!tpu.dma_semaphore, #tpu.memory_space<semaphore_mem>>)
    %dma_start3A_233 = tpu.memref_slice %arg4[%add3A_230] : memref<320000xi32, #tpu.memory_space<hbm>> -> memref<80xi32, #tpu.memory_space<hbm>>
    %dma_start3A_234 = tpu.memref_slice %arg4[%add3A_230] : memref<320000xi32, #tpu.memory_space<hbm>> -> memref<80xi32, #tpu.memory_space<hbm>>
    tpu.enqueue_dma source(%dma_start3A_234 : memref<80xi32, #tpu.memory_space<hbm>>) target(%arg17 : memref<80xi32, #tpu.memory_space<vmem>>) target_semaphore(%arg30 : memref<!tpu.dma_semaphore, #tpu.memory_space<semaphore_mem>>)
    %dma_wait3A_235 = arith.constant 0 : i32
    %dma_wait3A_236 = tpu.memref_slice %arg3[%dma_wait3A_235] : memref<320000xi32, #tpu.memory_space<hbm>> -> memref<80xi32, #tpu.memory_space<hbm>>
    %dma_wait3A_237 = arith.constant 0 : i32
    %dma_wait3A_238 = tpu.memref_slice %arg3[%dma_wait3A_237] : memref<320000xi32, #tpu.memory_space<hbm>> -> memref<80xi32, #tpu.memory_space<hbm>>
    tpu.wait_dma2 semaphore(%arg35 : memref<!tpu.dma_semaphore, #tpu.memory_space<semaphore_mem>>) src(%dma_wait3A_238 : memref<80xi32, #tpu.memory_space<hbm>>) dst(%arg14 : memref<80xi32, #tpu.memory_space<vmem>>)
    %dma_wait3A_239 = arith.constant 0 : i32
    %dma_wait3A_240 = tpu.memref_slice %arg3[%dma_wait3A_239] : memref<320000xi32, #tpu.memory_space<hbm>> -> memref<80xi32, #tpu.memory_space<hbm>>
    %dma_wait3A_241 = arith.constant 0 : i32
    %dma_wait3A_242 = tpu.memref_slice %arg3[%dma_wait3A_241] : memref<320000xi32, #tpu.memory_space<hbm>> -> memref<80xi32, #tpu.memory_space<hbm>>
    tpu.wait_dma2 semaphore(%arg35 : memref<!tpu.dma_semaphore, #tpu.memory_space<semaphore_mem>>) src(%dma_wait3A_242 : memref<80xi32, #tpu.memory_space<hbm>>) dst(%arg22 : memref<80xi32, #tpu.memory_space<vmem>>)
    %dma_start3A_243 = arith.constant 0 : i32
    %dma_start3A_244 = arith.constant 0 : i32
    %dma_start3A_245 = tpu.memref_slice %arg2[%dma_start3A_243, %dma_start3A_244] : memref<10000x128xf32, #tpu.memory_space<hbm>> -> memref<10000x128xf32, #tpu.memory_space<hbm>>
    tpu.enqueue_indirect_dma source(%dma_start3A_245 : memref<10000x128xf32, #tpu.memory_space<hbm>>) target(%arg26 : memref<80x128xf32, #tpu.memory_space<vmem>>) offsets(%arg14 : memref<80xi32, #tpu.memory_space<vmem>>) semaphore(%arg39 : memref<!tpu.dma_semaphore, #tpu.memory_space<semaphore_mem>>)
    %dma_wait3A_246 = arith.constant 0 : i32
    %dma_wait3A_247 = arith.constant 0 : i32
    %dma_wait3A_248 = tpu.memref_slice %arg2[%dma_wait3A_246, %dma_wait3A_247] : memref<10000x128xf32, #tpu.memory_space<hbm>> -> memref<80x128xf32, #tpu.memory_space<hbm>>
    %dma_wait3A_249 = arith.constant 0 : i32
    %dma_wait3A_250 = arith.constant 0 : i32
    %dma_wait3A_251 = tpu.memref_slice %arg2[%dma_wait3A_249, %dma_wait3A_250] : memref<10000x128xf32, #tpu.memory_space<hbm>> -> memref<80x128xf32, #tpu.memory_space<hbm>>
    tpu.wait_dma2 semaphore(%arg37 : memref<!tpu.dma_semaphore, #tpu.memory_space<semaphore_mem>>) src(%dma_wait3A_251 : memref<80x128xf32, #tpu.memory_space<hbm>>) dst(%arg24 : memref<80x128xf32, #tpu.memory_space<vmem>>)
    %dma_wait3A_252 = arith.constant 0 : i32
    %dma_wait3A_253 = arith.constant 0 : i32
    %dma_wait3A_254 = tpu.memref_slice %arg27[%dma_wait3A_252, %dma_wait3A_253] : memref<10240x128xf32, #tpu.memory_space<vmem_shared>> -> memref<80x128xf32, #tpu.memory_space<vmem_shared>>
    %dma_wait3A_255 = arith.constant 0 : i32
    %dma_wait3A_256 = arith.constant 0 : i32
    %dma_wait3A_257 = tpu.memref_slice %arg27[%dma_wait3A_255, %dma_wait3A_256] : memref<10240x128xf32, #tpu.memory_space<vmem_shared>> -> memref<80x128xf32, #tpu.memory_space<vmem_shared>>
    tpu.wait_dma2 semaphore(%arg40 : memref<!tpu.dma_semaphore, #tpu.memory_space<semaphore_mem>>) src(%arg23 : memref<80x128xf32, #tpu.memory_space<vmem>>) dst(%dma_wait3A_257 : memref<80x128xf32, #tpu.memory_space<vmem_shared>>)
    %dma_start3A_258 = arith.constant 0 : i32
    %dma_start3A_259 = arith.constant 0 : i32
    %dma_start3A_260 = tpu.memref_slice %arg27[%dma_start3A_258, %dma_start3A_259] : memref<10240x128xf32, #tpu.memory_space<vmem_shared>> -> memref<10240x128xf32, #tpu.memory_space<vmem_shared>>
    tpu.enqueue_indirect_dma source(%arg24 : memref<80x128xf32, #tpu.memory_space<vmem>>) target(%dma_start3A_260 : memref<10240x128xf32, #tpu.memory_space<vmem_shared>>) offsets(%arg20 : memref<80xi32, #tpu.memory_space<vmem>>) semaphore(%arg40 : memref<!tpu.dma_semaphore, #tpu.memory_space<semaphore_mem>>) {add = true}
    %mul3A_261 = arith.constant 10000 : i32
    %mul3A_262 = arith.muli %add3A, %mul3A_261 : i32
    %add3A_263 = arith.constant 880 : i32
    %add3A_264 = arith.addi %mul3A_262, %add3A_263 : i32
    %dma_start3A_265 = tpu.memref_slice %arg3[%add3A_264] : memref<320000xi32, #tpu.memory_space<hbm>> -> memref<80xi32, #tpu.memory_space<hbm>>
    %dma_start3A_266 = tpu.memref_slice %arg3[%add3A_264] : memref<320000xi32, #tpu.memory_space<hbm>> -> memref<80xi32, #tpu.memory_space<hbm>>
    tpu.enqueue_dma source(%dma_start3A_266 : memref<80xi32, #tpu.memory_space<hbm>>) target(%arg10 : memref<80xi32, #tpu.memory_space<vmem>>) target_semaphore(%arg31 : memref<!tpu.dma_semaphore, #tpu.memory_space<semaphore_mem>>)
    %dma_start3A_267 = tpu.memref_slice %arg4[%add3A_264] : memref<320000xi32, #tpu.memory_space<hbm>> -> memref<80xi32, #tpu.memory_space<hbm>>
    %dma_start3A_268 = tpu.memref_slice %arg4[%add3A_264] : memref<320000xi32, #tpu.memory_space<hbm>> -> memref<80xi32, #tpu.memory_space<hbm>>
    tpu.enqueue_dma source(%dma_start3A_268 : memref<80xi32, #tpu.memory_space<hbm>>) target(%arg18 : memref<80xi32, #tpu.memory_space<vmem>>) target_semaphore(%arg31 : memref<!tpu.dma_semaphore, #tpu.memory_space<semaphore_mem>>)
    %dma_wait3A_269 = arith.constant 0 : i32
    %dma_wait3A_270 = tpu.memref_slice %arg3[%dma_wait3A_269] : memref<320000xi32, #tpu.memory_space<hbm>> -> memref<80xi32, #tpu.memory_space<hbm>>
    %dma_wait3A_271 = arith.constant 0 : i32
    %dma_wait3A_272 = tpu.memref_slice %arg3[%dma_wait3A_271] : memref<320000xi32, #tpu.memory_space<hbm>> -> memref<80xi32, #tpu.memory_space<hbm>>
    tpu.wait_dma2 semaphore(%arg28 : memref<!tpu.dma_semaphore, #tpu.memory_space<semaphore_mem>>) src(%dma_wait3A_272 : memref<80xi32, #tpu.memory_space<hbm>>) dst(%arg7 : memref<80xi32, #tpu.memory_space<vmem>>)
    %dma_wait3A_273 = arith.constant 0 : i32
    %dma_wait3A_274 = tpu.memref_slice %arg3[%dma_wait3A_273] : memref<320000xi32, #tpu.memory_space<hbm>> -> memref<80xi32, #tpu.memory_space<hbm>>
    %dma_wait3A_275 = arith.constant 0 : i32
    %dma_wait3A_276 = tpu.memref_slice %arg3[%dma_wait3A_275] : memref<320000xi32, #tpu.memory_space<hbm>> -> memref<80xi32, #tpu.memory_space<hbm>>
    tpu.wait_dma2 semaphore(%arg28 : memref<!tpu.dma_semaphore, #tpu.memory_space<semaphore_mem>>) src(%dma_wait3A_276 : memref<80xi32, #tpu.memory_space<hbm>>) dst(%arg15 : memref<80xi32, #tpu.memory_space<vmem>>)
    %dma_start3A_277 = arith.constant 0 : i32
    %dma_start3A_278 = arith.constant 0 : i32
    %dma_start3A_279 = tpu.memref_slice %arg2[%dma_start3A_277, %dma_start3A_278] : memref<10000x128xf32, #tpu.memory_space<hbm>> -> memref<10000x128xf32, #tpu.memory_space<hbm>>
    tpu.enqueue_indirect_dma source(%dma_start3A_279 : memref<10000x128xf32, #tpu.memory_space<hbm>>) target(%arg23 : memref<80x128xf32, #tpu.memory_space<vmem>>) offsets(%arg7 : memref<80xi32, #tpu.memory_space<vmem>>) semaphore(%arg36 : memref<!tpu.dma_semaphore, #tpu.memory_space<semaphore_mem>>)
    %dma_wait3A_280 = arith.constant 0 : i32
    %dma_wait3A_281 = arith.constant 0 : i32
    %dma_wait3A_282 = tpu.memref_slice %arg2[%dma_wait3A_280, %dma_wait3A_281] : memref<10000x128xf32, #tpu.memory_space<hbm>> -> memref<80x128xf32, #tpu.memory_space<hbm>>
    %dma_wait3A_283 = arith.constant 0 : i32
    %dma_wait3A_284 = arith.constant 0 : i32
    %dma_wait3A_285 = tpu.memref_slice %arg2[%dma_wait3A_283, %dma_wait3A_284] : memref<10000x128xf32, #tpu.memory_space<hbm>> -> memref<80x128xf32, #tpu.memory_space<hbm>>
    tpu.wait_dma2 semaphore(%arg38 : memref<!tpu.dma_semaphore, #tpu.memory_space<semaphore_mem>>) src(%dma_wait3A_285 : memref<80x128xf32, #tpu.memory_space<hbm>>) dst(%arg25 : memref<80x128xf32, #tpu.memory_space<vmem>>)
    %dma_wait3A_286 = arith.constant 0 : i32
    %dma_wait3A_287 = arith.constant 0 : i32
    %dma_wait3A_288 = tpu.memref_slice %arg27[%dma_wait3A_286, %dma_wait3A_287] : memref<10240x128xf32, #tpu.memory_space<vmem_shared>> -> memref<80x128xf32, #tpu.memory_space<vmem_shared>>
    %dma_wait3A_289 = arith.constant 0 : i32
    %dma_wait3A_290 = arith.constant 0 : i32
    %dma_wait3A_291 = tpu.memref_slice %arg27[%dma_wait3A_289, %dma_wait3A_290] : memref<10240x128xf32, #tpu.memory_space<vmem_shared>> -> memref<80x128xf32, #tpu.memory_space<vmem_shared>>
    tpu.wait_dma2 semaphore(%arg40 : memref<!tpu.dma_semaphore, #tpu.memory_space<semaphore_mem>>) src(%arg24 : memref<80x128xf32, #tpu.memory_space<vmem>>) dst(%dma_wait3A_291 : memref<80x128xf32, #tpu.memory_space<vmem_shared>>)
    %dma_start3A_292 = arith.constant 0 : i32
    %dma_start3A_293 = arith.constant 0 : i32
    %dma_start3A_294 = tpu.memref_slice %arg27[%dma_start3A_292, %dma_start3A_293] : memref<10240x128xf32, #tpu.memory_space<vmem_shared>> -> memref<10240x128xf32, #tpu.memory_space<vmem_shared>>
    tpu.enqueue_indirect_dma source(%arg25 : memref<80x128xf32, #tpu.memory_space<vmem>>) target(%dma_start3A_294 : memref<10240x128xf32, #tpu.memory_space<vmem_shared>>) offsets(%arg21 : memref<80xi32, #tpu.memory_space<vmem>>) semaphore(%arg40 : memref<!tpu.dma_semaphore, #tpu.memory_space<semaphore_mem>>) {add = true}
    %mul3A_295 = arith.constant 10000 : i32
    %mul3A_296 = arith.muli %add3A, %mul3A_295 : i32
    %add3A_297 = arith.constant 960 : i32
    %add3A_298 = arith.addi %mul3A_296, %add3A_297 : i32
    %dma_start3A_299 = tpu.memref_slice %arg3[%add3A_298] : memref<320000xi32, #tpu.memory_space<hbm>> -> memref<80xi32, #tpu.memory_space<hbm>>
    %dma_start3A_300 = tpu.memref_slice %arg3[%add3A_298] : memref<320000xi32, #tpu.memory_space<hbm>> -> memref<80xi32, #tpu.memory_space<hbm>>
    tpu.enqueue_dma source(%dma_start3A_300 : memref<80xi32, #tpu.memory_space<hbm>>) target(%arg11 : memref<80xi32, #tpu.memory_space<vmem>>) target_semaphore(%arg32 : memref<!tpu.dma_semaphore, #tpu.memory_space<semaphore_mem>>)
    %dma_start3A_301 = tpu.memref_slice %arg4[%add3A_298] : memref<320000xi32, #tpu.memory_space<hbm>> -> memref<80xi32, #tpu.memory_space<hbm>>
    %dma_start3A_302 = tpu.memref_slice %arg4[%add3A_298] : memref<320000xi32, #tpu.memory_space<hbm>> -> memref<80xi32, #tpu.memory_space<hbm>>
    tpu.enqueue_dma source(%dma_start3A_302 : memref<80xi32, #tpu.memory_space<hbm>>) target(%arg19 : memref<80xi32, #tpu.memory_space<vmem>>) target_semaphore(%arg32 : memref<!tpu.dma_semaphore, #tpu.memory_space<semaphore_mem>>)
    %dma_wait3A_303 = arith.constant 0 : i32
    %dma_wait3A_304 = tpu.memref_slice %arg3[%dma_wait3A_303] : memref<320000xi32, #tpu.memory_space<hbm>> -> memref<80xi32, #tpu.memory_space<hbm>>
    %dma_wait3A_305 = arith.constant 0 : i32
    %dma_wait3A_306 = tpu.memref_slice %arg3[%dma_wait3A_305] : memref<320000xi32, #tpu.memory_space<hbm>> -> memref<80xi32, #tpu.memory_space<hbm>>
    tpu.wait_dma2 semaphore(%arg29 : memref<!tpu.dma_semaphore, #tpu.memory_space<semaphore_mem>>) src(%dma_wait3A_306 : memref<80xi32, #tpu.memory_space<hbm>>) dst(%arg8 : memref<80xi32, #tpu.memory_space<vmem>>)
    %dma_wait3A_307 = arith.constant 0 : i32
    %dma_wait3A_308 = tpu.memref_slice %arg3[%dma_wait3A_307] : memref<320000xi32, #tpu.memory_space<hbm>> -> memref<80xi32, #tpu.memory_space<hbm>>
    %dma_wait3A_309 = arith.constant 0 : i32
    %dma_wait3A_310 = tpu.memref_slice %arg3[%dma_wait3A_309] : memref<320000xi32, #tpu.memory_space<hbm>> -> memref<80xi32, #tpu.memory_space<hbm>>
    tpu.wait_dma2 semaphore(%arg29 : memref<!tpu.dma_semaphore, #tpu.memory_space<semaphore_mem>>) src(%dma_wait3A_310 : memref<80xi32, #tpu.memory_space<hbm>>) dst(%arg16 : memref<80xi32, #tpu.memory_space<vmem>>)
    %dma_start3A_311 = arith.constant 0 : i32
    %dma_start3A_312 = arith.constant 0 : i32
    %dma_start3A_313 = tpu.memref_slice %arg2[%dma_start3A_311, %dma_start3A_312] : memref<10000x128xf32, #tpu.memory_space<hbm>> -> memref<10000x128xf32, #tpu.memory_space<hbm>>
    tpu.enqueue_indirect_dma source(%dma_start3A_313 : memref<10000x128xf32, #tpu.memory_space<hbm>>) target(%arg24 : memref<80x128xf32, #tpu.memory_space<vmem>>) offsets(%arg8 : memref<80xi32, #tpu.memory_space<vmem>>) semaphore(%arg37 : memref<!tpu.dma_semaphore, #tpu.memory_space<semaphore_mem>>)
    %dma_wait3A_314 = arith.constant 0 : i32
    %dma_wait3A_315 = arith.constant 0 : i32
    %dma_wait3A_316 = tpu.memref_slice %arg2[%dma_wait3A_314, %dma_wait3A_315] : memref<10000x128xf32, #tpu.memory_space<hbm>> -> memref<80x128xf32, #tpu.memory_space<hbm>>
    %dma_wait3A_317 = arith.constant 0 : i32
    %dma_wait3A_318 = arith.constant 0 : i32
    %dma_wait3A_319 = tpu.memref_slice %arg2[%dma_wait3A_317, %dma_wait3A_318] : memref<10000x128xf32, #tpu.memory_space<hbm>> -> memref<80x128xf32, #tpu.memory_space<hbm>>
    tpu.wait_dma2 semaphore(%arg39 : memref<!tpu.dma_semaphore, #tpu.memory_space<semaphore_mem>>) src(%dma_wait3A_319 : memref<80x128xf32, #tpu.memory_space<hbm>>) dst(%arg26 : memref<80x128xf32, #tpu.memory_space<vmem>>)
    %dma_wait3A_320 = arith.constant 0 : i32
    %dma_wait3A_321 = arith.constant 0 : i32
    %dma_wait3A_322 = tpu.memref_slice %arg27[%dma_wait3A_320, %dma_wait3A_321] : memref<10240x128xf32, #tpu.memory_space<vmem_shared>> -> memref<80x128xf32, #tpu.memory_space<vmem_shared>>
    %dma_wait3A_323 = arith.constant 0 : i32
    %dma_wait3A_324 = arith.constant 0 : i32
    %dma_wait3A_325 = tpu.memref_slice %arg27[%dma_wait3A_323, %dma_wait3A_324] : memref<10240x128xf32, #tpu.memory_space<vmem_shared>> -> memref<80x128xf32, #tpu.memory_space<vmem_shared>>
    tpu.wait_dma2 semaphore(%arg40 : memref<!tpu.dma_semaphore, #tpu.memory_space<semaphore_mem>>) src(%arg25 : memref<80x128xf32, #tpu.memory_space<vmem>>) dst(%dma_wait3A_325 : memref<80x128xf32, #tpu.memory_space<vmem_shared>>)
    %dma_start3A_326 = arith.constant 0 : i32
    %dma_start3A_327 = arith.constant 0 : i32
    %dma_start3A_328 = tpu.memref_slice %arg27[%dma_start3A_326, %dma_start3A_327] : memref<10240x128xf32, #tpu.memory_space<vmem_shared>> -> memref<10240x128xf32, #tpu.memory_space<vmem_shared>>
    tpu.enqueue_indirect_dma source(%arg26 : memref<80x128xf32, #tpu.memory_space<vmem>>) target(%dma_start3A_328 : memref<10240x128xf32, #tpu.memory_space<vmem_shared>>) offsets(%arg22 : memref<80xi32, #tpu.memory_space<vmem>>) semaphore(%arg40 : memref<!tpu.dma_semaphore, #tpu.memory_space<semaphore_mem>>) {add = true}
    %mul3A_329 = arith.constant 10000 : i32
    %mul3A_330 = arith.muli %add3A, %mul3A_329 : i32
    %add3A_331 = arith.constant 1040 : i32
    %add3A_332 = arith.addi %mul3A_330, %add3A_331 : i32
    %dma_start3A_333 = tpu.memref_slice %arg3[%add3A_332] : memref<320000xi32, #tpu.memory_space<hbm>> -> memref<80xi32, #tpu.memory_space<hbm>>
    %dma_start3A_334 = tpu.memref_slice %arg3[%add3A_332] : memref<320000xi32, #tpu.memory_space<hbm>> -> memref<80xi32, #tpu.memory_space<hbm>>
    tpu.enqueue_dma source(%dma_start3A_334 : memref<80xi32, #tpu.memory_space<hbm>>) target(%arg12 : memref<80xi32, #tpu.memory_space<vmem>>) target_semaphore(%arg33 : memref<!tpu.dma_semaphore, #tpu.memory_space<semaphore_mem>>)
    %dma_start3A_335 = tpu.memref_slice %arg4[%add3A_332] : memref<320000xi32, #tpu.memory_space<hbm>> -> memref<80xi32, #tpu.memory_space<hbm>>
    %dma_start3A_336 = tpu.memref_slice %arg4[%add3A_332] : memref<320000xi32, #tpu.memory_space<hbm>> -> memref<80xi32, #tpu.memory_space<hbm>>
    tpu.enqueue_dma source(%dma_start3A_336 : memref<80xi32, #tpu.memory_space<hbm>>) target(%arg20 : memref<80xi32, #tpu.memory_space<vmem>>) target_semaphore(%arg33 : memref<!tpu.dma_semaphore, #tpu.memory_space<semaphore_mem>>)
    %dma_wait3A_337 = arith.constant 0 : i32
    %dma_wait3A_338 = tpu.memref_slice %arg3[%dma_wait3A_337] : memref<320000xi32, #tpu.memory_space<hbm>> -> memref<80xi32, #tpu.memory_space<hbm>>
    %dma_wait3A_339 = arith.constant 0 : i32
    %dma_wait3A_340 = tpu.memref_slice %arg3[%dma_wait3A_339] : memref<320000xi32, #tpu.memory_space<hbm>> -> memref<80xi32, #tpu.memory_space<hbm>>
    tpu.wait_dma2 semaphore(%arg30 : memref<!tpu.dma_semaphore, #tpu.memory_space<semaphore_mem>>) src(%dma_wait3A_340 : memref<80xi32, #tpu.memory_space<hbm>>) dst(%arg9 : memref<80xi32, #tpu.memory_space<vmem>>)
    %dma_wait3A_341 = arith.constant 0 : i32
    %dma_wait3A_342 = tpu.memref_slice %arg3[%dma_wait3A_341] : memref<320000xi32, #tpu.memory_space<hbm>> -> memref<80xi32, #tpu.memory_space<hbm>>
    %dma_wait3A_343 = arith.constant 0 : i32
    %dma_wait3A_344 = tpu.memref_slice %arg3[%dma_wait3A_343] : memref<320000xi32, #tpu.memory_space<hbm>> -> memref<80xi32, #tpu.memory_space<hbm>>
    tpu.wait_dma2 semaphore(%arg30 : memref<!tpu.dma_semaphore, #tpu.memory_space<semaphore_mem>>) src(%dma_wait3A_344 : memref<80xi32, #tpu.memory_space<hbm>>) dst(%arg17 : memref<80xi32, #tpu.memory_space<vmem>>)
    %dma_start3A_345 = arith.constant 0 : i32
    %dma_start3A_346 = arith.constant 0 : i32
    %dma_start3A_347 = tpu.memref_slice %arg2[%dma_start3A_345, %dma_start3A_346] : memref<10000x128xf32, #tpu.memory_space<hbm>> -> memref<10000x128xf32, #tpu.memory_space<hbm>>
    tpu.enqueue_indirect_dma source(%dma_start3A_347 : memref<10000x128xf32, #tpu.memory_space<hbm>>) target(%arg25 : memref<80x128xf32, #tpu.memory_space<vmem>>) offsets(%arg9 : memref<80xi32, #tpu.memory_space<vmem>>) semaphore(%arg38 : memref<!tpu.dma_semaphore, #tpu.memory_space<semaphore_mem>>)
    %scan3A = arith.constant 0 : i32
    %scan3A_348 = arith.constant 0 : i32
    %scan3A_349 = arith.constant 13 : i32
    %scan3A_350 = arith.addi %scan3A_348, %scan3A_349 : i32
    %scan3A_351 = arith.constant 1 : i32
    scf.for %scan3A_721 = %scan3A_348 to %scan3A_350 step %scan3A_351  : i32 {
      %mul3A_722 = arith.constant 8 : i32
      %mul3A_723 = arith.muli %scan3A_721, %mul3A_722 : i32
      %add3A_724 = arith.constant 8 : i32
      %add3A_725 = arith.addi %add3A_724, %mul3A_723 : i32
      %add3A_726 = arith.constant 0 : i32
      %add3A_727 = arith.addi %add3A_725, %add3A_726 : i32
      %dma_wait3A_728 = arith.constant 0 : i32
      %dma_wait3A_729 = arith.constant 0 : i32
      %dma_wait3A_730 = tpu.memref_slice %arg2[%dma_wait3A_728, %dma_wait3A_729] : memref<10000x128xf32, #tpu.memory_space<hbm>> -> memref<80x128xf32, #tpu.memory_space<hbm>>
      %dma_wait3A_731 = arith.constant 0 : i32
      %dma_wait3A_732 = arith.constant 0 : i32
      %dma_wait3A_733 = tpu.memref_slice %arg2[%dma_wait3A_731, %dma_wait3A_732] : memref<10000x128xf32, #tpu.memory_space<hbm>> -> memref<80x128xf32, #tpu.memory_space<hbm>>
      tpu.wait_dma2 semaphore(%arg36 : memref<!tpu.dma_semaphore, #tpu.memory_space<semaphore_mem>>) src(%dma_wait3A_733 : memref<80x128xf32, #tpu.memory_space<hbm>>) dst(%arg23 : memref<80x128xf32, #tpu.memory_space<vmem>>)
      %dma_wait3A_734 = arith.constant 0 : i32
      %dma_wait3A_735 = arith.constant 0 : i32
      %dma_wait3A_736 = tpu.memref_slice %arg27[%dma_wait3A_734, %dma_wait3A_735] : memref<10240x128xf32, #tpu.memory_space<vmem_shared>> -> memref<80x128xf32, #tpu.memory_space<vmem_shared>>
      %dma_wait3A_737 = arith.constant 0 : i32
      %dma_wait3A_738 = arith.constant 0 : i32
      %dma_wait3A_739 = tpu.memref_slice %arg27[%dma_wait3A_737, %dma_wait3A_738] : memref<10240x128xf32, #tpu.memory_space<vmem_shared>> -> memref<80x128xf32, #tpu.memory_space<vmem_shared>>
      tpu.wait_dma2 semaphore(%arg40 : memref<!tpu.dma_semaphore, #tpu.memory_space<semaphore_mem>>) src(%arg26 : memref<80x128xf32, #tpu.memory_space<vmem>>) dst(%dma_wait3A_739 : memref<80x128xf32, #tpu.memory_space<vmem_shared>>)
      %dma_start3A_740 = arith.constant 0 : i32
      %dma_start3A_741 = arith.constant 0 : i32
      %dma_start3A_742 = tpu.memref_slice %arg27[%dma_start3A_740, %dma_start3A_741] : memref<10240x128xf32, #tpu.memory_space<vmem_shared>> -> memref<10240x128xf32, #tpu.memory_space<vmem_shared>>
      tpu.enqueue_indirect_dma source(%arg23 : memref<80x128xf32, #tpu.memory_space<vmem>>) target(%dma_start3A_742 : memref<10240x128xf32, #tpu.memory_space<vmem_shared>>) offsets(%arg15 : memref<80xi32, #tpu.memory_space<vmem>>) semaphore(%arg40 : memref<!tpu.dma_semaphore, #tpu.memory_space<semaphore_mem>>) {add = true}
      %add3A_743 = arith.constant 6 : i32
      %add3A_744 = arith.addi %add3A_727, %add3A_743 : i32
      %mul3A_745 = arith.constant 10000 : i32
      %mul3A_746 = arith.muli %add3A, %mul3A_745 : i32
      %mul3A_747 = arith.constant 80 : i32
      %mul3A_748 = arith.muli %add3A_744, %mul3A_747 : i32
      %add3A_749 = arith.addi %mul3A_746, %mul3A_748 : i32
      %dma_start3A_750 = tpu.memref_slice %arg3[%add3A_749] : memref<320000xi32, #tpu.memory_space<hbm>> -> memref<80xi32, #tpu.memory_space<hbm>>
      %dma_start3A_751 = tpu.memref_slice %arg3[%add3A_749] : memref<320000xi32, #tpu.memory_space<hbm>> -> memref<80xi32, #tpu.memory_space<hbm>>
      tpu.enqueue_dma source(%dma_start3A_751 : memref<80xi32, #tpu.memory_space<hbm>>) target(%arg13 : memref<80xi32, #tpu.memory_space<vmem>>) target_semaphore(%arg34 : memref<!tpu.dma_semaphore, #tpu.memory_space<semaphore_mem>>)
      %dma_start3A_752 = tpu.memref_slice %arg4[%add3A_749] : memref<320000xi32, #tpu.memory_space<hbm>> -> memref<80xi32, #tpu.memory_space<hbm>>
      %dma_start3A_753 = tpu.memref_slice %arg4[%add3A_749] : memref<320000xi32, #tpu.memory_space<hbm>> -> memref<80xi32, #tpu.memory_space<hbm>>
      tpu.enqueue_dma source(%dma_start3A_753 : memref<80xi32, #tpu.memory_space<hbm>>) target(%arg21 : memref<80xi32, #tpu.memory_space<vmem>>) target_semaphore(%arg34 : memref<!tpu.dma_semaphore, #tpu.memory_space<semaphore_mem>>)
      %dma_wait3A_754 = arith.constant 0 : i32
      %dma_wait3A_755 = tpu.memref_slice %arg3[%dma_wait3A_754] : memref<320000xi32, #tpu.memory_space<hbm>> -> memref<80xi32, #tpu.memory_space<hbm>>
      %dma_wait3A_756 = arith.constant 0 : i32
      %dma_wait3A_757 = tpu.memref_slice %arg3[%dma_wait3A_756] : memref<320000xi32, #tpu.memory_space<hbm>> -> memref<80xi32, #tpu.memory_space<hbm>>
      tpu.wait_dma2 semaphore(%arg31 : memref<!tpu.dma_semaphore, #tpu.memory_space<semaphore_mem>>) src(%dma_wait3A_757 : memref<80xi32, #tpu.memory_space<hbm>>) dst(%arg10 : memref<80xi32, #tpu.memory_space<vmem>>)
      %dma_wait3A_758 = arith.constant 0 : i32
      %dma_wait3A_759 = tpu.memref_slice %arg3[%dma_wait3A_758] : memref<320000xi32, #tpu.memory_space<hbm>> -> memref<80xi32, #tpu.memory_space<hbm>>
      %dma_wait3A_760 = arith.constant 0 : i32
      %dma_wait3A_761 = tpu.memref_slice %arg3[%dma_wait3A_760] : memref<320000xi32, #tpu.memory_space<hbm>> -> memref<80xi32, #tpu.memory_space<hbm>>
      tpu.wait_dma2 semaphore(%arg31 : memref<!tpu.dma_semaphore, #tpu.memory_space<semaphore_mem>>) src(%dma_wait3A_761 : memref<80xi32, #tpu.memory_space<hbm>>) dst(%arg18 : memref<80xi32, #tpu.memory_space<vmem>>)
      %dma_start3A_762 = arith.constant 0 : i32
      %dma_start3A_763 = arith.constant 0 : i32
      %dma_start3A_764 = tpu.memref_slice %arg2[%dma_start3A_762, %dma_start3A_763] : memref<10000x128xf32, #tpu.memory_space<hbm>> -> memref<10000x128xf32, #tpu.memory_space<hbm>>
      tpu.enqueue_indirect_dma source(%dma_start3A_764 : memref<10000x128xf32, #tpu.memory_space<hbm>>) target(%arg26 : memref<80x128xf32, #tpu.memory_space<vmem>>) offsets(%arg10 : memref<80xi32, #tpu.memory_space<vmem>>) semaphore(%arg39 : memref<!tpu.dma_semaphore, #tpu.memory_space<semaphore_mem>>)
      %add3A_765 = arith.constant 1 : i32
      %add3A_766 = arith.addi %add3A_725, %add3A_765 : i32
      %dma_wait3A_767 = arith.constant 0 : i32
      %dma_wait3A_768 = arith.constant 0 : i32
      %dma_wait3A_769 = tpu.memref_slice %arg2[%dma_wait3A_767, %dma_wait3A_768] : memref<10000x128xf32, #tpu.memory_space<hbm>> -> memref<80x128xf32, #tpu.memory_space<hbm>>
      %dma_wait3A_770 = arith.constant 0 : i32
      %dma_wait3A_771 = arith.constant 0 : i32
      %dma_wait3A_772 = tpu.memref_slice %arg2[%dma_wait3A_770, %dma_wait3A_771] : memref<10000x128xf32, #tpu.memory_space<hbm>> -> memref<80x128xf32, #tpu.memory_space<hbm>>
      tpu.wait_dma2 semaphore(%arg37 : memref<!tpu.dma_semaphore, #tpu.memory_space<semaphore_mem>>) src(%dma_wait3A_772 : memref<80x128xf32, #tpu.memory_space<hbm>>) dst(%arg24 : memref<80x128xf32, #tpu.memory_space<vmem>>)
      %dma_wait3A_773 = arith.constant 0 : i32
      %dma_wait3A_774 = arith.constant 0 : i32
      %dma_wait3A_775 = tpu.memref_slice %arg27[%dma_wait3A_773, %dma_wait3A_774] : memref<10240x128xf32, #tpu.memory_space<vmem_shared>> -> memref<80x128xf32, #tpu.memory_space<vmem_shared>>
      %dma_wait3A_776 = arith.constant 0 : i32
      %dma_wait3A_777 = arith.constant 0 : i32
      %dma_wait3A_778 = tpu.memref_slice %arg27[%dma_wait3A_776, %dma_wait3A_777] : memref<10240x128xf32, #tpu.memory_space<vmem_shared>> -> memref<80x128xf32, #tpu.memory_space<vmem_shared>>
      tpu.wait_dma2 semaphore(%arg40 : memref<!tpu.dma_semaphore, #tpu.memory_space<semaphore_mem>>) src(%arg23 : memref<80x128xf32, #tpu.memory_space<vmem>>) dst(%dma_wait3A_778 : memref<80x128xf32, #tpu.memory_space<vmem_shared>>)
      %dma_start3A_779 = arith.constant 0 : i32
      %dma_start3A_780 = arith.constant 0 : i32
      %dma_start3A_781 = tpu.memref_slice %arg27[%dma_start3A_779, %dma_start3A_780] : memref<10240x128xf32, #tpu.memory_space<vmem_shared>> -> memref<10240x128xf32, #tpu.memory_space<vmem_shared>>
      tpu.enqueue_indirect_dma source(%arg24 : memref<80x128xf32, #tpu.memory_space<vmem>>) target(%dma_start3A_781 : memref<10240x128xf32, #tpu.memory_space<vmem_shared>>) offsets(%arg16 : memref<80xi32, #tpu.memory_space<vmem>>) semaphore(%arg40 : memref<!tpu.dma_semaphore, #tpu.memory_space<semaphore_mem>>) {add = true}
      %add3A_782 = arith.constant 6 : i32
      %add3A_783 = arith.addi %add3A_766, %add3A_782 : i32
      %mul3A_784 = arith.constant 10000 : i32
      %mul3A_785 = arith.muli %add3A, %mul3A_784 : i32
      %mul3A_786 = arith.constant 80 : i32
      %mul3A_787 = arith.muli %add3A_783, %mul3A_786 : i32
      %add3A_788 = arith.addi %mul3A_785, %mul3A_787 : i32
      %dma_start3A_789 = tpu.memref_slice %arg3[%add3A_788] : memref<320000xi32, #tpu.memory_space<hbm>> -> memref<80xi32, #tpu.memory_space<hbm>>
      %dma_start3A_790 = tpu.memref_slice %arg3[%add3A_788] : memref<320000xi32, #tpu.memory_space<hbm>> -> memref<80xi32, #tpu.memory_space<hbm>>
      tpu.enqueue_dma source(%dma_start3A_790 : memref<80xi32, #tpu.memory_space<hbm>>) target(%arg14 : memref<80xi32, #tpu.memory_space<vmem>>) target_semaphore(%arg35 : memref<!tpu.dma_semaphore, #tpu.memory_space<semaphore_mem>>)
      %dma_start3A_791 = tpu.memref_slice %arg4[%add3A_788] : memref<320000xi32, #tpu.memory_space<hbm>> -> memref<80xi32, #tpu.memory_space<hbm>>
      %dma_start3A_792 = tpu.memref_slice %arg4[%add3A_788] : memref<320000xi32, #tpu.memory_space<hbm>> -> memref<80xi32, #tpu.memory_space<hbm>>
      tpu.enqueue_dma source(%dma_start3A_792 : memref<80xi32, #tpu.memory_space<hbm>>) target(%arg22 : memref<80xi32, #tpu.memory_space<vmem>>) target_semaphore(%arg35 : memref<!tpu.dma_semaphore, #tpu.memory_space<semaphore_mem>>)
      %dma_wait3A_793 = arith.constant 0 : i32
      %dma_wait3A_794 = tpu.memref_slice %arg3[%dma_wait3A_793] : memref<320000xi32, #tpu.memory_space<hbm>> -> memref<80xi32, #tpu.memory_space<hbm>>
      %dma_wait3A_795 = arith.constant 0 : i32
      %dma_wait3A_796 = tpu.memref_slice %arg3[%dma_wait3A_795] : memref<320000xi32, #tpu.memory_space<hbm>> -> memref<80xi32, #tpu.memory_space<hbm>>
      tpu.wait_dma2 semaphore(%arg32 : memref<!tpu.dma_semaphore, #tpu.memory_space<semaphore_mem>>) src(%dma_wait3A_796 : memref<80xi32, #tpu.memory_space<hbm>>) dst(%arg11 : memref<80xi32, #tpu.memory_space<vmem>>)
      %dma_wait3A_797 = arith.constant 0 : i32
      %dma_wait3A_798 = tpu.memref_slice %arg3[%dma_wait3A_797] : memref<320000xi32, #tpu.memory_space<hbm>> -> memref<80xi32, #tpu.memory_space<hbm>>
      %dma_wait3A_799 = arith.constant 0 : i32
      %dma_wait3A_800 = tpu.memref_slice %arg3[%dma_wait3A_799] : memref<320000xi32, #tpu.memory_space<hbm>> -> memref<80xi32, #tpu.memory_space<hbm>>
      tpu.wait_dma2 semaphore(%arg32 : memref<!tpu.dma_semaphore, #tpu.memory_space<semaphore_mem>>) src(%dma_wait3A_800 : memref<80xi32, #tpu.memory_space<hbm>>) dst(%arg19 : memref<80xi32, #tpu.memory_space<vmem>>)
      %dma_start3A_801 = arith.constant 0 : i32
      %dma_start3A_802 = arith.constant 0 : i32
      %dma_start3A_803 = tpu.memref_slice %arg2[%dma_start3A_801, %dma_start3A_802] : memref<10000x128xf32, #tpu.memory_space<hbm>> -> memref<10000x128xf32, #tpu.memory_space<hbm>>
      tpu.enqueue_indirect_dma source(%dma_start3A_803 : memref<10000x128xf32, #tpu.memory_space<hbm>>) target(%arg23 : memref<80x128xf32, #tpu.memory_space<vmem>>) offsets(%arg11 : memref<80xi32, #tpu.memory_space<vmem>>) semaphore(%arg36 : memref<!tpu.dma_semaphore, #tpu.memory_space<semaphore_mem>>)
      %add3A_804 = arith.constant 2 : i32
      %add3A_805 = arith.addi %add3A_725, %add3A_804 : i32
      %dma_wait3A_806 = arith.constant 0 : i32
      %dma_wait3A_807 = arith.constant 0 : i32
      %dma_wait3A_808 = tpu.memref_slice %arg2[%dma_wait3A_806, %dma_wait3A_807] : memref<10000x128xf32, #tpu.memory_space<hbm>> -> memref<80x128xf32, #tpu.memory_space<hbm>>
      %dma_wait3A_809 = arith.constant 0 : i32
      %dma_wait3A_810 = arith.constant 0 : i32
      %dma_wait3A_811 = tpu.memref_slice %arg2[%dma_wait3A_809, %dma_wait3A_810] : memref<10000x128xf32, #tpu.memory_space<hbm>> -> memref<80x128xf32, #tpu.memory_space<hbm>>
      tpu.wait_dma2 semaphore(%arg38 : memref<!tpu.dma_semaphore, #tpu.memory_space<semaphore_mem>>) src(%dma_wait3A_811 : memref<80x128xf32, #tpu.memory_space<hbm>>) dst(%arg25 : memref<80x128xf32, #tpu.memory_space<vmem>>)
      %dma_wait3A_812 = arith.constant 0 : i32
      %dma_wait3A_813 = arith.constant 0 : i32
      %dma_wait3A_814 = tpu.memref_slice %arg27[%dma_wait3A_812, %dma_wait3A_813] : memref<10240x128xf32, #tpu.memory_space<vmem_shared>> -> memref<80x128xf32, #tpu.memory_space<vmem_shared>>
      %dma_wait3A_815 = arith.constant 0 : i32
      %dma_wait3A_816 = arith.constant 0 : i32
      %dma_wait3A_817 = tpu.memref_slice %arg27[%dma_wait3A_815, %dma_wait3A_816] : memref<10240x128xf32, #tpu.memory_space<vmem_shared>> -> memref<80x128xf32, #tpu.memory_space<vmem_shared>>
      tpu.wait_dma2 semaphore(%arg40 : memref<!tpu.dma_semaphore, #tpu.memory_space<semaphore_mem>>) src(%arg24 : memref<80x128xf32, #tpu.memory_space<vmem>>) dst(%dma_wait3A_817 : memref<80x128xf32, #tpu.memory_space<vmem_shared>>)
      %dma_start3A_818 = arith.constant 0 : i32
      %dma_start3A_819 = arith.constant 0 : i32
      %dma_start3A_820 = tpu.memref_slice %arg27[%dma_start3A_818, %dma_start3A_819] : memref<10240x128xf32, #tpu.memory_space<vmem_shared>> -> memref<10240x128xf32, #tpu.memory_space<vmem_shared>>
      tpu.enqueue_indirect_dma source(%arg25 : memref<80x128xf32, #tpu.memory_space<vmem>>) target(%dma_start3A_820 : memref<10240x128xf32, #tpu.memory_space<vmem_shared>>) offsets(%arg17 : memref<80xi32, #tpu.memory_space<vmem>>) semaphore(%arg40 : memref<!tpu.dma_semaphore, #tpu.memory_space<semaphore_mem>>) {add = true}
      %add3A_821 = arith.constant 6 : i32
      %add3A_822 = arith.addi %add3A_805, %add3A_821 : i32
      %mul3A_823 = arith.constant 10000 : i32
      %mul3A_824 = arith.muli %add3A, %mul3A_823 : i32
      %mul3A_825 = arith.constant 80 : i32
      %mul3A_826 = arith.muli %add3A_822, %mul3A_825 : i32
      %add3A_827 = arith.addi %mul3A_824, %mul3A_826 : i32
      %dma_start3A_828 = tpu.memref_slice %arg3[%add3A_827] : memref<320000xi32, #tpu.memory_space<hbm>> -> memref<80xi32, #tpu.memory_space<hbm>>
      %dma_start3A_829 = tpu.memref_slice %arg3[%add3A_827] : memref<320000xi32, #tpu.memory_space<hbm>> -> memref<80xi32, #tpu.memory_space<hbm>>
      tpu.enqueue_dma source(%dma_start3A_829 : memref<80xi32, #tpu.memory_space<hbm>>) target(%arg7 : memref<80xi32, #tpu.memory_space<vmem>>) target_semaphore(%arg28 : memref<!tpu.dma_semaphore, #tpu.memory_space<semaphore_mem>>)
      %dma_start3A_830 = tpu.memref_slice %arg4[%add3A_827] : memref<320000xi32, #tpu.memory_space<hbm>> -> memref<80xi32, #tpu.memory_space<hbm>>
      %dma_start3A_831 = tpu.memref_slice %arg4[%add3A_827] : memref<320000xi32, #tpu.memory_space<hbm>> -> memref<80xi32, #tpu.memory_space<hbm>>
      tpu.enqueue_dma source(%dma_start3A_831 : memref<80xi32, #tpu.memory_space<hbm>>) target(%arg15 : memref<80xi32, #tpu.memory_space<vmem>>) target_semaphore(%arg28 : memref<!tpu.dma_semaphore, #tpu.memory_space<semaphore_mem>>)
      %dma_wait3A_832 = arith.constant 0 : i32
      %dma_wait3A_833 = tpu.memref_slice %arg3[%dma_wait3A_832] : memref<320000xi32, #tpu.memory_space<hbm>> -> memref<80xi32, #tpu.memory_space<hbm>>
      %dma_wait3A_834 = arith.constant 0 : i32
      %dma_wait3A_835 = tpu.memref_slice %arg3[%dma_wait3A_834] : memref<320000xi32, #tpu.memory_space<hbm>> -> memref<80xi32, #tpu.memory_space<hbm>>
      tpu.wait_dma2 semaphore(%arg33 : memref<!tpu.dma_semaphore, #tpu.memory_space<semaphore_mem>>) src(%dma_wait3A_835 : memref<80xi32, #tpu.memory_space<hbm>>) dst(%arg12 : memref<80xi32, #tpu.memory_space<vmem>>)
      %dma_wait3A_836 = arith.constant 0 : i32
      %dma_wait3A_837 = tpu.memref_slice %arg3[%dma_wait3A_836] : memref<320000xi32, #tpu.memory_space<hbm>> -> memref<80xi32, #tpu.memory_space<hbm>>
      %dma_wait3A_838 = arith.constant 0 : i32
      %dma_wait3A_839 = tpu.memref_slice %arg3[%dma_wait3A_838] : memref<320000xi32, #tpu.memory_space<hbm>> -> memref<80xi32, #tpu.memory_space<hbm>>
      tpu.wait_dma2 semaphore(%arg33 : memref<!tpu.dma_semaphore, #tpu.memory_space<semaphore_mem>>) src(%dma_wait3A_839 : memref<80xi32, #tpu.memory_space<hbm>>) dst(%arg20 : memref<80xi32, #tpu.memory_space<vmem>>)
      %dma_start3A_840 = arith.constant 0 : i32
      %dma_start3A_841 = arith.constant 0 : i32
      %dma_start3A_842 = tpu.memref_slice %arg2[%dma_start3A_840, %dma_start3A_841] : memref<10000x128xf32, #tpu.memory_space<hbm>> -> memref<10000x128xf32, #tpu.memory_space<hbm>>
      tpu.enqueue_indirect_dma source(%dma_start3A_842 : memref<10000x128xf32, #tpu.memory_space<hbm>>) target(%arg24 : memref<80x128xf32, #tpu.memory_space<vmem>>) offsets(%arg12 : memref<80xi32, #tpu.memory_space<vmem>>) semaphore(%arg37 : memref<!tpu.dma_semaphore, #tpu.memory_space<semaphore_mem>>)
      %add3A_843 = arith.constant 3 : i32
      %add3A_844 = arith.addi %add3A_725, %add3A_843 : i32
      %dma_wait3A_845 = arith.constant 0 : i32
      %dma_wait3A_846 = arith.constant 0 : i32
      %dma_wait3A_847 = tpu.memref_slice %arg2[%dma_wait3A_845, %dma_wait3A_846] : memref<10000x128xf32, #tpu.memory_space<hbm>> -> memref<80x128xf32, #tpu.memory_space<hbm>>
      %dma_wait3A_848 = arith.constant 0 : i32
      %dma_wait3A_849 = arith.constant 0 : i32
      %dma_wait3A_850 = tpu.memref_slice %arg2[%dma_wait3A_848, %dma_wait3A_849] : memref<10000x128xf32, #tpu.memory_space<hbm>> -> memref<80x128xf32, #tpu.memory_space<hbm>>
      tpu.wait_dma2 semaphore(%arg39 : memref<!tpu.dma_semaphore, #tpu.memory_space<semaphore_mem>>) src(%dma_wait3A_850 : memref<80x128xf32, #tpu.memory_space<hbm>>) dst(%arg26 : memref<80x128xf32, #tpu.memory_space<vmem>>)
      %dma_wait3A_851 = arith.constant 0 : i32
      %dma_wait3A_852 = arith.constant 0 : i32
      %dma_wait3A_853 = tpu.memref_slice %arg27[%dma_wait3A_851, %dma_wait3A_852] : memref<10240x128xf32, #tpu.memory_space<vmem_shared>> -> memref<80x128xf32, #tpu.memory_space<vmem_shared>>
      %dma_wait3A_854 = arith.constant 0 : i32
      %dma_wait3A_855 = arith.constant 0 : i32
      %dma_wait3A_856 = tpu.memref_slice %arg27[%dma_wait3A_854, %dma_wait3A_855] : memref<10240x128xf32, #tpu.memory_space<vmem_shared>> -> memref<80x128xf32, #tpu.memory_space<vmem_shared>>
      tpu.wait_dma2 semaphore(%arg40 : memref<!tpu.dma_semaphore, #tpu.memory_space<semaphore_mem>>) src(%arg25 : memref<80x128xf32, #tpu.memory_space<vmem>>) dst(%dma_wait3A_856 : memref<80x128xf32, #tpu.memory_space<vmem_shared>>)
      %dma_start3A_857 = arith.constant 0 : i32
      %dma_start3A_858 = arith.constant 0 : i32
      %dma_start3A_859 = tpu.memref_slice %arg27[%dma_start3A_857, %dma_start3A_858] : memref<10240x128xf32, #tpu.memory_space<vmem_shared>> -> memref<10240x128xf32, #tpu.memory_space<vmem_shared>>
      tpu.enqueue_indirect_dma source(%arg26 : memref<80x128xf32, #tpu.memory_space<vmem>>) target(%dma_start3A_859 : memref<10240x128xf32, #tpu.memory_space<vmem_shared>>) offsets(%arg18 : memref<80xi32, #tpu.memory_space<vmem>>) semaphore(%arg40 : memref<!tpu.dma_semaphore, #tpu.memory_space<semaphore_mem>>) {add = true}
      %add3A_860 = arith.constant 6 : i32
      %add3A_861 = arith.addi %add3A_844, %add3A_860 : i32
      %mul3A_862 = arith.constant 10000 : i32
      %mul3A_863 = arith.muli %add3A, %mul3A_862 : i32
      %mul3A_864 = arith.constant 80 : i32
      %mul3A_865 = arith.muli %add3A_861, %mul3A_864 : i32
      %add3A_866 = arith.addi %mul3A_863, %mul3A_865 : i32
      %dma_start3A_867 = tpu.memref_slice %arg3[%add3A_866] : memref<320000xi32, #tpu.memory_space<hbm>> -> memref<80xi32, #tpu.memory_space<hbm>>
      %dma_start3A_868 = tpu.memref_slice %arg3[%add3A_866] : memref<320000xi32, #tpu.memory_space<hbm>> -> memref<80xi32, #tpu.memory_space<hbm>>
      tpu.enqueue_dma source(%dma_start3A_868 : memref<80xi32, #tpu.memory_space<hbm>>) target(%arg8 : memref<80xi32, #tpu.memory_space<vmem>>) target_semaphore(%arg29 : memref<!tpu.dma_semaphore, #tpu.memory_space<semaphore_mem>>)
      %dma_start3A_869 = tpu.memref_slice %arg4[%add3A_866] : memref<320000xi32, #tpu.memory_space<hbm>> -> memref<80xi32, #tpu.memory_space<hbm>>
      %dma_start3A_870 = tpu.memref_slice %arg4[%add3A_866] : memref<320000xi32, #tpu.memory_space<hbm>> -> memref<80xi32, #tpu.memory_space<hbm>>
      tpu.enqueue_dma source(%dma_start3A_870 : memref<80xi32, #tpu.memory_space<hbm>>) target(%arg16 : memref<80xi32, #tpu.memory_space<vmem>>) target_semaphore(%arg29 : memref<!tpu.dma_semaphore, #tpu.memory_space<semaphore_mem>>)
      %dma_wait3A_871 = arith.constant 0 : i32
      %dma_wait3A_872 = tpu.memref_slice %arg3[%dma_wait3A_871] : memref<320000xi32, #tpu.memory_space<hbm>> -> memref<80xi32, #tpu.memory_space<hbm>>
      %dma_wait3A_873 = arith.constant 0 : i32
      %dma_wait3A_874 = tpu.memref_slice %arg3[%dma_wait3A_873] : memref<320000xi32, #tpu.memory_space<hbm>> -> memref<80xi32, #tpu.memory_space<hbm>>
      tpu.wait_dma2 semaphore(%arg34 : memref<!tpu.dma_semaphore, #tpu.memory_space<semaphore_mem>>) src(%dma_wait3A_874 : memref<80xi32, #tpu.memory_space<hbm>>) dst(%arg13 : memref<80xi32, #tpu.memory_space<vmem>>)
      %dma_wait3A_875 = arith.constant 0 : i32
      %dma_wait3A_876 = tpu.memref_slice %arg3[%dma_wait3A_875] : memref<320000xi32, #tpu.memory_space<hbm>> -> memref<80xi32, #tpu.memory_space<hbm>>
      %dma_wait3A_877 = arith.constant 0 : i32
      %dma_wait3A_878 = tpu.memref_slice %arg3[%dma_wait3A_877] : memref<320000xi32, #tpu.memory_space<hbm>> -> memref<80xi32, #tpu.memory_space<hbm>>
      tpu.wait_dma2 semaphore(%arg34 : memref<!tpu.dma_semaphore, #tpu.memory_space<semaphore_mem>>) src(%dma_wait3A_878 : memref<80xi32, #tpu.memory_space<hbm>>) dst(%arg21 : memref<80xi32, #tpu.memory_space<vmem>>)
      %dma_start3A_879 = arith.constant 0 : i32
      %dma_start3A_880 = arith.constant 0 : i32
      %dma_start3A_881 = tpu.memref_slice %arg2[%dma_start3A_879, %dma_start3A_880] : memref<10000x128xf32, #tpu.memory_space<hbm>> -> memref<10000x128xf32, #tpu.memory_space<hbm>>
      tpu.enqueue_indirect_dma source(%dma_start3A_881 : memref<10000x128xf32, #tpu.memory_space<hbm>>) target(%arg25 : memref<80x128xf32, #tpu.memory_space<vmem>>) offsets(%arg13 : memref<80xi32, #tpu.memory_space<vmem>>) semaphore(%arg38 : memref<!tpu.dma_semaphore, #tpu.memory_space<semaphore_mem>>)
      %add3A_882 = arith.constant 4 : i32
      %add3A_883 = arith.addi %add3A_725, %add3A_882 : i32
      %dma_wait3A_884 = arith.constant 0 : i32
      %dma_wait3A_885 = arith.constant 0 : i32
      %dma_wait3A_886 = tpu.memref_slice %arg2[%dma_wait3A_884, %dma_wait3A_885] : memref<10000x128xf32, #tpu.memory_space<hbm>> -> memref<80x128xf32, #tpu.memory_space<hbm>>
      %dma_wait3A_887 = arith.constant 0 : i32
      %dma_wait3A_888 = arith.constant 0 : i32
      %dma_wait3A_889 = tpu.memref_slice %arg2[%dma_wait3A_887, %dma_wait3A_888] : memref<10000x128xf32, #tpu.memory_space<hbm>> -> memref<80x128xf32, #tpu.memory_space<hbm>>
      tpu.wait_dma2 semaphore(%arg36 : memref<!tpu.dma_semaphore, #tpu.memory_space<semaphore_mem>>) src(%dma_wait3A_889 : memref<80x128xf32, #tpu.memory_space<hbm>>) dst(%arg23 : memref<80x128xf32, #tpu.memory_space<vmem>>)
      %dma_wait3A_890 = arith.constant 0 : i32
      %dma_wait3A_891 = arith.constant 0 : i32
      %dma_wait3A_892 = tpu.memref_slice %arg27[%dma_wait3A_890, %dma_wait3A_891] : memref<10240x128xf32, #tpu.memory_space<vmem_shared>> -> memref<80x128xf32, #tpu.memory_space<vmem_shared>>
      %dma_wait3A_893 = arith.constant 0 : i32
      %dma_wait3A_894 = arith.constant 0 : i32
      %dma_wait3A_895 = tpu.memref_slice %arg27[%dma_wait3A_893, %dma_wait3A_894] : memref<10240x128xf32, #tpu.memory_space<vmem_shared>> -> memref<80x128xf32, #tpu.memory_space<vmem_shared>>
      tpu.wait_dma2 semaphore(%arg40 : memref<!tpu.dma_semaphore, #tpu.memory_space<semaphore_mem>>) src(%arg26 : memref<80x128xf32, #tpu.memory_space<vmem>>) dst(%dma_wait3A_895 : memref<80x128xf32, #tpu.memory_space<vmem_shared>>)
      %dma_start3A_896 = arith.constant 0 : i32
      %dma_start3A_897 = arith.constant 0 : i32
      %dma_start3A_898 = tpu.memref_slice %arg27[%dma_start3A_896, %dma_start3A_897] : memref<10240x128xf32, #tpu.memory_space<vmem_shared>> -> memref<10240x128xf32, #tpu.memory_space<vmem_shared>>
      tpu.enqueue_indirect_dma source(%arg23 : memref<80x128xf32, #tpu.memory_space<vmem>>) target(%dma_start3A_898 : memref<10240x128xf32, #tpu.memory_space<vmem_shared>>) offsets(%arg19 : memref<80xi32, #tpu.memory_space<vmem>>) semaphore(%arg40 : memref<!tpu.dma_semaphore, #tpu.memory_space<semaphore_mem>>) {add = true}
      %add3A_899 = arith.constant 6 : i32
      %add3A_900 = arith.addi %add3A_883, %add3A_899 : i32
      %mul3A_901 = arith.constant 10000 : i32
      %mul3A_902 = arith.muli %add3A, %mul3A_901 : i32
      %mul3A_903 = arith.constant 80 : i32
      %mul3A_904 = arith.muli %add3A_900, %mul3A_903 : i32
      %add3A_905 = arith.addi %mul3A_902, %mul3A_904 : i32
      %dma_start3A_906 = tpu.memref_slice %arg3[%add3A_905] : memref<320000xi32, #tpu.memory_space<hbm>> -> memref<80xi32, #tpu.memory_space<hbm>>
      %dma_start3A_907 = tpu.memref_slice %arg3[%add3A_905] : memref<320000xi32, #tpu.memory_space<hbm>> -> memref<80xi32, #tpu.memory_space<hbm>>
      tpu.enqueue_dma source(%dma_start3A_907 : memref<80xi32, #tpu.memory_space<hbm>>) target(%arg9 : memref<80xi32, #tpu.memory_space<vmem>>) target_semaphore(%arg30 : memref<!tpu.dma_semaphore, #tpu.memory_space<semaphore_mem>>)
      %dma_start3A_908 = tpu.memref_slice %arg4[%add3A_905] : memref<320000xi32, #tpu.memory_space<hbm>> -> memref<80xi32, #tpu.memory_space<hbm>>
      %dma_start3A_909 = tpu.memref_slice %arg4[%add3A_905] : memref<320000xi32, #tpu.memory_space<hbm>> -> memref<80xi32, #tpu.memory_space<hbm>>
      tpu.enqueue_dma source(%dma_start3A_909 : memref<80xi32, #tpu.memory_space<hbm>>) target(%arg17 : memref<80xi32, #tpu.memory_space<vmem>>) target_semaphore(%arg30 : memref<!tpu.dma_semaphore, #tpu.memory_space<semaphore_mem>>)
      %dma_wait3A_910 = arith.constant 0 : i32
      %dma_wait3A_911 = tpu.memref_slice %arg3[%dma_wait3A_910] : memref<320000xi32, #tpu.memory_space<hbm>> -> memref<80xi32, #tpu.memory_space<hbm>>
      %dma_wait3A_912 = arith.constant 0 : i32
      %dma_wait3A_913 = tpu.memref_slice %arg3[%dma_wait3A_912] : memref<320000xi32, #tpu.memory_space<hbm>> -> memref<80xi32, #tpu.memory_space<hbm>>
      tpu.wait_dma2 semaphore(%arg35 : memref<!tpu.dma_semaphore, #tpu.memory_space<semaphore_mem>>) src(%dma_wait3A_913 : memref<80xi32, #tpu.memory_space<hbm>>) dst(%arg14 : memref<80xi32, #tpu.memory_space<vmem>>)
      %dma_wait3A_914 = arith.constant 0 : i32
      %dma_wait3A_915 = tpu.memref_slice %arg3[%dma_wait3A_914] : memref<320000xi32, #tpu.memory_space<hbm>> -> memref<80xi32, #tpu.memory_space<hbm>>
      %dma_wait3A_916 = arith.constant 0 : i32
      %dma_wait3A_917 = tpu.memref_slice %arg3[%dma_wait3A_916] : memref<320000xi32, #tpu.memory_space<hbm>> -> memref<80xi32, #tpu.memory_space<hbm>>
      tpu.wait_dma2 semaphore(%arg35 : memref<!tpu.dma_semaphore, #tpu.memory_space<semaphore_mem>>) src(%dma_wait3A_917 : memref<80xi32, #tpu.memory_space<hbm>>) dst(%arg22 : memref<80xi32, #tpu.memory_space<vmem>>)
      %dma_start3A_918 = arith.constant 0 : i32
      %dma_start3A_919 = arith.constant 0 : i32
      %dma_start3A_920 = tpu.memref_slice %arg2[%dma_start3A_918, %dma_start3A_919] : memref<10000x128xf32, #tpu.memory_space<hbm>> -> memref<10000x128xf32, #tpu.memory_space<hbm>>
      tpu.enqueue_indirect_dma source(%dma_start3A_920 : memref<10000x128xf32, #tpu.memory_space<hbm>>) target(%arg26 : memref<80x128xf32, #tpu.memory_space<vmem>>) offsets(%arg14 : memref<80xi32, #tpu.memory_space<vmem>>) semaphore(%arg39 : memref<!tpu.dma_semaphore, #tpu.memory_space<semaphore_mem>>)
      %add3A_921 = arith.constant 5 : i32
      %add3A_922 = arith.addi %add3A_725, %add3A_921 : i32
      %dma_wait3A_923 = arith.constant 0 : i32
      %dma_wait3A_924 = arith.constant 0 : i32
      %dma_wait3A_925 = tpu.memref_slice %arg2[%dma_wait3A_923, %dma_wait3A_924] : memref<10000x128xf32, #tpu.memory_space<hbm>> -> memref<80x128xf32, #tpu.memory_space<hbm>>
      %dma_wait3A_926 = arith.constant 0 : i32
      %dma_wait3A_927 = arith.constant 0 : i32
      %dma_wait3A_928 = tpu.memref_slice %arg2[%dma_wait3A_926, %dma_wait3A_927] : memref<10000x128xf32, #tpu.memory_space<hbm>> -> memref<80x128xf32, #tpu.memory_space<hbm>>
      tpu.wait_dma2 semaphore(%arg37 : memref<!tpu.dma_semaphore, #tpu.memory_space<semaphore_mem>>) src(%dma_wait3A_928 : memref<80x128xf32, #tpu.memory_space<hbm>>) dst(%arg24 : memref<80x128xf32, #tpu.memory_space<vmem>>)
      %dma_wait3A_929 = arith.constant 0 : i32
      %dma_wait3A_930 = arith.constant 0 : i32
      %dma_wait3A_931 = tpu.memref_slice %arg27[%dma_wait3A_929, %dma_wait3A_930] : memref<10240x128xf32, #tpu.memory_space<vmem_shared>> -> memref<80x128xf32, #tpu.memory_space<vmem_shared>>
      %dma_wait3A_932 = arith.constant 0 : i32
      %dma_wait3A_933 = arith.constant 0 : i32
      %dma_wait3A_934 = tpu.memref_slice %arg27[%dma_wait3A_932, %dma_wait3A_933] : memref<10240x128xf32, #tpu.memory_space<vmem_shared>> -> memref<80x128xf32, #tpu.memory_space<vmem_shared>>
      tpu.wait_dma2 semaphore(%arg40 : memref<!tpu.dma_semaphore, #tpu.memory_space<semaphore_mem>>) src(%arg23 : memref<80x128xf32, #tpu.memory_space<vmem>>) dst(%dma_wait3A_934 : memref<80x128xf32, #tpu.memory_space<vmem_shared>>)
      %dma_start3A_935 = arith.constant 0 : i32
      %dma_start3A_936 = arith.constant 0 : i32
      %dma_start3A_937 = tpu.memref_slice %arg27[%dma_start3A_935, %dma_start3A_936] : memref<10240x128xf32, #tpu.memory_space<vmem_shared>> -> memref<10240x128xf32, #tpu.memory_space<vmem_shared>>
      tpu.enqueue_indirect_dma source(%arg24 : memref<80x128xf32, #tpu.memory_space<vmem>>) target(%dma_start3A_937 : memref<10240x128xf32, #tpu.memory_space<vmem_shared>>) offsets(%arg20 : memref<80xi32, #tpu.memory_space<vmem>>) semaphore(%arg40 : memref<!tpu.dma_semaphore, #tpu.memory_space<semaphore_mem>>) {add = true}
      %add3A_938 = arith.constant 6 : i32
      %add3A_939 = arith.addi %add3A_922, %add3A_938 : i32
      %mul3A_940 = arith.constant 10000 : i32
      %mul3A_941 = arith.muli %add3A, %mul3A_940 : i32
      %mul3A_942 = arith.constant 80 : i32
      %mul3A_943 = arith.muli %add3A_939, %mul3A_942 : i32
      %add3A_944 = arith.addi %mul3A_941, %mul3A_943 : i32
      %dma_start3A_945 = tpu.memref_slice %arg3[%add3A_944] : memref<320000xi32, #tpu.memory_space<hbm>> -> memref<80xi32, #tpu.memory_space<hbm>>
      %dma_start3A_946 = tpu.memref_slice %arg3[%add3A_944] : memref<320000xi32, #tpu.memory_space<hbm>> -> memref<80xi32, #tpu.memory_space<hbm>>
      tpu.enqueue_dma source(%dma_start3A_946 : memref<80xi32, #tpu.memory_space<hbm>>) target(%arg10 : memref<80xi32, #tpu.memory_space<vmem>>) target_semaphore(%arg31 : memref<!tpu.dma_semaphore, #tpu.memory_space<semaphore_mem>>)
      %dma_start3A_947 = tpu.memref_slice %arg4[%add3A_944] : memref<320000xi32, #tpu.memory_space<hbm>> -> memref<80xi32, #tpu.memory_space<hbm>>
      %dma_start3A_948 = tpu.memref_slice %arg4[%add3A_944] : memref<320000xi32, #tpu.memory_space<hbm>> -> memref<80xi32, #tpu.memory_space<hbm>>
      tpu.enqueue_dma source(%dma_start3A_948 : memref<80xi32, #tpu.memory_space<hbm>>) target(%arg18 : memref<80xi32, #tpu.memory_space<vmem>>) target_semaphore(%arg31 : memref<!tpu.dma_semaphore, #tpu.memory_space<semaphore_mem>>)
      %dma_wait3A_949 = arith.constant 0 : i32
      %dma_wait3A_950 = tpu.memref_slice %arg3[%dma_wait3A_949] : memref<320000xi32, #tpu.memory_space<hbm>> -> memref<80xi32, #tpu.memory_space<hbm>>
      %dma_wait3A_951 = arith.constant 0 : i32
      %dma_wait3A_952 = tpu.memref_slice %arg3[%dma_wait3A_951] : memref<320000xi32, #tpu.memory_space<hbm>> -> memref<80xi32, #tpu.memory_space<hbm>>
      tpu.wait_dma2 semaphore(%arg28 : memref<!tpu.dma_semaphore, #tpu.memory_space<semaphore_mem>>) src(%dma_wait3A_952 : memref<80xi32, #tpu.memory_space<hbm>>) dst(%arg7 : memref<80xi32, #tpu.memory_space<vmem>>)
      %dma_wait3A_953 = arith.constant 0 : i32
      %dma_wait3A_954 = tpu.memref_slice %arg3[%dma_wait3A_953] : memref<320000xi32, #tpu.memory_space<hbm>> -> memref<80xi32, #tpu.memory_space<hbm>>
      %dma_wait3A_955 = arith.constant 0 : i32
      %dma_wait3A_956 = tpu.memref_slice %arg3[%dma_wait3A_955] : memref<320000xi32, #tpu.memory_space<hbm>> -> memref<80xi32, #tpu.memory_space<hbm>>
      tpu.wait_dma2 semaphore(%arg28 : memref<!tpu.dma_semaphore, #tpu.memory_space<semaphore_mem>>) src(%dma_wait3A_956 : memref<80xi32, #tpu.memory_space<hbm>>) dst(%arg15 : memref<80xi32, #tpu.memory_space<vmem>>)
      %dma_start3A_957 = arith.constant 0 : i32
      %dma_start3A_958 = arith.constant 0 : i32
      %dma_start3A_959 = tpu.memref_slice %arg2[%dma_start3A_957, %dma_start3A_958] : memref<10000x128xf32, #tpu.memory_space<hbm>> -> memref<10000x128xf32, #tpu.memory_space<hbm>>
      tpu.enqueue_indirect_dma source(%dma_start3A_959 : memref<10000x128xf32, #tpu.memory_space<hbm>>) target(%arg23 : memref<80x128xf32, #tpu.memory_space<vmem>>) offsets(%arg7 : memref<80xi32, #tpu.memory_space<vmem>>) semaphore(%arg36 : memref<!tpu.dma_semaphore, #tpu.memory_space<semaphore_mem>>)
      %add3A_960 = arith.constant 6 : i32
      %add3A_961 = arith.addi %add3A_725, %add3A_960 : i32
      %dma_wait3A_962 = arith.constant 0 : i32
      %dma_wait3A_963 = arith.constant 0 : i32
      %dma_wait3A_964 = tpu.memref_slice %arg2[%dma_wait3A_962, %dma_wait3A_963] : memref<10000x128xf32, #tpu.memory_space<hbm>> -> memref<80x128xf32, #tpu.memory_space<hbm>>
      %dma_wait3A_965 = arith.constant 0 : i32
      %dma_wait3A_966 = arith.constant 0 : i32
      %dma_wait3A_967 = tpu.memref_slice %arg2[%dma_wait3A_965, %dma_wait3A_966] : memref<10000x128xf32, #tpu.memory_space<hbm>> -> memref<80x128xf32, #tpu.memory_space<hbm>>
      tpu.wait_dma2 semaphore(%arg38 : memref<!tpu.dma_semaphore, #tpu.memory_space<semaphore_mem>>) src(%dma_wait3A_967 : memref<80x128xf32, #tpu.memory_space<hbm>>) dst(%arg25 : memref<80x128xf32, #tpu.memory_space<vmem>>)
      %dma_wait3A_968 = arith.constant 0 : i32
      %dma_wait3A_969 = arith.constant 0 : i32
      %dma_wait3A_970 = tpu.memref_slice %arg27[%dma_wait3A_968, %dma_wait3A_969] : memref<10240x128xf32, #tpu.memory_space<vmem_shared>> -> memref<80x128xf32, #tpu.memory_space<vmem_shared>>
      %dma_wait3A_971 = arith.constant 0 : i32
      %dma_wait3A_972 = arith.constant 0 : i32
      %dma_wait3A_973 = tpu.memref_slice %arg27[%dma_wait3A_971, %dma_wait3A_972] : memref<10240x128xf32, #tpu.memory_space<vmem_shared>> -> memref<80x128xf32, #tpu.memory_space<vmem_shared>>
      tpu.wait_dma2 semaphore(%arg40 : memref<!tpu.dma_semaphore, #tpu.memory_space<semaphore_mem>>) src(%arg24 : memref<80x128xf32, #tpu.memory_space<vmem>>) dst(%dma_wait3A_973 : memref<80x128xf32, #tpu.memory_space<vmem_shared>>)
      %dma_start3A_974 = arith.constant 0 : i32
      %dma_start3A_975 = arith.constant 0 : i32
      %dma_start3A_976 = tpu.memref_slice %arg27[%dma_start3A_974, %dma_start3A_975] : memref<10240x128xf32, #tpu.memory_space<vmem_shared>> -> memref<10240x128xf32, #tpu.memory_space<vmem_shared>>
      tpu.enqueue_indirect_dma source(%arg25 : memref<80x128xf32, #tpu.memory_space<vmem>>) target(%dma_start3A_976 : memref<10240x128xf32, #tpu.memory_space<vmem_shared>>) offsets(%arg21 : memref<80xi32, #tpu.memory_space<vmem>>) semaphore(%arg40 : memref<!tpu.dma_semaphore, #tpu.memory_space<semaphore_mem>>) {add = true}
      %add3A_977 = arith.constant 6 : i32
      %add3A_978 = arith.addi %add3A_961, %add3A_977 : i32
      %mul3A_979 = arith.constant 10000 : i32
      %mul3A_980 = arith.muli %add3A, %mul3A_979 : i32
      %mul3A_981 = arith.constant 80 : i32
      %mul3A_982 = arith.muli %add3A_978, %mul3A_981 : i32
      %add3A_983 = arith.addi %mul3A_980, %mul3A_982 : i32
      %dma_start3A_984 = tpu.memref_slice %arg3[%add3A_983] : memref<320000xi32, #tpu.memory_space<hbm>> -> memref<80xi32, #tpu.memory_space<hbm>>
      %dma_start3A_985 = tpu.memref_slice %arg3[%add3A_983] : memref<320000xi32, #tpu.memory_space<hbm>> -> memref<80xi32, #tpu.memory_space<hbm>>
      tpu.enqueue_dma source(%dma_start3A_985 : memref<80xi32, #tpu.memory_space<hbm>>) target(%arg11 : memref<80xi32, #tpu.memory_space<vmem>>) target_semaphore(%arg32 : memref<!tpu.dma_semaphore, #tpu.memory_space<semaphore_mem>>)
      %dma_start3A_986 = tpu.memref_slice %arg4[%add3A_983] : memref<320000xi32, #tpu.memory_space<hbm>> -> memref<80xi32, #tpu.memory_space<hbm>>
      %dma_start3A_987 = tpu.memref_slice %arg4[%add3A_983] : memref<320000xi32, #tpu.memory_space<hbm>> -> memref<80xi32, #tpu.memory_space<hbm>>
      tpu.enqueue_dma source(%dma_start3A_987 : memref<80xi32, #tpu.memory_space<hbm>>) target(%arg19 : memref<80xi32, #tpu.memory_space<vmem>>) target_semaphore(%arg32 : memref<!tpu.dma_semaphore, #tpu.memory_space<semaphore_mem>>)
      %dma_wait3A_988 = arith.constant 0 : i32
      %dma_wait3A_989 = tpu.memref_slice %arg3[%dma_wait3A_988] : memref<320000xi32, #tpu.memory_space<hbm>> -> memref<80xi32, #tpu.memory_space<hbm>>
      %dma_wait3A_990 = arith.constant 0 : i32
      %dma_wait3A_991 = tpu.memref_slice %arg3[%dma_wait3A_990] : memref<320000xi32, #tpu.memory_space<hbm>> -> memref<80xi32, #tpu.memory_space<hbm>>
      tpu.wait_dma2 semaphore(%arg29 : memref<!tpu.dma_semaphore, #tpu.memory_space<semaphore_mem>>) src(%dma_wait3A_991 : memref<80xi32, #tpu.memory_space<hbm>>) dst(%arg8 : memref<80xi32, #tpu.memory_space<vmem>>)
      %dma_wait3A_992 = arith.constant 0 : i32
      %dma_wait3A_993 = tpu.memref_slice %arg3[%dma_wait3A_992] : memref<320000xi32, #tpu.memory_space<hbm>> -> memref<80xi32, #tpu.memory_space<hbm>>
      %dma_wait3A_994 = arith.constant 0 : i32
      %dma_wait3A_995 = tpu.memref_slice %arg3[%dma_wait3A_994] : memref<320000xi32, #tpu.memory_space<hbm>> -> memref<80xi32, #tpu.memory_space<hbm>>
      tpu.wait_dma2 semaphore(%arg29 : memref<!tpu.dma_semaphore, #tpu.memory_space<semaphore_mem>>) src(%dma_wait3A_995 : memref<80xi32, #tpu.memory_space<hbm>>) dst(%arg16 : memref<80xi32, #tpu.memory_space<vmem>>)
      %dma_start3A_996 = arith.constant 0 : i32
      %dma_start3A_997 = arith.constant 0 : i32
      %dma_start3A_998 = tpu.memref_slice %arg2[%dma_start3A_996, %dma_start3A_997] : memref<10000x128xf32, #tpu.memory_space<hbm>> -> memref<10000x128xf32, #tpu.memory_space<hbm>>
      tpu.enqueue_indirect_dma source(%dma_start3A_998 : memref<10000x128xf32, #tpu.memory_space<hbm>>) target(%arg24 : memref<80x128xf32, #tpu.memory_space<vmem>>) offsets(%arg8 : memref<80xi32, #tpu.memory_space<vmem>>) semaphore(%arg37 : memref<!tpu.dma_semaphore, #tpu.memory_space<semaphore_mem>>)
      %add3A_999 = arith.constant 7 : i32
      %add3A_1000 = arith.addi %add3A_725, %add3A_999 : i32
      %dma_wait3A_1001 = arith.constant 0 : i32
      %dma_wait3A_1002 = arith.constant 0 : i32
      %dma_wait3A_1003 = tpu.memref_slice %arg2[%dma_wait3A_1001, %dma_wait3A_1002] : memref<10000x128xf32, #tpu.memory_space<hbm>> -> memref<80x128xf32, #tpu.memory_space<hbm>>
      %dma_wait3A_1004 = arith.constant 0 : i32
      %dma_wait3A_1005 = arith.constant 0 : i32
      %dma_wait3A_1006 = tpu.memref_slice %arg2[%dma_wait3A_1004, %dma_wait3A_1005] : memref<10000x128xf32, #tpu.memory_space<hbm>> -> memref<80x128xf32, #tpu.memory_space<hbm>>
      tpu.wait_dma2 semaphore(%arg39 : memref<!tpu.dma_semaphore, #tpu.memory_space<semaphore_mem>>) src(%dma_wait3A_1006 : memref<80x128xf32, #tpu.memory_space<hbm>>) dst(%arg26 : memref<80x128xf32, #tpu.memory_space<vmem>>)
      %dma_wait3A_1007 = arith.constant 0 : i32
      %dma_wait3A_1008 = arith.constant 0 : i32
      %dma_wait3A_1009 = tpu.memref_slice %arg27[%dma_wait3A_1007, %dma_wait3A_1008] : memref<10240x128xf32, #tpu.memory_space<vmem_shared>> -> memref<80x128xf32, #tpu.memory_space<vmem_shared>>
      %dma_wait3A_1010 = arith.constant 0 : i32
      %dma_wait3A_1011 = arith.constant 0 : i32
      %dma_wait3A_1012 = tpu.memref_slice %arg27[%dma_wait3A_1010, %dma_wait3A_1011] : memref<10240x128xf32, #tpu.memory_space<vmem_shared>> -> memref<80x128xf32, #tpu.memory_space<vmem_shared>>
      tpu.wait_dma2 semaphore(%arg40 : memref<!tpu.dma_semaphore, #tpu.memory_space<semaphore_mem>>) src(%arg25 : memref<80x128xf32, #tpu.memory_space<vmem>>) dst(%dma_wait3A_1012 : memref<80x128xf32, #tpu.memory_space<vmem_shared>>)
      %dma_start3A_1013 = arith.constant 0 : i32
      %dma_start3A_1014 = arith.constant 0 : i32
      %dma_start3A_1015 = tpu.memref_slice %arg27[%dma_start3A_1013, %dma_start3A_1014] : memref<10240x128xf32, #tpu.memory_space<vmem_shared>> -> memref<10240x128xf32, #tpu.memory_space<vmem_shared>>
      tpu.enqueue_indirect_dma source(%arg26 : memref<80x128xf32, #tpu.memory_space<vmem>>) target(%dma_start3A_1015 : memref<10240x128xf32, #tpu.memory_space<vmem_shared>>) offsets(%arg22 : memref<80xi32, #tpu.memory_space<vmem>>) semaphore(%arg40 : memref<!tpu.dma_semaphore, #tpu.memory_space<semaphore_mem>>) {add = true}
      %add3A_1016 = arith.constant 6 : i32
      %add3A_1017 = arith.addi %add3A_1000, %add3A_1016 : i32
      %mul3A_1018 = arith.constant 10000 : i32
      %mul3A_1019 = arith.muli %add3A, %mul3A_1018 : i32
      %mul3A_1020 = arith.constant 80 : i32
      %mul3A_1021 = arith.muli %add3A_1017, %mul3A_1020 : i32
      %add3A_1022 = arith.addi %mul3A_1019, %mul3A_1021 : i32
      %dma_start3A_1023 = tpu.memref_slice %arg3[%add3A_1022] : memref<320000xi32, #tpu.memory_space<hbm>> -> memref<80xi32, #tpu.memory_space<hbm>>
      %dma_start3A_1024 = tpu.memref_slice %arg3[%add3A_1022] : memref<320000xi32, #tpu.memory_space<hbm>> -> memref<80xi32, #tpu.memory_space<hbm>>
      tpu.enqueue_dma source(%dma_start3A_1024 : memref<80xi32, #tpu.memory_space<hbm>>) target(%arg12 : memref<80xi32, #tpu.memory_space<vmem>>) target_semaphore(%arg33 : memref<!tpu.dma_semaphore, #tpu.memory_space<semaphore_mem>>)
      %dma_start3A_1025 = tpu.memref_slice %arg4[%add3A_1022] : memref<320000xi32, #tpu.memory_space<hbm>> -> memref<80xi32, #tpu.memory_space<hbm>>
      %dma_start3A_1026 = tpu.memref_slice %arg4[%add3A_1022] : memref<320000xi32, #tpu.memory_space<hbm>> -> memref<80xi32, #tpu.memory_space<hbm>>
      tpu.enqueue_dma source(%dma_start3A_1026 : memref<80xi32, #tpu.memory_space<hbm>>) target(%arg20 : memref<80xi32, #tpu.memory_space<vmem>>) target_semaphore(%arg33 : memref<!tpu.dma_semaphore, #tpu.memory_space<semaphore_mem>>)
      %dma_wait3A_1027 = arith.constant 0 : i32
      %dma_wait3A_1028 = tpu.memref_slice %arg3[%dma_wait3A_1027] : memref<320000xi32, #tpu.memory_space<hbm>> -> memref<80xi32, #tpu.memory_space<hbm>>
      %dma_wait3A_1029 = arith.constant 0 : i32
      %dma_wait3A_1030 = tpu.memref_slice %arg3[%dma_wait3A_1029] : memref<320000xi32, #tpu.memory_space<hbm>> -> memref<80xi32, #tpu.memory_space<hbm>>
      tpu.wait_dma2 semaphore(%arg30 : memref<!tpu.dma_semaphore, #tpu.memory_space<semaphore_mem>>) src(%dma_wait3A_1030 : memref<80xi32, #tpu.memory_space<hbm>>) dst(%arg9 : memref<80xi32, #tpu.memory_space<vmem>>)
      %dma_wait3A_1031 = arith.constant 0 : i32
      %dma_wait3A_1032 = tpu.memref_slice %arg3[%dma_wait3A_1031] : memref<320000xi32, #tpu.memory_space<hbm>> -> memref<80xi32, #tpu.memory_space<hbm>>
      %dma_wait3A_1033 = arith.constant 0 : i32
      %dma_wait3A_1034 = tpu.memref_slice %arg3[%dma_wait3A_1033] : memref<320000xi32, #tpu.memory_space<hbm>> -> memref<80xi32, #tpu.memory_space<hbm>>
      tpu.wait_dma2 semaphore(%arg30 : memref<!tpu.dma_semaphore, #tpu.memory_space<semaphore_mem>>) src(%dma_wait3A_1034 : memref<80xi32, #tpu.memory_space<hbm>>) dst(%arg17 : memref<80xi32, #tpu.memory_space<vmem>>)
      %dma_start3A_1035 = arith.constant 0 : i32
      %dma_start3A_1036 = arith.constant 0 : i32
      %dma_start3A_1037 = tpu.memref_slice %arg2[%dma_start3A_1035, %dma_start3A_1036] : memref<10000x128xf32, #tpu.memory_space<hbm>> -> memref<10000x128xf32, #tpu.memory_space<hbm>>
      tpu.enqueue_indirect_dma source(%dma_start3A_1037 : memref<10000x128xf32, #tpu.memory_space<hbm>>) target(%arg25 : memref<80x128xf32, #tpu.memory_space<vmem>>) offsets(%arg9 : memref<80xi32, #tpu.memory_space<vmem>>) semaphore(%arg38 : memref<!tpu.dma_semaphore, #tpu.memory_space<semaphore_mem>>)
    }
    %scan3A_352 = arith.constant 13 : i32
    %dma_wait3A_353 = arith.constant 0 : i32
    %dma_wait3A_354 = arith.constant 0 : i32
    %dma_wait3A_355 = tpu.memref_slice %arg2[%dma_wait3A_353, %dma_wait3A_354] : memref<10000x128xf32, #tpu.memory_space<hbm>> -> memref<80x128xf32, #tpu.memory_space<hbm>>
    %dma_wait3A_356 = arith.constant 0 : i32
    %dma_wait3A_357 = arith.constant 0 : i32
    %dma_wait3A_358 = tpu.memref_slice %arg2[%dma_wait3A_356, %dma_wait3A_357] : memref<10000x128xf32, #tpu.memory_space<hbm>> -> memref<80x128xf32, #tpu.memory_space<hbm>>
    tpu.wait_dma2 semaphore(%arg36 : memref<!tpu.dma_semaphore, #tpu.memory_space<semaphore_mem>>) src(%dma_wait3A_358 : memref<80x128xf32, #tpu.memory_space<hbm>>) dst(%arg23 : memref<80x128xf32, #tpu.memory_space<vmem>>)
    %dma_wait3A_359 = arith.constant 0 : i32
    %dma_wait3A_360 = arith.constant 0 : i32
    %dma_wait3A_361 = tpu.memref_slice %arg27[%dma_wait3A_359, %dma_wait3A_360] : memref<10240x128xf32, #tpu.memory_space<vmem_shared>> -> memref<80x128xf32, #tpu.memory_space<vmem_shared>>
    %dma_wait3A_362 = arith.constant 0 : i32
    %dma_wait3A_363 = arith.constant 0 : i32
    %dma_wait3A_364 = tpu.memref_slice %arg27[%dma_wait3A_362, %dma_wait3A_363] : memref<10240x128xf32, #tpu.memory_space<vmem_shared>> -> memref<80x128xf32, #tpu.memory_space<vmem_shared>>
    tpu.wait_dma2 semaphore(%arg40 : memref<!tpu.dma_semaphore, #tpu.memory_space<semaphore_mem>>) src(%arg26 : memref<80x128xf32, #tpu.memory_space<vmem>>) dst(%dma_wait3A_364 : memref<80x128xf32, #tpu.memory_space<vmem_shared>>)
    %dma_start3A_365 = arith.constant 0 : i32
    %dma_start3A_366 = arith.constant 0 : i32
    %dma_start3A_367 = tpu.memref_slice %arg27[%dma_start3A_365, %dma_start3A_366] : memref<10240x128xf32, #tpu.memory_space<vmem_shared>> -> memref<10240x128xf32, #tpu.memory_space<vmem_shared>>
    tpu.enqueue_indirect_dma source(%arg23 : memref<80x128xf32, #tpu.memory_space<vmem>>) target(%dma_start3A_367 : memref<10240x128xf32, #tpu.memory_space<vmem_shared>>) offsets(%arg15 : memref<80xi32, #tpu.memory_space<vmem>>) semaphore(%arg40 : memref<!tpu.dma_semaphore, #tpu.memory_space<semaphore_mem>>) {add = true}
    %mul3A_368 = arith.constant 10000 : i32
    %mul3A_369 = arith.muli %add3A, %mul3A_368 : i32
    %add3A_370 = arith.constant 9440 : i32
    %add3A_371 = arith.addi %mul3A_369, %add3A_370 : i32
    %dma_start3A_372 = tpu.memref_slice %arg3[%add3A_371] : memref<320000xi32, #tpu.memory_space<hbm>> -> memref<80xi32, #tpu.memory_space<hbm>>
    %dma_start3A_373 = tpu.memref_slice %arg3[%add3A_371] : memref<320000xi32, #tpu.memory_space<hbm>> -> memref<80xi32, #tpu.memory_space<hbm>>
    tpu.enqueue_dma source(%dma_start3A_373 : memref<80xi32, #tpu.memory_space<hbm>>) target(%arg13 : memref<80xi32, #tpu.memory_space<vmem>>) target_semaphore(%arg34 : memref<!tpu.dma_semaphore, #tpu.memory_space<semaphore_mem>>)
    %dma_start3A_374 = tpu.memref_slice %arg4[%add3A_371] : memref<320000xi32, #tpu.memory_space<hbm>> -> memref<80xi32, #tpu.memory_space<hbm>>
    %dma_start3A_375 = tpu.memref_slice %arg4[%add3A_371] : memref<320000xi32, #tpu.memory_space<hbm>> -> memref<80xi32, #tpu.memory_space<hbm>>
    tpu.enqueue_dma source(%dma_start3A_375 : memref<80xi32, #tpu.memory_space<hbm>>) target(%arg21 : memref<80xi32, #tpu.memory_space<vmem>>) target_semaphore(%arg34 : memref<!tpu.dma_semaphore, #tpu.memory_space<semaphore_mem>>)
    %dma_wait3A_376 = arith.constant 0 : i32
    %dma_wait3A_377 = tpu.memref_slice %arg3[%dma_wait3A_376] : memref<320000xi32, #tpu.memory_space<hbm>> -> memref<80xi32, #tpu.memory_space<hbm>>
    %dma_wait3A_378 = arith.constant 0 : i32
    %dma_wait3A_379 = tpu.memref_slice %arg3[%dma_wait3A_378] : memref<320000xi32, #tpu.memory_space<hbm>> -> memref<80xi32, #tpu.memory_space<hbm>>
    tpu.wait_dma2 semaphore(%arg31 : memref<!tpu.dma_semaphore, #tpu.memory_space<semaphore_mem>>) src(%dma_wait3A_379 : memref<80xi32, #tpu.memory_space<hbm>>) dst(%arg10 : memref<80xi32, #tpu.memory_space<vmem>>)
    %dma_wait3A_380 = arith.constant 0 : i32
    %dma_wait3A_381 = tpu.memref_slice %arg3[%dma_wait3A_380] : memref<320000xi32, #tpu.memory_space<hbm>> -> memref<80xi32, #tpu.memory_space<hbm>>
    %dma_wait3A_382 = arith.constant 0 : i32
    %dma_wait3A_383 = tpu.memref_slice %arg3[%dma_wait3A_382] : memref<320000xi32, #tpu.memory_space<hbm>> -> memref<80xi32, #tpu.memory_space<hbm>>
    tpu.wait_dma2 semaphore(%arg31 : memref<!tpu.dma_semaphore, #tpu.memory_space<semaphore_mem>>) src(%dma_wait3A_383 : memref<80xi32, #tpu.memory_space<hbm>>) dst(%arg18 : memref<80xi32, #tpu.memory_space<vmem>>)
    %dma_start3A_384 = arith.constant 0 : i32
    %dma_start3A_385 = arith.constant 0 : i32
    %dma_start3A_386 = tpu.memref_slice %arg2[%dma_start3A_384, %dma_start3A_385] : memref<10000x128xf32, #tpu.memory_space<hbm>> -> memref<10000x128xf32, #tpu.memory_space<hbm>>
    tpu.enqueue_indirect_dma source(%dma_start3A_386 : memref<10000x128xf32, #tpu.memory_space<hbm>>) target(%arg26 : memref<80x128xf32, #tpu.memory_space<vmem>>) offsets(%arg10 : memref<80xi32, #tpu.memory_space<vmem>>) semaphore(%arg39 : memref<!tpu.dma_semaphore, #tpu.memory_space<semaphore_mem>>)
    %dma_wait3A_387 = arith.constant 0 : i32
    %dma_wait3A_388 = arith.constant 0 : i32
    %dma_wait3A_389 = tpu.memref_slice %arg2[%dma_wait3A_387, %dma_wait3A_388] : memref<10000x128xf32, #tpu.memory_space<hbm>> -> memref<80x128xf32, #tpu.memory_space<hbm>>
    %dma_wait3A_390 = arith.constant 0 : i32
    %dma_wait3A_391 = arith.constant 0 : i32
    %dma_wait3A_392 = tpu.memref_slice %arg2[%dma_wait3A_390, %dma_wait3A_391] : memref<10000x128xf32, #tpu.memory_space<hbm>> -> memref<80x128xf32, #tpu.memory_space<hbm>>
    tpu.wait_dma2 semaphore(%arg37 : memref<!tpu.dma_semaphore, #tpu.memory_space<semaphore_mem>>) src(%dma_wait3A_392 : memref<80x128xf32, #tpu.memory_space<hbm>>) dst(%arg24 : memref<80x128xf32, #tpu.memory_space<vmem>>)
    %dma_wait3A_393 = arith.constant 0 : i32
    %dma_wait3A_394 = arith.constant 0 : i32
    %dma_wait3A_395 = tpu.memref_slice %arg27[%dma_wait3A_393, %dma_wait3A_394] : memref<10240x128xf32, #tpu.memory_space<vmem_shared>> -> memref<80x128xf32, #tpu.memory_space<vmem_shared>>
    %dma_wait3A_396 = arith.constant 0 : i32
    %dma_wait3A_397 = arith.constant 0 : i32
    %dma_wait3A_398 = tpu.memref_slice %arg27[%dma_wait3A_396, %dma_wait3A_397] : memref<10240x128xf32, #tpu.memory_space<vmem_shared>> -> memref<80x128xf32, #tpu.memory_space<vmem_shared>>
    tpu.wait_dma2 semaphore(%arg40 : memref<!tpu.dma_semaphore, #tpu.memory_space<semaphore_mem>>) src(%arg23 : memref<80x128xf32, #tpu.memory_space<vmem>>) dst(%dma_wait3A_398 : memref<80x128xf32, #tpu.memory_space<vmem_shared>>)
    %dma_start3A_399 = arith.constant 0 : i32
    %dma_start3A_400 = arith.constant 0 : i32
    %dma_start3A_401 = tpu.memref_slice %arg27[%dma_start3A_399, %dma_start3A_400] : memref<10240x128xf32, #tpu.memory_space<vmem_shared>> -> memref<10240x128xf32, #tpu.memory_space<vmem_shared>>
    tpu.enqueue_indirect_dma source(%arg24 : memref<80x128xf32, #tpu.memory_space<vmem>>) target(%dma_start3A_401 : memref<10240x128xf32, #tpu.memory_space<vmem_shared>>) offsets(%arg16 : memref<80xi32, #tpu.memory_space<vmem>>) semaphore(%arg40 : memref<!tpu.dma_semaphore, #tpu.memory_space<semaphore_mem>>) {add = true}
    %mul3A_402 = arith.constant 10000 : i32
    %mul3A_403 = arith.muli %add3A, %mul3A_402 : i32
    %add3A_404 = arith.constant 9520 : i32
    %add3A_405 = arith.addi %mul3A_403, %add3A_404 : i32
    %dma_start3A_406 = tpu.memref_slice %arg3[%add3A_405] : memref<320000xi32, #tpu.memory_space<hbm>> -> memref<80xi32, #tpu.memory_space<hbm>>
    %dma_start3A_407 = tpu.memref_slice %arg3[%add3A_405] : memref<320000xi32, #tpu.memory_space<hbm>> -> memref<80xi32, #tpu.memory_space<hbm>>
    tpu.enqueue_dma source(%dma_start3A_407 : memref<80xi32, #tpu.memory_space<hbm>>) target(%arg14 : memref<80xi32, #tpu.memory_space<vmem>>) target_semaphore(%arg35 : memref<!tpu.dma_semaphore, #tpu.memory_space<semaphore_mem>>)
    %dma_start3A_408 = tpu.memref_slice %arg4[%add3A_405] : memref<320000xi32, #tpu.memory_space<hbm>> -> memref<80xi32, #tpu.memory_space<hbm>>
    %dma_start3A_409 = tpu.memref_slice %arg4[%add3A_405] : memref<320000xi32, #tpu.memory_space<hbm>> -> memref<80xi32, #tpu.memory_space<hbm>>
    tpu.enqueue_dma source(%dma_start3A_409 : memref<80xi32, #tpu.memory_space<hbm>>) target(%arg22 : memref<80xi32, #tpu.memory_space<vmem>>) target_semaphore(%arg35 : memref<!tpu.dma_semaphore, #tpu.memory_space<semaphore_mem>>)
    %dma_wait3A_410 = arith.constant 0 : i32
    %dma_wait3A_411 = tpu.memref_slice %arg3[%dma_wait3A_410] : memref<320000xi32, #tpu.memory_space<hbm>> -> memref<80xi32, #tpu.memory_space<hbm>>
    %dma_wait3A_412 = arith.constant 0 : i32
    %dma_wait3A_413 = tpu.memref_slice %arg3[%dma_wait3A_412] : memref<320000xi32, #tpu.memory_space<hbm>> -> memref<80xi32, #tpu.memory_space<hbm>>
    tpu.wait_dma2 semaphore(%arg32 : memref<!tpu.dma_semaphore, #tpu.memory_space<semaphore_mem>>) src(%dma_wait3A_413 : memref<80xi32, #tpu.memory_space<hbm>>) dst(%arg11 : memref<80xi32, #tpu.memory_space<vmem>>)
    %dma_wait3A_414 = arith.constant 0 : i32
    %dma_wait3A_415 = tpu.memref_slice %arg3[%dma_wait3A_414] : memref<320000xi32, #tpu.memory_space<hbm>> -> memref<80xi32, #tpu.memory_space<hbm>>
    %dma_wait3A_416 = arith.constant 0 : i32
    %dma_wait3A_417 = tpu.memref_slice %arg3[%dma_wait3A_416] : memref<320000xi32, #tpu.memory_space<hbm>> -> memref<80xi32, #tpu.memory_space<hbm>>
    tpu.wait_dma2 semaphore(%arg32 : memref<!tpu.dma_semaphore, #tpu.memory_space<semaphore_mem>>) src(%dma_wait3A_417 : memref<80xi32, #tpu.memory_space<hbm>>) dst(%arg19 : memref<80xi32, #tpu.memory_space<vmem>>)
    %dma_start3A_418 = arith.constant 0 : i32
    %dma_start3A_419 = arith.constant 0 : i32
    %dma_start3A_420 = tpu.memref_slice %arg2[%dma_start3A_418, %dma_start3A_419] : memref<10000x128xf32, #tpu.memory_space<hbm>> -> memref<10000x128xf32, #tpu.memory_space<hbm>>
    tpu.enqueue_indirect_dma source(%dma_start3A_420 : memref<10000x128xf32, #tpu.memory_space<hbm>>) target(%arg23 : memref<80x128xf32, #tpu.memory_space<vmem>>) offsets(%arg11 : memref<80xi32, #tpu.memory_space<vmem>>) semaphore(%arg36 : memref<!tpu.dma_semaphore, #tpu.memory_space<semaphore_mem>>)
    %dma_wait3A_421 = arith.constant 0 : i32
    %dma_wait3A_422 = arith.constant 0 : i32
    %dma_wait3A_423 = tpu.memref_slice %arg2[%dma_wait3A_421, %dma_wait3A_422] : memref<10000x128xf32, #tpu.memory_space<hbm>> -> memref<80x128xf32, #tpu.memory_space<hbm>>
    %dma_wait3A_424 = arith.constant 0 : i32
    %dma_wait3A_425 = arith.constant 0 : i32
    %dma_wait3A_426 = tpu.memref_slice %arg2[%dma_wait3A_424, %dma_wait3A_425] : memref<10000x128xf32, #tpu.memory_space<hbm>> -> memref<80x128xf32, #tpu.memory_space<hbm>>
    tpu.wait_dma2 semaphore(%arg38 : memref<!tpu.dma_semaphore, #tpu.memory_space<semaphore_mem>>) src(%dma_wait3A_426 : memref<80x128xf32, #tpu.memory_space<hbm>>) dst(%arg25 : memref<80x128xf32, #tpu.memory_space<vmem>>)
    %dma_wait3A_427 = arith.constant 0 : i32
    %dma_wait3A_428 = arith.constant 0 : i32
    %dma_wait3A_429 = tpu.memref_slice %arg27[%dma_wait3A_427, %dma_wait3A_428] : memref<10240x128xf32, #tpu.memory_space<vmem_shared>> -> memref<80x128xf32, #tpu.memory_space<vmem_shared>>
    %dma_wait3A_430 = arith.constant 0 : i32
    %dma_wait3A_431 = arith.constant 0 : i32
    %dma_wait3A_432 = tpu.memref_slice %arg27[%dma_wait3A_430, %dma_wait3A_431] : memref<10240x128xf32, #tpu.memory_space<vmem_shared>> -> memref<80x128xf32, #tpu.memory_space<vmem_shared>>
    tpu.wait_dma2 semaphore(%arg40 : memref<!tpu.dma_semaphore, #tpu.memory_space<semaphore_mem>>) src(%arg24 : memref<80x128xf32, #tpu.memory_space<vmem>>) dst(%dma_wait3A_432 : memref<80x128xf32, #tpu.memory_space<vmem_shared>>)
    %dma_start3A_433 = arith.constant 0 : i32
    %dma_start3A_434 = arith.constant 0 : i32
    %dma_start3A_435 = tpu.memref_slice %arg27[%dma_start3A_433, %dma_start3A_434] : memref<10240x128xf32, #tpu.memory_space<vmem_shared>> -> memref<10240x128xf32, #tpu.memory_space<vmem_shared>>
    tpu.enqueue_indirect_dma source(%arg25 : memref<80x128xf32, #tpu.memory_space<vmem>>) target(%dma_start3A_435 : memref<10240x128xf32, #tpu.memory_space<vmem_shared>>) offsets(%arg17 : memref<80xi32, #tpu.memory_space<vmem>>) semaphore(%arg40 : memref<!tpu.dma_semaphore, #tpu.memory_space<semaphore_mem>>) {add = true}
    %mul3A_436 = arith.constant 10000 : i32
    %mul3A_437 = arith.muli %add3A, %mul3A_436 : i32
    %add3A_438 = arith.constant 9600 : i32
    %add3A_439 = arith.addi %mul3A_437, %add3A_438 : i32
    %dma_start3A_440 = tpu.memref_slice %arg3[%add3A_439] : memref<320000xi32, #tpu.memory_space<hbm>> -> memref<80xi32, #tpu.memory_space<hbm>>
    %dma_start3A_441 = tpu.memref_slice %arg3[%add3A_439] : memref<320000xi32, #tpu.memory_space<hbm>> -> memref<80xi32, #tpu.memory_space<hbm>>
    tpu.enqueue_dma source(%dma_start3A_441 : memref<80xi32, #tpu.memory_space<hbm>>) target(%arg7 : memref<80xi32, #tpu.memory_space<vmem>>) target_semaphore(%arg28 : memref<!tpu.dma_semaphore, #tpu.memory_space<semaphore_mem>>)
    %dma_start3A_442 = tpu.memref_slice %arg4[%add3A_439] : memref<320000xi32, #tpu.memory_space<hbm>> -> memref<80xi32, #tpu.memory_space<hbm>>
    %dma_start3A_443 = tpu.memref_slice %arg4[%add3A_439] : memref<320000xi32, #tpu.memory_space<hbm>> -> memref<80xi32, #tpu.memory_space<hbm>>
    tpu.enqueue_dma source(%dma_start3A_443 : memref<80xi32, #tpu.memory_space<hbm>>) target(%arg15 : memref<80xi32, #tpu.memory_space<vmem>>) target_semaphore(%arg28 : memref<!tpu.dma_semaphore, #tpu.memory_space<semaphore_mem>>)
    %dma_wait3A_444 = arith.constant 0 : i32
    %dma_wait3A_445 = tpu.memref_slice %arg3[%dma_wait3A_444] : memref<320000xi32, #tpu.memory_space<hbm>> -> memref<80xi32, #tpu.memory_space<hbm>>
    %dma_wait3A_446 = arith.constant 0 : i32
    %dma_wait3A_447 = tpu.memref_slice %arg3[%dma_wait3A_446] : memref<320000xi32, #tpu.memory_space<hbm>> -> memref<80xi32, #tpu.memory_space<hbm>>
    tpu.wait_dma2 semaphore(%arg33 : memref<!tpu.dma_semaphore, #tpu.memory_space<semaphore_mem>>) src(%dma_wait3A_447 : memref<80xi32, #tpu.memory_space<hbm>>) dst(%arg12 : memref<80xi32, #tpu.memory_space<vmem>>)
    %dma_wait3A_448 = arith.constant 0 : i32
    %dma_wait3A_449 = tpu.memref_slice %arg3[%dma_wait3A_448] : memref<320000xi32, #tpu.memory_space<hbm>> -> memref<80xi32, #tpu.memory_space<hbm>>
    %dma_wait3A_450 = arith.constant 0 : i32
    %dma_wait3A_451 = tpu.memref_slice %arg3[%dma_wait3A_450] : memref<320000xi32, #tpu.memory_space<hbm>> -> memref<80xi32, #tpu.memory_space<hbm>>
    tpu.wait_dma2 semaphore(%arg33 : memref<!tpu.dma_semaphore, #tpu.memory_space<semaphore_mem>>) src(%dma_wait3A_451 : memref<80xi32, #tpu.memory_space<hbm>>) dst(%arg20 : memref<80xi32, #tpu.memory_space<vmem>>)
    %dma_start3A_452 = arith.constant 0 : i32
    %dma_start3A_453 = arith.constant 0 : i32
    %dma_start3A_454 = tpu.memref_slice %arg2[%dma_start3A_452, %dma_start3A_453] : memref<10000x128xf32, #tpu.memory_space<hbm>> -> memref<10000x128xf32, #tpu.memory_space<hbm>>
    tpu.enqueue_indirect_dma source(%dma_start3A_454 : memref<10000x128xf32, #tpu.memory_space<hbm>>) target(%arg24 : memref<80x128xf32, #tpu.memory_space<vmem>>) offsets(%arg12 : memref<80xi32, #tpu.memory_space<vmem>>) semaphore(%arg37 : memref<!tpu.dma_semaphore, #tpu.memory_space<semaphore_mem>>)
    %dma_wait3A_455 = arith.constant 0 : i32
    %dma_wait3A_456 = arith.constant 0 : i32
    %dma_wait3A_457 = tpu.memref_slice %arg2[%dma_wait3A_455, %dma_wait3A_456] : memref<10000x128xf32, #tpu.memory_space<hbm>> -> memref<80x128xf32, #tpu.memory_space<hbm>>
    %dma_wait3A_458 = arith.constant 0 : i32
    %dma_wait3A_459 = arith.constant 0 : i32
    %dma_wait3A_460 = tpu.memref_slice %arg2[%dma_wait3A_458, %dma_wait3A_459] : memref<10000x128xf32, #tpu.memory_space<hbm>> -> memref<80x128xf32, #tpu.memory_space<hbm>>
    tpu.wait_dma2 semaphore(%arg39 : memref<!tpu.dma_semaphore, #tpu.memory_space<semaphore_mem>>) src(%dma_wait3A_460 : memref<80x128xf32, #tpu.memory_space<hbm>>) dst(%arg26 : memref<80x128xf32, #tpu.memory_space<vmem>>)
    %dma_wait3A_461 = arith.constant 0 : i32
    %dma_wait3A_462 = arith.constant 0 : i32
    %dma_wait3A_463 = tpu.memref_slice %arg27[%dma_wait3A_461, %dma_wait3A_462] : memref<10240x128xf32, #tpu.memory_space<vmem_shared>> -> memref<80x128xf32, #tpu.memory_space<vmem_shared>>
    %dma_wait3A_464 = arith.constant 0 : i32
    %dma_wait3A_465 = arith.constant 0 : i32
    %dma_wait3A_466 = tpu.memref_slice %arg27[%dma_wait3A_464, %dma_wait3A_465] : memref<10240x128xf32, #tpu.memory_space<vmem_shared>> -> memref<80x128xf32, #tpu.memory_space<vmem_shared>>
    tpu.wait_dma2 semaphore(%arg40 : memref<!tpu.dma_semaphore, #tpu.memory_space<semaphore_mem>>) src(%arg25 : memref<80x128xf32, #tpu.memory_space<vmem>>) dst(%dma_wait3A_466 : memref<80x128xf32, #tpu.memory_space<vmem_shared>>)
    %dma_start3A_467 = arith.constant 0 : i32
    %dma_start3A_468 = arith.constant 0 : i32
    %dma_start3A_469 = tpu.memref_slice %arg27[%dma_start3A_467, %dma_start3A_468] : memref<10240x128xf32, #tpu.memory_space<vmem_shared>> -> memref<10240x128xf32, #tpu.memory_space<vmem_shared>>
    tpu.enqueue_indirect_dma source(%arg26 : memref<80x128xf32, #tpu.memory_space<vmem>>) target(%dma_start3A_469 : memref<10240x128xf32, #tpu.memory_space<vmem_shared>>) offsets(%arg18 : memref<80xi32, #tpu.memory_space<vmem>>) semaphore(%arg40 : memref<!tpu.dma_semaphore, #tpu.memory_space<semaphore_mem>>) {add = true}
    %mul3A_470 = arith.constant 10000 : i32
    %mul3A_471 = arith.muli %add3A, %mul3A_470 : i32
    %add3A_472 = arith.constant 9680 : i32
    %add3A_473 = arith.addi %mul3A_471, %add3A_472 : i32
    %dma_start3A_474 = tpu.memref_slice %arg3[%add3A_473] : memref<320000xi32, #tpu.memory_space<hbm>> -> memref<80xi32, #tpu.memory_space<hbm>>
    %dma_start3A_475 = tpu.memref_slice %arg3[%add3A_473] : memref<320000xi32, #tpu.memory_space<hbm>> -> memref<80xi32, #tpu.memory_space<hbm>>
    tpu.enqueue_dma source(%dma_start3A_475 : memref<80xi32, #tpu.memory_space<hbm>>) target(%arg8 : memref<80xi32, #tpu.memory_space<vmem>>) target_semaphore(%arg29 : memref<!tpu.dma_semaphore, #tpu.memory_space<semaphore_mem>>)
    %dma_start3A_476 = tpu.memref_slice %arg4[%add3A_473] : memref<320000xi32, #tpu.memory_space<hbm>> -> memref<80xi32, #tpu.memory_space<hbm>>
    %dma_start3A_477 = tpu.memref_slice %arg4[%add3A_473] : memref<320000xi32, #tpu.memory_space<hbm>> -> memref<80xi32, #tpu.memory_space<hbm>>
    tpu.enqueue_dma source(%dma_start3A_477 : memref<80xi32, #tpu.memory_space<hbm>>) target(%arg16 : memref<80xi32, #tpu.memory_space<vmem>>) target_semaphore(%arg29 : memref<!tpu.dma_semaphore, #tpu.memory_space<semaphore_mem>>)
    %dma_wait3A_478 = arith.constant 0 : i32
    %dma_wait3A_479 = tpu.memref_slice %arg3[%dma_wait3A_478] : memref<320000xi32, #tpu.memory_space<hbm>> -> memref<80xi32, #tpu.memory_space<hbm>>
    %dma_wait3A_480 = arith.constant 0 : i32
    %dma_wait3A_481 = tpu.memref_slice %arg3[%dma_wait3A_480] : memref<320000xi32, #tpu.memory_space<hbm>> -> memref<80xi32, #tpu.memory_space<hbm>>
    tpu.wait_dma2 semaphore(%arg34 : memref<!tpu.dma_semaphore, #tpu.memory_space<semaphore_mem>>) src(%dma_wait3A_481 : memref<80xi32, #tpu.memory_space<hbm>>) dst(%arg13 : memref<80xi32, #tpu.memory_space<vmem>>)
    %dma_wait3A_482 = arith.constant 0 : i32
    %dma_wait3A_483 = tpu.memref_slice %arg3[%dma_wait3A_482] : memref<320000xi32, #tpu.memory_space<hbm>> -> memref<80xi32, #tpu.memory_space<hbm>>
    %dma_wait3A_484 = arith.constant 0 : i32
    %dma_wait3A_485 = tpu.memref_slice %arg3[%dma_wait3A_484] : memref<320000xi32, #tpu.memory_space<hbm>> -> memref<80xi32, #tpu.memory_space<hbm>>
    tpu.wait_dma2 semaphore(%arg34 : memref<!tpu.dma_semaphore, #tpu.memory_space<semaphore_mem>>) src(%dma_wait3A_485 : memref<80xi32, #tpu.memory_space<hbm>>) dst(%arg21 : memref<80xi32, #tpu.memory_space<vmem>>)
    %dma_start3A_486 = arith.constant 0 : i32
    %dma_start3A_487 = arith.constant 0 : i32
    %dma_start3A_488 = tpu.memref_slice %arg2[%dma_start3A_486, %dma_start3A_487] : memref<10000x128xf32, #tpu.memory_space<hbm>> -> memref<10000x128xf32, #tpu.memory_space<hbm>>
    tpu.enqueue_indirect_dma source(%dma_start3A_488 : memref<10000x128xf32, #tpu.memory_space<hbm>>) target(%arg25 : memref<80x128xf32, #tpu.memory_space<vmem>>) offsets(%arg13 : memref<80xi32, #tpu.memory_space<vmem>>) semaphore(%arg38 : memref<!tpu.dma_semaphore, #tpu.memory_space<semaphore_mem>>)
    %dma_wait3A_489 = arith.constant 0 : i32
    %dma_wait3A_490 = arith.constant 0 : i32
    %dma_wait3A_491 = tpu.memref_slice %arg2[%dma_wait3A_489, %dma_wait3A_490] : memref<10000x128xf32, #tpu.memory_space<hbm>> -> memref<80x128xf32, #tpu.memory_space<hbm>>
    %dma_wait3A_492 = arith.constant 0 : i32
    %dma_wait3A_493 = arith.constant 0 : i32
    %dma_wait3A_494 = tpu.memref_slice %arg2[%dma_wait3A_492, %dma_wait3A_493] : memref<10000x128xf32, #tpu.memory_space<hbm>> -> memref<80x128xf32, #tpu.memory_space<hbm>>
    tpu.wait_dma2 semaphore(%arg36 : memref<!tpu.dma_semaphore, #tpu.memory_space<semaphore_mem>>) src(%dma_wait3A_494 : memref<80x128xf32, #tpu.memory_space<hbm>>) dst(%arg23 : memref<80x128xf32, #tpu.memory_space<vmem>>)
    %dma_wait3A_495 = arith.constant 0 : i32
    %dma_wait3A_496 = arith.constant 0 : i32
    %dma_wait3A_497 = tpu.memref_slice %arg27[%dma_wait3A_495, %dma_wait3A_496] : memref<10240x128xf32, #tpu.memory_space<vmem_shared>> -> memref<80x128xf32, #tpu.memory_space<vmem_shared>>
    %dma_wait3A_498 = arith.constant 0 : i32
    %dma_wait3A_499 = arith.constant 0 : i32
    %dma_wait3A_500 = tpu.memref_slice %arg27[%dma_wait3A_498, %dma_wait3A_499] : memref<10240x128xf32, #tpu.memory_space<vmem_shared>> -> memref<80x128xf32, #tpu.memory_space<vmem_shared>>
    tpu.wait_dma2 semaphore(%arg40 : memref<!tpu.dma_semaphore, #tpu.memory_space<semaphore_mem>>) src(%arg26 : memref<80x128xf32, #tpu.memory_space<vmem>>) dst(%dma_wait3A_500 : memref<80x128xf32, #tpu.memory_space<vmem_shared>>)
    %dma_start3A_501 = arith.constant 0 : i32
    %dma_start3A_502 = arith.constant 0 : i32
    %dma_start3A_503 = tpu.memref_slice %arg27[%dma_start3A_501, %dma_start3A_502] : memref<10240x128xf32, #tpu.memory_space<vmem_shared>> -> memref<10240x128xf32, #tpu.memory_space<vmem_shared>>
    tpu.enqueue_indirect_dma source(%arg23 : memref<80x128xf32, #tpu.memory_space<vmem>>) target(%dma_start3A_503 : memref<10240x128xf32, #tpu.memory_space<vmem_shared>>) offsets(%arg19 : memref<80xi32, #tpu.memory_space<vmem>>) semaphore(%arg40 : memref<!tpu.dma_semaphore, #tpu.memory_space<semaphore_mem>>) {add = true}
    %mul3A_504 = arith.constant 10000 : i32
    %mul3A_505 = arith.muli %add3A, %mul3A_504 : i32
    %add3A_506 = arith.constant 9760 : i32
    %add3A_507 = arith.addi %mul3A_505, %add3A_506 : i32
    %dma_start3A_508 = tpu.memref_slice %arg3[%add3A_507] : memref<320000xi32, #tpu.memory_space<hbm>> -> memref<80xi32, #tpu.memory_space<hbm>>
    %dma_start3A_509 = tpu.memref_slice %arg3[%add3A_507] : memref<320000xi32, #tpu.memory_space<hbm>> -> memref<80xi32, #tpu.memory_space<hbm>>
    tpu.enqueue_dma source(%dma_start3A_509 : memref<80xi32, #tpu.memory_space<hbm>>) target(%arg9 : memref<80xi32, #tpu.memory_space<vmem>>) target_semaphore(%arg30 : memref<!tpu.dma_semaphore, #tpu.memory_space<semaphore_mem>>)
    %dma_start3A_510 = tpu.memref_slice %arg4[%add3A_507] : memref<320000xi32, #tpu.memory_space<hbm>> -> memref<80xi32, #tpu.memory_space<hbm>>
    %dma_start3A_511 = tpu.memref_slice %arg4[%add3A_507] : memref<320000xi32, #tpu.memory_space<hbm>> -> memref<80xi32, #tpu.memory_space<hbm>>
    tpu.enqueue_dma source(%dma_start3A_511 : memref<80xi32, #tpu.memory_space<hbm>>) target(%arg17 : memref<80xi32, #tpu.memory_space<vmem>>) target_semaphore(%arg30 : memref<!tpu.dma_semaphore, #tpu.memory_space<semaphore_mem>>)
    %dma_wait3A_512 = arith.constant 0 : i32
    %dma_wait3A_513 = tpu.memref_slice %arg3[%dma_wait3A_512] : memref<320000xi32, #tpu.memory_space<hbm>> -> memref<80xi32, #tpu.memory_space<hbm>>
    %dma_wait3A_514 = arith.constant 0 : i32
    %dma_wait3A_515 = tpu.memref_slice %arg3[%dma_wait3A_514] : memref<320000xi32, #tpu.memory_space<hbm>> -> memref<80xi32, #tpu.memory_space<hbm>>
    tpu.wait_dma2 semaphore(%arg35 : memref<!tpu.dma_semaphore, #tpu.memory_space<semaphore_mem>>) src(%dma_wait3A_515 : memref<80xi32, #tpu.memory_space<hbm>>) dst(%arg14 : memref<80xi32, #tpu.memory_space<vmem>>)
    %dma_wait3A_516 = arith.constant 0 : i32
    %dma_wait3A_517 = tpu.memref_slice %arg3[%dma_wait3A_516] : memref<320000xi32, #tpu.memory_space<hbm>> -> memref<80xi32, #tpu.memory_space<hbm>>
    %dma_wait3A_518 = arith.constant 0 : i32
    %dma_wait3A_519 = tpu.memref_slice %arg3[%dma_wait3A_518] : memref<320000xi32, #tpu.memory_space<hbm>> -> memref<80xi32, #tpu.memory_space<hbm>>
    tpu.wait_dma2 semaphore(%arg35 : memref<!tpu.dma_semaphore, #tpu.memory_space<semaphore_mem>>) src(%dma_wait3A_519 : memref<80xi32, #tpu.memory_space<hbm>>) dst(%arg22 : memref<80xi32, #tpu.memory_space<vmem>>)
    %dma_start3A_520 = arith.constant 0 : i32
    %dma_start3A_521 = arith.constant 0 : i32
    %dma_start3A_522 = tpu.memref_slice %arg2[%dma_start3A_520, %dma_start3A_521] : memref<10000x128xf32, #tpu.memory_space<hbm>> -> memref<10000x128xf32, #tpu.memory_space<hbm>>
    tpu.enqueue_indirect_dma source(%dma_start3A_522 : memref<10000x128xf32, #tpu.memory_space<hbm>>) target(%arg26 : memref<80x128xf32, #tpu.memory_space<vmem>>) offsets(%arg14 : memref<80xi32, #tpu.memory_space<vmem>>) semaphore(%arg39 : memref<!tpu.dma_semaphore, #tpu.memory_space<semaphore_mem>>)
    %dma_wait3A_523 = arith.constant 0 : i32
    %dma_wait3A_524 = arith.constant 0 : i32
    %dma_wait3A_525 = tpu.memref_slice %arg2[%dma_wait3A_523, %dma_wait3A_524] : memref<10000x128xf32, #tpu.memory_space<hbm>> -> memref<80x128xf32, #tpu.memory_space<hbm>>
    %dma_wait3A_526 = arith.constant 0 : i32
    %dma_wait3A_527 = arith.constant 0 : i32
    %dma_wait3A_528 = tpu.memref_slice %arg2[%dma_wait3A_526, %dma_wait3A_527] : memref<10000x128xf32, #tpu.memory_space<hbm>> -> memref<80x128xf32, #tpu.memory_space<hbm>>
    tpu.wait_dma2 semaphore(%arg37 : memref<!tpu.dma_semaphore, #tpu.memory_space<semaphore_mem>>) src(%dma_wait3A_528 : memref<80x128xf32, #tpu.memory_space<hbm>>) dst(%arg24 : memref<80x128xf32, #tpu.memory_space<vmem>>)
    %dma_wait3A_529 = arith.constant 0 : i32
    %dma_wait3A_530 = arith.constant 0 : i32
    %dma_wait3A_531 = tpu.memref_slice %arg27[%dma_wait3A_529, %dma_wait3A_530] : memref<10240x128xf32, #tpu.memory_space<vmem_shared>> -> memref<80x128xf32, #tpu.memory_space<vmem_shared>>
    %dma_wait3A_532 = arith.constant 0 : i32
    %dma_wait3A_533 = arith.constant 0 : i32
    %dma_wait3A_534 = tpu.memref_slice %arg27[%dma_wait3A_532, %dma_wait3A_533] : memref<10240x128xf32, #tpu.memory_space<vmem_shared>> -> memref<80x128xf32, #tpu.memory_space<vmem_shared>>
    tpu.wait_dma2 semaphore(%arg40 : memref<!tpu.dma_semaphore, #tpu.memory_space<semaphore_mem>>) src(%arg23 : memref<80x128xf32, #tpu.memory_space<vmem>>) dst(%dma_wait3A_534 : memref<80x128xf32, #tpu.memory_space<vmem_shared>>)
    %dma_start3A_535 = arith.constant 0 : i32
    %dma_start3A_536 = arith.constant 0 : i32
    %dma_start3A_537 = tpu.memref_slice %arg27[%dma_start3A_535, %dma_start3A_536] : memref<10240x128xf32, #tpu.memory_space<vmem_shared>> -> memref<10240x128xf32, #tpu.memory_space<vmem_shared>>
    tpu.enqueue_indirect_dma source(%arg24 : memref<80x128xf32, #tpu.memory_space<vmem>>) target(%dma_start3A_537 : memref<10240x128xf32, #tpu.memory_space<vmem_shared>>) offsets(%arg20 : memref<80xi32, #tpu.memory_space<vmem>>) semaphore(%arg40 : memref<!tpu.dma_semaphore, #tpu.memory_space<semaphore_mem>>) {add = true}
    %mul3A_538 = arith.constant 10000 : i32
    %mul3A_539 = arith.muli %add3A, %mul3A_538 : i32
    %add3A_540 = arith.constant 9840 : i32
    %add3A_541 = arith.addi %mul3A_539, %add3A_540 : i32
    %dma_start3A_542 = tpu.memref_slice %arg3[%add3A_541] : memref<320000xi32, #tpu.memory_space<hbm>> -> memref<80xi32, #tpu.memory_space<hbm>>
    %dma_start3A_543 = tpu.memref_slice %arg3[%add3A_541] : memref<320000xi32, #tpu.memory_space<hbm>> -> memref<80xi32, #tpu.memory_space<hbm>>
    tpu.enqueue_dma source(%dma_start3A_543 : memref<80xi32, #tpu.memory_space<hbm>>) target(%arg10 : memref<80xi32, #tpu.memory_space<vmem>>) target_semaphore(%arg31 : memref<!tpu.dma_semaphore, #tpu.memory_space<semaphore_mem>>)
    %dma_start3A_544 = tpu.memref_slice %arg4[%add3A_541] : memref<320000xi32, #tpu.memory_space<hbm>> -> memref<80xi32, #tpu.memory_space<hbm>>
    %dma_start3A_545 = tpu.memref_slice %arg4[%add3A_541] : memref<320000xi32, #tpu.memory_space<hbm>> -> memref<80xi32, #tpu.memory_space<hbm>>
    tpu.enqueue_dma source(%dma_start3A_545 : memref<80xi32, #tpu.memory_space<hbm>>) target(%arg18 : memref<80xi32, #tpu.memory_space<vmem>>) target_semaphore(%arg31 : memref<!tpu.dma_semaphore, #tpu.memory_space<semaphore_mem>>)
    %dma_wait3A_546 = arith.constant 0 : i32
    %dma_wait3A_547 = tpu.memref_slice %arg3[%dma_wait3A_546] : memref<320000xi32, #tpu.memory_space<hbm>> -> memref<80xi32, #tpu.memory_space<hbm>>
    %dma_wait3A_548 = arith.constant 0 : i32
    %dma_wait3A_549 = tpu.memref_slice %arg3[%dma_wait3A_548] : memref<320000xi32, #tpu.memory_space<hbm>> -> memref<80xi32, #tpu.memory_space<hbm>>
    tpu.wait_dma2 semaphore(%arg28 : memref<!tpu.dma_semaphore, #tpu.memory_space<semaphore_mem>>) src(%dma_wait3A_549 : memref<80xi32, #tpu.memory_space<hbm>>) dst(%arg7 : memref<80xi32, #tpu.memory_space<vmem>>)
    %dma_wait3A_550 = arith.constant 0 : i32
    %dma_wait3A_551 = tpu.memref_slice %arg3[%dma_wait3A_550] : memref<320000xi32, #tpu.memory_space<hbm>> -> memref<80xi32, #tpu.memory_space<hbm>>
    %dma_wait3A_552 = arith.constant 0 : i32
    %dma_wait3A_553 = tpu.memref_slice %arg3[%dma_wait3A_552] : memref<320000xi32, #tpu.memory_space<hbm>> -> memref<80xi32, #tpu.memory_space<hbm>>
    tpu.wait_dma2 semaphore(%arg28 : memref<!tpu.dma_semaphore, #tpu.memory_space<semaphore_mem>>) src(%dma_wait3A_553 : memref<80xi32, #tpu.memory_space<hbm>>) dst(%arg15 : memref<80xi32, #tpu.memory_space<vmem>>)
    %dma_start3A_554 = arith.constant 0 : i32
    %dma_start3A_555 = arith.constant 0 : i32
    %dma_start3A_556 = tpu.memref_slice %arg2[%dma_start3A_554, %dma_start3A_555] : memref<10000x128xf32, #tpu.memory_space<hbm>> -> memref<10000x128xf32, #tpu.memory_space<hbm>>
    tpu.enqueue_indirect_dma source(%dma_start3A_556 : memref<10000x128xf32, #tpu.memory_space<hbm>>) target(%arg23 : memref<80x128xf32, #tpu.memory_space<vmem>>) offsets(%arg7 : memref<80xi32, #tpu.memory_space<vmem>>) semaphore(%arg36 : memref<!tpu.dma_semaphore, #tpu.memory_space<semaphore_mem>>)
    %dma_wait3A_557 = arith.constant 0 : i32
    %dma_wait3A_558 = arith.constant 0 : i32
    %dma_wait3A_559 = tpu.memref_slice %arg2[%dma_wait3A_557, %dma_wait3A_558] : memref<10000x128xf32, #tpu.memory_space<hbm>> -> memref<80x128xf32, #tpu.memory_space<hbm>>
    %dma_wait3A_560 = arith.constant 0 : i32
    %dma_wait3A_561 = arith.constant 0 : i32
    %dma_wait3A_562 = tpu.memref_slice %arg2[%dma_wait3A_560, %dma_wait3A_561] : memref<10000x128xf32, #tpu.memory_space<hbm>> -> memref<80x128xf32, #tpu.memory_space<hbm>>
    tpu.wait_dma2 semaphore(%arg38 : memref<!tpu.dma_semaphore, #tpu.memory_space<semaphore_mem>>) src(%dma_wait3A_562 : memref<80x128xf32, #tpu.memory_space<hbm>>) dst(%arg25 : memref<80x128xf32, #tpu.memory_space<vmem>>)
    %dma_wait3A_563 = arith.constant 0 : i32
    %dma_wait3A_564 = arith.constant 0 : i32
    %dma_wait3A_565 = tpu.memref_slice %arg27[%dma_wait3A_563, %dma_wait3A_564] : memref<10240x128xf32, #tpu.memory_space<vmem_shared>> -> memref<80x128xf32, #tpu.memory_space<vmem_shared>>
    %dma_wait3A_566 = arith.constant 0 : i32
    %dma_wait3A_567 = arith.constant 0 : i32
    %dma_wait3A_568 = tpu.memref_slice %arg27[%dma_wait3A_566, %dma_wait3A_567] : memref<10240x128xf32, #tpu.memory_space<vmem_shared>> -> memref<80x128xf32, #tpu.memory_space<vmem_shared>>
    tpu.wait_dma2 semaphore(%arg40 : memref<!tpu.dma_semaphore, #tpu.memory_space<semaphore_mem>>) src(%arg24 : memref<80x128xf32, #tpu.memory_space<vmem>>) dst(%dma_wait3A_568 : memref<80x128xf32, #tpu.memory_space<vmem_shared>>)
    %dma_start3A_569 = arith.constant 0 : i32
    %dma_start3A_570 = arith.constant 0 : i32
    %dma_start3A_571 = tpu.memref_slice %arg27[%dma_start3A_569, %dma_start3A_570] : memref<10240x128xf32, #tpu.memory_space<vmem_shared>> -> memref<10240x128xf32, #tpu.memory_space<vmem_shared>>
    tpu.enqueue_indirect_dma source(%arg25 : memref<80x128xf32, #tpu.memory_space<vmem>>) target(%dma_start3A_571 : memref<10240x128xf32, #tpu.memory_space<vmem_shared>>) offsets(%arg21 : memref<80xi32, #tpu.memory_space<vmem>>) semaphore(%arg40 : memref<!tpu.dma_semaphore, #tpu.memory_space<semaphore_mem>>) {add = true}
    %mul3A_572 = arith.constant 10000 : i32
    %mul3A_573 = arith.muli %add3A, %mul3A_572 : i32
    %add3A_574 = arith.constant 9920 : i32
    %add3A_575 = arith.addi %mul3A_573, %add3A_574 : i32
    %dma_start3A_576 = tpu.memref_slice %arg3[%add3A_575] : memref<320000xi32, #tpu.memory_space<hbm>> -> memref<80xi32, #tpu.memory_space<hbm>>
    %dma_start3A_577 = tpu.memref_slice %arg3[%add3A_575] : memref<320000xi32, #tpu.memory_space<hbm>> -> memref<80xi32, #tpu.memory_space<hbm>>
    tpu.enqueue_dma source(%dma_start3A_577 : memref<80xi32, #tpu.memory_space<hbm>>) target(%arg11 : memref<80xi32, #tpu.memory_space<vmem>>) target_semaphore(%arg32 : memref<!tpu.dma_semaphore, #tpu.memory_space<semaphore_mem>>)
    %dma_start3A_578 = tpu.memref_slice %arg4[%add3A_575] : memref<320000xi32, #tpu.memory_space<hbm>> -> memref<80xi32, #tpu.memory_space<hbm>>
    %dma_start3A_579 = tpu.memref_slice %arg4[%add3A_575] : memref<320000xi32, #tpu.memory_space<hbm>> -> memref<80xi32, #tpu.memory_space<hbm>>
    tpu.enqueue_dma source(%dma_start3A_579 : memref<80xi32, #tpu.memory_space<hbm>>) target(%arg19 : memref<80xi32, #tpu.memory_space<vmem>>) target_semaphore(%arg32 : memref<!tpu.dma_semaphore, #tpu.memory_space<semaphore_mem>>)
    %dma_wait3A_580 = arith.constant 0 : i32
    %dma_wait3A_581 = tpu.memref_slice %arg3[%dma_wait3A_580] : memref<320000xi32, #tpu.memory_space<hbm>> -> memref<80xi32, #tpu.memory_space<hbm>>
    %dma_wait3A_582 = arith.constant 0 : i32
    %dma_wait3A_583 = tpu.memref_slice %arg3[%dma_wait3A_582] : memref<320000xi32, #tpu.memory_space<hbm>> -> memref<80xi32, #tpu.memory_space<hbm>>
    tpu.wait_dma2 semaphore(%arg29 : memref<!tpu.dma_semaphore, #tpu.memory_space<semaphore_mem>>) src(%dma_wait3A_583 : memref<80xi32, #tpu.memory_space<hbm>>) dst(%arg8 : memref<80xi32, #tpu.memory_space<vmem>>)
    %dma_wait3A_584 = arith.constant 0 : i32
    %dma_wait3A_585 = tpu.memref_slice %arg3[%dma_wait3A_584] : memref<320000xi32, #tpu.memory_space<hbm>> -> memref<80xi32, #tpu.memory_space<hbm>>
    %dma_wait3A_586 = arith.constant 0 : i32
    %dma_wait3A_587 = tpu.memref_slice %arg3[%dma_wait3A_586] : memref<320000xi32, #tpu.memory_space<hbm>> -> memref<80xi32, #tpu.memory_space<hbm>>
    tpu.wait_dma2 semaphore(%arg29 : memref<!tpu.dma_semaphore, #tpu.memory_space<semaphore_mem>>) src(%dma_wait3A_587 : memref<80xi32, #tpu.memory_space<hbm>>) dst(%arg16 : memref<80xi32, #tpu.memory_space<vmem>>)
    %dma_start3A_588 = arith.constant 0 : i32
    %dma_start3A_589 = arith.constant 0 : i32
    %dma_start3A_590 = tpu.memref_slice %arg2[%dma_start3A_588, %dma_start3A_589] : memref<10000x128xf32, #tpu.memory_space<hbm>> -> memref<10000x128xf32, #tpu.memory_space<hbm>>
    tpu.enqueue_indirect_dma source(%dma_start3A_590 : memref<10000x128xf32, #tpu.memory_space<hbm>>) target(%arg24 : memref<80x128xf32, #tpu.memory_space<vmem>>) offsets(%arg8 : memref<80xi32, #tpu.memory_space<vmem>>) semaphore(%arg37 : memref<!tpu.dma_semaphore, #tpu.memory_space<semaphore_mem>>)
    %dma_wait3A_591 = arith.constant 0 : i32
    %dma_wait3A_592 = arith.constant 0 : i32
    %dma_wait3A_593 = tpu.memref_slice %arg2[%dma_wait3A_591, %dma_wait3A_592] : memref<10000x128xf32, #tpu.memory_space<hbm>> -> memref<80x128xf32, #tpu.memory_space<hbm>>
    %dma_wait3A_594 = arith.constant 0 : i32
    %dma_wait3A_595 = arith.constant 0 : i32
    %dma_wait3A_596 = tpu.memref_slice %arg2[%dma_wait3A_594, %dma_wait3A_595] : memref<10000x128xf32, #tpu.memory_space<hbm>> -> memref<80x128xf32, #tpu.memory_space<hbm>>
    tpu.wait_dma2 semaphore(%arg39 : memref<!tpu.dma_semaphore, #tpu.memory_space<semaphore_mem>>) src(%dma_wait3A_596 : memref<80x128xf32, #tpu.memory_space<hbm>>) dst(%arg26 : memref<80x128xf32, #tpu.memory_space<vmem>>)
    %dma_wait3A_597 = arith.constant 0 : i32
    %dma_wait3A_598 = arith.constant 0 : i32
    %dma_wait3A_599 = tpu.memref_slice %arg27[%dma_wait3A_597, %dma_wait3A_598] : memref<10240x128xf32, #tpu.memory_space<vmem_shared>> -> memref<80x128xf32, #tpu.memory_space<vmem_shared>>
    %dma_wait3A_600 = arith.constant 0 : i32
    %dma_wait3A_601 = arith.constant 0 : i32
    %dma_wait3A_602 = tpu.memref_slice %arg27[%dma_wait3A_600, %dma_wait3A_601] : memref<10240x128xf32, #tpu.memory_space<vmem_shared>> -> memref<80x128xf32, #tpu.memory_space<vmem_shared>>
    tpu.wait_dma2 semaphore(%arg40 : memref<!tpu.dma_semaphore, #tpu.memory_space<semaphore_mem>>) src(%arg25 : memref<80x128xf32, #tpu.memory_space<vmem>>) dst(%dma_wait3A_602 : memref<80x128xf32, #tpu.memory_space<vmem_shared>>)
    %dma_start3A_603 = arith.constant 0 : i32
    %dma_start3A_604 = arith.constant 0 : i32
    %dma_start3A_605 = tpu.memref_slice %arg27[%dma_start3A_603, %dma_start3A_604] : memref<10240x128xf32, #tpu.memory_space<vmem_shared>> -> memref<10240x128xf32, #tpu.memory_space<vmem_shared>>
    tpu.enqueue_indirect_dma source(%arg26 : memref<80x128xf32, #tpu.memory_space<vmem>>) target(%dma_start3A_605 : memref<10240x128xf32, #tpu.memory_space<vmem_shared>>) offsets(%arg22 : memref<80xi32, #tpu.memory_space<vmem>>) semaphore(%arg40 : memref<!tpu.dma_semaphore, #tpu.memory_space<semaphore_mem>>) {add = true}
    %dma_wait3A_606 = arith.constant 0 : i32
    %dma_wait3A_607 = tpu.memref_slice %arg3[%dma_wait3A_606] : memref<320000xi32, #tpu.memory_space<hbm>> -> memref<80xi32, #tpu.memory_space<hbm>>
    %dma_wait3A_608 = arith.constant 0 : i32
    %dma_wait3A_609 = tpu.memref_slice %arg3[%dma_wait3A_608] : memref<320000xi32, #tpu.memory_space<hbm>> -> memref<80xi32, #tpu.memory_space<hbm>>
    tpu.wait_dma2 semaphore(%arg30 : memref<!tpu.dma_semaphore, #tpu.memory_space<semaphore_mem>>) src(%dma_wait3A_609 : memref<80xi32, #tpu.memory_space<hbm>>) dst(%arg9 : memref<80xi32, #tpu.memory_space<vmem>>)
    %dma_wait3A_610 = arith.constant 0 : i32
    %dma_wait3A_611 = tpu.memref_slice %arg3[%dma_wait3A_610] : memref<320000xi32, #tpu.memory_space<hbm>> -> memref<80xi32, #tpu.memory_space<hbm>>
    %dma_wait3A_612 = arith.constant 0 : i32
    %dma_wait3A_613 = tpu.memref_slice %arg3[%dma_wait3A_612] : memref<320000xi32, #tpu.memory_space<hbm>> -> memref<80xi32, #tpu.memory_space<hbm>>
    tpu.wait_dma2 semaphore(%arg30 : memref<!tpu.dma_semaphore, #tpu.memory_space<semaphore_mem>>) src(%dma_wait3A_613 : memref<80xi32, #tpu.memory_space<hbm>>) dst(%arg17 : memref<80xi32, #tpu.memory_space<vmem>>)
    %dma_start3A_614 = arith.constant 0 : i32
    %dma_start3A_615 = arith.constant 0 : i32
    %dma_start3A_616 = tpu.memref_slice %arg2[%dma_start3A_614, %dma_start3A_615] : memref<10000x128xf32, #tpu.memory_space<hbm>> -> memref<10000x128xf32, #tpu.memory_space<hbm>>
    tpu.enqueue_indirect_dma source(%dma_start3A_616 : memref<10000x128xf32, #tpu.memory_space<hbm>>) target(%arg25 : memref<80x128xf32, #tpu.memory_space<vmem>>) offsets(%arg9 : memref<80xi32, #tpu.memory_space<vmem>>) semaphore(%arg38 : memref<!tpu.dma_semaphore, #tpu.memory_space<semaphore_mem>>)
    %dma_wait3A_617 = arith.constant 0 : i32
    %dma_wait3A_618 = arith.constant 0 : i32
    %dma_wait3A_619 = tpu.memref_slice %arg2[%dma_wait3A_617, %dma_wait3A_618] : memref<10000x128xf32, #tpu.memory_space<hbm>> -> memref<80x128xf32, #tpu.memory_space<hbm>>
    %dma_wait3A_620 = arith.constant 0 : i32
    %dma_wait3A_621 = arith.constant 0 : i32
    %dma_wait3A_622 = tpu.memref_slice %arg2[%dma_wait3A_620, %dma_wait3A_621] : memref<10000x128xf32, #tpu.memory_space<hbm>> -> memref<80x128xf32, #tpu.memory_space<hbm>>
    tpu.wait_dma2 semaphore(%arg36 : memref<!tpu.dma_semaphore, #tpu.memory_space<semaphore_mem>>) src(%dma_wait3A_622 : memref<80x128xf32, #tpu.memory_space<hbm>>) dst(%arg23 : memref<80x128xf32, #tpu.memory_space<vmem>>)
    %dma_wait3A_623 = arith.constant 0 : i32
    %dma_wait3A_624 = arith.constant 0 : i32
    %dma_wait3A_625 = tpu.memref_slice %arg27[%dma_wait3A_623, %dma_wait3A_624] : memref<10240x128xf32, #tpu.memory_space<vmem_shared>> -> memref<80x128xf32, #tpu.memory_space<vmem_shared>>
    %dma_wait3A_626 = arith.constant 0 : i32
    %dma_wait3A_627 = arith.constant 0 : i32
    %dma_wait3A_628 = tpu.memref_slice %arg27[%dma_wait3A_626, %dma_wait3A_627] : memref<10240x128xf32, #tpu.memory_space<vmem_shared>> -> memref<80x128xf32, #tpu.memory_space<vmem_shared>>
    tpu.wait_dma2 semaphore(%arg40 : memref<!tpu.dma_semaphore, #tpu.memory_space<semaphore_mem>>) src(%arg26 : memref<80x128xf32, #tpu.memory_space<vmem>>) dst(%dma_wait3A_628 : memref<80x128xf32, #tpu.memory_space<vmem_shared>>)
    %dma_start3A_629 = arith.constant 0 : i32
    %dma_start3A_630 = arith.constant 0 : i32
    %dma_start3A_631 = tpu.memref_slice %arg27[%dma_start3A_629, %dma_start3A_630] : memref<10240x128xf32, #tpu.memory_space<vmem_shared>> -> memref<10240x128xf32, #tpu.memory_space<vmem_shared>>
    tpu.enqueue_indirect_dma source(%arg23 : memref<80x128xf32, #tpu.memory_space<vmem>>) target(%dma_start3A_631 : memref<10240x128xf32, #tpu.memory_space<vmem_shared>>) offsets(%arg15 : memref<80xi32, #tpu.memory_space<vmem>>) semaphore(%arg40 : memref<!tpu.dma_semaphore, #tpu.memory_space<semaphore_mem>>) {add = true}
    %dma_wait3A_632 = arith.constant 0 : i32
    %dma_wait3A_633 = tpu.memref_slice %arg3[%dma_wait3A_632] : memref<320000xi32, #tpu.memory_space<hbm>> -> memref<80xi32, #tpu.memory_space<hbm>>
    %dma_wait3A_634 = arith.constant 0 : i32
    %dma_wait3A_635 = tpu.memref_slice %arg3[%dma_wait3A_634] : memref<320000xi32, #tpu.memory_space<hbm>> -> memref<80xi32, #tpu.memory_space<hbm>>
    tpu.wait_dma2 semaphore(%arg31 : memref<!tpu.dma_semaphore, #tpu.memory_space<semaphore_mem>>) src(%dma_wait3A_635 : memref<80xi32, #tpu.memory_space<hbm>>) dst(%arg10 : memref<80xi32, #tpu.memory_space<vmem>>)
    %dma_wait3A_636 = arith.constant 0 : i32
    %dma_wait3A_637 = tpu.memref_slice %arg3[%dma_wait3A_636] : memref<320000xi32, #tpu.memory_space<hbm>> -> memref<80xi32, #tpu.memory_space<hbm>>
    %dma_wait3A_638 = arith.constant 0 : i32
    %dma_wait3A_639 = tpu.memref_slice %arg3[%dma_wait3A_638] : memref<320000xi32, #tpu.memory_space<hbm>> -> memref<80xi32, #tpu.memory_space<hbm>>
    tpu.wait_dma2 semaphore(%arg31 : memref<!tpu.dma_semaphore, #tpu.memory_space<semaphore_mem>>) src(%dma_wait3A_639 : memref<80xi32, #tpu.memory_space<hbm>>) dst(%arg18 : memref<80xi32, #tpu.memory_space<vmem>>)
    %dma_start3A_640 = arith.constant 0 : i32
    %dma_start3A_641 = arith.constant 0 : i32
    %dma_start3A_642 = tpu.memref_slice %arg2[%dma_start3A_640, %dma_start3A_641] : memref<10000x128xf32, #tpu.memory_space<hbm>> -> memref<10000x128xf32, #tpu.memory_space<hbm>>
    tpu.enqueue_indirect_dma source(%dma_start3A_642 : memref<10000x128xf32, #tpu.memory_space<hbm>>) target(%arg26 : memref<80x128xf32, #tpu.memory_space<vmem>>) offsets(%arg10 : memref<80xi32, #tpu.memory_space<vmem>>) semaphore(%arg39 : memref<!tpu.dma_semaphore, #tpu.memory_space<semaphore_mem>>)
    %dma_wait3A_643 = arith.constant 0 : i32
    %dma_wait3A_644 = arith.constant 0 : i32
    %dma_wait3A_645 = tpu.memref_slice %arg2[%dma_wait3A_643, %dma_wait3A_644] : memref<10000x128xf32, #tpu.memory_space<hbm>> -> memref<80x128xf32, #tpu.memory_space<hbm>>
    %dma_wait3A_646 = arith.constant 0 : i32
    %dma_wait3A_647 = arith.constant 0 : i32
    %dma_wait3A_648 = tpu.memref_slice %arg2[%dma_wait3A_646, %dma_wait3A_647] : memref<10000x128xf32, #tpu.memory_space<hbm>> -> memref<80x128xf32, #tpu.memory_space<hbm>>
    tpu.wait_dma2 semaphore(%arg37 : memref<!tpu.dma_semaphore, #tpu.memory_space<semaphore_mem>>) src(%dma_wait3A_648 : memref<80x128xf32, #tpu.memory_space<hbm>>) dst(%arg24 : memref<80x128xf32, #tpu.memory_space<vmem>>)
    %dma_wait3A_649 = arith.constant 0 : i32
    %dma_wait3A_650 = arith.constant 0 : i32
    %dma_wait3A_651 = tpu.memref_slice %arg27[%dma_wait3A_649, %dma_wait3A_650] : memref<10240x128xf32, #tpu.memory_space<vmem_shared>> -> memref<80x128xf32, #tpu.memory_space<vmem_shared>>
    %dma_wait3A_652 = arith.constant 0 : i32
    %dma_wait3A_653 = arith.constant 0 : i32
    %dma_wait3A_654 = tpu.memref_slice %arg27[%dma_wait3A_652, %dma_wait3A_653] : memref<10240x128xf32, #tpu.memory_space<vmem_shared>> -> memref<80x128xf32, #tpu.memory_space<vmem_shared>>
    tpu.wait_dma2 semaphore(%arg40 : memref<!tpu.dma_semaphore, #tpu.memory_space<semaphore_mem>>) src(%arg23 : memref<80x128xf32, #tpu.memory_space<vmem>>) dst(%dma_wait3A_654 : memref<80x128xf32, #tpu.memory_space<vmem_shared>>)
    %dma_start3A_655 = arith.constant 0 : i32
    %dma_start3A_656 = arith.constant 0 : i32
    %dma_start3A_657 = tpu.memref_slice %arg27[%dma_start3A_655, %dma_start3A_656] : memref<10240x128xf32, #tpu.memory_space<vmem_shared>> -> memref<10240x128xf32, #tpu.memory_space<vmem_shared>>
    tpu.enqueue_indirect_dma source(%arg24 : memref<80x128xf32, #tpu.memory_space<vmem>>) target(%dma_start3A_657 : memref<10240x128xf32, #tpu.memory_space<vmem_shared>>) offsets(%arg16 : memref<80xi32, #tpu.memory_space<vmem>>) semaphore(%arg40 : memref<!tpu.dma_semaphore, #tpu.memory_space<semaphore_mem>>) {add = true}
    %dma_wait3A_658 = arith.constant 0 : i32
    %dma_wait3A_659 = tpu.memref_slice %arg3[%dma_wait3A_658] : memref<320000xi32, #tpu.memory_space<hbm>> -> memref<80xi32, #tpu.memory_space<hbm>>
    %dma_wait3A_660 = arith.constant 0 : i32
    %dma_wait3A_661 = tpu.memref_slice %arg3[%dma_wait3A_660] : memref<320000xi32, #tpu.memory_space<hbm>> -> memref<80xi32, #tpu.memory_space<hbm>>
    tpu.wait_dma2 semaphore(%arg32 : memref<!tpu.dma_semaphore, #tpu.memory_space<semaphore_mem>>) src(%dma_wait3A_661 : memref<80xi32, #tpu.memory_space<hbm>>) dst(%arg11 : memref<80xi32, #tpu.memory_space<vmem>>)
    %dma_wait3A_662 = arith.constant 0 : i32
    %dma_wait3A_663 = tpu.memref_slice %arg3[%dma_wait3A_662] : memref<320000xi32, #tpu.memory_space<hbm>> -> memref<80xi32, #tpu.memory_space<hbm>>
    %dma_wait3A_664 = arith.constant 0 : i32
    %dma_wait3A_665 = tpu.memref_slice %arg3[%dma_wait3A_664] : memref<320000xi32, #tpu.memory_space<hbm>> -> memref<80xi32, #tpu.memory_space<hbm>>
    tpu.wait_dma2 semaphore(%arg32 : memref<!tpu.dma_semaphore, #tpu.memory_space<semaphore_mem>>) src(%dma_wait3A_665 : memref<80xi32, #tpu.memory_space<hbm>>) dst(%arg19 : memref<80xi32, #tpu.memory_space<vmem>>)
    %dma_start3A_666 = arith.constant 0 : i32
    %dma_start3A_667 = arith.constant 0 : i32
    %dma_start3A_668 = tpu.memref_slice %arg2[%dma_start3A_666, %dma_start3A_667] : memref<10000x128xf32, #tpu.memory_space<hbm>> -> memref<10000x128xf32, #tpu.memory_space<hbm>>
    tpu.enqueue_indirect_dma source(%dma_start3A_668 : memref<10000x128xf32, #tpu.memory_space<hbm>>) target(%arg23 : memref<80x128xf32, #tpu.memory_space<vmem>>) offsets(%arg11 : memref<80xi32, #tpu.memory_space<vmem>>) semaphore(%arg36 : memref<!tpu.dma_semaphore, #tpu.memory_space<semaphore_mem>>)
    %dma_wait3A_669 = arith.constant 0 : i32
    %dma_wait3A_670 = arith.constant 0 : i32
    %dma_wait3A_671 = tpu.memref_slice %arg2[%dma_wait3A_669, %dma_wait3A_670] : memref<10000x128xf32, #tpu.memory_space<hbm>> -> memref<80x128xf32, #tpu.memory_space<hbm>>
    %dma_wait3A_672 = arith.constant 0 : i32
    %dma_wait3A_673 = arith.constant 0 : i32
    %dma_wait3A_674 = tpu.memref_slice %arg2[%dma_wait3A_672, %dma_wait3A_673] : memref<10000x128xf32, #tpu.memory_space<hbm>> -> memref<80x128xf32, #tpu.memory_space<hbm>>
    tpu.wait_dma2 semaphore(%arg38 : memref<!tpu.dma_semaphore, #tpu.memory_space<semaphore_mem>>) src(%dma_wait3A_674 : memref<80x128xf32, #tpu.memory_space<hbm>>) dst(%arg25 : memref<80x128xf32, #tpu.memory_space<vmem>>)
    %dma_wait3A_675 = arith.constant 0 : i32
    %dma_wait3A_676 = arith.constant 0 : i32
    %dma_wait3A_677 = tpu.memref_slice %arg27[%dma_wait3A_675, %dma_wait3A_676] : memref<10240x128xf32, #tpu.memory_space<vmem_shared>> -> memref<80x128xf32, #tpu.memory_space<vmem_shared>>
    %dma_wait3A_678 = arith.constant 0 : i32
    %dma_wait3A_679 = arith.constant 0 : i32
    %dma_wait3A_680 = tpu.memref_slice %arg27[%dma_wait3A_678, %dma_wait3A_679] : memref<10240x128xf32, #tpu.memory_space<vmem_shared>> -> memref<80x128xf32, #tpu.memory_space<vmem_shared>>
    tpu.wait_dma2 semaphore(%arg40 : memref<!tpu.dma_semaphore, #tpu.memory_space<semaphore_mem>>) src(%arg24 : memref<80x128xf32, #tpu.memory_space<vmem>>) dst(%dma_wait3A_680 : memref<80x128xf32, #tpu.memory_space<vmem_shared>>)
    %dma_start3A_681 = arith.constant 0 : i32
    %dma_start3A_682 = arith.constant 0 : i32
    %dma_start3A_683 = tpu.memref_slice %arg27[%dma_start3A_681, %dma_start3A_682] : memref<10240x128xf32, #tpu.memory_space<vmem_shared>> -> memref<10240x128xf32, #tpu.memory_space<vmem_shared>>
    tpu.enqueue_indirect_dma source(%arg25 : memref<80x128xf32, #tpu.memory_space<vmem>>) target(%dma_start3A_683 : memref<10240x128xf32, #tpu.memory_space<vmem_shared>>) offsets(%arg17 : memref<80xi32, #tpu.memory_space<vmem>>) semaphore(%arg40 : memref<!tpu.dma_semaphore, #tpu.memory_space<semaphore_mem>>) {add = true}
    %dma_wait3A_684 = arith.constant 0 : i32
    %dma_wait3A_685 = arith.constant 0 : i32
    %dma_wait3A_686 = tpu.memref_slice %arg2[%dma_wait3A_684, %dma_wait3A_685] : memref<10000x128xf32, #tpu.memory_space<hbm>> -> memref<80x128xf32, #tpu.memory_space<hbm>>
    %dma_wait3A_687 = arith.constant 0 : i32
    %dma_wait3A_688 = arith.constant 0 : i32
    %dma_wait3A_689 = tpu.memref_slice %arg2[%dma_wait3A_687, %dma_wait3A_688] : memref<10000x128xf32, #tpu.memory_space<hbm>> -> memref<80x128xf32, #tpu.memory_space<hbm>>
    tpu.wait_dma2 semaphore(%arg39 : memref<!tpu.dma_semaphore, #tpu.memory_space<semaphore_mem>>) src(%dma_wait3A_689 : memref<80x128xf32, #tpu.memory_space<hbm>>) dst(%arg26 : memref<80x128xf32, #tpu.memory_space<vmem>>)
    %dma_wait3A_690 = arith.constant 0 : i32
    %dma_wait3A_691 = arith.constant 0 : i32
    %dma_wait3A_692 = tpu.memref_slice %arg27[%dma_wait3A_690, %dma_wait3A_691] : memref<10240x128xf32, #tpu.memory_space<vmem_shared>> -> memref<80x128xf32, #tpu.memory_space<vmem_shared>>
    %dma_wait3A_693 = arith.constant 0 : i32
    %dma_wait3A_694 = arith.constant 0 : i32
    %dma_wait3A_695 = tpu.memref_slice %arg27[%dma_wait3A_693, %dma_wait3A_694] : memref<10240x128xf32, #tpu.memory_space<vmem_shared>> -> memref<80x128xf32, #tpu.memory_space<vmem_shared>>
    tpu.wait_dma2 semaphore(%arg40 : memref<!tpu.dma_semaphore, #tpu.memory_space<semaphore_mem>>) src(%arg25 : memref<80x128xf32, #tpu.memory_space<vmem>>) dst(%dma_wait3A_695 : memref<80x128xf32, #tpu.memory_space<vmem_shared>>)
    %dma_start3A_696 = arith.constant 0 : i32
    %dma_start3A_697 = arith.constant 0 : i32
    %dma_start3A_698 = tpu.memref_slice %arg27[%dma_start3A_696, %dma_start3A_697] : memref<10240x128xf32, #tpu.memory_space<vmem_shared>> -> memref<10240x128xf32, #tpu.memory_space<vmem_shared>>
    tpu.enqueue_indirect_dma source(%arg26 : memref<80x128xf32, #tpu.memory_space<vmem>>) target(%dma_start3A_698 : memref<10240x128xf32, #tpu.memory_space<vmem_shared>>) offsets(%arg18 : memref<80xi32, #tpu.memory_space<vmem>>) semaphore(%arg40 : memref<!tpu.dma_semaphore, #tpu.memory_space<semaphore_mem>>) {add = true}
    %dma_wait3A_699 = arith.constant 0 : i32
    %dma_wait3A_700 = arith.constant 0 : i32
    %dma_wait3A_701 = tpu.memref_slice %arg2[%dma_wait3A_699, %dma_wait3A_700] : memref<10000x128xf32, #tpu.memory_space<hbm>> -> memref<80x128xf32, #tpu.memory_space<hbm>>
    %dma_wait3A_702 = arith.constant 0 : i32
    %dma_wait3A_703 = arith.constant 0 : i32
    %dma_wait3A_704 = tpu.memref_slice %arg2[%dma_wait3A_702, %dma_wait3A_703] : memref<10000x128xf32, #tpu.memory_space<hbm>> -> memref<80x128xf32, #tpu.memory_space<hbm>>
    tpu.wait_dma2 semaphore(%arg36 : memref<!tpu.dma_semaphore, #tpu.memory_space<semaphore_mem>>) src(%dma_wait3A_704 : memref<80x128xf32, #tpu.memory_space<hbm>>) dst(%arg23 : memref<80x128xf32, #tpu.memory_space<vmem>>)
    %dma_wait3A_705 = arith.constant 0 : i32
    %dma_wait3A_706 = arith.constant 0 : i32
    %dma_wait3A_707 = tpu.memref_slice %arg27[%dma_wait3A_705, %dma_wait3A_706] : memref<10240x128xf32, #tpu.memory_space<vmem_shared>> -> memref<80x128xf32, #tpu.memory_space<vmem_shared>>
    %dma_wait3A_708 = arith.constant 0 : i32
    %dma_wait3A_709 = arith.constant 0 : i32
    %dma_wait3A_710 = tpu.memref_slice %arg27[%dma_wait3A_708, %dma_wait3A_709] : memref<10240x128xf32, #tpu.memory_space<vmem_shared>> -> memref<80x128xf32, #tpu.memory_space<vmem_shared>>
    tpu.wait_dma2 semaphore(%arg40 : memref<!tpu.dma_semaphore, #tpu.memory_space<semaphore_mem>>) src(%arg26 : memref<80x128xf32, #tpu.memory_space<vmem>>) dst(%dma_wait3A_710 : memref<80x128xf32, #tpu.memory_space<vmem_shared>>)
    %dma_start3A_711 = arith.constant 0 : i32
    %dma_start3A_712 = arith.constant 0 : i32
    %dma_start3A_713 = tpu.memref_slice %arg27[%dma_start3A_711, %dma_start3A_712] : memref<10240x128xf32, #tpu.memory_space<vmem_shared>> -> memref<10240x128xf32, #tpu.memory_space<vmem_shared>>
    tpu.enqueue_indirect_dma source(%arg23 : memref<80x128xf32, #tpu.memory_space<vmem>>) target(%dma_start3A_713 : memref<10240x128xf32, #tpu.memory_space<vmem_shared>>) offsets(%arg19 : memref<80xi32, #tpu.memory_space<vmem>>) semaphore(%arg40 : memref<!tpu.dma_semaphore, #tpu.memory_space<semaphore_mem>>) {add = true}
    %dma_wait3A_714 = arith.constant 0 : i32
    %dma_wait3A_715 = arith.constant 0 : i32
    %dma_wait3A_716 = tpu.memref_slice %arg27[%dma_wait3A_714, %dma_wait3A_715] : memref<10240x128xf32, #tpu.memory_space<vmem_shared>> -> memref<80x128xf32, #tpu.memory_space<vmem_shared>>
    %dma_wait3A_717 = arith.constant 0 : i32
    %dma_wait3A_718 = arith.constant 0 : i32
    %dma_wait3A_719 = tpu.memref_slice %arg27[%dma_wait3A_717, %dma_wait3A_718] : memref<10240x128xf32, #tpu.memory_space<vmem_shared>> -> memref<80x128xf32, #tpu.memory_space<vmem_shared>>
    tpu.wait_dma2 semaphore(%arg40 : memref<!tpu.dma_semaphore, #tpu.memory_space<semaphore_mem>>) src(%arg23 : memref<80x128xf32, #tpu.memory_space<vmem>>) dst(%dma_wait3A_719 : memref<80x128xf32, #tpu.memory_space<vmem_shared>>)
    %barrier3A_720 = arith.constant 0 : index
    tpu.barrier barrier_id(%barrier3A_720)
    "tpu.region"() ({
      %run_scoped3A = tpu.sem_alloc : memref<!tpu.dma_semaphore, #tpu.memory_space<semaphore_mem>>
      %dma_start3A_721 = arith.constant 0 : i32
      %dma_start3A_722 = tpu.memref_slice %arg6[%arg0, %mul3A_2, %dma_start3A_721] : memref<2x10240x128xf32, #tpu.memory_space<hbm>> -> memref<1x640x128xf32, #tpu.memory_space<hbm>>
      %dma_start3A_723 = tpu.memref_squeeze %dma_start3A_722 : memref<1x640x128xf32, #tpu.memory_space<hbm>> -> memref<640x128xf32, #tpu.memory_space<hbm>>
      %dma_start3A_724 = arith.constant 0 : i32
      %dma_start3A_725 = tpu.memref_slice %arg27[%mul3A_2, %dma_start3A_724] : memref<10240x128xf32, #tpu.memory_space<vmem_shared>> -> memref<640x128xf32, #tpu.memory_space<vmem_shared>>
      tpu.enqueue_dma source(%dma_start3A_725 : memref<640x128xf32, #tpu.memory_space<vmem_shared>>) target(%dma_start3A_723 : memref<640x128xf32, #tpu.memory_space<hbm>>) target_semaphore(%run_scoped3A : memref<!tpu.dma_semaphore, #tpu.memory_space<semaphore_mem>>)
      %dma_wait3A_726 = arith.constant 0 : i32
      %dma_wait3A_727 = tpu.memref_slice %arg6[%arg0, %mul3A_2, %dma_wait3A_726] : memref<2x10240x128xf32, #tpu.memory_space<hbm>> -> memref<1x640x128xf32, #tpu.memory_space<hbm>>
      %dma_wait3A_728 = tpu.memref_squeeze %dma_wait3A_727 : memref<1x640x128xf32, #tpu.memory_space<hbm>> -> memref<640x128xf32, #tpu.memory_space<hbm>>
      %dma_wait3A_729 = arith.constant 0 : i32
      %dma_wait3A_730 = tpu.memref_slice %arg27[%mul3A_2, %dma_wait3A_729] : memref<10240x128xf32, #tpu.memory_space<vmem_shared>> -> memref<640x128xf32, #tpu.memory_space<vmem_shared>>
      tpu.wait_dma2 semaphore(%run_scoped3A : memref<!tpu.dma_semaphore, #tpu.memory_space<semaphore_mem>>) src(%dma_wait3A_730 : memref<640x128xf32, #tpu.memory_space<vmem_shared>>) dst(%dma_wait3A_728 : memref<640x128xf32, #tpu.memory_space<hbm>>)
      tpu.yield
    }) : () -> ()
    return
  }
}

module attributes {stable_mosaic.version = 14 : i64} {
  func.func @_conv_norm_body(%arg0: i32, %arg1: i32, %arg2: memref<1000x128xf32, #tpu.memory_space<vmem>>, %arg3: memref<1x1000x128xf32, #tpu.memory_space<vmem>>, %arg4: memref<1x1000x128xf32, #tpu.memory_space<vmem>>, %arg5: memref<128x128xf32, #tpu.memory_space<vmem>>, %arg6: memref<1x128xf32, #tpu.memory_space<vmem>>, %arg7: memref<128x128xf32, #tpu.memory_space<vmem>>, %arg8: memref<1x128xf32, #tpu.memory_space<vmem>>, %arg9: memref<1x128xf32, #tpu.memory_space<vmem>>, %arg10: memref<1x128xf32, #tpu.memory_space<vmem>>, %arg11: memref<1000x128xf32, #tpu.memory_space<vmem>>, %arg12: memref<10000x128xf32, #tpu.memory_space<vmem>>, %arg13: memref<2x128xf32, #tpu.memory_space<vmem>>) attributes {dimension_semantics = [#tpu.dimension_semantics<arbitrary>, #tpu.dimension_semantics<arbitrary>], iteration_bounds = array<i64: 2, 10>, scalar_prefetch = 0 : i64, scratch_operands = 2 : i64, tpu.core_type = #tpu.core_type<tc>, window_params = [{transform_indices = @transform_0, window_bounds = array<i64: 1000, 128>}, {transform_indices = @transform_1, window_bounds = array<i64: 1, 1000, 128>}, {transform_indices = @transform_2, window_bounds = array<i64: 1, 1000, 128>}, {pipeline_mode = #tpu.pipeline_mode<synchronous>, transform_indices = @transform_3, window_bounds = array<i64: 128, 128>}, {pipeline_mode = #tpu.pipeline_mode<synchronous>, transform_indices = @transform_4, window_bounds = array<i64: 1, 128>}, {pipeline_mode = #tpu.pipeline_mode<synchronous>, transform_indices = @transform_5, window_bounds = array<i64: 128, 128>}, {pipeline_mode = #tpu.pipeline_mode<synchronous>, transform_indices = @transform_6, window_bounds = array<i64: 1, 128>}, {pipeline_mode = #tpu.pipeline_mode<synchronous>, transform_indices = @transform_7, window_bounds = array<i64: 1, 128>}, {pipeline_mode = #tpu.pipeline_mode<synchronous>, transform_indices = @transform_8, window_bounds = array<i64: 1, 128>}, {transform_indices = @transform_9, window_bounds = array<i64: 1000, 128>}]} {
    %eq3A = arith.constant 0 : i32
    %eq3A_0 = arith.cmpi eq, %arg0, %eq3A : i32
    %convert_element_type3A = arith.extui %eq3A_0 : i1 to i32
    %cond3A = arith.constant 0 : i32
    %cond3A_1 = arith.cmpi ne, %convert_element_type3A, %cond3A : i32
    scf.if %cond3A_1 {
      %get3A = arith.constant 0 : index
      %get3A_7 = arith.constant 0 : index
      %get3A_8 = vector.load %arg2[%get3A, %get3A_7] : memref<1000x128xf32, #tpu.memory_space<vmem>>, vector<1000x128xf32>
      %get3A_9 = arith.constant 0 : index
      %get3A_10 = arith.constant 0 : index
      %get3A_11 = arith.constant 0 : index
      %get3A_12 = vector.load %arg3[%get3A_9, %get3A_10, %get3A_11] : memref<1x1000x128xf32, #tpu.memory_space<vmem>>, vector<1x1000x128xf32>
      %get3A_13 = vector.shape_cast %get3A_12 : vector<1x1000x128xf32> to vector<1000x128xf32>
      %add3A = arith.addf %get3A_8, %get3A_13 : vector<1000x128xf32>
      %get3A_14 = arith.constant 0 : index
      %get3A_15 = arith.constant 0 : index
      %get3A_16 = arith.constant 0 : index
      %get3A_17 = vector.load %arg4[%get3A_14, %get3A_15, %get3A_16] : memref<1x1000x128xf32, #tpu.memory_space<vmem>>, vector<1x1000x128xf32>
      %get3A_18 = vector.shape_cast %get3A_17 : vector<1x1000x128xf32> to vector<1000x128xf32>
      %add3A_19 = arith.addf %add3A, %get3A_18 : vector<1000x128xf32>
      %get3A_20 = arith.constant 0 : index
      %get3A_21 = arith.constant 0 : index
      %get3A_22 = vector.load %arg5[%get3A_20, %get3A_21] : memref<128x128xf32, #tpu.memory_space<vmem>>, vector<128x128xf32>
      %dot_general3A = arith.constant dense<0.000000e+00> : vector<1000x128xf32>
      %dot_general3A_23 = tpu.matmul %add3A_19, %get3A_22, %dot_general3A {dimension_numbers = #tpu.dot_dimension_numbers<[1], [0], [0], [1], [0, 0, 1, 1], [], []>, transpose_lhs_hint = false} : vector<1000x128xf32>, vector<128x128xf32>, vector<1000x128xf32> -> vector<1000x128xf32>
      %get3A_24 = arith.constant 0 : index
      %get3A_25 = arith.constant 0 : index
      %get3A_26 = vector.load %arg6[%get3A_24, %get3A_25] : memref<1x128xf32, #tpu.memory_space<vmem>>, vector<1x128xf32>
      %add3A_27 = vector.broadcast %get3A_26 : vector<1x128xf32> to vector<1000x128xf32>
      %add3A_28 = arith.addf %dot_general3A_23, %add3A_27 : vector<1000x128xf32>
      %jit3A = arith.constant 0.00999999977 : f32
      %ge3A = arith.constant 0.000000e+00 : f32
      %ge3A_29 = vector.broadcast %ge3A : f32 to vector<1000x128xf32>
      %ge3A_30 = arith.cmpf oge, %add3A_28, %ge3A_29 : vector<1000x128xf32>
      %mul3A = vector.broadcast %jit3A : f32 to vector<1000x128xf32>
      %mul3A_31 = arith.mulf %mul3A, %add3A_28 : vector<1000x128xf32>
      %select_n3A = arith.select %ge3A_30, %add3A_28, %mul3A_31 : vector<1000x128xi1>, vector<1000x128xf32>
      %get3A_32 = arith.constant 0 : index
      %get3A_33 = arith.constant 0 : index
      %get3A_34 = vector.load %arg7[%get3A_32, %get3A_33] : memref<128x128xf32, #tpu.memory_space<vmem>>, vector<128x128xf32>
      %dot_general3A_35 = arith.constant dense<0.000000e+00> : vector<1000x128xf32>
      %dot_general3A_36 = tpu.matmul %select_n3A, %get3A_34, %dot_general3A_35 {dimension_numbers = #tpu.dot_dimension_numbers<[1], [0], [0], [1], [0, 0, 1, 1], [], []>, transpose_lhs_hint = false} : vector<1000x128xf32>, vector<128x128xf32>, vector<1000x128xf32> -> vector<1000x128xf32>
      %get3A_37 = arith.constant 0 : index
      %get3A_38 = arith.constant 0 : index
      %get3A_39 = vector.load %arg8[%get3A_37, %get3A_38] : memref<1x128xf32, #tpu.memory_space<vmem>>, vector<1x128xf32>
      %add3A_40 = vector.broadcast %get3A_39 : vector<1x128xf32> to vector<1000x128xf32>
      %add3A_41 = arith.addf %dot_general3A_36, %add3A_40 : vector<1000x128xf32>
      %jit3A_42 = arith.constant 0.00999999977 : f32
      %ge3A_43 = arith.constant 0.000000e+00 : f32
      %ge3A_44 = vector.broadcast %ge3A_43 : f32 to vector<1000x128xf32>
      %ge3A_45 = arith.cmpf oge, %add3A_41, %ge3A_44 : vector<1000x128xf32>
      %mul3A_46 = vector.broadcast %jit3A_42 : f32 to vector<1000x128xf32>
      %mul3A_47 = arith.mulf %mul3A_46, %add3A_41 : vector<1000x128xf32>
      %select_n3A_48 = arith.select %ge3A_45, %add3A_41, %mul3A_47 : vector<1000x128xi1>, vector<1000x128xf32>
      %mul3A_49 = arith.constant 1000 : i32
      %mul3A_50 = arith.muli %arg1, %mul3A_49 : i32
      %swap3A = arith.index_cast %mul3A_50 : i32 to index
      %swap3A_51 = arith.constant 0 : index
      %swap3A_52 = vector.load %arg12[%swap3A, %swap3A_51] : memref<10000x128xf32, #tpu.memory_space<vmem>>, vector<1000x128xf32>
      tpu.vector_store %arg12[%swap3A, %swap3A_51], %select_n3A_48 {strides = array<i32>} : memref<10000x128xf32, #tpu.memory_space<vmem>>, vector<1000x128xf32>,
      %eq3A_53 = arith.constant 0 : i32
      %eq3A_54 = arith.cmpi eq, %arg1, %eq3A_53 : i32
      %convert_element_type3A_55 = arith.extui %eq3A_54 : i1 to i32
      %cond3A_56 = arith.constant 0 : i32
      %cond3A_57 = arith.cmpi ne, %convert_element_type3A_55, %cond3A_56 : i32
      scf.if %cond3A_57 {
        %broadcast_in_dim3A_73 = arith.constant 0.000000e+00 : f32
        %broadcast_in_dim3A_74 = vector.broadcast %broadcast_in_dim3A_73 : f32 to vector<2x128xf32>
        %swap3A_75 = arith.constant 0 : index
        %swap3A_76 = arith.constant 0 : index
        %swap3A_77 = vector.load %arg13[%swap3A_75, %swap3A_76] : memref<2x128xf32, #tpu.memory_space<vmem>>, vector<2x128xf32>
        tpu.vector_store %arg13[%swap3A_75, %swap3A_76], %broadcast_in_dim3A_74 {strides = array<i32>} : memref<2x128xf32, #tpu.memory_space<vmem>>, vector<2x128xf32>,
      } else {
      }
      %reduce_sum3A = arith.constant dense<0.000000e+00> : vector<128xf32>
      %reduce_sum3A_58 = vector.multi_reduction <add>, %select_n3A_48, %reduce_sum3A [0] : vector<1000x128xf32> to vector<128xf32>
      %broadcast_in_dim3A = vector.shape_cast %reduce_sum3A_58 : vector<128xf32> to vector<1x128xf32>
      %mul3A_59 = arith.mulf %select_n3A_48, %select_n3A_48 : vector<1000x128xf32>
      %reduce_sum3A_60 = arith.constant dense<0.000000e+00> : vector<128xf32>
      %reduce_sum3A_61 = vector.multi_reduction <add>, %mul3A_59, %reduce_sum3A_60 [0] : vector<1000x128xf32> to vector<128xf32>
      %broadcast_in_dim3A_62 = vector.shape_cast %reduce_sum3A_61 : vector<128xf32> to vector<1x128xf32>
      %concatenate3A = tpu.concatenate %broadcast_in_dim3A, %broadcast_in_dim3A_62 in 0 : vector<1x128xf32>, vector<1x128xf32> -> vector<2x128xf32>
      %get3A_63 = arith.constant 0 : index
      %get3A_64 = arith.constant 0 : index
      %get3A_65 = vector.load %arg13[%get3A_63, %get3A_64] : memref<2x128xf32, #tpu.memory_space<vmem>>, vector<2x128xf32>
      %add3A_66 = arith.addf %get3A_65, %concatenate3A : vector<2x128xf32>
      %swap3A_67 = arith.constant 0 : index
      %swap3A_68 = arith.constant 0 : index
      %swap3A_69 = vector.load %arg13[%swap3A_67, %swap3A_68] : memref<2x128xf32, #tpu.memory_space<vmem>>, vector<2x128xf32>
      tpu.vector_store %arg13[%swap3A_67, %swap3A_68], %add3A_66 {strides = array<i32>} : memref<2x128xf32, #tpu.memory_space<vmem>>, vector<2x128xf32>,
      %swap3A_70 = arith.constant 0 : index
      %swap3A_71 = arith.constant 0 : index
      %swap3A_72 = vector.load %arg11[%swap3A_70, %swap3A_71] : memref<1000x128xf32, #tpu.memory_space<vmem>>, vector<1000x128xf32>
      tpu.vector_store %arg11[%swap3A_70, %swap3A_71], %select_n3A_48 {strides = array<i32>} : memref<1000x128xf32, #tpu.memory_space<vmem>>, vector<1000x128xf32>,
    } else {
    }
    %eq3A_2 = arith.constant 1 : i32
    %eq3A_3 = arith.cmpi eq, %arg0, %eq3A_2 : i32
    %convert_element_type3A_4 = arith.extui %eq3A_3 : i1 to i32
    %cond3A_5 = arith.constant 0 : i32
    %cond3A_6 = arith.cmpi ne, %convert_element_type3A_4, %cond3A_5 : i32
    scf.if %cond3A_6 {
      %get3A = arith.constant 0 : index
      %get3A_7 = arith.constant 0 : index
      %get3A_8 = vector.load %arg13[%get3A, %get3A_7] : memref<2x128xf32, #tpu.memory_space<vmem>>, vector<2x128xf32>
      %slice3A = vector.extract_strided_slice %get3A_8 {offsets = [0, 0], sizes = [1, 128], strides = [1, 1]} : vector<2x128xf32> to vector<1x128xf32>
      %mul3A = arith.constant 9.99999974E-5 : f32
      %mul3A_9 = vector.broadcast %mul3A : f32 to vector<1x128xf32>
      %mul3A_10 = arith.mulf %slice3A, %mul3A_9 : vector<1x128xf32>
      %slice3A_11 = vector.extract_strided_slice %get3A_8 {offsets = [1, 0], sizes = [1, 128], strides = [1, 1]} : vector<2x128xf32> to vector<1x128xf32>
      %mul3A_12 = arith.constant 9.99999974E-5 : f32
      %mul3A_13 = vector.broadcast %mul3A_12 : f32 to vector<1x128xf32>
      %mul3A_14 = arith.mulf %slice3A_11, %mul3A_13 : vector<1x128xf32>
      %mul3A_15 = arith.mulf %mul3A_10, %mul3A_10 : vector<1x128xf32>
      %sub3A = arith.subf %mul3A_14, %mul3A_15 : vector<1x128xf32>
      %get3A_16 = arith.constant 0 : index
      %get3A_17 = arith.constant 0 : index
      %get3A_18 = vector.load %arg9[%get3A_16, %get3A_17] : memref<1x128xf32, #tpu.memory_space<vmem>>, vector<1x128xf32>
      %add3A = arith.constant 9.99999974E-6 : f32
      %add3A_19 = vector.broadcast %add3A : f32 to vector<1x128xf32>
      %add3A_20 = arith.addf %sub3A, %add3A_19 : vector<1x128xf32>
      %rsqrt3A = math.rsqrt %add3A_20 : vector<1x128xf32>
      %mul3A_21 = arith.mulf %get3A_18, %rsqrt3A : vector<1x128xf32>
      %mul3A_22 = arith.constant 1000 : i32
      %mul3A_23 = arith.muli %arg1, %mul3A_22 : i32
      %get3A_24 = arith.index_cast %mul3A_23 : i32 to index
      %get3A_25 = arith.constant 0 : index
      %get3A_26 = vector.load %arg12[%get3A_24, %get3A_25] : memref<10000x128xf32, #tpu.memory_space<vmem>>, vector<1000x128xf32>
      %sub3A_27 = vector.broadcast %mul3A_10 : vector<1x128xf32> to vector<1000x128xf32>
      %sub3A_28 = arith.subf %get3A_26, %sub3A_27 : vector<1000x128xf32>
      %mul3A_29 = vector.broadcast %mul3A_21 : vector<1x128xf32> to vector<1000x128xf32>
      %mul3A_30 = arith.mulf %sub3A_28, %mul3A_29 : vector<1000x128xf32>
      %get3A_31 = arith.constant 0 : index
      %get3A_32 = arith.constant 0 : index
      %get3A_33 = vector.load %arg10[%get3A_31, %get3A_32] : memref<1x128xf32, #tpu.memory_space<vmem>>, vector<1x128xf32>
      %add3A_34 = vector.broadcast %get3A_33 : vector<1x128xf32> to vector<1000x128xf32>
      %add3A_35 = arith.addf %mul3A_30, %add3A_34 : vector<1000x128xf32>
      %swap3A = arith.constant 0 : index
      %swap3A_36 = arith.constant 0 : index
      %swap3A_37 = vector.load %arg11[%swap3A, %swap3A_36] : memref<1000x128xf32, #tpu.memory_space<vmem>>, vector<1000x128xf32>
      tpu.vector_store %arg11[%swap3A, %swap3A_36], %add3A_35 {strides = array<i32>} : memref<1000x128xf32, #tpu.memory_space<vmem>>, vector<1000x128xf32>,
    } else {
    }
    return
  }
  func.func @transform_0(%arg0: i32, %arg1: i32) -> (i32, i32) {
    %sub3A = arith.constant 1 : i32
    %sub3A_0 = arith.subi %sub3A, %arg0 : i32
    %mul3A = arith.muli %arg1, %sub3A_0 : i32
    %c0_i32 = arith.constant 0 : i32
    %c0_i32_1 = arith.constant 0 : i32
    return %mul3A, %c0_i32 : i32, i32
  }
  func.func @transform_1(%arg0: i32, %arg1: i32) -> (i32, i32, i32) {
    %sub3A = arith.constant 1 : i32
    %sub3A_0 = arith.subi %sub3A, %arg0 : i32
    %mul3A = arith.muli %arg1, %sub3A_0 : i32
    %c0_i32 = arith.constant 0 : i32
    %c0_i32_1 = arith.constant 0 : i32
    %c0_i32_2 = arith.constant 0 : i32
    return %c0_i32, %mul3A, %c0_i32_1 : i32, i32, i32
  }
  func.func @transform_2(%arg0: i32, %arg1: i32) -> (i32, i32, i32) {
    %sub3A = arith.constant 1 : i32
    %sub3A_0 = arith.subi %sub3A, %arg0 : i32
    %mul3A = arith.muli %arg1, %sub3A_0 : i32
    %c1_i32 = arith.constant 1 : i32
    %c0_i32 = arith.constant 0 : i32
    %c0_i32_1 = arith.constant 0 : i32
    return %c1_i32, %mul3A, %c0_i32 : i32, i32, i32
  }
  func.func @transform_3(%arg0: i32, %arg1: i32) -> (i32, i32) {
    %c0_i32 = arith.constant 0 : i32
    %c0_i32_0 = arith.constant 0 : i32
    %c0_i32_1 = arith.constant 0 : i32
    return %c0_i32, %c0_i32_0 : i32, i32
  }
  func.func @transform_4(%arg0: i32, %arg1: i32) -> (i32, i32) {
    %c0_i32 = arith.constant 0 : i32
    %c0_i32_0 = arith.constant 0 : i32
    %c0_i32_1 = arith.constant 0 : i32
    return %c0_i32, %c0_i32_0 : i32, i32
  }
  func.func @transform_5(%arg0: i32, %arg1: i32) -> (i32, i32) {
    %c0_i32 = arith.constant 0 : i32
    %c0_i32_0 = arith.constant 0 : i32
    %c0_i32_1 = arith.constant 0 : i32
    return %c0_i32, %c0_i32_0 : i32, i32
  }
  func.func @transform_6(%arg0: i32, %arg1: i32) -> (i32, i32) {
    %c0_i32 = arith.constant 0 : i32
    %c0_i32_0 = arith.constant 0 : i32
    %c0_i32_1 = arith.constant 0 : i32
    return %c0_i32, %c0_i32_0 : i32, i32
  }
  func.func @transform_7(%arg0: i32, %arg1: i32) -> (i32, i32) {
    %c0_i32 = arith.constant 0 : i32
    %c0_i32_0 = arith.constant 0 : i32
    %c0_i32_1 = arith.constant 0 : i32
    return %c0_i32, %c0_i32_0 : i32, i32
  }
  func.func @transform_8(%arg0: i32, %arg1: i32) -> (i32, i32) {
    %c0_i32 = arith.constant 0 : i32
    %c0_i32_0 = arith.constant 0 : i32
    %c0_i32_1 = arith.constant 0 : i32
    return %c0_i32, %c0_i32_0 : i32, i32
  }
  func.func @transform_9(%arg0: i32, %arg1: i32) -> (i32, i32) {
    %c0_i32 = arith.constant 0 : i32
    %c0_i32_0 = arith.constant 0 : i32
    return %arg1, %c0_i32 : i32, i32
  }
}

module attributes {stable_mosaic.version = 14 : i64} {
  func.func @_conv_pool_body(%arg0: i32, %arg1: i32, %arg2: memref<1000x128xf32, #tpu.memory_space<vmem>>, %arg3: memref<1x1000x128xf32, #tpu.memory_space<vmem>>, %arg4: memref<1x1000x128xf32, #tpu.memory_space<vmem>>, %arg5: memref<128x128xf32, #tpu.memory_space<vmem>>, %arg6: memref<1x128xf32, #tpu.memory_space<vmem>>, %arg7: memref<128x128xf32, #tpu.memory_space<vmem>>, %arg8: memref<1x128xf32, #tpu.memory_space<vmem>>, %arg9: memref<1x128xf32, #tpu.memory_space<vmem>>, %arg10: memref<1x128xf32, #tpu.memory_space<vmem>>, %arg11: memref<1x1x1000xi32, #tpu.memory_space<vmem>>, %arg12: memref<128x128xf32, #tpu.memory_space<vmem>>, %arg13: memref<1x128xf32, #tpu.memory_space<vmem>>, %arg14: memref<128x128xf32, #tpu.memory_space<vmem>>, %arg15: memref<1x128xf32, #tpu.memory_space<vmem>>, %arg16: memref<64x128xf32, #tpu.memory_space<vmem>>, %arg17: memref<10000x128xf32, #tpu.memory_space<vmem>>, %arg18: memref<2x128xf32, #tpu.memory_space<vmem>>, %arg19: memref<64x128xf32, #tpu.memory_space<vmem>>) attributes {dimension_semantics = [#tpu.dimension_semantics<arbitrary>, #tpu.dimension_semantics<arbitrary>], iteration_bounds = array<i64: 2, 10>, scalar_prefetch = 0 : i64, scratch_operands = 3 : i64, tpu.core_type = #tpu.core_type<tc>, window_params = [{transform_indices = @transform_0, window_bounds = array<i64: 1000, 128>}, {transform_indices = @transform_1, window_bounds = array<i64: 1, 1000, 128>}, {transform_indices = @transform_2, window_bounds = array<i64: 1, 1000, 128>}, {pipeline_mode = #tpu.pipeline_mode<synchronous>, transform_indices = @transform_3, window_bounds = array<i64: 128, 128>}, {pipeline_mode = #tpu.pipeline_mode<synchronous>, transform_indices = @transform_4, window_bounds = array<i64: 1, 128>}, {pipeline_mode = #tpu.pipeline_mode<synchronous>, transform_indices = @transform_5, window_bounds = array<i64: 128, 128>}, {pipeline_mode = #tpu.pipeline_mode<synchronous>, transform_indices = @transform_6, window_bounds = array<i64: 1, 128>}, {pipeline_mode = #tpu.pipeline_mode<synchronous>, transform_indices = @transform_7, window_bounds = array<i64: 1, 128>}, {pipeline_mode = #tpu.pipeline_mode<synchronous>, transform_indices = @transform_8, window_bounds = array<i64: 1, 128>}, {transform_indices = @transform_9, window_bounds = array<i64: 1, 1, 1000>}, {pipeline_mode = #tpu.pipeline_mode<synchronous>, transform_indices = @transform_10, window_bounds = array<i64: 128, 128>}, {pipeline_mode = #tpu.pipeline_mode<synchronous>, transform_indices = @transform_11, window_bounds = array<i64: 1, 128>}, {pipeline_mode = #tpu.pipeline_mode<synchronous>, transform_indices = @transform_12, window_bounds = array<i64: 128, 128>}, {pipeline_mode = #tpu.pipeline_mode<synchronous>, transform_indices = @transform_13, window_bounds = array<i64: 1, 128>}, {pipeline_mode = #tpu.pipeline_mode<synchronous>, transform_indices = @transform_14, window_bounds = array<i64: 64, 128>}]} {
    %eq3A = arith.constant 0 : i32
    %eq3A_0 = arith.cmpi eq, %arg0, %eq3A : i32
    %convert_element_type3A = arith.extui %eq3A_0 : i1 to i32
    %cond3A = arith.constant 0 : i32
    %cond3A_1 = arith.cmpi ne, %convert_element_type3A, %cond3A : i32
    scf.if %cond3A_1 {
      %get3A = arith.constant 0 : index
      %get3A_7 = arith.constant 0 : index
      %get3A_8 = vector.load %arg2[%get3A, %get3A_7] : memref<1000x128xf32, #tpu.memory_space<vmem>>, vector<1000x128xf32>
      %get3A_9 = arith.constant 0 : index
      %get3A_10 = arith.constant 0 : index
      %get3A_11 = arith.constant 0 : index
      %get3A_12 = vector.load %arg3[%get3A_9, %get3A_10, %get3A_11] : memref<1x1000x128xf32, #tpu.memory_space<vmem>>, vector<1x1000x128xf32>
      %get3A_13 = vector.shape_cast %get3A_12 : vector<1x1000x128xf32> to vector<1000x128xf32>
      %add3A = arith.addf %get3A_8, %get3A_13 : vector<1000x128xf32>
      %get3A_14 = arith.constant 0 : index
      %get3A_15 = arith.constant 0 : index
      %get3A_16 = arith.constant 0 : index
      %get3A_17 = vector.load %arg4[%get3A_14, %get3A_15, %get3A_16] : memref<1x1000x128xf32, #tpu.memory_space<vmem>>, vector<1x1000x128xf32>
      %get3A_18 = vector.shape_cast %get3A_17 : vector<1x1000x128xf32> to vector<1000x128xf32>
      %add3A_19 = arith.addf %add3A, %get3A_18 : vector<1000x128xf32>
      %get3A_20 = arith.constant 0 : index
      %get3A_21 = arith.constant 0 : index
      %get3A_22 = vector.load %arg5[%get3A_20, %get3A_21] : memref<128x128xf32, #tpu.memory_space<vmem>>, vector<128x128xf32>
      %dot_general3A = arith.constant dense<0.000000e+00> : vector<1000x128xf32>
      %dot_general3A_23 = tpu.matmul %add3A_19, %get3A_22, %dot_general3A {dimension_numbers = #tpu.dot_dimension_numbers<[1], [0], [0], [1], [0, 0, 1, 1], [], []>, transpose_lhs_hint = false} : vector<1000x128xf32>, vector<128x128xf32>, vector<1000x128xf32> -> vector<1000x128xf32>
      %get3A_24 = arith.constant 0 : index
      %get3A_25 = arith.constant 0 : index
      %get3A_26 = vector.load %arg6[%get3A_24, %get3A_25] : memref<1x128xf32, #tpu.memory_space<vmem>>, vector<1x128xf32>
      %add3A_27 = vector.broadcast %get3A_26 : vector<1x128xf32> to vector<1000x128xf32>
      %add3A_28 = arith.addf %dot_general3A_23, %add3A_27 : vector<1000x128xf32>
      %jit3A = arith.constant 0.00999999977 : f32
      %ge3A = arith.constant 0.000000e+00 : f32
      %ge3A_29 = vector.broadcast %ge3A : f32 to vector<1000x128xf32>
      %ge3A_30 = arith.cmpf oge, %add3A_28, %ge3A_29 : vector<1000x128xf32>
      %mul3A = vector.broadcast %jit3A : f32 to vector<1000x128xf32>
      %mul3A_31 = arith.mulf %mul3A, %add3A_28 : vector<1000x128xf32>
      %select_n3A = arith.select %ge3A_30, %add3A_28, %mul3A_31 : vector<1000x128xi1>, vector<1000x128xf32>
      %get3A_32 = arith.constant 0 : index
      %get3A_33 = arith.constant 0 : index
      %get3A_34 = vector.load %arg7[%get3A_32, %get3A_33] : memref<128x128xf32, #tpu.memory_space<vmem>>, vector<128x128xf32>
      %dot_general3A_35 = arith.constant dense<0.000000e+00> : vector<1000x128xf32>
      %dot_general3A_36 = tpu.matmul %select_n3A, %get3A_34, %dot_general3A_35 {dimension_numbers = #tpu.dot_dimension_numbers<[1], [0], [0], [1], [0, 0, 1, 1], [], []>, transpose_lhs_hint = false} : vector<1000x128xf32>, vector<128x128xf32>, vector<1000x128xf32> -> vector<1000x128xf32>
      %get3A_37 = arith.constant 0 : index
      %get3A_38 = arith.constant 0 : index
      %get3A_39 = vector.load %arg8[%get3A_37, %get3A_38] : memref<1x128xf32, #tpu.memory_space<vmem>>, vector<1x128xf32>
      %add3A_40 = vector.broadcast %get3A_39 : vector<1x128xf32> to vector<1000x128xf32>
      %add3A_41 = arith.addf %dot_general3A_36, %add3A_40 : vector<1000x128xf32>
      %jit3A_42 = arith.constant 0.00999999977 : f32
      %ge3A_43 = arith.constant 0.000000e+00 : f32
      %ge3A_44 = vector.broadcast %ge3A_43 : f32 to vector<1000x128xf32>
      %ge3A_45 = arith.cmpf oge, %add3A_41, %ge3A_44 : vector<1000x128xf32>
      %mul3A_46 = vector.broadcast %jit3A_42 : f32 to vector<1000x128xf32>
      %mul3A_47 = arith.mulf %mul3A_46, %add3A_41 : vector<1000x128xf32>
      %select_n3A_48 = arith.select %ge3A_45, %add3A_41, %mul3A_47 : vector<1000x128xi1>, vector<1000x128xf32>
      %mul3A_49 = arith.constant 1000 : i32
      %mul3A_50 = arith.muli %arg1, %mul3A_49 : i32
      %swap3A = arith.index_cast %mul3A_50 : i32 to index
      %swap3A_51 = arith.constant 0 : index
      %swap3A_52 = vector.load %arg17[%swap3A, %swap3A_51] : memref<10000x128xf32, #tpu.memory_space<vmem>>, vector<1000x128xf32>
      tpu.vector_store %arg17[%swap3A, %swap3A_51], %select_n3A_48 {strides = array<i32>} : memref<10000x128xf32, #tpu.memory_space<vmem>>, vector<1000x128xf32>,
      %eq3A_53 = arith.constant 0 : i32
      %eq3A_54 = arith.cmpi eq, %arg1, %eq3A_53 : i32
      %convert_element_type3A_55 = arith.extui %eq3A_54 : i1 to i32
      %cond3A_56 = arith.constant 0 : i32
      %cond3A_57 = arith.cmpi ne, %convert_element_type3A_55, %cond3A_56 : i32
      scf.if %cond3A_57 {
        %broadcast_in_dim3A_70 = arith.constant 0.000000e+00 : f32
        %broadcast_in_dim3A_71 = vector.broadcast %broadcast_in_dim3A_70 : f32 to vector<2x128xf32>
        %swap3A_72 = arith.constant 0 : index
        %swap3A_73 = arith.constant 0 : index
        %swap3A_74 = vector.load %arg18[%swap3A_72, %swap3A_73] : memref<2x128xf32, #tpu.memory_space<vmem>>, vector<2x128xf32>
        tpu.vector_store %arg18[%swap3A_72, %swap3A_73], %broadcast_in_dim3A_71 {strides = array<i32>} : memref<2x128xf32, #tpu.memory_space<vmem>>, vector<2x128xf32>,
        %broadcast_in_dim3A_75 = arith.constant 0.000000e+00 : f32
        %broadcast_in_dim3A_76 = vector.broadcast %broadcast_in_dim3A_75 : f32 to vector<64x128xf32>
        %swap3A_77 = arith.constant 0 : index
        %swap3A_78 = arith.constant 0 : index
        %swap3A_79 = vector.load %arg16[%swap3A_77, %swap3A_78] : memref<64x128xf32, #tpu.memory_space<vmem>>, vector<64x128xf32>
        tpu.vector_store %arg16[%swap3A_77, %swap3A_78], %broadcast_in_dim3A_76 {strides = array<i32>} : memref<64x128xf32, #tpu.memory_space<vmem>>, vector<64x128xf32>,
      } else {
      }
      %reduce_sum3A = arith.constant dense<0.000000e+00> : vector<128xf32>
      %reduce_sum3A_58 = vector.multi_reduction <add>, %select_n3A_48, %reduce_sum3A [0] : vector<1000x128xf32> to vector<128xf32>
      %broadcast_in_dim3A = vector.shape_cast %reduce_sum3A_58 : vector<128xf32> to vector<1x128xf32>
      %mul3A_59 = arith.mulf %select_n3A_48, %select_n3A_48 : vector<1000x128xf32>
      %reduce_sum3A_60 = arith.constant dense<0.000000e+00> : vector<128xf32>
      %reduce_sum3A_61 = vector.multi_reduction <add>, %mul3A_59, %reduce_sum3A_60 [0] : vector<1000x128xf32> to vector<128xf32>
      %broadcast_in_dim3A_62 = vector.shape_cast %reduce_sum3A_61 : vector<128xf32> to vector<1x128xf32>
      %concatenate3A = tpu.concatenate %broadcast_in_dim3A, %broadcast_in_dim3A_62 in 0 : vector<1x128xf32>, vector<1x128xf32> -> vector<2x128xf32>
      %get3A_63 = arith.constant 0 : index
      %get3A_64 = arith.constant 0 : index
      %get3A_65 = vector.load %arg18[%get3A_63, %get3A_64] : memref<2x128xf32, #tpu.memory_space<vmem>>, vector<2x128xf32>
      %add3A_66 = arith.addf %get3A_65, %concatenate3A : vector<2x128xf32>
      %swap3A_67 = arith.constant 0 : index
      %swap3A_68 = arith.constant 0 : index
      %swap3A_69 = vector.load %arg18[%swap3A_67, %swap3A_68] : memref<2x128xf32, #tpu.memory_space<vmem>>, vector<2x128xf32>
      tpu.vector_store %arg18[%swap3A_67, %swap3A_68], %add3A_66 {strides = array<i32>} : memref<2x128xf32, #tpu.memory_space<vmem>>, vector<2x128xf32>,
    } else {
    }
    %eq3A_2 = arith.constant 1 : i32
    %eq3A_3 = arith.cmpi eq, %arg0, %eq3A_2 : i32
    %convert_element_type3A_4 = arith.extui %eq3A_3 : i1 to i32
    %cond3A_5 = arith.constant 0 : i32
    %cond3A_6 = arith.cmpi ne, %convert_element_type3A_4, %cond3A_5 : i32
    scf.if %cond3A_6 {
      %get3A = arith.constant 0 : index
      %get3A_7 = arith.constant 0 : index
      %get3A_8 = vector.load %arg18[%get3A, %get3A_7] : memref<2x128xf32, #tpu.memory_space<vmem>>, vector<2x128xf32>
      %slice3A = vector.extract_strided_slice %get3A_8 {offsets = [0, 0], sizes = [1, 128], strides = [1, 1]} : vector<2x128xf32> to vector<1x128xf32>
      %mul3A = arith.constant 9.99999974E-5 : f32
      %mul3A_9 = vector.broadcast %mul3A : f32 to vector<1x128xf32>
      %mul3A_10 = arith.mulf %slice3A, %mul3A_9 : vector<1x128xf32>
      %slice3A_11 = vector.extract_strided_slice %get3A_8 {offsets = [1, 0], sizes = [1, 128], strides = [1, 1]} : vector<2x128xf32> to vector<1x128xf32>
      %mul3A_12 = arith.constant 9.99999974E-5 : f32
      %mul3A_13 = vector.broadcast %mul3A_12 : f32 to vector<1x128xf32>
      %mul3A_14 = arith.mulf %slice3A_11, %mul3A_13 : vector<1x128xf32>
      %mul3A_15 = arith.mulf %mul3A_10, %mul3A_10 : vector<1x128xf32>
      %sub3A = arith.subf %mul3A_14, %mul3A_15 : vector<1x128xf32>
      %get3A_16 = arith.constant 0 : index
      %get3A_17 = arith.constant 0 : index
      %get3A_18 = vector.load %arg9[%get3A_16, %get3A_17] : memref<1x128xf32, #tpu.memory_space<vmem>>, vector<1x128xf32>
      %add3A = arith.constant 9.99999974E-6 : f32
      %add3A_19 = vector.broadcast %add3A : f32 to vector<1x128xf32>
      %add3A_20 = arith.addf %sub3A, %add3A_19 : vector<1x128xf32>
      %rsqrt3A = math.rsqrt %add3A_20 : vector<1x128xf32>
      %mul3A_21 = arith.mulf %get3A_18, %rsqrt3A : vector<1x128xf32>
      %mul3A_22 = arith.constant 1000 : i32
      %mul3A_23 = arith.muli %arg1, %mul3A_22 : i32
      %get3A_24 = arith.index_cast %mul3A_23 : i32 to index
      %get3A_25 = arith.constant 0 : index
      %get3A_26 = vector.load %arg17[%get3A_24, %get3A_25] : memref<10000x128xf32, #tpu.memory_space<vmem>>, vector<1000x128xf32>
      %sub3A_27 = vector.broadcast %mul3A_10 : vector<1x128xf32> to vector<1000x128xf32>
      %sub3A_28 = arith.subf %get3A_26, %sub3A_27 : vector<1000x128xf32>
      %mul3A_29 = vector.broadcast %mul3A_21 : vector<1x128xf32> to vector<1000x128xf32>
      %mul3A_30 = arith.mulf %sub3A_28, %mul3A_29 : vector<1000x128xf32>
      %get3A_31 = arith.constant 0 : index
      %get3A_32 = arith.constant 0 : index
      %get3A_33 = vector.load %arg10[%get3A_31, %get3A_32] : memref<1x128xf32, #tpu.memory_space<vmem>>, vector<1x128xf32>
      %add3A_34 = vector.broadcast %get3A_33 : vector<1x128xf32> to vector<1000x128xf32>
      %add3A_35 = arith.addf %mul3A_30, %add3A_34 : vector<1000x128xf32>
      %get3A_36 = arith.constant 0 : index
      %get3A_37 = arith.constant 0 : index
      %get3A_38 = arith.constant 0 : index
      %get3A_39 = vector.load %arg11[%get3A_36, %get3A_37, %get3A_38] : memref<1x1x1000xi32, #tpu.memory_space<vmem>>, vector<1x1x1000xi32>
      %get3A_40 = vector.shape_cast %get3A_39 : vector<1x1x1000xi32> to vector<1x1000xi32>
      %iota3A = tpu.iota {dimensions = array<i32: 0>} : vector<64x1000xi32>
      %eq3A_41 = vector.broadcast %get3A_40 : vector<1x1000xi32> to vector<64x1000xi32>
      %eq3A_42 = arith.cmpi eq, %iota3A, %eq3A_41 : vector<64x1000xi32>
      %jit3A = arith.constant 1.000000e+00 : f32
      %jit3A_43 = arith.constant 0.000000e+00 : f32
      %broadcast_in_dim3A = vector.broadcast %jit3A : f32 to vector<64x1000xf32>
      %broadcast_in_dim3A_44 = vector.broadcast %jit3A_43 : f32 to vector<64x1000xf32>
      %select_n3A = arith.select %eq3A_42, %broadcast_in_dim3A, %broadcast_in_dim3A_44 : vector<64x1000xi1>, vector<64x1000xf32>
      %eq3A_45 = arith.constant 0 : i32
      %eq3A_46 = arith.cmpi eq, %arg1, %eq3A_45 : i32
      %convert_element_type3A_47 = arith.extui %eq3A_46 : i1 to i32
      %cond3A_48 = arith.constant 0 : i32
      %cond3A_49 = arith.cmpi ne, %convert_element_type3A_47, %cond3A_48 : i32
      scf.if %cond3A_49 {
        %broadcast_in_dim3A_62 = arith.constant 0.000000e+00 : f32
        %broadcast_in_dim3A_63 = vector.broadcast %broadcast_in_dim3A_62 : f32 to vector<64x128xf32>
        %swap3A_64 = arith.constant 0 : index
        %swap3A_65 = arith.constant 0 : index
        %swap3A_66 = vector.load %arg19[%swap3A_64, %swap3A_65] : memref<64x128xf32, #tpu.memory_space<vmem>>, vector<64x128xf32>
        tpu.vector_store %arg19[%swap3A_64, %swap3A_65], %broadcast_in_dim3A_63 {strides = array<i32>} : memref<64x128xf32, #tpu.memory_space<vmem>>, vector<64x128xf32>,
      } else {
      }
      %get3A_50 = arith.constant 0 : index
      %get3A_51 = arith.constant 0 : index
      %get3A_52 = vector.load %arg19[%get3A_50, %get3A_51] : memref<64x128xf32, #tpu.memory_space<vmem>>, vector<64x128xf32>
      %dot_general3A = arith.constant dense<0.000000e+00> : vector<64x128xf32>
      %dot_general3A_53 = tpu.matmul %select_n3A, %add3A_35, %dot_general3A {dimension_numbers = #tpu.dot_dimension_numbers<[1], [0], [0], [1], [0, 0, 1, 1], [], []>, transpose_lhs_hint = false} : vector<64x1000xf32>, vector<1000x128xf32>, vector<64x128xf32> -> vector<64x128xf32>
      %add3A_54 = arith.addf %get3A_52, %dot_general3A_53 : vector<64x128xf32>
      %swap3A = arith.constant 0 : index
      %swap3A_55 = arith.constant 0 : index
      %swap3A_56 = vector.load %arg19[%swap3A, %swap3A_55] : memref<64x128xf32, #tpu.memory_space<vmem>>, vector<64x128xf32>
      tpu.vector_store %arg19[%swap3A, %swap3A_55], %add3A_54 {strides = array<i32>} : memref<64x128xf32, #tpu.memory_space<vmem>>, vector<64x128xf32>,
      %eq3A_57 = arith.constant 9 : i32
      %eq3A_58 = arith.cmpi eq, %arg1, %eq3A_57 : i32
      %convert_element_type3A_59 = arith.extui %eq3A_58 : i1 to i32
      %cond3A_60 = arith.constant 0 : i32
      %cond3A_61 = arith.cmpi ne, %convert_element_type3A_59, %cond3A_60 : i32
      scf.if %cond3A_61 {
        %get3A_62 = arith.constant 0 : index
        %get3A_63 = arith.constant 0 : index
        %get3A_64 = vector.load %arg19[%get3A_62, %get3A_63] : memref<64x128xf32, #tpu.memory_space<vmem>>, vector<64x128xf32>
        %get3A_65 = arith.constant 0 : index
        %get3A_66 = arith.constant 0 : index
        %get3A_67 = vector.load %arg12[%get3A_65, %get3A_66] : memref<128x128xf32, #tpu.memory_space<vmem>>, vector<128x128xf32>
        %dot_general3A_68 = arith.constant dense<0.000000e+00> : vector<64x128xf32>
        %dot_general3A_69 = tpu.matmul %get3A_64, %get3A_67, %dot_general3A_68 {dimension_numbers = #tpu.dot_dimension_numbers<[1], [0], [0], [1], [0, 0, 1, 1], [], []>, transpose_lhs_hint = false} : vector<64x128xf32>, vector<128x128xf32>, vector<64x128xf32> -> vector<64x128xf32>
        %get3A_70 = arith.constant 0 : index
        %get3A_71 = arith.constant 0 : index
        %get3A_72 = vector.load %arg13[%get3A_70, %get3A_71] : memref<1x128xf32, #tpu.memory_space<vmem>>, vector<1x128xf32>
        %add3A_73 = vector.broadcast %get3A_72 : vector<1x128xf32> to vector<64x128xf32>
        %add3A_74 = arith.addf %dot_general3A_69, %add3A_73 : vector<64x128xf32>
        %jit3A_75 = arith.constant 0.00999999977 : f32
        %ge3A = arith.constant 0.000000e+00 : f32
        %ge3A_76 = vector.broadcast %ge3A : f32 to vector<64x128xf32>
        %ge3A_77 = arith.cmpf oge, %add3A_74, %ge3A_76 : vector<64x128xf32>
        %mul3A_78 = vector.broadcast %jit3A_75 : f32 to vector<64x128xf32>
        %mul3A_79 = arith.mulf %mul3A_78, %add3A_74 : vector<64x128xf32>
        %select_n3A_80 = arith.select %ge3A_77, %add3A_74, %mul3A_79 : vector<64x128xi1>, vector<64x128xf32>
        %get3A_81 = arith.constant 0 : index
        %get3A_82 = arith.constant 0 : index
        %get3A_83 = vector.load %arg14[%get3A_81, %get3A_82] : memref<128x128xf32, #tpu.memory_space<vmem>>, vector<128x128xf32>
        %dot_general3A_84 = arith.constant dense<0.000000e+00> : vector<64x128xf32>
        %dot_general3A_85 = tpu.matmul %select_n3A_80, %get3A_83, %dot_general3A_84 {dimension_numbers = #tpu.dot_dimension_numbers<[1], [0], [0], [1], [0, 0, 1, 1], [], []>, transpose_lhs_hint = false} : vector<64x128xf32>, vector<128x128xf32>, vector<64x128xf32> -> vector<64x128xf32>
        %get3A_86 = arith.constant 0 : index
        %get3A_87 = arith.constant 0 : index
        %get3A_88 = vector.load %arg15[%get3A_86, %get3A_87] : memref<1x128xf32, #tpu.memory_space<vmem>>, vector<1x128xf32>
        %add3A_89 = vector.broadcast %get3A_88 : vector<1x128xf32> to vector<64x128xf32>
        %add3A_90 = arith.addf %dot_general3A_85, %add3A_89 : vector<64x128xf32>
        %reduce_max3A = arith.constant dense<0xFF800000> : vector<64xf32>
        %reduce_max3A_91 = vector.multi_reduction <maximumf>, %add3A_90, %reduce_max3A [1] : vector<64x128xf32> to vector<64xf32>
        %broadcast_in_dim3A_92 = vector.shape_cast %reduce_max3A_91 : vector<64xf32> to vector<64x1xf32>
        %sub3A_93 = vector.broadcast %broadcast_in_dim3A_92 : vector<64x1xf32> to vector<64x128xf32>
        %sub3A_94 = arith.subf %add3A_90, %sub3A_93 : vector<64x128xf32>
        %exp3A = math.exp %sub3A_94 : vector<64x128xf32>
        %sub3A_95 = vector.broadcast %broadcast_in_dim3A_92 : vector<64x1xf32> to vector<64x128xf32>
        %sub3A_96 = arith.subf %add3A_90, %sub3A_95 : vector<64x128xf32>
        %reduce_sum3A = arith.constant dense<0.000000e+00> : vector<64xf32>
        %reduce_sum3A_97 = vector.multi_reduction <add>, %exp3A, %reduce_sum3A [1] : vector<64x128xf32> to vector<64xf32>
        %broadcast_in_dim3A_98 = vector.shape_cast %reduce_sum3A_97 : vector<64xf32> to vector<64x1xf32>
        %log3A = math.log %broadcast_in_dim3A_98 : vector<64x1xf32>
        %sub3A_99 = vector.broadcast %log3A : vector<64x1xf32> to vector<64x128xf32>
        %sub3A_100 = arith.subf %sub3A_96, %sub3A_99 : vector<64x128xf32>
        %swap3A_101 = arith.constant 0 : index
        %swap3A_102 = arith.constant 0 : index
        %swap3A_103 = vector.load %arg16[%swap3A_101, %swap3A_102] : memref<64x128xf32, #tpu.memory_space<vmem>>, vector<64x128xf32>
        tpu.vector_store %arg16[%swap3A_101, %swap3A_102], %sub3A_100 {strides = array<i32>} : memref<64x128xf32, #tpu.memory_space<vmem>>, vector<64x128xf32>,
      } else {
      }
    } else {
    }
    return
  }
  func.func @transform_0(%arg0: i32, %arg1: i32) -> (i32, i32) {
    %sub3A = arith.constant 1 : i32
    %sub3A_0 = arith.subi %sub3A, %arg0 : i32
    %mul3A = arith.muli %arg1, %sub3A_0 : i32
    %c0_i32 = arith.constant 0 : i32
    %c0_i32_1 = arith.constant 0 : i32
    return %mul3A, %c0_i32 : i32, i32
  }
  func.func @transform_1(%arg0: i32, %arg1: i32) -> (i32, i32, i32) {
    %sub3A = arith.constant 1 : i32
    %sub3A_0 = arith.subi %sub3A, %arg0 : i32
    %mul3A = arith.muli %arg1, %sub3A_0 : i32
    %c0_i32 = arith.constant 0 : i32
    %c0_i32_1 = arith.constant 0 : i32
    %c0_i32_2 = arith.constant 0 : i32
    return %c0_i32, %mul3A, %c0_i32_1 : i32, i32, i32
  }
  func.func @transform_2(%arg0: i32, %arg1: i32) -> (i32, i32, i32) {
    %sub3A = arith.constant 1 : i32
    %sub3A_0 = arith.subi %sub3A, %arg0 : i32
    %mul3A = arith.muli %arg1, %sub3A_0 : i32
    %c1_i32 = arith.constant 1 : i32
    %c0_i32 = arith.constant 0 : i32
    %c0_i32_1 = arith.constant 0 : i32
    return %c1_i32, %mul3A, %c0_i32 : i32, i32, i32
  }
  func.func @transform_3(%arg0: i32, %arg1: i32) -> (i32, i32) {
    %c0_i32 = arith.constant 0 : i32
    %c0_i32_0 = arith.constant 0 : i32
    %c0_i32_1 = arith.constant 0 : i32
    return %c0_i32, %c0_i32_0 : i32, i32
  }
  func.func @transform_4(%arg0: i32, %arg1: i32) -> (i32, i32) {
    %c0_i32 = arith.constant 0 : i32
    %c0_i32_0 = arith.constant 0 : i32
    %c0_i32_1 = arith.constant 0 : i32
    return %c0_i32, %c0_i32_0 : i32, i32
  }
  func.func @transform_5(%arg0: i32, %arg1: i32) -> (i32, i32) {
    %c0_i32 = arith.constant 0 : i32
    %c0_i32_0 = arith.constant 0 : i32
    %c0_i32_1 = arith.constant 0 : i32
    return %c0_i32, %c0_i32_0 : i32, i32
  }
  func.func @transform_6(%arg0: i32, %arg1: i32) -> (i32, i32) {
    %c0_i32 = arith.constant 0 : i32
    %c0_i32_0 = arith.constant 0 : i32
    %c0_i32_1 = arith.constant 0 : i32
    return %c0_i32, %c0_i32_0 : i32, i32
  }
  func.func @transform_7(%arg0: i32, %arg1: i32) -> (i32, i32) {
    %c0_i32 = arith.constant 0 : i32
    %c0_i32_0 = arith.constant 0 : i32
    %c0_i32_1 = arith.constant 0 : i32
    return %c0_i32, %c0_i32_0 : i32, i32
  }
  func.func @transform_8(%arg0: i32, %arg1: i32) -> (i32, i32) {
    %c0_i32 = arith.constant 0 : i32
    %c0_i32_0 = arith.constant 0 : i32
    %c0_i32_1 = arith.constant 0 : i32
    return %c0_i32, %c0_i32_0 : i32, i32
  }
  func.func @transform_9(%arg0: i32, %arg1: i32) -> (i32, i32, i32) {
    %c0_i32 = arith.constant 0 : i32
    %c0_i32_0 = arith.constant 0 : i32
    %c0_i32_1 = arith.constant 0 : i32
    return %arg1, %c0_i32, %c0_i32_0 : i32, i32, i32
  }
  func.func @transform_10(%arg0: i32, %arg1: i32) -> (i32, i32) {
    %c0_i32 = arith.constant 0 : i32
    %c0_i32_0 = arith.constant 0 : i32
    %c0_i32_1 = arith.constant 0 : i32
    return %c0_i32, %c0_i32_0 : i32, i32
  }
  func.func @transform_11(%arg0: i32, %arg1: i32) -> (i32, i32) {
    %c0_i32 = arith.constant 0 : i32
    %c0_i32_0 = arith.constant 0 : i32
    %c0_i32_1 = arith.constant 0 : i32
    return %c0_i32, %c0_i32_0 : i32, i32
  }
  func.func @transform_12(%arg0: i32, %arg1: i32) -> (i32, i32) {
    %c0_i32 = arith.constant 0 : i32
    %c0_i32_0 = arith.constant 0 : i32
    %c0_i32_1 = arith.constant 0 : i32
    return %c0_i32, %c0_i32_0 : i32, i32
  }
  func.func @transform_13(%arg0: i32, %arg1: i32) -> (i32, i32) {
    %c0_i32 = arith.constant 0 : i32
    %c0_i32_0 = arith.constant 0 : i32
    %c0_i32_1 = arith.constant 0 : i32
    return %c0_i32, %c0_i32_0 : i32, i32
  }
  func.func @transform_14(%arg0: i32, %arg1: i32) -> (i32, i32) {
    %c0_i32 = arith.constant 0 : i32
    %c0_i32_0 = arith.constant 0 : i32
    %c0_i32_1 = arith.constant 0 : i32
    return %c0_i32, %c0_i32_0 : i32, i32
  }
}

</mosaic_0001>

<sc_bundles>
// kernel: kernel.6.cloned.1.call-start
scs
__scs_entry_jumppad:
0x0: {  	(pc) =	sbr.rel $0x88, $3  }
0x1: {  	(tag) =	ssettag $0x0;
	lr =	simm.s32 $0x1  }
0x2: {  	[smem:$0x3F8E] =	sst lr;
	_ =	strace $0xD0000000  }
0x3: {  	_ = 	snop  }
0x4: {  	_ = 	snop  }
0x5: {  	_ = 	snop  }
0x6: {  	_ = 	snop  }
0x7: {  	_ = 	snop  }
__scs_overlays_trampoline_lowered:
0x8: {  	[smem:$0x3F9D] =	sst s0  }
0x9: {  	[smem:$0x3F9E] =	sst s1  }
0xa: {  	[smem:$0x3F9F] =	sst s2  }
0xb: {  	[smem:$0x3FA0] =	sst s3  }
0xc: {  	[smem:$0x3FA1] =	sst s4  }
0xd: {  	[smem:$0x3FA2] =	sst s5  }
0xe: {  	[smem:$0x3FA3] =	sst s6  }
0xf: {  	[smem:$0x3FA4] =	sst s7  }
0x10: {  	[smem:$0x3FA5] =	sst s8  }
0x11: {  	[smem:$0x3FA6] =	sst s9;
	s0 =	simm.s32 @!p0 $0x0  }
0x12: {  	s1 =	sld [smem:$0x3F8C];
	s0 =	simm.s32 @p0 $0x1  }
0x13: {  	[smem:$0x3FA7] =	sst s0;
	s0 =	simm.s32 @!p1 $0x0  }
0x14: {  	s2 =	sld [smem:$0x3F8B];
	s0 =	simm.s32 @p1 $0x1  }
0x15: {  	[smem:$0x3FA8] =	sst s0;
	s0 =	simm.s32 @!p2 $0x0  }
0x16: {  	s3 =	sld [smem:$0x3FDB];
	s0 =	simm.s32 @p2 $0x1  }
0x17: {  	s4 =	simm.s32 $0x1BF5;
	[smem:$0x3FAA] =	sst s0  }
0x18: {  	s0 =	sld [smem:$0x3F8D];
	_ =	swait.ge [sflag:s4], $0x0  }
0x19: {  	s7 =	sld [smem:$0x3F8E]  }
0x1a: {  	s8 =	sadd.s32 $0xFFFFE003, lr  }
0x1b: {  	s9 =	sadd.s32 $0xFFFFFEF7, lr;
	s5 =	simm.s32 $0xFFFFFFFF;
	p2 =	slt.u32 s8, $0xFFFFF086  }
0x1c: {  	p1 =	slt.u32 s9, $0xF7A;
	s5 =	simm.s32 @!p2 $0x0  }
0x1d: {  	s5 =	simm.s32 @p1 $0x1;
	p0 =	seq.s32 s7, s2  }
0x1e: {  	s7 =	smul.u32 @!p0 $0xF7A, s2;
	p2 =	seq.s32 @!p0 s5, $0x0  }
0x1f: {  	s9 =	smul.u32 $0xF7A, s1;
	s8 =	simm.s32 @!p0 $0x1BF5;
	p2 =	por !p2, p0  }
0x20: {  	[sflag:s8] =	ssyncset.s32 @!p0 $0xFFFFF086;
	s6 =	sadd.s32 @!p0 s3, s7;
	s7 =	simm.s32 @!p0 $0x108  }
0x21: {  	s3 =	sadd.s32 s3, s9;
	s6 =	sadd.s32 @!p0 $0x88, s6;
	s7 =	simm.s32 @p2 $0x1082  }
0x22: {  	[simem:s7], [sflag:s8] =	dma.local @!p0 [hbm:s6], $0xF7A  }
0x23: {  	s9 =	sor.u32 $0xD0000000, s2;
	s6 =	simm.s32 $0x108;
	_ =	swait.ge @!p0 [sflag:s8], $0x0  }
0x24: {  	s3 =	sadd.s32 $0x88, s3;
	s6 =	simm.s32 @!p1 $0x1082;
	[sflag:s4] =	ssyncset.s32 $0xFFFFF086  }
0x25: {  	[simem:s6], [sflag:s4] =	dma.local [hbm:s3], $0xF7A  }
0x26: {  	[smem:$0x3F8E] =	sst s1;
	(tag) =	ssettag s2;
	_ =	strace s9  }
0x27: {  	s1 =	sld [smem:$0x3F9E]  }
0x28: {  	s2 =	sld [smem:$0x3F9F]  }
0x29: {  	s4 =	sld [smem:$0x3FA1]  }
0x2a: {  	p0 =	seq.s32 s5, $0x0;
	s5 =	sld [smem:$0x3FA2]  }
0x2b: {  	s6 =	sld [smem:$0x3FA3]  }
0x2c: {  	s7 =	sld [smem:$0x3FA4]  }
0x2d: {  	s3 =	simm.s32 $0x108;
	s8 =	sld [smem:$0x3FA5]  }
0x2e: {  	s3 =	simm.s32 @!p0 $0x1082;
	s9 =	sld [smem:$0x3FA6]  }
0x2f: {  	lr =	sadd.s32 s0, s3;
	s0 =	sld [smem:$0x3F9D]  }
0x30: {  	s3 =	sld [smem:$0x3FA0]  }
0x31: {  	[smem:$0x3FA9] =	sst s10  }
0x32: {  	s10 =	sld [smem:$0x3FA7];
	_ =	sdelay $0x3  }
0x33: {  	p0 =	seq.s32 s10, $0x1;
	s10 =	sld [smem:$0x3FA9];
	_ =	sdelay $0x3  }
0x34: {  	[smem:$0x3FA9] =	sst s10  }
0x35: {  	s10 =	sld [smem:$0x3FA8];
	_ =	sdelay $0x3  }
0x36: {  	p1 =	seq.s32 s10, $0x1;
	s10 =	sld [smem:$0x3FA9];
	_ =	sdelay $0x3  }
0x37: {  	[smem:$0x3FA9] =	sst s10  }
0x38: {  	s10 =	sld [smem:$0x3FAA]  }
0x39: {  	_ = 	snop;
	(pc) =	sbr.ind lr, $3  }
0x3a: {  	_ = 	snop  }
0x3b: {  	_ = 	snop  }
0x3c: {  	p2 =	seq.s32 s10, $0x1;
	s10 =	sld [smem:$0x3FA9]  }
0x3d: {  	_ =	shalt  }
0x3e: {  	_ =	shalt  }
0x3f: {  	_ =	shalt  }
0x40: {  	_ =	shalt  }
0x41: {  	_ =	shalt  }
0x42: {  	_ =	shalt  }
0x43: {  	_ =	shalt  }
0x44: {  	_ =	shalt  }
0x45: {  	_ =	shalt  }
0x46: {  	_ =	shalt  }
0x47: {  	_ =	shalt  }
0x48: {  	_ =	shalt  }
0x49: {  	_ =	shalt  }
0x4a: {  	_ =	shalt  }
0x4b: {  	_ =	shalt  }
0x4c: {  	_ =	shalt  }
0x4d: {  	_ =	shalt  }
0x4e: {  	_ =	shalt  }
0x4f: {  	_ =	shalt  }
0x50: {  	_ =	shalt  }
0x51: {  	_ =	shalt  }
0x52: {  	_ =	shalt  }
0x53: {  	_ =	shalt  }
0x54: {  	_ =	shalt  }
0x55: {  	_ =	shalt  }
0x56: {  	_ =	shalt  }
0x57: {  	_ =	shalt  }
0x58: {  	_ =	shalt  }
0x59: {  	_ =	shalt  }
0x5a: {  	_ =	shalt  }
0x5b: {  	_ =	shalt  }
0x5c: {  	_ =	shalt  }
0x5d: {  	_ =	shalt  }
0x5e: {  	_ =	shalt  }
0x5f: {  	_ =	shalt  }
0x60: {  	_ =	shalt  }
0x61: {  	_ =	shalt  }
0x62: {  	_ =	shalt  }
0x63: {  	_ =	shalt  }
0x64: {  	_ =	shalt  }
0x65: {  	_ =	shalt  }
0x66: {  	_ =	shalt  }
0x67: {  	_ =	shalt  }
0x68: {  	_ =	shalt  }
0x69: {  	_ =	shalt  }
0x6a: {  	_ =	shalt  }
0x6b: {  	_ =	shalt  }
0x6c: {  	_ =	shalt  }
0x6d: {  	_ =	shalt  }
0x6e: {  	_ =	shalt  }
0x6f: {  	_ =	shalt  }
0x70: {  	_ =	shalt  }
0x71: {  	_ =	shalt  }
0x72: {  	_ =	shalt  }
0x73: {  	_ =	shalt  }
0x74: {  	_ =	shalt  }
0x75: {  	_ =	shalt  }
0x76: {  	_ =	shalt  }
0x77: {  	_ =	shalt  }
0x78: {  	_ =	shalt  }
0x79: {  	_ =	shalt  }
0x7a: {  	_ =	shalt  }
0x7b: {  	_ =	shalt  }
0x7c: {  	_ =	shalt  }
0x7d: {  	_ =	shalt  }
0x7e: {  	_ =	shalt  }
0x7f: {  	_ =	shalt  }
0x80: {  	_ =	shalt  }
0x81: {  	_ =	shalt  }
0x82: {  	_ =	shalt  }
0x83: {  	_ =	shalt  }
0x84: {  	_ =	shalt  }
0x85: {  	_ =	shalt  }
0x86: {  	_ =	shalt  }
0x87: {  	_ =	shalt  }
.Lfunc_end0:
.L_simem_size_0:
called_computation_lowered:
.L_overlay_start_0:
0x88: {  	s2 =	sld [smem:$0x3FD9]  }
0x89: {  	s3 =	sld [smem:$0x3FFE];
	_ =	sdelay $0x1  }
0x8a: {  	s1 =	srdreg.scid  }
0x8b: {  	s0 =	sand.u32 $0x1, s1  }
0x8c: {  	s17 =	sshll.u32 s0, $0xA;
	s2 =	sadd.s32 s3, s2  }
0x8d: {  	s2 =	sadd.s32 s2, s17  }
0x8e: {  	[smem:$0x3FB5] =	sst s2  }
0x8f: {  	_ = 	snop  }
0x90: {  	s2 =	sld [smem:$0x3FC9];
	(tm) =	ssettm $0x1  }
0x91: {  	s18 =	sld [smem:$0x3FFB];
	_ =	sdelay $0x3  }
0x92: {  	_ =	strace s18  }
0x93: {  	s3 =	sld [smem:$0x3FFC];
	_ =	sdelay $0x3  }
0x94: {  	_ =	strace s3  }
0x95: {  	s3 =	sld [smem:$0x3FFD];
	_ =	sdelay $0x3  }
0x96: {  	_ =	strace s3  }
0x97: {  	_ =	strace $0x8FFFFFFF  }
0x98: {  	s19 =	sld [smem:$0x3FDB];
	_ =	sdelay $0x1  }
0x99: {  	s4 =	simm.s32 $_scs_section_size  }
0x9a: {  	s5 =	simm.s32 $_size__tile_overlayer_lowered;
	s6 =	simm.s32 $_tile_overlayer_lowered  }
0x9b: {  	s22 =	simm.s32 $0x1BFF;
	s21 =	sshll.u32 s6, $0x1;
	s3 =	sadd.s32 s4, s19  }
0x9c: {  	s7 =	simm.s32 $0x0;
	s20 =	sshll.u32 s5, $0x1;
	s5 =	sadd.s32 s21, s3  }
0x9d: {  	[timem:s7], [sflag:s22] =	dma.local [hbm:s5], s20  }
0x9e: {  	_ =	swait.ge [sflag:s22], s20  }
0x9f: {  	s4 =	ssub.s32 $0x0, s20;
	[sflag:s22] =	ssyncset.done $0x0  }
0xa0: {  	[sflag:s22] =	ssyncadd.s32 s4;
	_ =	sdelay $0x1  }
0xa1: {  	s23 =	simm.s32 $0x1B8B  }
0xa2: {  	_ =	swait.ge [sflag:s23], $0x1  }
0xa3: {  	[sflag:s23] =	ssyncset.done $0x0  }
0xa4: {  	s25 =	simm.s32 $0x1B8E;
	s24 =	sld [smem:$0x3FFE];
	[sflag:s23] =	ssyncadd.s32 $0xFFFFFFFF  }
0xa5: {  	s26 =	simm.s32 $execute0_lowered;
	[smem:$0x3FD2] =	sst s25  }
0xa6: {  	s5 =	sshll.u32 s26, $0x1;
	_ =	strace $0x80000046;
	[dreg:$0x1] =	wrdreg $0xFFFFFFFF  }
0xa7: {  	s28 =	simm.s32 $_size_execute0_lowered;
	s3 =	sadd.s32 s3, s5;
	[dreg:$0x0] =	wrdreg $0x0  }
0xa8: {  	s5 =	sshll.u32 s28, $0x1;
	[dreg:$0x2] =	wrdreg s3  }
0xa9: {  	[dreg:$0x3] =	wrdreg s5  }
0xaa: {  	[dreg:$0x4] =	wrdreg $0xC0  }
0xab: {  	_ =	task [dreg:s7], $0x5FFFF  }
0xac: {  	[dreg:$0x1] =	wrdreg $0xFFFFFFFF  }
0xad: {  	[dreg:$0x0] =	wrdreg $0x60  }
0xae: {  	[dreg:$0x2] =	wrdreg s2  }
0xaf: {  	[dreg:$0x3] =	wrdreg s24  }
0xb0: {  	[dreg:$0x4] =	wrdreg $0xA8000  }
0xb1: {  	[dreg:$0x5] =	wrdreg $0x9  }
0xb2: {  	_ =	task.clear_ibuf [dreg:s7], $0x6FFFF;
	_ =	strace $0x90000046  }
0xb3: {  	s29 =	simm.s32 $0x9;
	_ =	strace $0x80000048  }
0xb4: {  	_ =	swait.ge [sflag:s29], $0x1  }
0xb5: {  	[sflag:s29] =	ssyncadd.s32 $0xFFFFFFFF  }
0xb6: {  	_ =	strace $0x90000048  }
0xb7: {  	_ =	sfence  }
0xb8: {  	s30 =	sld [smem:$0x0];
	_ =	sdelay $0x2  }
0xb9: {  	s31 =	sshll.u32 s1, $0xD;
	s1 =	sshrl.u32 s1, $0x2  }
0xba: {  	s3 =	sand.u32 $0x4000, s31;
	s1 =	sadd.s32 s1, s30  }
0xbb: {  	s0 =	sor.u32 s3, s0;
	s1 =	sshll.u32 s1, $0x11  }
0xbc: {  	s0 =	sor.u32 s1, s0  }
0xbd: {  	s0 =	sadd.s32 $0x8F2B, s0  }
0xbe: {  	[sflag:s0] =	ssyncadd.remote.s32 $0x1  }
0xbf: {  	_ =	sfence.sel $0xFFFF  }
0xc0: {  	[dreg:$0x0] =	wrdreg $0xFFFFFFFF;
	(pc) =	sbr.abs _section_cstart, $3  }
0xc1: {  	[dreg:$0x1] =	wrdreg $0xFFFFFFFF  }
0xc2: {  	_ =	task.clear_ibuf [dreg:s7], $0x2FFFF;
	_ =	strace $0x9FFFFFFF  }
0xc3: {  	(tm) =	ssettm $0x7FFFFFFF  }
tec
execute0_lowered:
.L_overlay_start_1:
0x0: {  	(tag) =	ssettag $0x1  }
0x1: {  	s1 =	rddreg [dreg:$0x0]  }
0x2: {  	s5 =	rddreg [dreg:$0x1]  }
0x3: {  	s3 =	rddreg [dreg:$0x2]  }
0x4: {  	s4 =	simm.s32 $0x0;
	s14 =	stileid.u32;
	s0 =	srdreg.scid  }
0x5: {  	[smem:$0x7FF] =	sst s4;
	s6 =	smul.u32 $0x14000, s14;
	s9 =	sand.u32 $0x1, s0  }
0x6: {  	s20 =	sshll.u32 s14, $0x1;
	s2 =	sadd.s32 $0xCA00, s5;
	s24 =	smul.u32 $0x4E20, s14  }
0x7: {  	s7 =	sadd.s32 $0x2C00, s5;
	s8 =	smul.u32 $0x140000, s9;
	s0 =	sor.u32 s9, s20  }
0x8: {  	_ =	strace $0x80000047;
	s21 =	ssub.s32 $0x2, s9;
	s11 =	smul.u32 $0x2710, s0  }
0x9: {  	s9 =	smul.u32 $0x2710, s9;
	s10 =	sshrl.u32 s6, $0x3;
	s22 =	sshrl.u32 s21, $0x1  }
0xa: {  	s0 =	sadd.s32 s10, s5;
	s6 =	sadd.s32 s6, s8;
	s8 =	sshrl.u32 s11, $0x3  }
0xb: {  	s9 =	sadd.s32 s9, s24;
	s0 =	sadd.s32 $0x16800, s0;
	s11 =	sadd.s32 $0xA, s8  }
0xc: {  	s6 =	sshrl.u32 s6, $0x3;
	[smem:$0x7FA] =	sst s0;
	s23 =	sadd.s32 s2, s11  }
0xd: {  	s25 =	sadd.s32 $0x14, s8;
	s11 =	sadd.s32 s7, s11;
	[dreg:$0x14] =	wrdreg s23  }
0xe: {  	s26 =	sadd.s32 $0x1E, s8;
	s12 =	sadd.s32 s2, s25;
	[dreg:$0x15] =	wrdreg s11  }
0xf: {  	s17 =	sadd.s32 $0x690, s9;
	s31 =	sadd.s32 s2, s26;
	[dreg:$0x16] =	wrdreg s12  }
0x10: {  	s13 =	sadd.s32 $0x28, s8;
	s15 =	sadd.s32 s7, s26;
	[dreg:$0x18] =	wrdreg s31  }
0x11: {  	s5 =	sadd.s32 s6, s5;
	s16 =	sadd.s32 s2, s13;
	[dreg:$0x19] =	wrdreg s15  }
0x12: {  	s10 =	sshrl.u32 s17, $0x3;
	s18 =	sadd.s32 s7, s13;
	[dreg:$0x1a] =	wrdreg s16  }
0x13: {  	s6 =	ssub.s32 s21, s22;
	s20 =	sadd.s32 s10, s7;
	[dreg:$0x1b] =	wrdreg s18  }
0x14: {  	s13 =	sadd.s32 $0x640, s9;
	s10 =	sadd.s32 s10, s2;
	[dreg:$0x4] =	wrdreg s20  }
0x15: {  	s11 =	sadd.s32 s7, s25;
	s21 =	sshrl.u32 s13, $0x3;
	[dreg:$0x5] =	wrdreg s10  }
0x16: {  	s23 =	sadd.s32 $0x5F0, s9;
	[dreg:$0x17] =	wrdreg s11;
	s22 =	sadd.s32 s21, s7  }
0x17: {  	s11 =	sadd.s32 $0x32, s8;
	s24 =	sadd.s32 s21, s2;
	[dreg:$0x6] =	wrdreg s22  }
0x18: {  	s25 =	sshrl.u32 s23, $0x3;
	s19 =	sadd.s32 s2, s11;
	[dreg:$0x7] =	wrdreg s24  }
0x19: {  	s31 =	sadd.s32 $0x5A0, s9;
	s26 =	sadd.s32 s25, s7;
	[dreg:$0x1c] =	wrdreg s19  }
0x1a: {  	s15 =	sshrl.u32 s31, $0x3;
	s12 =	sadd.s32 s25, s2;
	[dreg:$0x8] =	wrdreg s26  }
0x1b: {  	s16 =	sadd.s32 s15, s7;
	[dreg:$0x9] =	wrdreg s12  }
0x1c: {  	s21 =	sadd.s32 $0x500, s9;
	s18 =	sadd.s32 s15, s2;
	[dreg:$0xa] =	wrdreg s16  }
0x1d: {  	s23 =	sshrl.u32 s21, $0x3;
	s11 =	sadd.s32 s7, s11;
	[dreg:$0xb] =	wrdreg s18  }
0x1e: {  	s25 =	sadd.s32 $0x3C, s8;
	[dreg:$0x1d] =	wrdreg s11;
	s24 =	sadd.s32 s23, s7  }
0x1f: {  	s31 =	sadd.s32 s2, s25;
	[dreg:$0xe] =	wrdreg s24  }
0x20: {  	s17 =	sadd.s32 $0x550, s9;
	s12 =	sadd.s32 s23, s2;
	[dreg:$0x1e] =	wrdreg s31  }
0x21: {  	s21 =	sadd.s32 $0x64, s8;
	s11 =	sadd.s32 s7, s25;
	[dreg:$0xf] =	wrdreg s12  }
0x22: {  	s19 =	sshrl.u32 s17, $0x3;
	s23 =	sadd.s32 s2, s21;
	[dreg:$0x1f] =	wrdreg s11  }
0x23: {  	s20 =	sadd.s32 s19, s7;
	[smem:$0x7E1] =	sst s23  }
0x24: {  	s16 =	sadd.s32 $0x46, s8;
	s22 =	sadd.s32 s19, s2;
	[dreg:$0xc] =	wrdreg s20  }
0x25: {  	s18 =	sadd.s32 s2, s16;
	[dreg:$0xd] =	wrdreg s22  }
0x26: {  	s17 =	sadd.s32 $0x50, s8;
	s11 =	sadd.s32 s7, s16;
	[smem:$0x7DB] =	sst s18  }
0x27: {  	s26 =	sadd.s32 $0x4B0, s9;
	s19 =	sadd.s32 s2, s17;
	[smem:$0x7DC] =	sst s11  }
0x28: {  	s25 =	sadd.s32 $0x6E, s8;
	s24 =	sadd.s32 s7, s21;
	[smem:$0x7DD] =	sst s19  }
0x29: {  	s10 =	sshrl.u32 s26, $0x3;
	s31 =	sadd.s32 s2, s25;
	[smem:$0x7E2] =	sst s24  }
0x2a: {  	s9 =	sadd.s32 $0x460, s9;
	s13 =	sadd.s32 s10, s7;
	[smem:$0x7E3] =	sst s31  }
0x2b: {  	s9 =	sshrl.u32 s9, $0x3;
	s10 =	sadd.s32 s10, s2;
	[dreg:$0x10] =	wrdreg s13  }
0x2c: {  	s16 =	sadd.s32 $0x82, s8;
	s15 =	sadd.s32 s9, s7;
	[dreg:$0x11] =	wrdreg s10  }
0x2d: {  	s21 =	sadd.s32 $0x4A6, s8;
	s18 =	sadd.s32 s2, s16;
	[dreg:$0x12] =	wrdreg s15  }
0x2e: {  	s23 =	sadd.s32 s2, s21;
	[smem:$0x7E7] =	sst s18  }
0x2f: {  	s20 =	sadd.s32 $0x5A, s8;
	s10 =	sadd.s32 s7, s17;
	[smem:$0x7EB] =	sst s23  }
0x30: {  	s26 =	sadd.s32 $0x78, s8;
	s22 =	sadd.s32 s2, s20;
	[smem:$0x7DE] =	sst s10  }
0x31: {  	s13 =	sadd.s32 s2, s26;
	[smem:$0x7DF] =	sst s22  }
0x32: {  	s15 =	sadd.s32 s7, s26;
	[smem:$0x7E5] =	sst s13  }
0x33: {  	s18 =	sadd.s32 s7, s8;
	[smem:$0x7E6] =	sst s15  }
0x34: {  	s17 =	sadd.s32 $0x49C, s8;
	s10 =	sadd.s32 s7, s20;
	[smem:$0x7F4] =	sst s18  }
0x35: {  	s19 =	sadd.s32 s2, s17;
	[smem:$0x7E0] =	sst s10  }
0x36: {  	s26 =	sadd.s32 $0x4BA, s8;
	s20 =	sadd.s32 s7, s17;
	[smem:$0x7E9] =	sst s19  }
0x37: {  	s31 =	sadd.s32 $0x4C4, s8;
	s13 =	sadd.s32 s2, s26;
	[smem:$0x7EA] =	sst s20  }
0x38: {  	s15 =	sadd.s32 s2, s31;
	[smem:$0x7EF] =	sst s13  }
0x39: {  	s17 =	sadd.s32 s2, s8;
	[smem:$0x7F1] =	sst s15  }
0x3a: {  	s22 =	sadd.s32 $0x4B0, s8;
	s10 =	sadd.s32 s7, s25;
	[smem:$0x7F3] =	sst s17  }
0x3b: {  	s24 =	sadd.s32 s2, s22;
	[smem:$0x7E4] =	sst s10  }
0x3c: {  	s25 =	sadd.s32 s7, s22;
	[smem:$0x7ED] =	sst s24  }
0x3d: {  	s19 =	sadd.s32 $0x4CE, s8;
	s10 =	sadd.s32 s7, s16;
	[smem:$0x7EE] =	sst s25  }
0x3e: {  	s8 =	sadd.s32 $0x4D8, s8;
	s16 =	sadd.s32 s7, s31;
	[smem:$0x7E8] =	sst s10  }
0x3f: {  	s22 =	sadd.s32 s2, s8;
	[smem:$0x7F2] =	sst s16  }
0x40: {  	s31 =	smax.u32 s6, $0x1;
	[smem:$0x7F8] =	sst s22  }
0x41: {  	s10 =	sadd.s32 s7, s21;
	[smem:$0x7FC] =	sst s31  }
0x42: {  	s20 =	smul.u32 $0x50000, s14;
	s21 =	sadd.s32 s2, s19;
	[smem:$0x7EC] =	sst s10  }
0x43: {  	s28 =	simm.s32 $0xC;
	s2 =	sadd.s32 s9, s2;
	[smem:$0x7F5] =	sst s21  }
0x44: {  	s23 =	sshrl.u32 s20, $0x2;
	s10 =	sadd.s32 s7, s26;
	[dreg:$0x13] =	wrdreg s2  }
0x45: {  	s29 =	simm.s32 $0x7;
	s24 =	sadd.s32 s23, s3;
	[smem:$0x7F0] =	sst s10  }
0x46: {  	s25 =	sshll.u32 s14, $0x6;
	s26 =	sadd.s32 $0x3E800, s5;
	[smem:$0x7F9] =	sst s24  }
0x47: {  	s30 =	simm.s32 $0x8;
	s2 =	sor.u32 $0x1C0E, s25;
	[smem:$0x7FB] =	sst s26  }
0x48: {  	s6 =	simm.s32 $0x0;
	s10 =	sadd.s32 s7, s19;
	[smem:$0x7FD] =	sst s2  }
0x49: {  	s9 =	simm.s32 $0x50;
	s7 =	sadd.s32 s7, s8;
	[smem:$0x7F6] =	sst s10  }
0x4a: {  	s22 =	simm.s32 $0xD;
	s5 =	simm.s32 $0xE;
	[smem:$0x7F7] =	sst s7  }
.LBB2_1:
0x4b: {  	s0 =	sld [smem:$0x7F9];
	_ =	sdelay $0x1  }
0x4c: {  	s26 =	sld [smem:$0x7FA]  }
0x4d: {  	[smem:$0x7D9] =	sst s6;
	s25 =	sshrl.u32 s0, $0x3  }
0x4e: {  	[smem:$0x7DA] =	sst s25  }
0x4f: {  	[spmem:s25], [sflag:s2] =	dma.local [hbm:s26], $0x2800  }
0x50: {  	_ =	swait.ge [sflag:s5], $0x2800  }
0x51: {  	[sflag:s5] =	ssyncset.done $0x0  }
0x52: {  	[sflag:s5] =	ssyncadd.s32 $0xFFFFD800  }
0x53: {  	[bflag:$0x0] =	sbarrier.arrive $0xFFFF  }
0x54: {  	s2 =	sld [smem:$0x7F3];
	_ =	sdelay $0x1  }
0x55: {  	s5 =	sld [smem:$0x7F4]  }
0x56: {  	[tilespmem:s4], [sflag:$0x1] =	stream.linear.gather [hbm4b:s2+s4], $0x50, $0x38;
	[tilespmem:$0x1E800] =	vst v63  }
0x57: {  	s24 =	simm.s32 $0x400  }
0x58: {  	[tilespmem:s24], [sflag:$0x1] =	stream.linear.gather [hbm4b:s5+s4], $0x50, $0x38;
	[tilespmem:$0x1E800] =	vst v63  }
0x59: {  	s7 =	simm.s32 $0x80;
	s6 =	rddreg [dreg:$0x14]  }
0x5a: {  	[tilespmem:s7], [sflag:$0x2] =	stream.linear.gather [hbm4b:s6+s4], $0x50, $0x38;
	[tilespmem:$0x1E800] =	vst v63  }
0x5b: {  	s10 =	simm.s32 $0x480;
	s8 =	rddreg [dreg:$0x15]  }
0x5c: {  	[tilespmem:s10], [sflag:$0x2] =	stream.linear.gather [hbm4b:s8+s4], $0x50, $0x38;
	[tilespmem:$0x1E800] =	vst v63  }
0x5d: {  	s12 =	simm.s32 $0x100;
	s11 =	rddreg [dreg:$0x16]  }
0x5e: {  	[tilespmem:s12], [sflag:$0x3] =	stream.linear.gather [hbm4b:s11+s4], $0x50, $0x38;
	[tilespmem:$0x1E800] =	vst v63  }
0x5f: {  	s14 =	simm.s32 $0x500;
	s13 =	rddreg [dreg:$0x17]  }
0x60: {  	[tilespmem:s14], [sflag:$0x3] =	stream.linear.gather [hbm4b:s13+s4], $0x50, $0x38;
	[tilespmem:$0x1E800] =	vst v63  }
0x61: {  	s16 =	simm.s32 $0x180;
	s15 =	rddreg [dreg:$0x18]  }
0x62: {  	[tilespmem:s16], [sflag:$0x4] =	stream.linear.gather [hbm4b:s15+s4], $0x50, $0x38;
	[tilespmem:$0x1E800] =	vst v63  }
0x63: {  	s18 =	simm.s32 $0x580;
	s17 =	rddreg [dreg:$0x19]  }
0x64: {  	[tilespmem:s18], [sflag:$0x4] =	stream.linear.gather [hbm4b:s17+s4], $0x50, $0x38;
	[tilespmem:$0x1E800] =	vst v63  }
0x65: {  	s23 =	simm.s32 $0x200;
	s19 =	rddreg [dreg:$0x1a]  }
0x66: {  	[tilespmem:s23], [sflag:$0x5] =	stream.linear.gather [hbm4b:s19+s4], $0x50, $0x38;
	[tilespmem:$0x1E800] =	vst v63  }
0x67: {  	s26 =	simm.s32 $0x600;
	s25 =	rddreg [dreg:$0x1b]  }
0x68: {  	[tilespmem:s26], [sflag:$0x5] =	stream.linear.gather [hbm4b:s25+s4], $0x50, $0x38;
	[tilespmem:$0x1E800] =	vst v63  }
0x69: {  	s2 =	rddreg [dreg:$0x1c];
	s8 =	simm.s32 $0x280  }
0x6a: {  	[tilespmem:s8], [sflag:$0x6] =	stream.linear.gather [hbm4b:s2+s4], $0x50, $0x38;
	[tilespmem:$0x1E800] =	vst v63  }
0x6b: {  	s10 =	rddreg [dreg:$0x1d];
	s11 =	simm.s32 $0x680;
	s8 =	simm.s32 $0x1  }
0x6c: {  	[tilespmem:s11], [sflag:$0x6] =	stream.linear.gather [hbm4b:s10+s4], $0x50, $0x38;
	[tilespmem:$0x1E800] =	vst v63  }
0x6d: {  	_ =	swait.ge [sflag:s8], $0x50  }
0x6e: {  	[sflag:s8] =	ssyncset.done $0x0  }
0x6f: {  	[sflag:s8] =	ssyncadd.s32 $0xFFFFFFB0  }
0x70: {  	_ =	swait.ge [sflag:s8], $0x50  }
0x71: {  	[sflag:s8] =	ssyncset.done $0x0  }
0x72: {  	s14 =	simm.s32 $0x800;
	s11 =	simm.s32 $0x2;
	[sflag:s8] =	ssyncadd.s32 $0xFFFFFFB0  }
0x73: {  	[tilespmem:s14], [sflag:$0x9] =	stream.indirect.gather [hbm4b:s1+s9], $0x80, s4, s9, $0xb8;
	[tilespmem:$0x1E800] =	vst v63  }
0x74: {  	_ =	swait.ge [sflag:s11], $0x50  }
0x75: {  	[sflag:s11] =	ssyncset.done $0x0  }
0x76: {  	[sflag:s11] =	ssyncadd.s32 $0xFFFFFFB0  }
0x77: {  	_ =	swait.ge [sflag:s11], $0x50  }
0x78: {  	s6 =	simm.s32 $0x80;
	[sflag:s11] =	ssyncset.done $0x0  }
0x79: {  	s13 =	simm.s32 $0x3;
	s16 =	simm.s32 $0x3000;
	[sflag:s11] =	ssyncadd.s32 $0xFFFFFFB0  }
0x7a: {  	[tilespmem:s16], [sflag:$0xA] =	stream.indirect.gather [hbm4b:s1+s9], $0x80, s6, s9, $0xb8;
	[tilespmem:$0x1E800] =	vst v63  }
0x7b: {  	_ =	swait.ge [sflag:s13], $0x50  }
0x7c: {  	[sflag:s13] =	ssyncset.done $0x0  }
0x7d: {  	[sflag:s13] =	ssyncadd.s32 $0xFFFFFFB0  }
0x7e: {  	_ =	swait.ge [sflag:s13], $0x50  }
0x7f: {  	s7 =	simm.s32 $0x100;
	[sflag:s13] =	ssyncset.done $0x0  }
0x80: {  	s19 =	simm.s32 $0x5800;
	s2 =	simm.s32 $0x9;
	[sflag:s13] =	ssyncadd.s32 $0xFFFFFFB0  }
0x81: {  	[tilespmem:s19], [sflag:$0xB] =	stream.indirect.gather [hbm4b:s1+s9], $0x80, s7, s9, $0xb8;
	[tilespmem:$0x1E800] =	vst v63  }
0x82: {  	_ =	swait.ge [sflag:s2], $0x2800  }
0x83: {  	[sflag:s2] =	ssyncset.done $0x0  }
0x84: {  	[sflag:s2] =	ssyncadd.s32 $0xFFFFD800  }
0x85: {  	[spmem:s3] =	stream.indirect.scatter.add.f32 [tilespmem:s14], [sflag:$0xD], $0x80, s24, s9, $0xb8;
	[tilespmem:$0x1E800] =	vst v63  }
0x86: {  	s17 =	simm.s32 $0x300;
	s12 =	rddreg [dreg:$0x1e]  }
0x87: {  	[tilespmem:s17], [sflag:$0x7] =	stream.linear.gather [hbm4b:s12+s4], $0x50, $0x38;
	[tilespmem:$0x1E800] =	vst v63  }
0x88: {  	s10 =	simm.s32 $0x700;
	s18 =	rddreg [dreg:$0x1f]  }
0x89: {  	[tilespmem:s10], [sflag:$0x7] =	stream.linear.gather [hbm4b:s18+s4], $0x50, $0x38;
	[tilespmem:$0x1E800] =	vst v63  }
0x8a: {  	s18 =	simm.s32 $0x4  }
0x8b: {  	_ =	swait.ge [sflag:s18], $0x50  }
0x8c: {  	[sflag:s18] =	ssyncset.done $0x0  }
0x8d: {  	[sflag:s18] =	ssyncadd.s32 $0xFFFFFFB0  }
0x8e: {  	_ =	swait.ge [sflag:s18], $0x50  }
0x8f: {  	[sflag:s18] =	ssyncset.done $0x0  }
0x90: {  	s20 =	simm.s32 $0x180;
	s17 =	simm.s32 $0x8000;
	[sflag:s18] =	ssyncadd.s32 $0xFFFFFFB0  }
0x91: {  	[tilespmem:s17], [sflag:$0xC] =	stream.indirect.gather [hbm4b:s1+s9], $0x80, s20, s9, $0xb8;
	[tilespmem:$0x1E800] =	vst v63  }
0x92: {  	s20 =	simm.s32 $0xA  }
0x93: {  	_ =	swait.ge [sflag:s20], $0x2800  }
0x94: {  	[sflag:s20] =	ssyncset.done $0x0  }
0x95: {  	[sflag:s20] =	ssyncadd.s32 $0xFFFFD800  }
0x96: {  	_ =	swait.ge [sflag:s22], $0x2800  }
0x97: {  	[sflag:s22] =	ssyncset.done $0x0  }
0x98: {  	s10 =	simm.s32 $0x480;
	s23 =	sld [smem:$0x7DB];
	[sflag:s22] =	ssyncadd.s32 $0xFFFFD800  }
0x99: {  	[spmem:s3] =	stream.indirect.scatter.add.f32 [tilespmem:s16], [sflag:$0xD], $0x80, s10, s9, $0xb8;
	[tilespmem:$0x1E800] =	vst v63  }
0x9a: {  	s25 =	simm.s32 $0x380  }
0x9b: {  	[tilespmem:s25], [sflag:$0x8] =	stream.linear.gather [hbm4b:s23+s4], $0x50, $0x38;
	[tilespmem:$0x1E800] =	vst v63  }
0x9c: {  	s25 =	sld [smem:$0x7DC];
	_ =	sdelay $0x1  }
0x9d: {  	s26 =	simm.s32 $0x780  }
0x9e: {  	[tilespmem:s26], [sflag:$0x8] =	stream.linear.gather [hbm4b:s25+s4], $0x50, $0x38;
	[tilespmem:$0x1E800] =	vst v63  }
0x9f: {  	s25 =	simm.s32 $0x5  }
0xa0: {  	_ =	swait.ge [sflag:s25], $0x50  }
0xa1: {  	[sflag:s25] =	ssyncset.done $0x0  }
0xa2: {  	[sflag:s25] =	ssyncadd.s32 $0xFFFFFFB0  }
0xa3: {  	_ =	swait.ge [sflag:s25], $0x50  }
0xa4: {  	[sflag:s25] =	ssyncset.done $0x0  }
0xa5: {  	s5 =	simm.s32 $0x200;
	[sflag:s25] =	ssyncadd.s32 $0xFFFFFFB0  }
0xa6: {  	[tilespmem:s14], [sflag:$0x9] =	stream.indirect.gather [hbm4b:s1+s9], $0x80, s5, s9, $0xb8;
	[tilespmem:$0x1E800] =	vst v63  }
0xa7: {  	s5 =	simm.s32 $0xB  }
0xa8: {  	_ =	swait.ge [sflag:s5], $0x2800  }
0xa9: {  	[sflag:s5] =	ssyncset.done $0x0  }
0xaa: {  	[sflag:s5] =	ssyncadd.s32 $0xFFFFD800  }
0xab: {  	_ =	swait.ge [sflag:s22], $0x2800  }
0xac: {  	[sflag:s22] =	ssyncset.done $0x0  }
0xad: {  	s23 =	simm.s32 $0x500;
	s12 =	sld [smem:$0x7DD];
	[sflag:s22] =	ssyncadd.s32 $0xFFFFD800  }
0xae: {  	[spmem:s3] =	stream.indirect.scatter.add.f32 [tilespmem:s19], [sflag:$0xD], $0x80, s23, s9, $0xb8;
	[tilespmem:$0x1E800] =	vst v63  }
0xaf: {  	s26 =	sld [smem:$0x7DE]  }
0xb0: {  	[tilespmem:s4], [sflag:$0x1] =	stream.linear.gather [hbm4b:s12+s4], $0x50, $0x38;
	[tilespmem:$0x1E800] =	vst v63  }
0xb1: {  	_ = 	snop  }
0xb2: {  	[tilespmem:s24], [sflag:$0x1] =	stream.linear.gather [hbm4b:s26+s4], $0x50, $0x38;
	[tilespmem:$0x1E800] =	vst v63  }
0xb3: {  	s26 =	simm.s32 $0x6  }
0xb4: {  	_ =	swait.ge [sflag:s26], $0x50  }
0xb5: {  	[sflag:s26] =	ssyncset.done $0x0  }
0xb6: {  	[sflag:s26] =	ssyncadd.s32 $0xFFFFFFB0  }
0xb7: {  	_ =	swait.ge [sflag:s26], $0x50  }
0xb8: {  	[sflag:s26] =	ssyncset.done $0x0  }
0xb9: {  	s31 =	simm.s32 $0x280;
	[sflag:s26] =	ssyncadd.s32 $0xFFFFFFB0  }
0xba: {  	[tilespmem:s16], [sflag:$0xA] =	stream.indirect.gather [hbm4b:s1+s9], $0x80, s31, s9, $0xb8;
	[tilespmem:$0x1E800] =	vst v63  }
0xbb: {  	_ =	swait.ge [sflag:s28], $0x2800  }
0xbc: {  	[sflag:s28] =	ssyncset.done $0x0  }
0xbd: {  	[sflag:s28] =	ssyncadd.s32 $0xFFFFD800  }
0xbe: {  	_ =	swait.ge [sflag:s22], $0x2800  }
0xbf: {  	[sflag:s22] =	ssyncset.done $0x0  }
0xc0: {  	s21 =	simm.s32 $0x580;
	s12 =	sld [smem:$0x7DF];
	[sflag:s22] =	ssyncadd.s32 $0xFFFFD800  }
0xc1: {  	[spmem:s3] =	stream.indirect.scatter.add.f32 [tilespmem:s17], [sflag:$0xD], $0x80, s21, s9, $0xb8;
	[tilespmem:$0x1E800] =	vst v63  }
0xc2: {  	s15 =	simm.s32 $0x80  }
0xc3: {  	[tilespmem:s15], [sflag:$0x2] =	stream.linear.gather [hbm4b:s12+s4], $0x50, $0x38;
	[tilespmem:$0x1E800] =	vst v63  }
0xc4: {  	s12 =	sld [smem:$0x7E0];
	_ =	sdelay $0x2  }
0xc5: {  	[tilespmem:s10], [sflag:$0x2] =	stream.linear.gather [hbm4b:s12+s4], $0x50, $0x38;
	[tilespmem:$0x1E800] =	vst v63  }
0xc6: {  	_ =	swait.ge [sflag:s29], $0x50  }
0xc7: {  	[sflag:s29] =	ssyncset.done $0x0  }
0xc8: {  	[sflag:s29] =	ssyncadd.s32 $0xFFFFFFB0  }
0xc9: {  	_ =	swait.ge [sflag:s29], $0x50  }
0xca: {  	[sflag:s29] =	ssyncset.done $0x0  }
0xcb: {  	s7 =	simm.s32 $0x300;
	[sflag:s29] =	ssyncadd.s32 $0xFFFFFFB0  }
0xcc: {  	[tilespmem:s19], [sflag:$0xB] =	stream.indirect.gather [hbm4b:s1+s9], $0x80, s7, s9, $0xb8;
	[tilespmem:$0x1E800] =	vst v63  }
0xcd: {  	_ =	swait.ge [sflag:s2], $0x2800  }
0xce: {  	[sflag:s2] =	ssyncset.done $0x0  }
0xcf: {  	[sflag:s2] =	ssyncadd.s32 $0xFFFFD800  }
0xd0: {  	_ =	swait.ge [sflag:s22], $0x2800  }
0xd1: {  	[sflag:s22] =	ssyncset.done $0x0  }
0xd2: {  	s7 =	simm.s32 $0x600;
	s10 =	sld [smem:$0x7E1];
	[sflag:s22] =	ssyncadd.s32 $0xFFFFD800  }
0xd3: {  	[spmem:s3] =	stream.indirect.scatter.add.f32 [tilespmem:s14], [sflag:$0xD], $0x80, s7, s9, $0xb8;
	[tilespmem:$0x1E800] =	vst v63  }
0xd4: {  	s12 =	simm.s32 $0x100  }
0xd5: {  	[tilespmem:s12], [sflag:$0x3] =	stream.linear.gather [hbm4b:s10+s4], $0x50, $0x38;
	[tilespmem:$0x1E800] =	vst v63  }
0xd6: {  	s10 =	sld [smem:$0x7E2];
	_ =	sdelay $0x2  }
0xd7: {  	[tilespmem:s23], [sflag:$0x3] =	stream.linear.gather [hbm4b:s10+s4], $0x50, $0x38;
	[tilespmem:$0x1E800] =	vst v63  }
0xd8: {  	_ =	swait.ge [sflag:s30], $0x50  }
0xd9: {  	[sflag:s30] =	ssyncset.done $0x0  }
0xda: {  	[sflag:s30] =	ssyncadd.s32 $0xFFFFFFB0  }
0xdb: {  	_ =	swait.ge [sflag:s30], $0x50  }
0xdc: {  	[sflag:s30] =	ssyncset.done $0x0  }
0xdd: {  	s6 =	simm.s32 $0x380;
	[sflag:s30] =	ssyncadd.s32 $0xFFFFFFB0  }
0xde: {  	[tilespmem:s17], [sflag:$0xC] =	stream.indirect.gather [hbm4b:s1+s9], $0x80, s6, s9, $0xb8;
	[tilespmem:$0x1E800] =	vst v63  }
0xdf: {  	_ =	swait.ge [sflag:s20], $0x2800  }
0xe0: {  	[sflag:s20] =	ssyncset.done $0x0  }
0xe1: {  	[sflag:s20] =	ssyncadd.s32 $0xFFFFD800  }
0xe2: {  	_ =	swait.ge [sflag:s22], $0x2800  }
0xe3: {  	[sflag:s22] =	ssyncset.done $0x0  }
0xe4: {  	s6 =	simm.s32 $0x680;
	s10 =	sld [smem:$0x7E3];
	[sflag:s22] =	ssyncadd.s32 $0xFFFFD800  }
0xe5: {  	[spmem:s3] =	stream.indirect.scatter.add.f32 [tilespmem:s16], [sflag:$0xD], $0x80, s6, s9, $0xb8;
	[tilespmem:$0x1E800] =	vst v63  }
0xe6: {  	s23 =	simm.s32 $0x180  }
0xe7: {  	[tilespmem:s23], [sflag:$0x4] =	stream.linear.gather [hbm4b:s10+s4], $0x50, $0x38;
	[tilespmem:$0x1E800] =	vst v63  }
0xe8: {  	s10 =	sld [smem:$0x7E4];
	_ =	sdelay $0x2  }
0xe9: {  	[tilespmem:s21], [sflag:$0x4] =	stream.linear.gather [hbm4b:s10+s4], $0x50, $0x38;
	[tilespmem:$0x1E800] =	vst v63  }
0xea: {  	_ =	swait.ge [sflag:s8], $0x50  }
0xeb: {  	[sflag:s8] =	ssyncset.done $0x0  }
0xec: {  	[sflag:s8] =	ssyncadd.s32 $0xFFFFFFB0  }
0xed: {  	_ =	swait.ge [sflag:s8], $0x50  }
0xee: {  	[sflag:s8] =	ssyncset.done $0x0  }
0xef: {  	[sflag:s8] =	ssyncadd.s32 $0xFFFFFFB0  }
0xf0: {  	[tilespmem:s14], [sflag:$0x9] =	stream.indirect.gather [hbm4b:s1+s9], $0x80, s4, s9, $0xb8;
	[tilespmem:$0x1E800] =	vst v63  }
0xf1: {  	_ =	swait.ge [sflag:s5], $0x2800  }
0xf2: {  	[sflag:s5] =	ssyncset.done $0x0  }
0xf3: {  	[sflag:s5] =	ssyncadd.s32 $0xFFFFD800  }
0xf4: {  	_ =	swait.ge [sflag:s22], $0x2800  }
0xf5: {  	[sflag:s22] =	ssyncset.done $0x0  }
0xf6: {  	s10 =	simm.s32 $0x700;
	s0 =	sld [smem:$0x7E5];
	[sflag:s22] =	ssyncadd.s32 $0xFFFFD800  }
0xf7: {  	[spmem:s3] =	stream.indirect.scatter.add.f32 [tilespmem:s19], [sflag:$0xD], $0x80, s10, s9, $0xb8;
	[tilespmem:$0x1E800] =	vst v63  }
0xf8: {  	s21 =	simm.s32 $0x200  }
0xf9: {  	[tilespmem:s21], [sflag:$0x5] =	stream.linear.gather [hbm4b:s0+s4], $0x50, $0x38;
	[tilespmem:$0x1E800] =	vst v63  }
0xfa: {  	s21 =	sld [smem:$0x7E6];
	_ =	sdelay $0x2  }
0xfb: {  	[tilespmem:s7], [sflag:$0x5] =	stream.linear.gather [hbm4b:s21+s4], $0x50, $0x38;
	[tilespmem:$0x1E800] =	vst v63  }
0xfc: {  	_ =	swait.ge [sflag:s11], $0x50  }
0xfd: {  	[sflag:s11] =	ssyncset.done $0x0  }
0xfe: {  	[sflag:s11] =	ssyncadd.s32 $0xFFFFFFB0  }
0xff: {  	_ =	swait.ge [sflag:s11], $0x50  }
0x100: {  	[sflag:s11] =	ssyncset.done $0x0  }
0x101: {  	s15 =	simm.s32 $0x80;
	[sflag:s11] =	ssyncadd.s32 $0xFFFFFFB0  }
0x102: {  	[tilespmem:s16], [sflag:$0xA] =	stream.indirect.gather [hbm4b:s1+s9], $0x80, s15, s9, $0xb8;
	[tilespmem:$0x1E800] =	vst v63  }
0x103: {  	_ =	swait.ge [sflag:s28], $0x2800  }
0x104: {  	[sflag:s28] =	ssyncset.done $0x0  }
0x105: {  	[sflag:s28] =	ssyncadd.s32 $0xFFFFD800  }
0x106: {  	_ =	swait.ge [sflag:s22], $0x2800  }
0x107: {  	[sflag:s22] =	ssyncset.done $0x0  }
0x108: {  	s21 =	simm.s32 $0x780;
	s15 =	sld [smem:$0x7E7];
	[sflag:s22] =	ssyncadd.s32 $0xFFFFD800  }
0x109: {  	[spmem:s3] =	stream.indirect.scatter.add.f32 [tilespmem:s17], [sflag:$0xD], $0x80, s21, s9, $0xb8;
	[tilespmem:$0x1E800] =	vst v63  }
0x10a: {  	s31 =	simm.s32 $0x280;
	s7 =	sld [smem:$0x7E8]  }
0x10b: {  	[tilespmem:s31], [sflag:$0x6] =	stream.linear.gather [hbm4b:s15+s4], $0x50, $0x38;
	[tilespmem:$0x1E800] =	vst v63  }
0x10c: {  	_ = 	snop  }
0x10d: {  	[tilespmem:s6], [sflag:$0x6] =	stream.linear.gather [hbm4b:s7+s4], $0x50, $0x38;
	[tilespmem:$0x1E800] =	vst v63  }
0x10e: {  	_ =	swait.ge [sflag:s13], $0x50  }
0x10f: {  	[sflag:s13] =	ssyncset.done $0x0  }
0x110: {  	[sflag:s13] =	ssyncadd.s32 $0xFFFFFFB0  }
0x111: {  	_ =	swait.ge [sflag:s13], $0x50  }
0x112: {  	[sflag:s13] =	ssyncset.done $0x0  }
0x113: {  	[sflag:s13] =	ssyncadd.s32 $0xFFFFFFB0  }
0x114: {  	[tilespmem:s19], [sflag:$0xB] =	stream.indirect.gather [hbm4b:s1+s9], $0x80, s12, s9, $0xb8;
	[tilespmem:$0x1E800] =	vst v63  }
0x115: {  	_ =	swait.ge [sflag:s2], $0x2800  }
0x116: {  	[sflag:s2] =	ssyncset.done $0x0  }
0x117: {  	[sflag:s2] =	ssyncadd.s32 $0xFFFFD800  }
0x118: {  	_ =	swait.ge [sflag:s22], $0x2800  }
0x119: {  	[sflag:s22] =	ssyncset.done $0x0  }
0x11a: {  	s15 =	rddreg [dreg:$0x13];
	[sflag:s22] =	ssyncadd.s32 $0xFFFFD800  }
0x11b: {  	[spmem:s3] =	stream.indirect.scatter.add.f32 [tilespmem:s14], [sflag:$0xD], $0x80, s24, s9, $0xb8;
	[tilespmem:$0x1E800] =	vst v63  }
0x11c: {  	s6 =	simm.s32 $0x300;
	s31 =	rddreg [dreg:$0x12];
	s0 =	sadd.s32 $0x0, s15  }
0x11d: {  	[tilespmem:s6], [sflag:$0x7] =	stream.linear.gather [hbm4b:s0+s4], $0x50, $0x38;
	[tilespmem:$0x1E800] =	vst v63  }
0x11e: {  	s7 =	sadd.s32 $0x0, s31  }
0x11f: {  	[tilespmem:s10], [sflag:$0x7] =	stream.linear.gather [hbm4b:s7+s4], $0x50, $0x38;
	[tilespmem:$0x1E800] =	vst v63  }
0x120: {  	_ =	swait.ge [sflag:s18], $0x50  }
0x121: {  	[sflag:s18] =	ssyncset.done $0x0  }
0x122: {  	[sflag:s18] =	ssyncadd.s32 $0xFFFFFFB0  }
0x123: {  	_ =	swait.ge [sflag:s18], $0x50  }
0x124: {  	[sflag:s18] =	ssyncset.done $0x0  }
0x125: {  	s23 =	simm.s32 $0x180;
	[sflag:s18] =	ssyncadd.s32 $0xFFFFFFB0  }
0x126: {  	[tilespmem:s17], [sflag:$0xC] =	stream.indirect.gather [hbm4b:s1+s9], $0x80, s23, s9, $0xb8;
	[tilespmem:$0x1E800] =	vst v63  }
0x127: {  	_ =	swait.ge [sflag:s20], $0x2800  }
0x128: {  	[sflag:s20] =	ssyncset.done $0x0  }
0x129: {  	[sflag:s20] =	ssyncadd.s32 $0xFFFFD800  }
0x12a: {  	_ =	swait.ge [sflag:s22], $0x2800  }
0x12b: {  	[sflag:s22] =	ssyncset.done $0x0  }
0x12c: {  	s12 =	simm.s32 $0x480;
	s10 =	rddreg [dreg:$0x11];
	[sflag:s22] =	ssyncadd.s32 $0xFFFFD800  }
0x12d: {  	[spmem:s3] =	stream.indirect.scatter.add.f32 [tilespmem:s16], [sflag:$0xD], $0x80, s12, s9, $0xb8;
	[tilespmem:$0x1E800] =	vst v63  }
0x12e: {  	s18 =	simm.s32 $0x380;
	s31 =	rddreg [dreg:$0x10];
	s0 =	sadd.s32 $0x0, s10  }
0x12f: {  	[tilespmem:s18], [sflag:$0x8] =	stream.linear.gather [hbm4b:s0+s4], $0x50, $0x38;
	[tilespmem:$0x1E800] =	vst v63  }
0x130: {  	s23 =	sadd.s32 $0x0, s31  }
0x131: {  	[tilespmem:s21], [sflag:$0x8] =	stream.linear.gather [hbm4b:s23+s4], $0x50, $0x38;
	[tilespmem:$0x1E800] =	vst v63  }
0x132: {  	_ =	swait.ge [sflag:s25], $0x50  }
0x133: {  	[sflag:s25] =	ssyncset.done $0x0  }
0x134: {  	[sflag:s25] =	ssyncadd.s32 $0xFFFFFFB0  }
0x135: {  	_ =	swait.ge [sflag:s25], $0x50  }
0x136: {  	[sflag:s25] =	ssyncset.done $0x0  }
0x137: {  	s6 =	simm.s32 $0x200;
	[sflag:s25] =	ssyncadd.s32 $0xFFFFFFB0  }
0x138: {  	[tilespmem:s14], [sflag:$0x9] =	stream.indirect.gather [hbm4b:s1+s9], $0x80, s6, s9, $0xb8;
	[tilespmem:$0x1E800] =	vst v63  }
0x139: {  	_ =	swait.ge [sflag:s5], $0x2800  }
0x13a: {  	[sflag:s5] =	ssyncset.done $0x0  }
0x13b: {  	[sflag:s5] =	ssyncadd.s32 $0xFFFFD800  }
0x13c: {  	_ =	swait.ge [sflag:s22], $0x2800  }
0x13d: {  	[sflag:s22] =	ssyncset.done $0x0  }
0x13e: {  	s23 =	simm.s32 $0x500;
	s25 =	rddreg [dreg:$0xf];
	[sflag:s22] =	ssyncadd.s32 $0xFFFFD800  }
0x13f: {  	[spmem:s3] =	stream.indirect.scatter.add.f32 [tilespmem:s19], [sflag:$0xD], $0x80, s23, s9, $0xb8;
	[tilespmem:$0x1E800] =	vst v63  }
0x140: {  	s31 =	rddreg [dreg:$0xe];
	s0 =	sadd.s32 $0x0, s25  }
0x141: {  	[tilespmem:s4], [sflag:$0x1] =	stream.linear.gather [hbm4b:s0+s4], $0x50, $0x38;
	[tilespmem:$0x1E800] =	vst v63  }
0x142: {  	s7 =	sadd.s32 $0x0, s31  }
0x143: {  	[tilespmem:s24], [sflag:$0x1] =	stream.linear.gather [hbm4b:s7+s4], $0x50, $0x38;
	[tilespmem:$0x1E800] =	vst v63  }
0x144: {  	_ =	swait.ge [sflag:s26], $0x50  }
0x145: {  	[sflag:s26] =	ssyncset.done $0x0  }
0x146: {  	[sflag:s26] =	ssyncadd.s32 $0xFFFFFFB0  }
0x147: {  	_ =	swait.ge [sflag:s26], $0x50  }
0x148: {  	[sflag:s26] =	ssyncset.done $0x0  }
0x149: {  	s7 =	simm.s32 $0x280;
	[sflag:s26] =	ssyncadd.s32 $0xFFFFFFB0  }
0x14a: {  	[tilespmem:s16], [sflag:$0xA] =	stream.indirect.gather [hbm4b:s1+s9], $0x80, s7, s9, $0xb8;
	[tilespmem:$0x1E800] =	vst v63  }
0x14b: {  	_ =	swait.ge [sflag:s28], $0x2800  }
0x14c: {  	[sflag:s28] =	ssyncset.done $0x0  }
0x14d: {  	[sflag:s28] =	ssyncadd.s32 $0xFFFFD800  }
0x14e: {  	_ =	swait.ge [sflag:s22], $0x2800  }
0x14f: {  	[sflag:s22] =	ssyncset.done $0x0  }
0x150: {  	s18 =	simm.s32 $0x580;
	s10 =	rddreg [dreg:$0xd];
	[sflag:s22] =	ssyncadd.s32 $0xFFFFD800  }
0x151: {  	[spmem:s3] =	stream.indirect.scatter.add.f32 [tilespmem:s17], [sflag:$0xD], $0x80, s18, s9, $0xb8;
	[tilespmem:$0x1E800] =	vst v63  }
0x152: {  	s31 =	rddreg [dreg:$0xc];
	s0 =	sadd.s32 $0x0, s10;
	s10 =	simm.s32 $0x80  }
0x153: {  	[tilespmem:s10], [sflag:$0x2] =	stream.linear.gather [hbm4b:s0+s4], $0x50, $0x38;
	[tilespmem:$0x1E800] =	vst v63  }
0x154: {  	s24 =	sadd.s32 $0x0, s31  }
0x155: {  	[tilespmem:s12], [sflag:$0x2] =	stream.linear.gather [hbm4b:s24+s4], $0x50, $0x38;
	[tilespmem:$0x1E800] =	vst v63  }
0x156: {  	_ =	swait.ge [sflag:s29], $0x50  }
0x157: {  	[sflag:s29] =	ssyncset.done $0x0  }
0x158: {  	[sflag:s29] =	ssyncadd.s32 $0xFFFFFFB0  }
0x159: {  	_ =	swait.ge [sflag:s29], $0x50  }
0x15a: {  	[sflag:s29] =	ssyncset.done $0x0  }
0x15b: {  	s15 =	simm.s32 $0x300;
	[sflag:s29] =	ssyncadd.s32 $0xFFFFFFB0  }
0x15c: {  	[tilespmem:s19], [sflag:$0xB] =	stream.indirect.gather [hbm4b:s1+s9], $0x80, s15, s9, $0xb8;
	[tilespmem:$0x1E800] =	vst v63  }
0x15d: {  	_ =	swait.ge [sflag:s2], $0x2800  }
0x15e: {  	[sflag:s2] =	ssyncset.done $0x0  }
0x15f: {  	[sflag:s2] =	ssyncadd.s32 $0xFFFFD800  }
0x160: {  	_ =	swait.ge [sflag:s22], $0x2800  }
0x161: {  	[sflag:s22] =	ssyncset.done $0x0  }
0x162: {  	s15 =	simm.s32 $0x600;
	s25 =	rddreg [dreg:$0xb];
	[sflag:s22] =	ssyncadd.s32 $0xFFFFD800  }
0x163: {  	[spmem:s3] =	stream.indirect.scatter.add.f32 [tilespmem:s14], [sflag:$0xD], $0x80, s15, s9, $0xb8;
	[tilespmem:$0x1E800] =	vst v63  }
0x164: {  	s26 =	simm.s32 $0x100;
	s31 =	rddreg [dreg:$0xa];
	s0 =	sadd.s32 $0x0, s25  }
0x165: {  	[tilespmem:s26], [sflag:$0x3] =	stream.linear.gather [hbm4b:s0+s4], $0x50, $0x38;
	[tilespmem:$0x1E800] =	vst v63  }
0x166: {  	s12 =	sadd.s32 $0x0, s31  }
0x167: {  	[tilespmem:s23], [sflag:$0x3] =	stream.linear.gather [hbm4b:s12+s4], $0x50, $0x38;
	[tilespmem:$0x1E800] =	vst v63  }
0x168: {  	_ =	swait.ge [sflag:s30], $0x50  }
0x169: {  	[sflag:s30] =	ssyncset.done $0x0  }
0x16a: {  	[sflag:s30] =	ssyncadd.s32 $0xFFFFFFB0  }
0x16b: {  	_ =	swait.ge [sflag:s30], $0x50  }
0x16c: {  	[sflag:s30] =	ssyncset.done $0x0  }
0x16d: {  	s24 =	simm.s32 $0x380;
	[sflag:s30] =	ssyncadd.s32 $0xFFFFFFB0  }
0x16e: {  	[tilespmem:s17], [sflag:$0xC] =	stream.indirect.gather [hbm4b:s1+s9], $0x80, s24, s9, $0xb8;
	[tilespmem:$0x1E800] =	vst v63  }
0x16f: {  	_ =	swait.ge [sflag:s20], $0x2800  }
0x170: {  	[sflag:s20] =	ssyncset.done $0x0  }
0x171: {  	[sflag:s20] =	ssyncadd.s32 $0xFFFFD800  }
0x172: {  	_ =	swait.ge [sflag:s22], $0x2800  }
0x173: {  	[sflag:s22] =	ssyncset.done $0x0  }
0x174: {  	s2 =	simm.s32 $0x680;
	s25 =	rddreg [dreg:$0x9];
	[sflag:s22] =	ssyncadd.s32 $0xFFFFD800  }
0x175: {  	[spmem:s3] =	stream.indirect.scatter.add.f32 [tilespmem:s16], [sflag:$0xD], $0x80, s2, s9, $0xb8;
	[tilespmem:$0x1E800] =	vst v63  }
0x176: {  	s26 =	simm.s32 $0x180;
	s31 =	rddreg [dreg:$0x8];
	s0 =	sadd.s32 $0x0, s25  }
0x177: {  	[tilespmem:s26], [sflag:$0x4] =	stream.linear.gather [hbm4b:s0+s4], $0x50, $0x38;
	[tilespmem:$0x1E800] =	vst v63  }
0x178: {  	s12 =	sadd.s32 $0x0, s31  }
0x179: {  	[tilespmem:s18], [sflag:$0x4] =	stream.linear.gather [hbm4b:s12+s4], $0x50, $0x38;
	[tilespmem:$0x1E800] =	vst v63  }
0x17a: {  	_ =	swait.ge [sflag:s8], $0x50  }
0x17b: {  	[sflag:s8] =	ssyncset.done $0x0  }
0x17c: {  	[sflag:s8] =	ssyncadd.s32 $0xFFFFFFB0  }
0x17d: {  	_ =	swait.ge [sflag:s8], $0x50  }
0x17e: {  	[sflag:s8] =	ssyncset.done $0x0  }
0x17f: {  	[sflag:s8] =	ssyncadd.s32 $0xFFFFFFB0  }
0x180: {  	[tilespmem:s14], [sflag:$0x9] =	stream.indirect.gather [hbm4b:s1+s9], $0x80, s4, s9, $0xb8;
	[tilespmem:$0x1E800] =	vst v63  }
0x181: {  	_ =	swait.ge [sflag:s5], $0x2800  }
0x182: {  	[sflag:s5] =	ssyncset.done $0x0  }
0x183: {  	[sflag:s5] =	ssyncadd.s32 $0xFFFFD800  }
0x184: {  	_ =	swait.ge [sflag:s22], $0x2800  }
0x185: {  	[sflag:s22] =	ssyncset.done $0x0  }
0x186: {  	s23 =	simm.s32 $0x700;
	s20 =	rddreg [dreg:$0x7];
	[sflag:s22] =	ssyncadd.s32 $0xFFFFD800  }
0x187: {  	[spmem:s3] =	stream.indirect.scatter.add.f32 [tilespmem:s19], [sflag:$0xD], $0x80, s23, s9, $0xb8;
	[tilespmem:$0x1E800] =	vst v63  }
0x188: {  	s31 =	rddreg [dreg:$0x6];
	s0 =	sadd.s32 $0x0, s20  }
0x189: {  	[tilespmem:s6], [sflag:$0x5] =	stream.linear.gather [hbm4b:s0+s4], $0x50, $0x38;
	[tilespmem:$0x1E800] =	vst v63  }
0x18a: {  	s24 =	sadd.s32 $0x0, s31  }
0x18b: {  	[tilespmem:s15], [sflag:$0x5] =	stream.linear.gather [hbm4b:s24+s4], $0x50, $0x38;
	[tilespmem:$0x1E800] =	vst v63  }
0x18c: {  	_ =	swait.ge [sflag:s11], $0x50  }
0x18d: {  	[sflag:s11] =	ssyncset.done $0x0  }
0x18e: {  	[sflag:s11] =	ssyncadd.s32 $0xFFFFFFB0  }
0x18f: {  	_ =	swait.ge [sflag:s11], $0x50  }
0x190: {  	[sflag:s11] =	ssyncset.done $0x0  }
0x191: {  	[sflag:s11] =	ssyncadd.s32 $0xFFFFFFB0  }
0x192: {  	[tilespmem:s16], [sflag:$0xA] =	stream.indirect.gather [hbm4b:s1+s9], $0x80, s10, s9, $0xb8;
	[tilespmem:$0x1E800] =	vst v63  }
0x193: {  	_ =	swait.ge [sflag:s28], $0x2800  }
0x194: {  	[sflag:s28] =	ssyncset.done $0x0  }
0x195: {  	[sflag:s28] =	ssyncadd.s32 $0xFFFFD800  }
0x196: {  	_ =	swait.ge [sflag:s22], $0x2800  }
0x197: {  	[sflag:s22] =	ssyncset.done $0x0  }
0x198: {  	s21 =	simm.s32 $0x780;
	s25 =	rddreg [dreg:$0x5];
	[sflag:s22] =	ssyncadd.s32 $0xFFFFD800  }
0x199: {  	[spmem:s3] =	stream.indirect.scatter.add.f32 [tilespmem:s17], [sflag:$0xD], $0x80, s21, s9, $0xb8;
	[tilespmem:$0x1E800] =	vst v63  }
0x19a: {  	s31 =	rddreg [dreg:$0x4];
	s0 =	sadd.s32 $0x0, s25  }
0x19b: {  	[tilespmem:s7], [sflag:$0x6] =	stream.linear.gather [hbm4b:s0+s4], $0x50, $0x38;
	[tilespmem:$0x1E800] =	vst v63  }
0x19c: {  	s26 =	sadd.s32 $0x0, s31  }
0x19d: {  	[tilespmem:s2], [sflag:$0x6] =	stream.linear.gather [hbm4b:s26+s4], $0x50, $0x38;
	[tilespmem:$0x1E800] =	vst v63  }
0x19e: {  	_ =	swait.ge [sflag:s13], $0x50  }
0x19f: {  	[sflag:s13] =	ssyncset.done $0x0  }
0x1a0: {  	[sflag:s13] =	ssyncadd.s32 $0xFFFFFFB0  }
0x1a1: {  	_ =	swait.ge [sflag:s13], $0x50  }
0x1a2: {  	[sflag:s13] =	ssyncset.done $0x0  }
0x1a3: {  	s31 =	simm.s32 $0x50;
	[sflag:s13] =	ssyncadd.s32 $0xFFFFFFB0  }
.LBB2_2:
0x1a4: {  	s16 =	simm.s32 $0x100;
	s8 =	simm.s32 $0x5800;
	s18 =	simm.s32 $0x9  }
0x1a5: {  	[tilespmem:s8], [sflag:$0xB] =	stream.indirect.gather [hbm4b:s1+s9], $0x80, s16, s9, $0xb8;
	[tilespmem:$0x1E800] =	vst v63  }
0x1a6: {  	_ =	swait.ge [sflag:s18], $0x2800  }
0x1a7: {  	[sflag:s18] =	ssyncset.done $0x0  }
0x1a8: {  	[sflag:s18] =	ssyncadd.s32 $0xFFFFD800  }
0x1a9: {  	_ =	swait.ge [sflag:s22], $0x2800  }
0x1aa: {  	s0 =	smov.u32 s31;
	s6 =	simm.s32 $0x400;
	[sflag:s22] =	ssyncset.done $0x0  }
0x1ab: {  	s14 =	simm.s32 $0x800;
	s2 =	rddreg [dreg:$0x13];
	[sflag:s22] =	ssyncadd.s32 $0xFFFFD800  }
0x1ac: {  	[spmem:s3] =	stream.indirect.scatter.add.f32 [tilespmem:s14], [sflag:$0xD], $0x80, s6, s9, $0xb8;
	[tilespmem:$0x1E800] =	vst v63  }
0x1ad: {  	s11 =	simm.s32 $0x300;
	s5 =	rddreg [dreg:$0x12];
	s2 =	sadd.s32 s0, s2  }
0x1ae: {  	[tilespmem:s11], [sflag:$0x7] =	stream.linear.gather [hbm4b:s2+s4], $0x50, $0x38;
	[tilespmem:$0x1E800] =	vst v63  }
0x1af: {  	s13 =	simm.s32 $0x700;
	s10 =	simm.s32 $0x4;
	s7 =	sadd.s32 s0, s5  }
0x1b0: {  	[tilespmem:s13], [sflag:$0x7] =	stream.linear.gather [hbm4b:s7+s4], $0x50, $0x38;
	[tilespmem:$0x1E800] =	vst v63  }
0x1b1: {  	_ =	swait.ge [sflag:s10], $0x50  }
0x1b2: {  	[sflag:s10] =	ssyncset.done $0x0  }
0x1b3: {  	[sflag:s10] =	ssyncadd.s32 $0xFFFFFFB0  }
0x1b4: {  	_ =	swait.ge [sflag:s10], $0x50  }
0x1b5: {  	s23 =	simm.s32 $0x180;
	[sflag:s10] =	ssyncset.done $0x0  }
0x1b6: {  	s15 =	simm.s32 $0x8000;
	s24 =	simm.s32 $0xA;
	[sflag:s10] =	ssyncadd.s32 $0xFFFFFFB0  }
0x1b7: {  	[tilespmem:s15], [sflag:$0xC] =	stream.indirect.gather [hbm4b:s1+s9], $0x80, s23, s9, $0xb8;
	[tilespmem:$0x1E800] =	vst v63  }
0x1b8: {  	_ =	swait.ge [sflag:s24], $0x2800  }
0x1b9: {  	[sflag:s24] =	ssyncset.done $0x0  }
0x1ba: {  	[sflag:s24] =	ssyncadd.s32 $0xFFFFD800  }
0x1bb: {  	_ =	swait.ge [sflag:s22], $0x2800  }
0x1bc: {  	s19 =	simm.s32 $0x3000;
	[sflag:s22] =	ssyncset.done $0x0  }
0x1bd: {  	s7 =	simm.s32 $0x480;
	s12 =	rddreg [dreg:$0x11];
	[sflag:s22] =	ssyncadd.s32 $0xFFFFD800  }
0x1be: {  	[spmem:s3] =	stream.indirect.scatter.add.f32 [tilespmem:s19], [sflag:$0xD], $0x80, s7, s9, $0xb8;
	[tilespmem:$0x1E800] =	vst v63  }
0x1bf: {  	s20 =	simm.s32 $0x380;
	s17 =	rddreg [dreg:$0x10];
	s2 =	sadd.s32 s0, s12  }
0x1c0: {  	[tilespmem:s20], [sflag:$0x8] =	stream.linear.gather [hbm4b:s2+s4], $0x50, $0x38;
	[tilespmem:$0x1E800] =	vst v63  }
0x1c1: {  	s25 =	simm.s32 $0x780;
	s26 =	simm.s32 $0x5;
	s21 =	sadd.s32 s0, s17  }
0x1c2: {  	[tilespmem:s25], [sflag:$0x8] =	stream.linear.gather [hbm4b:s21+s4], $0x50, $0x38;
	[tilespmem:$0x1E800] =	vst v63  }
0x1c3: {  	_ =	swait.ge [sflag:s26], $0x50  }
0x1c4: {  	[sflag:s26] =	ssyncset.done $0x0  }
0x1c5: {  	[sflag:s26] =	ssyncadd.s32 $0xFFFFFFB0  }
0x1c6: {  	_ =	swait.ge [sflag:s26], $0x50  }
0x1c7: {  	[sflag:s26] =	ssyncset.done $0x0  }
0x1c8: {  	s10 =	simm.s32 $0x200;
	[sflag:s26] =	ssyncadd.s32 $0xFFFFFFB0;
	s26 =	simm.s32 $0xB  }
0x1c9: {  	[tilespmem:s14], [sflag:$0x9] =	stream.indirect.gather [hbm4b:s1+s9], $0x80, s10, s9, $0xb8;
	[tilespmem:$0x1E800] =	vst v63  }
0x1ca: {  	_ =	swait.ge [sflag:s26], $0x2800  }
0x1cb: {  	[sflag:s26] =	ssyncset.done $0x0  }
0x1cc: {  	[sflag:s26] =	ssyncadd.s32 $0xFFFFD800  }
0x1cd: {  	_ =	swait.ge [sflag:s22], $0x2800  }
0x1ce: {  	[sflag:s22] =	ssyncset.done $0x0  }
0x1cf: {  	s17 =	simm.s32 $0x500;
	s5 =	rddreg [dreg:$0xf];
	[sflag:s22] =	ssyncadd.s32 $0xFFFFD800  }
0x1d0: {  	[spmem:s3] =	stream.indirect.scatter.add.f32 [tilespmem:s8], [sflag:$0xD], $0x80, s17, s9, $0xb8;
	[tilespmem:$0x1E800] =	vst v63  }
0x1d1: {  	s12 =	rddreg [dreg:$0xe];
	s2 =	sadd.s32 s0, s5  }
0x1d2: {  	[tilespmem:s4], [sflag:$0x1] =	stream.linear.gather [hbm4b:s2+s4], $0x50, $0x38;
	[tilespmem:$0x1E800] =	vst v63  }
0x1d3: {  	s21 =	sadd.s32 s0, s12;
	s5 =	simm.s32 $0x6  }
0x1d4: {  	[tilespmem:s6], [sflag:$0x1] =	stream.linear.gather [hbm4b:s21+s4], $0x50, $0x38;
	[tilespmem:$0x1E800] =	vst v63  }
0x1d5: {  	_ =	swait.ge [sflag:s5], $0x50  }
0x1d6: {  	[sflag:s5] =	ssyncset.done $0x0  }
0x1d7: {  	[sflag:s5] =	ssyncadd.s32 $0xFFFFFFB0  }
0x1d8: {  	_ =	swait.ge [sflag:s5], $0x50  }
0x1d9: {  	[sflag:s5] =	ssyncset.done $0x0  }
0x1da: {  	s12 =	simm.s32 $0x280;
	[sflag:s5] =	ssyncadd.s32 $0xFFFFFFB0  }
0x1db: {  	[tilespmem:s19], [sflag:$0xA] =	stream.indirect.gather [hbm4b:s1+s9], $0x80, s12, s9, $0xb8;
	[tilespmem:$0x1E800] =	vst v63  }
0x1dc: {  	_ =	swait.ge [sflag:s28], $0x2800  }
0x1dd: {  	[sflag:s28] =	ssyncset.done $0x0  }
0x1de: {  	[sflag:s28] =	ssyncadd.s32 $0xFFFFD800  }
0x1df: {  	_ =	swait.ge [sflag:s22], $0x2800  }
0x1e0: {  	[sflag:s22] =	ssyncset.done $0x0  }
0x1e1: {  	s21 =	simm.s32 $0x580;
	s6 =	rddreg [dreg:$0xd];
	[sflag:s22] =	ssyncadd.s32 $0xFFFFD800  }
0x1e2: {  	[spmem:s3] =	stream.indirect.scatter.add.f32 [tilespmem:s15], [sflag:$0xD], $0x80, s21, s9, $0xb8;
	[tilespmem:$0x1E800] =	vst v63  }
0x1e3: {  	s5 =	rddreg [dreg:$0xc];
	s2 =	sadd.s32 s0, s6;
	s6 =	simm.s32 $0x80  }
0x1e4: {  	[tilespmem:s6], [sflag:$0x2] =	stream.linear.gather [hbm4b:s2+s4], $0x50, $0x38;
	[tilespmem:$0x1E800] =	vst v63  }
0x1e5: {  	s5 =	sadd.s32 s0, s5  }
0x1e6: {  	[tilespmem:s7], [sflag:$0x2] =	stream.linear.gather [hbm4b:s5+s4], $0x50, $0x38;
	[tilespmem:$0x1E800] =	vst v63  }
0x1e7: {  	_ =	swait.ge [sflag:s29], $0x50  }
0x1e8: {  	[sflag:s29] =	ssyncset.done $0x0  }
0x1e9: {  	[sflag:s29] =	ssyncadd.s32 $0xFFFFFFB0  }
0x1ea: {  	_ =	swait.ge [sflag:s29], $0x50  }
0x1eb: {  	[sflag:s29] =	ssyncset.done $0x0  }
0x1ec: {  	[sflag:s29] =	ssyncadd.s32 $0xFFFFFFB0  }
0x1ed: {  	[tilespmem:s8], [sflag:$0xB] =	stream.indirect.gather [hbm4b:s1+s9], $0x80, s11, s9, $0xb8;
	[tilespmem:$0x1E800] =	vst v63  }
0x1ee: {  	_ =	swait.ge [sflag:s18], $0x2800  }
0x1ef: {  	[sflag:s18] =	ssyncset.done $0x0  }
0x1f0: {  	[sflag:s18] =	ssyncadd.s32 $0xFFFFD800  }
0x1f1: {  	_ =	swait.ge [sflag:s22], $0x2800  }
0x1f2: {  	[sflag:s22] =	ssyncset.done $0x0  }
0x1f3: {  	s7 =	simm.s32 $0x600;
	s5 =	rddreg [dreg:$0xb];
	[sflag:s22] =	ssyncadd.s32 $0xFFFFD800  }
0x1f4: {  	[spmem:s3] =	stream.indirect.scatter.add.f32 [tilespmem:s14], [sflag:$0xD], $0x80, s7, s9, $0xb8;
	[tilespmem:$0x1E800] =	vst v63  }
0x1f5: {  	s11 =	rddreg [dreg:$0xa];
	s2 =	sadd.s32 s0, s5  }
0x1f6: {  	[tilespmem:s16], [sflag:$0x3] =	stream.linear.gather [hbm4b:s2+s4], $0x50, $0x38;
	[tilespmem:$0x1E800] =	vst v63  }
0x1f7: {  	s18 =	sadd.s32 s0, s11  }
0x1f8: {  	[tilespmem:s17], [sflag:$0x3] =	stream.linear.gather [hbm4b:s18+s4], $0x50, $0x38;
	[tilespmem:$0x1E800] =	vst v63  }
0x1f9: {  	_ =	swait.ge [sflag:s30], $0x50  }
0x1fa: {  	[sflag:s30] =	ssyncset.done $0x0  }
0x1fb: {  	[sflag:s30] =	ssyncadd.s32 $0xFFFFFFB0  }
0x1fc: {  	_ =	swait.ge [sflag:s30], $0x50  }
0x1fd: {  	[sflag:s30] =	ssyncset.done $0x0  }
0x1fe: {  	[sflag:s30] =	ssyncadd.s32 $0xFFFFFFB0  }
0x1ff: {  	[tilespmem:s15], [sflag:$0xC] =	stream.indirect.gather [hbm4b:s1+s9], $0x80, s20, s9, $0xb8;
	[tilespmem:$0x1E800] =	vst v63  }
0x200: {  	_ =	swait.ge [sflag:s24], $0x2800  }
0x201: {  	[sflag:s24] =	ssyncset.done $0x0  }
0x202: {  	[sflag:s24] =	ssyncadd.s32 $0xFFFFD800  }
0x203: {  	_ =	swait.ge [sflag:s22], $0x2800  }
0x204: {  	[sflag:s22] =	ssyncset.done $0x0  }
0x205: {  	s16 =	simm.s32 $0x680;
	s20 =	rddreg [dreg:$0x9];
	[sflag:s22] =	ssyncadd.s32 $0xFFFFD800  }
0x206: {  	[spmem:s3] =	stream.indirect.scatter.add.f32 [tilespmem:s19], [sflag:$0xD], $0x80, s16, s9, $0xb8;
	[tilespmem:$0x1E800] =	vst v63  }
0x207: {  	s24 =	rddreg [dreg:$0x8];
	s2 =	sadd.s32 s0, s20  }
0x208: {  	[tilespmem:s23], [sflag:$0x4] =	stream.linear.gather [hbm4b:s2+s4], $0x50, $0x38;
	[tilespmem:$0x1E800] =	vst v63  }
0x209: {  	s11 =	simm.s32 $0x1;
	s5 =	sadd.s32 s0, s24  }
0x20a: {  	[tilespmem:s21], [sflag:$0x4] =	stream.linear.gather [hbm4b:s5+s4], $0x50, $0x38;
	[tilespmem:$0x1E800] =	vst v63  }
0x20b: {  	_ =	swait.ge [sflag:s11], $0x50  }
0x20c: {  	[sflag:s11] =	ssyncset.done $0x0  }
0x20d: {  	[sflag:s11] =	ssyncadd.s32 $0xFFFFFFB0  }
0x20e: {  	_ =	swait.ge [sflag:s11], $0x50  }
0x20f: {  	[sflag:s11] =	ssyncset.done $0x0  }
0x210: {  	[sflag:s11] =	ssyncadd.s32 $0xFFFFFFB0  }
0x211: {  	[tilespmem:s14], [sflag:$0x9] =	stream.indirect.gather [hbm4b:s1+s9], $0x80, s4, s9, $0xb8;
	[tilespmem:$0x1E800] =	vst v63  }
0x212: {  	_ =	swait.ge [sflag:s26], $0x2800  }
0x213: {  	[sflag:s26] =	ssyncset.done $0x0  }
0x214: {  	[sflag:s26] =	ssyncadd.s32 $0xFFFFD800  }
0x215: {  	_ =	swait.ge [sflag:s22], $0x2800  }
0x216: {  	[sflag:s22] =	ssyncset.done $0x0  }
0x217: {  	s17 =	rddreg [dreg:$0x7];
	[sflag:s22] =	ssyncadd.s32 $0xFFFFD800  }
0x218: {  	[spmem:s3] =	stream.indirect.scatter.add.f32 [tilespmem:s8], [sflag:$0xD], $0x80, s13, s9, $0xb8;
	[tilespmem:$0x1E800] =	vst v63  }
0x219: {  	s18 =	rddreg [dreg:$0x6];
	s2 =	sadd.s32 s0, s17  }
0x21a: {  	[tilespmem:s10], [sflag:$0x5] =	stream.linear.gather [hbm4b:s2+s4], $0x50, $0x38;
	[tilespmem:$0x1E800] =	vst v63  }
0x21b: {  	s21 =	simm.s32 $0x2;
	s20 =	sadd.s32 s0, s18  }
0x21c: {  	[tilespmem:s7], [sflag:$0x5] =	stream.linear.gather [hbm4b:s20+s4], $0x50, $0x38;
	[tilespmem:$0x1E800] =	vst v63  }
0x21d: {  	_ =	swait.ge [sflag:s21], $0x50  }
0x21e: {  	[sflag:s21] =	ssyncset.done $0x0  }
0x21f: {  	[sflag:s21] =	ssyncadd.s32 $0xFFFFFFB0  }
0x220: {  	_ =	swait.ge [sflag:s21], $0x50  }
0x221: {  	[sflag:s21] =	ssyncset.done $0x0  }
0x222: {  	[sflag:s21] =	ssyncadd.s32 $0xFFFFFFB0  }
0x223: {  	[tilespmem:s19], [sflag:$0xA] =	stream.indirect.gather [hbm4b:s1+s9], $0x80, s6, s9, $0xb8;
	[tilespmem:$0x1E800] =	vst v63  }
0x224: {  	_ =	swait.ge [sflag:s28], $0x2800  }
0x225: {  	[sflag:s28] =	ssyncset.done $0x0  }
0x226: {  	[sflag:s28] =	ssyncadd.s32 $0xFFFFD800  }
0x227: {  	_ =	swait.ge [sflag:s22], $0x2800  }
0x228: {  	[sflag:s22] =	ssyncset.done $0x0  }
0x229: {  	s23 =	rddreg [dreg:$0x5];
	[sflag:s22] =	ssyncadd.s32 $0xFFFFD800  }
0x22a: {  	[spmem:s3] =	stream.indirect.scatter.add.f32 [tilespmem:s15], [sflag:$0xD], $0x80, s25, s9, $0xb8;
	[tilespmem:$0x1E800] =	vst v63  }
0x22b: {  	s24 =	rddreg [dreg:$0x4];
	s2 =	sadd.s32 s0, s23  }
0x22c: {  	[tilespmem:s12], [sflag:$0x6] =	stream.linear.gather [hbm4b:s2+s4], $0x50, $0x38;
	[tilespmem:$0x1E800] =	vst v63  }
0x22d: {  	s26 =	simm.s32 $0x3;
	s0 =	sadd.s32 s0, s24  }
0x22e: {  	[tilespmem:s16], [sflag:$0x6] =	stream.linear.gather [hbm4b:s0+s4], $0x50, $0x38;
	[tilespmem:$0x1E800] =	vst v63  }
0x22f: {  	p0 =	sne.s32 s31, $0x3C0;
	_ =	swait.ge [sflag:s26], $0x50  }
.Ltmp0:
0x230: {  	[sflag:s26] =	ssyncset.done $0x0;
	(pc) =	sbr.rel @p0 .LBB2_2-.Ltmp0, $4  }
0x231: {  	[sflag:s26] =	ssyncadd.s32 $0xFFFFFFB0  }
0x232: {  	_ =	swait.ge [sflag:s26], $0x50  }
0x233: {  	s31 =	sadd.s32 $0x50, s31;
	[sflag:s26] =	ssyncset.done $0x0  }
0x234: {  	s21 =	simm.s32 $0x280;
	s12 =	simm.s32 $0x680;
	[sflag:s26] =	ssyncadd.s32 $0xFFFFFFB0  }
0x235: {  	s7 =	simm.s32 $0x100;
	s8 =	simm.s32 $0x5800;
	s31 =	simm.s32 $0x9  }
0x236: {  	[tilespmem:s8], [sflag:$0xB] =	stream.indirect.gather [hbm4b:s1+s9], $0x80, s7, s9, $0xb8;
	[tilespmem:$0x1E800] =	vst v63  }
0x237: {  	_ =	swait.ge [sflag:s31], $0x2800  }
0x238: {  	[sflag:s31] =	ssyncset.done $0x0  }
0x239: {  	[sflag:s31] =	ssyncadd.s32 $0xFFFFD800  }
0x23a: {  	_ =	swait.ge [sflag:s22], $0x2800  }
0x23b: {  	s13 =	simm.s32 $0x400;
	[sflag:s22] =	ssyncset.done $0x0  }
0x23c: {  	s14 =	simm.s32 $0x800;
	s0 =	sld [smem:$0x7E9];
	[sflag:s22] =	ssyncadd.s32 $0xFFFFD800  }
0x23d: {  	[spmem:s3] =	stream.indirect.scatter.add.f32 [tilespmem:s14], [sflag:$0xD], $0x80, s13, s9, $0xb8;
	[tilespmem:$0x1E800] =	vst v63  }
0x23e: {  	s11 =	simm.s32 $0x300;
	s25 =	sld [smem:$0x7EA]  }
0x23f: {  	[tilespmem:s11], [sflag:$0x7] =	stream.linear.gather [hbm4b:s0+s4], $0x50, $0x38;
	[tilespmem:$0x1E800] =	vst v63  }
0x240: {  	s2 =	simm.s32 $0x700;
	s18 =	simm.s32 $0x4  }
0x241: {  	[tilespmem:s2], [sflag:$0x7] =	stream.linear.gather [hbm4b:s25+s4], $0x50, $0x38;
	[tilespmem:$0x1E800] =	vst v63  }
0x242: {  	_ =	swait.ge [sflag:s18], $0x50  }
0x243: {  	[sflag:s18] =	ssyncset.done $0x0  }
0x244: {  	[sflag:s18] =	ssyncadd.s32 $0xFFFFFFB0  }
0x245: {  	_ =	swait.ge [sflag:s18], $0x50  }
0x246: {  	s17 =	simm.s32 $0x180;
	[sflag:s18] =	ssyncset.done $0x0  }
0x247: {  	s15 =	simm.s32 $0x8000;
	s24 =	simm.s32 $0xA;
	[sflag:s18] =	ssyncadd.s32 $0xFFFFFFB0  }
0x248: {  	[tilespmem:s15], [sflag:$0xC] =	stream.indirect.gather [hbm4b:s1+s9], $0x80, s17, s9, $0xb8;
	[tilespmem:$0x1E800] =	vst v63  }
0x249: {  	_ =	swait.ge [sflag:s24], $0x2800  }
0x24a: {  	[sflag:s24] =	ssyncset.done $0x0  }
0x24b: {  	[sflag:s24] =	ssyncadd.s32 $0xFFFFD800  }
0x24c: {  	_ =	swait.ge [sflag:s22], $0x2800  }
0x24d: {  	s6 =	simm.s32 $0x480;
	[sflag:s22] =	ssyncset.done $0x0  }
0x24e: {  	s19 =	simm.s32 $0x3000;
	s26 =	sld [smem:$0x7EB];
	[sflag:s22] =	ssyncadd.s32 $0xFFFFD800  }
0x24f: {  	[spmem:s3] =	stream.indirect.scatter.add.f32 [tilespmem:s19], [sflag:$0xD], $0x80, s6, s9, $0xb8;
	[tilespmem:$0x1E800] =	vst v63  }
0x250: {  	s20 =	simm.s32 $0x380;
	s2 =	sld [smem:$0x7EC]  }
0x251: {  	[tilespmem:s20], [sflag:$0x8] =	stream.linear.gather [hbm4b:s26+s4], $0x50, $0x38;
	[tilespmem:$0x1E800] =	vst v63  }
0x252: {  	s25 =	simm.s32 $0x780  }
0x253: {  	[tilespmem:s25], [sflag:$0x8] =	stream.linear.gather [hbm4b:s2+s4], $0x50, $0x38;
	[tilespmem:$0x1E800] =	vst v63  }
0x254: {  	s2 =	simm.s32 $0x5  }
0x255: {  	_ =	swait.ge [sflag:s2], $0x50  }
0x256: {  	[sflag:s2] =	ssyncset.done $0x0  }
0x257: {  	[sflag:s2] =	ssyncadd.s32 $0xFFFFFFB0  }
0x258: {  	_ =	swait.ge [sflag:s2], $0x50  }
0x259: {  	[sflag:s2] =	ssyncset.done $0x0  }
0x25a: {  	s10 =	simm.s32 $0x200;
	s26 =	simm.s32 $0xB;
	[sflag:s2] =	ssyncadd.s32 $0xFFFFFFB0  }
0x25b: {  	[tilespmem:s14], [sflag:$0x9] =	stream.indirect.gather [hbm4b:s1+s9], $0x80, s10, s9, $0xb8;
	[tilespmem:$0x1E800] =	vst v63  }
0x25c: {  	_ =	swait.ge [sflag:s26], $0x2800  }
0x25d: {  	[sflag:s26] =	ssyncset.done $0x0  }
0x25e: {  	[sflag:s26] =	ssyncadd.s32 $0xFFFFD800  }
0x25f: {  	_ =	swait.ge [sflag:s22], $0x2800  }
0x260: {  	[sflag:s22] =	ssyncset.done $0x0  }
0x261: {  	s16 =	simm.s32 $0x500;
	s5 =	sld [smem:$0x7ED];
	[sflag:s22] =	ssyncadd.s32 $0xFFFFD800  }
0x262: {  	[spmem:s3] =	stream.indirect.scatter.add.f32 [tilespmem:s8], [sflag:$0xD], $0x80, s16, s9, $0xb8;
	[tilespmem:$0x1E800] =	vst v63  }
0x263: {  	s23 =	sld [smem:$0x7EE]  }
0x264: {  	[tilespmem:s4], [sflag:$0x1] =	stream.linear.gather [hbm4b:s5+s4], $0x50, $0x38;
	[tilespmem:$0x1E800] =	vst v63  }
0x265: {  	s5 =	simm.s32 $0x6  }
0x266: {  	[tilespmem:s13], [sflag:$0x1] =	stream.linear.gather [hbm4b:s23+s4], $0x50, $0x38;
	[tilespmem:$0x1E800] =	vst v63  }
0x267: {  	_ =	swait.ge [sflag:s5], $0x50  }
0x268: {  	[sflag:s5] =	ssyncset.done $0x0  }
0x269: {  	[sflag:s5] =	ssyncadd.s32 $0xFFFFFFB0  }
0x26a: {  	_ =	swait.ge [sflag:s5], $0x50  }
0x26b: {  	[sflag:s5] =	ssyncset.done $0x0  }
0x26c: {  	[sflag:s5] =	ssyncadd.s32 $0xFFFFFFB0  }
0x26d: {  	[tilespmem:s19], [sflag:$0xA] =	stream.indirect.gather [hbm4b:s1+s9], $0x80, s21, s9, $0xb8;
	[tilespmem:$0x1E800] =	vst v63  }
0x26e: {  	_ =	swait.ge [sflag:s28], $0x2800  }
0x26f: {  	[sflag:s28] =	ssyncset.done $0x0  }
0x270: {  	[sflag:s28] =	ssyncadd.s32 $0xFFFFD800  }
0x271: {  	_ =	swait.ge [sflag:s22], $0x2800  }
0x272: {  	[sflag:s22] =	ssyncset.done $0x0  }
0x273: {  	s23 =	simm.s32 $0x580;
	s21 =	sld [smem:$0x7EF];
	[sflag:s22] =	ssyncadd.s32 $0xFFFFD800  }
0x274: {  	[spmem:s3] =	stream.indirect.scatter.add.f32 [tilespmem:s15], [sflag:$0xD], $0x80, s23, s9, $0xb8;
	[tilespmem:$0x1E800] =	vst v63  }
0x275: {  	s5 =	simm.s32 $0x80  }
0x276: {  	[tilespmem:s5], [sflag:$0x2] =	stream.linear.gather [hbm4b:s21+s4], $0x50, $0x38;
	[tilespmem:$0x1E800] =	vst v63  }
0x277: {  	s21 =	sld [smem:$0x7F0];
	_ =	sdelay $0x2  }
0x278: {  	[tilespmem:s6], [sflag:$0x2] =	stream.linear.gather [hbm4b:s21+s4], $0x50, $0x38;
	[tilespmem:$0x1E800] =	vst v63  }
0x279: {  	_ =	swait.ge [sflag:s29], $0x50  }
0x27a: {  	[sflag:s29] =	ssyncset.done $0x0  }
0x27b: {  	[sflag:s29] =	ssyncadd.s32 $0xFFFFFFB0  }
0x27c: {  	_ =	swait.ge [sflag:s29], $0x50  }
0x27d: {  	[sflag:s29] =	ssyncset.done $0x0  }
0x27e: {  	[sflag:s29] =	ssyncadd.s32 $0xFFFFFFB0  }
0x27f: {  	[tilespmem:s8], [sflag:$0xB] =	stream.indirect.gather [hbm4b:s1+s9], $0x80, s11, s9, $0xb8;
	[tilespmem:$0x1E800] =	vst v63  }
0x280: {  	_ =	swait.ge [sflag:s31], $0x2800  }
0x281: {  	[sflag:s31] =	ssyncset.done $0x0  }
0x282: {  	[sflag:s31] =	ssyncadd.s32 $0xFFFFD800  }
0x283: {  	_ =	swait.ge [sflag:s22], $0x2800  }
0x284: {  	[sflag:s22] =	ssyncset.done $0x0  }
0x285: {  	s21 =	simm.s32 $0x600;
	s11 =	sld [smem:$0x7F1];
	[sflag:s22] =	ssyncadd.s32 $0xFFFFD800  }
0x286: {  	[spmem:s3] =	stream.indirect.scatter.add.f32 [tilespmem:s14], [sflag:$0xD], $0x80, s21, s9, $0xb8;
	[tilespmem:$0x1E800] =	vst v63  }
0x287: {  	_ = 	snop  }
0x288: {  	[tilespmem:s7], [sflag:$0x3] =	stream.linear.gather [hbm4b:s11+s4], $0x50, $0x38;
	[tilespmem:$0x1E800] =	vst v63  }
0x289: {  	s11 =	sld [smem:$0x7F2];
	_ =	sdelay $0x2  }
0x28a: {  	[tilespmem:s16], [sflag:$0x3] =	stream.linear.gather [hbm4b:s11+s4], $0x50, $0x38;
	[tilespmem:$0x1E800] =	vst v63  }
0x28b: {  	_ =	swait.ge [sflag:s30], $0x50  }
0x28c: {  	[sflag:s30] =	ssyncset.done $0x0  }
0x28d: {  	[sflag:s30] =	ssyncadd.s32 $0xFFFFFFB0  }
0x28e: {  	_ =	swait.ge [sflag:s30], $0x50  }
0x28f: {  	[sflag:s30] =	ssyncset.done $0x0  }
0x290: {  	[sflag:s30] =	ssyncadd.s32 $0xFFFFFFB0  }
0x291: {  	[tilespmem:s15], [sflag:$0xC] =	stream.indirect.gather [hbm4b:s1+s9], $0x80, s20, s9, $0xb8;
	[tilespmem:$0x1E800] =	vst v63  }
0x292: {  	_ =	swait.ge [sflag:s24], $0x2800  }
0x293: {  	[sflag:s24] =	ssyncset.done $0x0  }
0x294: {  	[sflag:s24] =	ssyncadd.s32 $0xFFFFD800  }
0x295: {  	_ =	swait.ge [sflag:s22], $0x2800  }
0x296: {  	[sflag:s22] =	ssyncset.done $0x0  }
0x297: {  	[sflag:s22] =	ssyncadd.s32 $0xFFFFD800  }
0x298: {  	[spmem:s3] =	stream.indirect.scatter.add.f32 [tilespmem:s19], [sflag:$0xD], $0x80, s12, s9, $0xb8;
	[tilespmem:$0x1E800] =	vst v63  }
0x299: {  	s12 =	sld [smem:$0x7F5];
	_ =	sdelay $0x1  }
0x29a: {  	s20 =	sld [smem:$0x7F6]  }
0x29b: {  	[tilespmem:s17], [sflag:$0x4] =	stream.linear.gather [hbm4b:s12+s4], $0x50, $0x38;
	[tilespmem:$0x1E800] =	vst v63  }
0x29c: {  	s11 =	simm.s32 $0x1  }
0x29d: {  	[tilespmem:s23], [sflag:$0x4] =	stream.linear.gather [hbm4b:s20+s4], $0x50, $0x38;
	[tilespmem:$0x1E800] =	vst v63  }
0x29e: {  	_ =	swait.ge [sflag:s11], $0x50  }
0x29f: {  	[sflag:s11] =	ssyncset.done $0x0  }
0x2a0: {  	[sflag:s11] =	ssyncadd.s32 $0xFFFFFFB0  }
0x2a1: {  	_ =	swait.ge [sflag:s11], $0x50  }
0x2a2: {  	[sflag:s11] =	ssyncset.done $0x0  }
0x2a3: {  	[sflag:s11] =	ssyncadd.s32 $0xFFFFFFB0  }
0x2a4: {  	[tilespmem:s14], [sflag:$0x9] =	stream.indirect.gather [hbm4b:s1+s9], $0x80, s4, s9, $0xb8;
	[tilespmem:$0x1E800] =	vst v63  }
0x2a5: {  	_ =	swait.ge [sflag:s26], $0x2800  }
0x2a6: {  	[sflag:s26] =	ssyncset.done $0x0  }
0x2a7: {  	[sflag:s26] =	ssyncadd.s32 $0xFFFFD800  }
0x2a8: {  	_ =	swait.ge [sflag:s22], $0x2800  }
0x2a9: {  	[sflag:s22] =	ssyncset.done $0x0  }
0x2aa: {  	s12 =	simm.s32 $0x700;
	s20 =	sld [smem:$0x7F8];
	[sflag:s22] =	ssyncadd.s32 $0xFFFFD800  }
0x2ab: {  	[spmem:s3] =	stream.indirect.scatter.add.f32 [tilespmem:s8], [sflag:$0xD], $0x80, s12, s9, $0xb8;
	[tilespmem:$0x1E800] =	vst v63  }
0x2ac: {  	s11 =	sld [smem:$0x7F7]  }
0x2ad: {  	[tilespmem:s10], [sflag:$0x5] =	stream.linear.gather [hbm4b:s20+s4], $0x50, $0x38;
	[tilespmem:$0x1E800] =	vst v63  }
0x2ae: {  	s12 =	simm.s32 $0x2  }
0x2af: {  	[tilespmem:s21], [sflag:$0x5] =	stream.linear.gather [hbm4b:s11+s4], $0x50, $0x38;
	[tilespmem:$0x1E800] =	vst v63  }
0x2b0: {  	_ =	swait.ge [sflag:s12], $0x50  }
0x2b1: {  	[sflag:s12] =	ssyncset.done $0x0  }
0x2b2: {  	[sflag:s12] =	ssyncadd.s32 $0xFFFFFFB0  }
0x2b3: {  	_ =	swait.ge [sflag:s12], $0x50  }
0x2b4: {  	[sflag:s12] =	ssyncset.done $0x0  }
0x2b5: {  	[sflag:s12] =	ssyncadd.s32 $0xFFFFFFB0  }
0x2b6: {  	[tilespmem:s19], [sflag:$0xA] =	stream.indirect.gather [hbm4b:s1+s9], $0x80, s5, s9, $0xb8;
	[tilespmem:$0x1E800] =	vst v63  }
0x2b7: {  	_ =	swait.ge [sflag:s28], $0x2800  }
0x2b8: {  	[sflag:s28] =	ssyncset.done $0x0  }
0x2b9: {  	[sflag:s28] =	ssyncadd.s32 $0xFFFFD800  }
0x2ba: {  	_ =	swait.ge [sflag:s22], $0x2800  }
0x2bb: {  	[sflag:s22] =	ssyncset.done $0x0  }
0x2bc: {  	s20 =	simm.s32 $0x3;
	[sflag:s22] =	ssyncadd.s32 $0xFFFFD800  }
0x2bd: {  	[spmem:s3] =	stream.indirect.scatter.add.f32 [tilespmem:s15], [sflag:$0xD], $0x80, s25, s9, $0xb8;
	[tilespmem:$0x1E800] =	vst v63  }
0x2be: {  	_ =	swait.ge [sflag:s20], $0x50  }
0x2bf: {  	[sflag:s20] =	ssyncset.done $0x0  }
0x2c0: {  	[sflag:s20] =	ssyncadd.s32 $0xFFFFFFB0  }
0x2c1: {  	_ =	swait.ge [sflag:s20], $0x50  }
0x2c2: {  	[sflag:s20] =	ssyncset.done $0x0  }
0x2c3: {  	[sflag:s20] =	ssyncadd.s32 $0xFFFFFFB0  }
0x2c4: {  	[tilespmem:s8], [sflag:$0xB] =	stream.indirect.gather [hbm4b:s1+s9], $0x80, s7, s9, $0xb8;
	[tilespmem:$0x1E800] =	vst v63  }
0x2c5: {  	_ =	swait.ge [sflag:s31], $0x2800  }
0x2c6: {  	[sflag:s31] =	ssyncset.done $0x0  }
0x2c7: {  	[sflag:s31] =	ssyncadd.s32 $0xFFFFD800  }
0x2c8: {  	_ =	swait.ge [sflag:s22], $0x2800  }
0x2c9: {  	[sflag:s22] =	ssyncset.done $0x0  }
0x2ca: {  	[sflag:s22] =	ssyncadd.s32 $0xFFFFD800  }
0x2cb: {  	[spmem:s3] =	stream.indirect.scatter.add.f32 [tilespmem:s14], [sflag:$0xD], $0x80, s13, s9, $0xb8;
	[tilespmem:$0x1E800] =	vst v63  }
0x2cc: {  	_ =	swait.ge [sflag:s18], $0x50  }
0x2cd: {  	[sflag:s18] =	ssyncset.done $0x0  }
0x2ce: {  	[sflag:s18] =	ssyncadd.s32 $0xFFFFFFB0  }
0x2cf: {  	_ =	swait.ge [sflag:s18], $0x50  }
0x2d0: {  	[sflag:s18] =	ssyncset.done $0x0  }
0x2d1: {  	[sflag:s18] =	ssyncadd.s32 $0xFFFFFFB0  }
0x2d2: {  	[tilespmem:s15], [sflag:$0xC] =	stream.indirect.gather [hbm4b:s1+s9], $0x80, s17, s9, $0xb8;
	[tilespmem:$0x1E800] =	vst v63  }
0x2d3: {  	_ =	swait.ge [sflag:s24], $0x2800  }
0x2d4: {  	[sflag:s24] =	ssyncset.done $0x0  }
0x2d5: {  	[sflag:s24] =	ssyncadd.s32 $0xFFFFD800  }
0x2d6: {  	_ =	swait.ge [sflag:s22], $0x2800  }
0x2d7: {  	[sflag:s22] =	ssyncset.done $0x0  }
0x2d8: {  	[sflag:s22] =	ssyncadd.s32 $0xFFFFD800  }
0x2d9: {  	[spmem:s3] =	stream.indirect.scatter.add.f32 [tilespmem:s19], [sflag:$0xD], $0x80, s6, s9, $0xb8;
	[tilespmem:$0x1E800] =	vst v63  }
0x2da: {  	_ =	swait.ge [sflag:s2], $0x50  }
0x2db: {  	[sflag:s2] =	ssyncset.done $0x0  }
0x2dc: {  	[sflag:s2] =	ssyncadd.s32 $0xFFFFFFB0  }
0x2dd: {  	_ =	swait.ge [sflag:s2], $0x50  }
0x2de: {  	[sflag:s2] =	ssyncset.done $0x0  }
0x2df: {  	[sflag:s2] =	ssyncadd.s32 $0xFFFFFFB0  }
0x2e0: {  	[tilespmem:s14], [sflag:$0x9] =	stream.indirect.gather [hbm4b:s1+s9], $0x80, s10, s9, $0xb8;
	[tilespmem:$0x1E800] =	vst v63  }
0x2e1: {  	_ =	swait.ge [sflag:s26], $0x2800  }
0x2e2: {  	[sflag:s26] =	ssyncset.done $0x0  }
0x2e3: {  	[sflag:s26] =	ssyncadd.s32 $0xFFFFD800  }
0x2e4: {  	_ =	swait.ge [sflag:s22], $0x2800  }
0x2e5: {  	[sflag:s22] =	ssyncset.done $0x0  }
0x2e6: {  	[sflag:s22] =	ssyncadd.s32 $0xFFFFD800  }
0x2e7: {  	[spmem:s3] =	stream.indirect.scatter.add.f32 [tilespmem:s8], [sflag:$0xD], $0x80, s16, s9, $0xb8;
	[tilespmem:$0x1E800] =	vst v63  }
0x2e8: {  	_ =	swait.ge [sflag:s28], $0x2800  }
0x2e9: {  	[sflag:s28] =	ssyncset.done $0x0  }
0x2ea: {  	[sflag:s28] =	ssyncadd.s32 $0xFFFFD800  }
0x2eb: {  	_ =	swait.ge [sflag:s22], $0x2800  }
0x2ec: {  	[sflag:s22] =	ssyncset.done $0x0  }
0x2ed: {  	[sflag:s22] =	ssyncadd.s32 $0xFFFFD800  }
0x2ee: {  	[spmem:s3] =	stream.indirect.scatter.add.f32 [tilespmem:s15], [sflag:$0xD], $0x80, s23, s9, $0xb8;
	[tilespmem:$0x1E800] =	vst v63  }
0x2ef: {  	_ =	swait.ge [sflag:s31], $0x2800  }
0x2f0: {  	[sflag:s31] =	ssyncset.done $0x0  }
0x2f1: {  	[sflag:s31] =	ssyncadd.s32 $0xFFFFD800  }
0x2f2: {  	_ =	swait.ge [sflag:s22], $0x2800  }
0x2f3: {  	[sflag:s22] =	ssyncset.done $0x0  }
0x2f4: {  	[sflag:s22] =	ssyncadd.s32 $0xFFFFD800  }
0x2f5: {  	[spmem:s3] =	stream.indirect.scatter.add.f32 [tilespmem:s14], [sflag:$0xD], $0x80, s21, s9, $0xb8;
	[tilespmem:$0x1E800] =	vst v63  }
0x2f6: {  	_ =	swait.ge [sflag:s22], $0x2800  }
0x2f7: {  	[sflag:s22] =	ssyncset.done $0x0  }
0x2f8: {  	[sflag:s22] =	ssyncadd.s32 $0xFFFFD800  }
0x2f9: {  	[bflag:$0x0] =	sbarrier.arrive $0xFFFF  }
0x2fa: {  	s2 =	sld [smem:$0x7FD]  }
0x2fb: {  	s24 =	sld [smem:$0x7FB]  }
0x2fc: {  	s25 =	sld [smem:$0x7DA];
	_ =	sdelay $0x1  }
0x2fd: {  	s5 =	simm.s32 $0xE  }
0x2fe: {  	[hbm:s24], [sflag:s2] =	dma.local [spmem:s25], $0x2800  }
0x2ff: {  	_ =	swait.ge [sflag:s5], $0x2800  }
0x300: {  	s26 =	sld [smem:$0x7D9]  }
0x301: {  	s31 =	sld [smem:$0x7FC];
	_ =	sdelay $0x1  }
0x302: {  	s6 =	sadd.s32 $0x1, s26  }
0x303: {  	p0 =	sne.s32 s6, s31  }
.Ltmp1:
0x304: {  	_ = 	snop;
	(pc) =	sbr.rel @p0 .LBB2_1-.Ltmp1, $3  }
0x305: {  	_ =	sdelay $0x1  }
0x306: {  	[sflag:s5] =	ssyncset.done $0x0  }
0x307: {  	[sflag:s5] =	ssyncadd.s32 $0xFFFFD800  }
0x308: {  	_ =	sfence.sel $0x180000  }
0x309: {  	[bflag:$0x0] =	sbarrier.arrive $0xFFFF  }
0x30a: {  	_ =	strace $0x90000047  }
0x30b: {  	s0 =	stileid.u32;
	[bflag:$0x2] =	sbarrier.arrive $0xFFFF  }
0x30c: {  	p0 =	sne.s32 s0, $0x0;
	s0 =	rddreg [dreg:$0x3]  }
0x30d: {  	s0 =	sadd.s32 @!p0 $0x100000, s0  }
0x30e: {  	[sflag:s0] =	ssyncadd.tile.s32 @!p0 $0x1;
	_ =	shalt  }
.Lfunc_end2:
_tile_overlayer_lowered:
.L_overlay_start_2:
0x30f: {  	(tag) =	ssettag $0x2  }
0x310: {  	s0 =	rddreg [dreg:$0x0];
	s2 =	stileid.u32  }
0x311: {  	s1 =	rddreg [dreg:$0x1];
	p0 =	sne.s32 s2, $0x0  }
0x312: {  	s3 =	rddreg [dreg:$0x2];
	[bflag:$0x3] =	sbarrier.arrive $0xFFFF;
	s2 =	simm.s32 @!p0 $0x1C0E  }
0x313: {  	[timem:s3], [sflag:s2] =	dma.local @!p0 [hbm:s0], s1  }
0x314: {  	s0 =	simm.s32 @!p0 $0xE  }
0x315: {  	_ =	swait.ge @!p0 [sflag:s0], s1  }
0x316: {  	s1 =	ssub.s32 @!p0 $0x0, s1;
	[sflag:s0] =	ssyncset.done @!p0 $0x0  }
0x317: {  	[sflag:s0] =	ssyncadd.s32 @!p0 s1  }
0x318: {  	[bflag:$0x3] =	sbarrier.arrive $0xFFFF  }
0x319: {  	_ =	shalt  }

// kernel: kernel.9.cloned.1.call-start
scs
__scs_entry_jumppad:
0x0: {  	(pc) =	sbr.rel $0x88, $3  }
0x1: {  	(tag) =	ssettag $0x0;
	lr =	simm.s32 $0x1  }
0x2: {  	[smem:$0x3F8E] =	sst lr;
	_ =	strace $0xD0000000  }
0x3: {  	_ = 	snop  }
0x4: {  	_ = 	snop  }
0x5: {  	_ = 	snop  }
0x6: {  	_ = 	snop  }
0x7: {  	_ = 	snop  }
__scs_overlays_trampoline_lowered:
0x8: {  	[smem:$0x3F9D] =	sst s0  }
0x9: {  	[smem:$0x3F9E] =	sst s1  }
0xa: {  	[smem:$0x3F9F] =	sst s2  }
0xb: {  	[smem:$0x3FA0] =	sst s3  }
0xc: {  	[smem:$0x3FA1] =	sst s4  }
0xd: {  	[smem:$0x3FA2] =	sst s5  }
0xe: {  	[smem:$0x3FA3] =	sst s6  }
0xf: {  	[smem:$0x3FA4] =	sst s7  }
0x10: {  	[smem:$0x3FA5] =	sst s8  }
0x11: {  	[smem:$0x3FA6] =	sst s9;
	s0 =	simm.s32 @!p0 $0x0  }
0x12: {  	s1 =	sld [smem:$0x3F8C];
	s0 =	simm.s32 @p0 $0x1  }
0x13: {  	[smem:$0x3FA7] =	sst s0;
	s0 =	simm.s32 @!p1 $0x0  }
0x14: {  	s2 =	sld [smem:$0x3F8B];
	s0 =	simm.s32 @p1 $0x1  }
0x15: {  	[smem:$0x3FA8] =	sst s0;
	s0 =	simm.s32 @!p2 $0x0  }
0x16: {  	s3 =	sld [smem:$0x3FDB];
	s0 =	simm.s32 @p2 $0x1  }
0x17: {  	s4 =	simm.s32 $0x1BF5;
	[smem:$0x3FAA] =	sst s0  }
0x18: {  	s0 =	sld [smem:$0x3F8D];
	_ =	swait.ge [sflag:s4], $0x0  }
0x19: {  	s7 =	sld [smem:$0x3F8E]  }
0x1a: {  	s8 =	sadd.s32 $0xFFFFE003, lr  }
0x1b: {  	s9 =	sadd.s32 $0xFFFFFEF7, lr;
	s5 =	simm.s32 $0xFFFFFFFF;
	p2 =	slt.u32 s8, $0xFFFFF086  }
0x1c: {  	p1 =	slt.u32 s9, $0xF7A;
	s5 =	simm.s32 @!p2 $0x0  }
0x1d: {  	s5 =	simm.s32 @p1 $0x1;
	p0 =	seq.s32 s7, s2  }
0x1e: {  	s7 =	smul.u32 @!p0 $0xF7A, s2;
	p2 =	seq.s32 @!p0 s5, $0x0  }
0x1f: {  	s9 =	smul.u32 $0xF7A, s1;
	s8 =	simm.s32 @!p0 $0x1BF5;
	p2 =	por !p2, p0  }
0x20: {  	[sflag:s8] =	ssyncset.s32 @!p0 $0xFFFFF086;
	s6 =	sadd.s32 @!p0 s3, s7;
	s7 =	simm.s32 @!p0 $0x108  }
0x21: {  	s3 =	sadd.s32 s3, s9;
	s6 =	sadd.s32 @!p0 $0x88, s6;
	s7 =	simm.s32 @p2 $0x1082  }
0x22: {  	[simem:s7], [sflag:s8] =	dma.local @!p0 [hbm:s6], $0xF7A  }
0x23: {  	s9 =	sor.u32 $0xD0000000, s2;
	s6 =	simm.s32 $0x108;
	_ =	swait.ge @!p0 [sflag:s8], $0x0  }
0x24: {  	s3 =	sadd.s32 $0x88, s3;
	s6 =	simm.s32 @!p1 $0x1082;
	[sflag:s4] =	ssyncset.s32 $0xFFFFF086  }
0x25: {  	[simem:s6], [sflag:s4] =	dma.local [hbm:s3], $0xF7A  }
0x26: {  	[smem:$0x3F8E] =	sst s1;
	(tag) =	ssettag s2;
	_ =	strace s9  }
0x27: {  	s1 =	sld [smem:$0x3F9E]  }
0x28: {  	s2 =	sld [smem:$0x3F9F]  }
0x29: {  	s4 =	sld [smem:$0x3FA1]  }
0x2a: {  	p0 =	seq.s32 s5, $0x0;
	s5 =	sld [smem:$0x3FA2]  }
0x2b: {  	s6 =	sld [smem:$0x3FA3]  }
0x2c: {  	s7 =	sld [smem:$0x3FA4]  }
0x2d: {  	s3 =	simm.s32 $0x108;
	s8 =	sld [smem:$0x3FA5]  }
0x2e: {  	s3 =	simm.s32 @!p0 $0x1082;
	s9 =	sld [smem:$0x3FA6]  }
0x2f: {  	lr =	sadd.s32 s0, s3;
	s0 =	sld [smem:$0x3F9D]  }
0x30: {  	s3 =	sld [smem:$0x3FA0]  }
0x31: {  	[smem:$0x3FA9] =	sst s10  }
0x32: {  	s10 =	sld [smem:$0x3FA7];
	_ =	sdelay $0x3  }
0x33: {  	p0 =	seq.s32 s10, $0x1;
	s10 =	sld [smem:$0x3FA9];
	_ =	sdelay $0x3  }
0x34: {  	[smem:$0x3FA9] =	sst s10  }
0x35: {  	s10 =	sld [smem:$0x3FA8];
	_ =	sdelay $0x3  }
0x36: {  	p1 =	seq.s32 s10, $0x1;
	s10 =	sld [smem:$0x3FA9];
	_ =	sdelay $0x3  }
0x37: {  	[smem:$0x3FA9] =	sst s10  }
0x38: {  	s10 =	sld [smem:$0x3FAA]  }
0x39: {  	_ = 	snop;
	(pc) =	sbr.ind lr, $3  }
0x3a: {  	_ = 	snop  }
0x3b: {  	_ = 	snop  }
0x3c: {  	p2 =	seq.s32 s10, $0x1;
	s10 =	sld [smem:$0x3FA9]  }
0x3d: {  	_ =	shalt  }
0x3e: {  	_ =	shalt  }
0x3f: {  	_ =	shalt  }
0x40: {  	_ =	shalt  }
0x41: {  	_ =	shalt  }
0x42: {  	_ =	shalt  }
0x43: {  	_ =	shalt  }
0x44: {  	_ =	shalt  }
0x45: {  	_ =	shalt  }
0x46: {  	_ =	shalt  }
0x47: {  	_ =	shalt  }
0x48: {  	_ =	shalt  }
0x49: {  	_ =	shalt  }
0x4a: {  	_ =	shalt  }
0x4b: {  	_ =	shalt  }
0x4c: {  	_ =	shalt  }
0x4d: {  	_ =	shalt  }
0x4e: {  	_ =	shalt  }
0x4f: {  	_ =	shalt  }
0x50: {  	_ =	shalt  }
0x51: {  	_ =	shalt  }
0x52: {  	_ =	shalt  }
0x53: {  	_ =	shalt  }
0x54: {  	_ =	shalt  }
0x55: {  	_ =	shalt  }
0x56: {  	_ =	shalt  }
0x57: {  	_ =	shalt  }
0x58: {  	_ =	shalt  }
0x59: {  	_ =	shalt  }
0x5a: {  	_ =	shalt  }
0x5b: {  	_ =	shalt  }
0x5c: {  	_ =	shalt  }
0x5d: {  	_ =	shalt  }
0x5e: {  	_ =	shalt  }
0x5f: {  	_ =	shalt  }
0x60: {  	_ =	shalt  }
0x61: {  	_ =	shalt  }
0x62: {  	_ =	shalt  }
0x63: {  	_ =	shalt  }
0x64: {  	_ =	shalt  }
0x65: {  	_ =	shalt  }
0x66: {  	_ =	shalt  }
0x67: {  	_ =	shalt  }
0x68: {  	_ =	shalt  }
0x69: {  	_ =	shalt  }
0x6a: {  	_ =	shalt  }
0x6b: {  	_ =	shalt  }
0x6c: {  	_ =	shalt  }
0x6d: {  	_ =	shalt  }
0x6e: {  	_ =	shalt  }
0x6f: {  	_ =	shalt  }
0x70: {  	_ =	shalt  }
0x71: {  	_ =	shalt  }
0x72: {  	_ =	shalt  }
0x73: {  	_ =	shalt  }
0x74: {  	_ =	shalt  }
0x75: {  	_ =	shalt  }
0x76: {  	_ =	shalt  }
0x77: {  	_ =	shalt  }
0x78: {  	_ =	shalt  }
0x79: {  	_ =	shalt  }
0x7a: {  	_ =	shalt  }
0x7b: {  	_ =	shalt  }
0x7c: {  	_ =	shalt  }
0x7d: {  	_ =	shalt  }
0x7e: {  	_ =	shalt  }
0x7f: {  	_ =	shalt  }
0x80: {  	_ =	shalt  }
0x81: {  	_ =	shalt  }
0x82: {  	_ =	shalt  }
0x83: {  	_ =	shalt  }
0x84: {  	_ =	shalt  }
0x85: {  	_ =	shalt  }
0x86: {  	_ =	shalt  }
0x87: {  	_ =	shalt  }
.Lfunc_end0:
.L_simem_size_0:
called_computation.1_lowered:
.L_overlay_start_0:
0x88: {  	s2 =	sld [smem:$0x3FD9]  }
0x89: {  	s3 =	sld [smem:$0x3FFE];
	_ =	sdelay $0x1  }
0x8a: {  	s1 =	srdreg.scid  }
0x8b: {  	s0 =	sand.u32 $0x1, s1  }
0x8c: {  	s16 =	sshll.u32 s0, $0xA;
	s2 =	sadd.s32 s3, s2  }
0x8d: {  	s2 =	sadd.s32 s2, s16  }
0x8e: {  	[smem:$0x3FB5] =	sst s2  }
0x8f: {  	_ = 	snop  }
0x90: {  	(tm) =	ssettm $0x1  }
0x91: {  	s17 =	sld [smem:$0x3FFB];
	_ =	sdelay $0x3  }
0x92: {  	_ =	strace s17  }
0x93: {  	s2 =	sld [smem:$0x3FFC];
	_ =	sdelay $0x3  }
0x94: {  	_ =	strace s2  }
0x95: {  	s2 =	sld [smem:$0x3FFD];
	_ =	sdelay $0x3  }
0x96: {  	_ =	strace s2  }
0x97: {  	_ =	strace $0x8FFFFFFF  }
0x98: {  	s18 =	sld [smem:$0x3FDB];
	_ =	sdelay $0x1  }
0x99: {  	s19 =	simm.s32 $_scs_section_size  }
0x9a: {  	s4 =	simm.s32 $_size__tile_overlayer_lowered;
	s5 =	simm.s32 $_tile_overlayer_lowered  }
0x9b: {  	s22 =	simm.s32 $0x1BFF;
	s21 =	sshll.u32 s5, $0x1;
	s2 =	sadd.s32 s19, s18  }
0x9c: {  	s6 =	simm.s32 $0x0;
	s20 =	sshll.u32 s4, $0x1;
	s4 =	sadd.s32 s21, s2  }
0x9d: {  	[timem:s6], [sflag:s22] =	dma.local [hbm:s4], s20  }
0x9e: {  	_ =	swait.ge [sflag:s22], s20  }
0x9f: {  	s3 =	ssub.s32 $0x0, s20;
	[sflag:s22] =	ssyncset.done $0x0  }
0xa0: {  	[sflag:s22] =	ssyncadd.s32 s3;
	_ =	sdelay $0x1  }
0xa1: {  	s23 =	simm.s32 $0x1B8B  }
0xa2: {  	_ =	swait.ge [sflag:s23], $0x1  }
0xa3: {  	[sflag:s23] =	ssyncset.done $0x0  }
0xa4: {  	s25 =	simm.s32 $0x1B8E;
	s24 =	sld [smem:$0x3FFE];
	[sflag:s23] =	ssyncadd.s32 $0xFFFFFFFF  }
0xa5: {  	s26 =	simm.s32 $execute0_lowered;
	[smem:$0x3FD2] =	sst s25  }
0xa6: {  	s4 =	sshll.u32 s26, $0x1;
	_ =	strace $0x80000049;
	[dreg:$0x1] =	wrdreg $0xFFFFFFFF  }
0xa7: {  	s28 =	simm.s32 $_size_execute0_lowered;
	s2 =	sadd.s32 s2, s4;
	[dreg:$0x0] =	wrdreg $0x0  }
0xa8: {  	s4 =	sshll.u32 s28, $0x1;
	[dreg:$0x2] =	wrdreg s2  }
0xa9: {  	[dreg:$0x3] =	wrdreg s4  }
0xaa: {  	[dreg:$0x4] =	wrdreg $0xC0  }
0xab: {  	_ =	task [dreg:s6], $0x5FFFF  }
0xac: {  	[dreg:$0x1] =	wrdreg $0xFFFFFFFF  }
0xad: {  	[dreg:$0x0] =	wrdreg $0x60  }
0xae: {  	[dreg:$0x2] =	wrdreg s24  }
0xaf: {  	[dreg:$0x3] =	wrdreg $0xA8000  }
0xb0: {  	[dreg:$0x4] =	wrdreg $0x9  }
0xb1: {  	_ =	task.clear_ibuf [dreg:s6], $0x5FFFF;
	_ =	strace $0x90000049  }
0xb2: {  	s29 =	simm.s32 $0x9;
	_ =	strace $0x8000004B  }
0xb3: {  	_ =	swait.ge [sflag:s29], $0x1  }
0xb4: {  	[sflag:s29] =	ssyncadd.s32 $0xFFFFFFFF  }
0xb5: {  	_ =	strace $0x9000004B  }
0xb6: {  	_ =	sfence  }
0xb7: {  	s30 =	sld [smem:$0x0];
	_ =	sdelay $0x2  }
0xb8: {  	s31 =	sshll.u32 s1, $0xD;
	s1 =	sshrl.u32 s1, $0x2  }
0xb9: {  	s3 =	sand.u32 $0x4000, s31;
	s1 =	sadd.s32 s1, s30  }
0xba: {  	s0 =	sor.u32 s3, s0;
	s1 =	sshll.u32 s1, $0x11  }
0xbb: {  	s0 =	sor.u32 s1, s0  }
0xbc: {  	s0 =	sadd.s32 $0x8F2B, s0  }
0xbd: {  	[sflag:s0] =	ssyncadd.remote.s32 $0x1  }
0xbe: {  	_ =	sfence.sel $0xFFFF  }
0xbf: {  	[dreg:$0x0] =	wrdreg $0xFFFFFFFF;
	(pc) =	sbr.abs _section_cstart, $3  }
0xc0: {  	[dreg:$0x1] =	wrdreg $0xFFFFFFFF  }
0xc1: {  	_ =	task.clear_ibuf [dreg:s6], $0x2FFFF;
	_ =	strace $0x9FFFFFFF  }
0xc2: {  	(tm) =	ssettm $0x7FFFFFFF  }
0xc3: {  	_ =	shalt  }
tec
execute0_lowered:
.L_overlay_start_1:
0x0: {  	(tag) =	ssettag $0x1  }
0x1: {  	s12 =	stileid.u32;
	s1 =	srdreg.scid  }
0x2: {  	s0 =	rddreg [dreg:$0x0];
	s8 =	sand.u32 $0x1, s1;
	s13 =	sshll.u32 s12, $0x1  }
0x3: {  	s2 =	rddreg [dreg:$0x1];
	s3 =	simm.s32 $0x0;
	s1 =	sor.u32 s8, s13  }
0x4: {  	[smem:$0x7FF] =	sst s3;
	s1 =	smul.u32 $0x2710, s1  }
0x5: {  	s4 =	sadd.s32 $0xCA00, s0;
	s5 =	sadd.s32 $0x2C00, s0;
	s18 =	smul.u32 $0x4E20, s12  }
0x6: {  	_ =	strace $0x8000004A;
	s9 =	ssub.s32 $0x2, s8;
	s7 =	sshrl.u32 s1, $0x3  }
0x7: {  	s6 =	smul.u32 $0x140000, s8;
	s10 =	sshrl.u32 s9, $0x1;
	s14 =	sadd.s32 $0xA, s7  }
0x8: {  	s8 =	smul.u32 $0x2710, s8;
	s1 =	ssub.s32 s9, s10;
	s15 =	sadd.s32 s4, s14  }
0x9: {  	s16 =	sadd.s32 $0x14, s7;
	s9 =	sadd.s32 s5, s14;
	[dreg:$0x13] =	wrdreg s15  }
0xa: {  	s19 =	sadd.s32 $0x1E, s7;
	s17 =	sadd.s32 s4, s16;
	[dreg:$0x14] =	wrdreg s9  }
0xb: {  	s8 =	sadd.s32 s8, s18;
	s13 =	sadd.s32 s4, s19;
	[dreg:$0x15] =	wrdreg s17  }
0xc: {  	s11 =	sadd.s32 $0x28, s7;
	s10 =	sadd.s32 s5, s19;
	[dreg:$0x17] =	wrdreg s13  }
0xd: {  	s25 =	sadd.s32 $0x690, s8;
	s20 =	sadd.s32 s4, s11;
	[dreg:$0x18] =	wrdreg s10  }
0xe: {  	s22 =	sadd.s32 $0x32, s7;
	s21 =	sadd.s32 s5, s11;
	[dreg:$0x19] =	wrdreg s20  }
0xf: {  	s24 =	sadd.s32 $0x3C, s7;
	s23 =	sadd.s32 s4, s22;
	[dreg:$0x1a] =	wrdreg s21  }
0x10: {  	s31 =	sshrl.u32 s25, $0x3;
	s26 =	sadd.s32 s4, s24;
	[dreg:$0x1b] =	wrdreg s23  }
0x11: {  	s11 =	sadd.s32 s31, s5;
	[dreg:$0x1d] =	wrdreg s26  }
0x12: {  	s14 =	sadd.s32 s31, s4;
	[dreg:$0x3] =	wrdreg s11  }
0x13: {  	s25 =	sadd.s32 $0x550, s8;
	s9 =	sadd.s32 s5, s16;
	[dreg:$0x4] =	wrdreg s14  }
0x14: {  	s31 =	sshrl.u32 s25, $0x3;
	s10 =	sadd.s32 s5, s22;
	[dreg:$0x16] =	wrdreg s9  }
0x15: {  	s11 =	sadd.s32 s31, s5;
	[dreg:$0x1c] =	wrdreg s10  }
0x16: {  	s13 =	sadd.s32 $0x640, s8;
	s14 =	sadd.s32 s31, s4;
	[dreg:$0xb] =	wrdreg s11  }
0x17: {  	s31 =	sadd.s32 $0x5A, s7;
	s9 =	sadd.s32 s5, s24;
	[dreg:$0xc] =	wrdreg s14  }
0x18: {  	s15 =	sshrl.u32 s13, $0x3;
	s11 =	sadd.s32 s4, s31;
	[dreg:$0x1e] =	wrdreg s9  }
0x19: {  	s17 =	sadd.s32 $0x5F0, s8;
	s16 =	sadd.s32 s15, s5;
	[smem:$0x7DF] =	sst s11  }
0x1a: {  	s19 =	sshrl.u32 s17, $0x3;
	s18 =	sadd.s32 s15, s4;
	[dreg:$0x5] =	wrdreg s16  }
0x1b: {  	s21 =	sadd.s32 $0x5A0, s8;
	s20 =	sadd.s32 s19, s5;
	[dreg:$0x6] =	wrdreg s18  }
0x1c: {  	s23 =	sshrl.u32 s21, $0x3;
	s22 =	sadd.s32 s19, s4;
	[dreg:$0x7] =	wrdreg s20  }
0x1d: {  	s25 =	sadd.s32 $0x50, s7;
	s24 =	sadd.s32 s23, s5;
	[dreg:$0x8] =	wrdreg s22  }
0x1e: {  	s13 =	sadd.s32 $0x500, s8;
	s26 =	sadd.s32 s23, s4;
	[dreg:$0x9] =	wrdreg s24  }
0x1f: {  	s15 =	sshrl.u32 s13, $0x3;
	s9 =	sadd.s32 s5, s25;
	[dreg:$0xa] =	wrdreg s26  }
0x20: {  	s17 =	sadd.s32 $0x4B0, s8;
	s16 =	sadd.s32 s15, s5;
	[smem:$0x7DE] =	sst s9  }
0x21: {  	s19 =	sshrl.u32 s17, $0x3;
	s18 =	sadd.s32 s15, s4;
	[dreg:$0xd] =	wrdreg s16  }
0x22: {  	s8 =	sadd.s32 $0x460, s8;
	s20 =	sadd.s32 s19, s5;
	[dreg:$0xe] =	wrdreg s18  }
0x23: {  	s8 =	sshrl.u32 s8, $0x3;
	s21 =	sadd.s32 s19, s4;
	[dreg:$0xf] =	wrdreg s20  }
0x24: {  	s23 =	sadd.s32 s8, s5;
	[dreg:$0x10] =	wrdreg s21  }
0x25: {  	s13 =	sadd.s32 $0x64, s7;
	s26 =	sadd.s32 s4, s25;
	[dreg:$0x11] =	wrdreg s23  }
0x26: {  	s14 =	sadd.s32 s4, s13;
	[smem:$0x7DD] =	sst s26  }
0x27: {  	s22 =	sadd.s32 $0x46, s7;
	s9 =	sadd.s32 s5, s13;
	[smem:$0x7E1] =	sst s14  }
0x28: {  	s24 =	sadd.s32 s4, s22;
	[smem:$0x7E2] =	sst s9  }
0x29: {  	s15 =	sadd.s32 $0x6E, s7;
	s10 =	sadd.s32 s5, s22;
	[dreg:$0x1f] =	wrdreg s24  }
0x2a: {  	s17 =	sadd.s32 $0x78, s7;
	s16 =	sadd.s32 s4, s15;
	[smem:$0x7DC] =	sst s10  }
0x2b: {  	s18 =	sadd.s32 s4, s17;
	[smem:$0x7E3] =	sst s16  }
0x2c: {  	s19 =	sadd.s32 $0x82, s7;
	s9 =	sadd.s32 s5, s17;
	[smem:$0x7E5] =	sst s18  }
0x2d: {  	s25 =	sadd.s32 $0x4B0, s7;
	s20 =	sadd.s32 s4, s19;
	[smem:$0x7E6] =	sst s9  }
0x2e: {  	s13 =	sadd.s32 $0x4C4, s7;
	s26 =	sadd.s32 s4, s25;
	[smem:$0x7E7] =	sst s20  }
0x2f: {  	s14 =	sadd.s32 s4, s13;
	[smem:$0x7ED] =	sst s26  }
0x30: {  	s21 =	sadd.s32 $0x49C, s7;
	s10 =	sadd.s32 s5, s31;
	[smem:$0x7F1] =	sst s14  }
0x31: {  	s22 =	sadd.s32 s4, s21;
	[smem:$0x7E0] =	sst s10  }
0x32: {  	s23 =	sadd.s32 $0x4A6, s7;
	s9 =	sadd.s32 s5, s21;
	[smem:$0x7E9] =	sst s22  }
0x33: {  	s24 =	sadd.s32 s4, s23;
	[smem:$0x7EA] =	sst s9  }
0x34: {  	s16 =	sadd.s32 s5, s7;
	[smem:$0x7EB] =	sst s24  }
0x35: {  	s28 =	simm.s32 $0x7;
	s10 =	sadd.s32 s5, s15;
	[smem:$0x7F4] =	sst s16  }
0x36: {  	s31 =	sadd.s32 $0x4BA, s7;
	s9 =	sadd.s32 s5, s25;
	[smem:$0x7E4] =	sst s10  }
0x37: {  	s29 =	simm.s32 $0x8;
	s11 =	sadd.s32 s4, s31;
	[smem:$0x7EE] =	sst s9  }
0x38: {  	s17 =	sadd.s32 $0x4CE, s7;
	s15 =	sadd.s32 s4, s7;
	[smem:$0x7EF] =	sst s11  }
0x39: {  	s18 =	smul.u32 $0x14000, s12;
	s10 =	sadd.s32 s5, s19;
	[smem:$0x7F3] =	sst s15  }
0x3a: {  	s7 =	sadd.s32 $0x4D8, s7;
	s9 =	sadd.s32 s5, s13;
	[smem:$0x7E8] =	sst s10  }
0x3b: {  	s22 =	smul.u32 $0x50000, s12;
	s19 =	sadd.s32 s4, s17;
	[smem:$0x7F2] =	sst s9  }
0x3c: {  	s25 =	sshll.u32 s12, $0x6;
	s20 =	sadd.s32 s4, s7;
	[smem:$0x7F5] =	sst s19  }
0x3d: {  	s4 =	sadd.s32 s8, s4;
	s21 =	sadd.s32 s18, s6;
	[smem:$0x7F8] =	sst s20  }
0x3e: {  	s30 =	sor.u32 $0x1C0E, s25;
	s10 =	sadd.s32 s5, s23;
	[dreg:$0x12] =	wrdreg s4  }
0x3f: {  	s9 =	sadd.s32 s5, s17;
	s23 =	sshrl.u32 s18, $0x3;
	[smem:$0x7FD] =	sst s30  }
0x40: {  	s6 =	sshrl.u32 s22, $0x2;
	s17 =	sadd.s32 $0x3E800, s0;
	[smem:$0x7EC] =	sst s10  }
0x41: {  	s10 =	sadd.s32 s5, s31;
	[smem:$0x7F6] =	sst s9;
	s5 =	sadd.s32 s5, s7  }
0x42: {  	s4 =	sadd.s32 s23, s0;
	s24 =	sadd.s32 s6, s2;
	[smem:$0x7F0] =	sst s10  }
0x43: {  	s31 =	smax.u32 s1, $0x1;
	s1 =	simm.s32 $0xE;
	[smem:$0x7F7] =	sst s5  }
0x44: {  	s7 =	simm.s32 $0x50;
	s5 =	sshrl.u32 s21, $0x3;
	[smem:$0x7F9] =	sst s24  }
0x45: {  	s4 =	sadd.s32 $0x16800, s4;
	[smem:$0x7FC] =	sst s31;
	s5 =	sadd.s32 s5, s0  }
0x46: {  	s21 =	simm.s32 $0xD;
	[smem:$0x7FA] =	sst s4;
	s26 =	sadd.s32 $0x65A00, s5  }
0x47: {  	s4 =	simm.s32 $0x0;
	[smem:$0x7FB] =	sst s26;
	s26 =	simm.s32 $0xC  }
.LBB2_1:
0x48: {  	s0 =	sld [smem:$0x7F9];
	_ =	sdelay $0x1  }
0x49: {  	s11 =	sld [smem:$0x7FA]  }
0x4a: {  	[smem:$0x7DA] =	sst s4;
	s10 =	sshrl.u32 s0, $0x3  }
0x4b: {  	[smem:$0x7DB] =	sst s10  }
0x4c: {  	[spmem:s10], [sflag:s30] =	dma.local [hbm:s11], $0x2800  }
0x4d: {  	_ =	swait.ge [sflag:s1], $0x2800  }
0x4e: {  	[sflag:s1] =	ssyncset.done $0x0  }
0x4f: {  	[sflag:s1] =	ssyncadd.s32 $0xFFFFD800  }
0x50: {  	[bflag:$0x0] =	sbarrier.arrive $0xFFFF  }
0x51: {  	s12 =	sld [smem:$0x7F3];
	_ =	sdelay $0x1  }
0x52: {  	s13 =	sld [smem:$0x7F4]  }
0x53: {  	[tilespmem:s3], [sflag:$0x1] =	stream.linear.gather [hbm4b:s12+s3], $0x50, $0x38;
	[tilespmem:$0x1E800] =	vst v63  }
0x54: {  	s23 =	simm.s32 $0x400  }
0x55: {  	[tilespmem:s23], [sflag:$0x1] =	stream.linear.gather [hbm4b:s13+s3], $0x50, $0x38;
	[tilespmem:$0x1E800] =	vst v63  }
0x56: {  	s15 =	simm.s32 $0x80;
	s14 =	rddreg [dreg:$0x13]  }
0x57: {  	[tilespmem:s15], [sflag:$0x2] =	stream.linear.gather [hbm4b:s14+s3], $0x50, $0x38;
	[tilespmem:$0x1E800] =	vst v63  }
0x58: {  	s18 =	simm.s32 $0x480;
	s16 =	rddreg [dreg:$0x14]  }
0x59: {  	[tilespmem:s18], [sflag:$0x2] =	stream.linear.gather [hbm4b:s16+s3], $0x50, $0x38;
	[tilespmem:$0x1E800] =	vst v63  }
0x5a: {  	s20 =	simm.s32 $0x100;
	s19 =	rddreg [dreg:$0x15]  }
0x5b: {  	[tilespmem:s20], [sflag:$0x3] =	stream.linear.gather [hbm4b:s19+s3], $0x50, $0x38;
	[tilespmem:$0x1E800] =	vst v63  }
0x5c: {  	s24 =	simm.s32 $0x500;
	s22 =	rddreg [dreg:$0x16]  }
0x5d: {  	[tilespmem:s24], [sflag:$0x3] =	stream.linear.gather [hbm4b:s22+s3], $0x50, $0x38;
	[tilespmem:$0x1E800] =	vst v63  }
0x5e: {  	s31 =	simm.s32 $0x180;
	s25 =	rddreg [dreg:$0x17]  }
0x5f: {  	[tilespmem:s31], [sflag:$0x4] =	stream.linear.gather [hbm4b:s25+s3], $0x50, $0x38;
	[tilespmem:$0x1E800] =	vst v63  }
0x60: {  	s9 =	simm.s32 $0x580;
	s6 =	rddreg [dreg:$0x18]  }
0x61: {  	[tilespmem:s9], [sflag:$0x4] =	stream.linear.gather [hbm4b:s6+s3], $0x50, $0x38;
	[tilespmem:$0x1E800] =	vst v63  }
0x62: {  	s11 =	simm.s32 $0x200;
	s10 =	rddreg [dreg:$0x19]  }
0x63: {  	[tilespmem:s11], [sflag:$0x5] =	stream.linear.gather [hbm4b:s10+s3], $0x50, $0x38;
	[tilespmem:$0x1E800] =	vst v63  }
0x64: {  	s12 =	rddreg [dreg:$0x1a];
	s13 =	simm.s32 $0x600  }
0x65: {  	[tilespmem:s13], [sflag:$0x5] =	stream.linear.gather [hbm4b:s12+s3], $0x50, $0x38;
	[tilespmem:$0x1E800] =	vst v63  }
0x66: {  	s14 =	rddreg [dreg:$0x1b];
	s15 =	simm.s32 $0x280  }
0x67: {  	[tilespmem:s15], [sflag:$0x6] =	stream.linear.gather [hbm4b:s14+s3], $0x50, $0x38;
	[tilespmem:$0x1E800] =	vst v63  }
0x68: {  	s16 =	rddreg [dreg:$0x1c];
	s18 =	simm.s32 $0x680;
	s6 =	simm.s32 $0x1  }
0x69: {  	[tilespmem:s18], [sflag:$0x6] =	stream.linear.gather [hbm4b:s16+s3], $0x50, $0x38;
	[tilespmem:$0x1E800] =	vst v63  }
0x6a: {  	_ =	swait.ge [sflag:s6], $0x50  }
0x6b: {  	[sflag:s6] =	ssyncset.done $0x0  }
0x6c: {  	[sflag:s6] =	ssyncadd.s32 $0xFFFFFFB0  }
0x6d: {  	_ =	swait.ge [sflag:s6], $0x50  }
0x6e: {  	[sflag:s6] =	ssyncset.done $0x0  }
0x6f: {  	s9 =	simm.s32 $0x2;
	s13 =	simm.s32 $0x800;
	[sflag:s6] =	ssyncadd.s32 $0xFFFFFFB0  }
0x70: {  	[tilespmem:s13], [sflag:$0x9] =	stream.indirect.gather [hbm4b:s17+s7], $0x80, s3, s7, $0xb8;
	[tilespmem:$0x1E800] =	vst v63  }
0x71: {  	_ =	swait.ge [sflag:s9], $0x50  }
0x72: {  	[sflag:s9] =	ssyncset.done $0x0  }
0x73: {  	[sflag:s9] =	ssyncadd.s32 $0xFFFFFFB0  }
0x74: {  	_ =	swait.ge [sflag:s9], $0x50  }
0x75: {  	s4 =	simm.s32 $0x80;
	[sflag:s9] =	ssyncset.done $0x0  }
0x76: {  	s11 =	simm.s32 $0x3;
	s14 =	simm.s32 $0x3000;
	[sflag:s9] =	ssyncadd.s32 $0xFFFFFFB0  }
0x77: {  	[tilespmem:s14], [sflag:$0xA] =	stream.indirect.gather [hbm4b:s17+s7], $0x80, s4, s7, $0xb8;
	[tilespmem:$0x1E800] =	vst v63  }
0x78: {  	_ =	swait.ge [sflag:s11], $0x50  }
0x79: {  	[sflag:s11] =	ssyncset.done $0x0  }
0x7a: {  	[sflag:s11] =	ssyncadd.s32 $0xFFFFFFB0  }
0x7b: {  	_ =	swait.ge [sflag:s11], $0x50  }
0x7c: {  	s5 =	simm.s32 $0x100;
	[sflag:s11] =	ssyncset.done $0x0  }
0x7d: {  	s1 =	simm.s32 $0x9;
	s18 =	simm.s32 $0x5800;
	[sflag:s11] =	ssyncadd.s32 $0xFFFFFFB0  }
0x7e: {  	[tilespmem:s18], [sflag:$0xB] =	stream.indirect.gather [hbm4b:s17+s7], $0x80, s5, s7, $0xb8;
	[tilespmem:$0x1E800] =	vst v63  }
0x7f: {  	_ =	swait.ge [sflag:s1], $0x2800  }
0x80: {  	[sflag:s1] =	ssyncset.done $0x0  }
0x81: {  	[sflag:s1] =	ssyncadd.s32 $0xFFFFD800  }
0x82: {  	[spmem:s2] =	stream.indirect.scatter.add.f32 [tilespmem:s13], [sflag:$0xD], $0x80, s23, s7, $0xb8;
	[tilespmem:$0x1E800] =	vst v63  }
0x83: {  	s24 =	simm.s32 $0x300;
	s20 =	rddreg [dreg:$0x1d]  }
0x84: {  	[tilespmem:s24], [sflag:$0x7] =	stream.linear.gather [hbm4b:s20+s3], $0x50, $0x38;
	[tilespmem:$0x1E800] =	vst v63  }
0x85: {  	s10 =	simm.s32 $0x700;
	s16 =	simm.s32 $0x4;
	s5 =	rddreg [dreg:$0x1e]  }
0x86: {  	[tilespmem:s10], [sflag:$0x7] =	stream.linear.gather [hbm4b:s5+s3], $0x50, $0x38;
	[tilespmem:$0x1E800] =	vst v63  }
0x87: {  	_ =	swait.ge [sflag:s16], $0x50  }
0x88: {  	[sflag:s16] =	ssyncset.done $0x0  }
0x89: {  	[sflag:s16] =	ssyncadd.s32 $0xFFFFFFB0  }
0x8a: {  	_ =	swait.ge [sflag:s16], $0x50  }
0x8b: {  	[sflag:s16] =	ssyncset.done $0x0  }
0x8c: {  	s19 =	simm.s32 $0x180;
	s20 =	simm.s32 $0x8000;
	[sflag:s16] =	ssyncadd.s32 $0xFFFFFFB0  }
0x8d: {  	[tilespmem:s20], [sflag:$0xC] =	stream.indirect.gather [hbm4b:s17+s7], $0x80, s19, s7, $0xb8;
	[tilespmem:$0x1E800] =	vst v63  }
0x8e: {  	s19 =	simm.s32 $0xA  }
0x8f: {  	_ =	swait.ge [sflag:s19], $0x2800  }
0x90: {  	[sflag:s19] =	ssyncset.done $0x0  }
0x91: {  	[sflag:s19] =	ssyncadd.s32 $0xFFFFD800  }
0x92: {  	_ =	swait.ge [sflag:s21], $0x2800  }
0x93: {  	[sflag:s21] =	ssyncset.done $0x0  }
0x94: {  	s8 =	simm.s32 $0x480;
	s12 =	rddreg [dreg:$0x1f];
	[sflag:s21] =	ssyncadd.s32 $0xFFFFD800  }
0x95: {  	[spmem:s2] =	stream.indirect.scatter.add.f32 [tilespmem:s14], [sflag:$0xD], $0x80, s8, s7, $0xb8;
	[tilespmem:$0x1E800] =	vst v63  }
0x96: {  	s24 =	simm.s32 $0x380;
	s4 =	sld [smem:$0x7DC]  }
0x97: {  	[tilespmem:s24], [sflag:$0x8] =	stream.linear.gather [hbm4b:s12+s3], $0x50, $0x38;
	[tilespmem:$0x1E800] =	vst v63  }
0x98: {  	s8 =	simm.s32 $0x780;
	s24 =	simm.s32 $0x5  }
0x99: {  	[tilespmem:s8], [sflag:$0x8] =	stream.linear.gather [hbm4b:s4+s3], $0x50, $0x38;
	[tilespmem:$0x1E800] =	vst v63  }
0x9a: {  	_ =	swait.ge [sflag:s24], $0x50  }
0x9b: {  	[sflag:s24] =	ssyncset.done $0x0  }
0x9c: {  	[sflag:s24] =	ssyncadd.s32 $0xFFFFFFB0  }
0x9d: {  	_ =	swait.ge [sflag:s24], $0x50  }
0x9e: {  	[sflag:s24] =	ssyncset.done $0x0  }
0x9f: {  	s25 =	simm.s32 $0x200;
	s4 =	simm.s32 $0xB;
	[sflag:s24] =	ssyncadd.s32 $0xFFFFFFB0  }
0xa0: {  	[tilespmem:s13], [sflag:$0x9] =	stream.indirect.gather [hbm4b:s17+s7], $0x80, s25, s7, $0xb8;
	[tilespmem:$0x1E800] =	vst v63  }
0xa1: {  	_ =	swait.ge [sflag:s4], $0x2800  }
0xa2: {  	[sflag:s4] =	ssyncset.done $0x0  }
0xa3: {  	[sflag:s4] =	ssyncadd.s32 $0xFFFFD800  }
0xa4: {  	_ =	swait.ge [sflag:s21], $0x2800  }
0xa5: {  	[sflag:s21] =	ssyncset.done $0x0  }
0xa6: {  	s8 =	simm.s32 $0x500;
	s12 =	sld [smem:$0x7DD];
	[sflag:s21] =	ssyncadd.s32 $0xFFFFD800  }
0xa7: {  	[spmem:s2] =	stream.indirect.scatter.add.f32 [tilespmem:s18], [sflag:$0xD], $0x80, s8, s7, $0xb8;
	[tilespmem:$0x1E800] =	vst v63  }
0xa8: {  	s25 =	sld [smem:$0x7DE]  }
0xa9: {  	[tilespmem:s3], [sflag:$0x1] =	stream.linear.gather [hbm4b:s12+s3], $0x50, $0x38;
	[tilespmem:$0x1E800] =	vst v63  }
0xaa: {  	_ = 	snop  }
0xab: {  	[tilespmem:s23], [sflag:$0x1] =	stream.linear.gather [hbm4b:s25+s3], $0x50, $0x38;
	[tilespmem:$0x1E800] =	vst v63  }
0xac: {  	s25 =	simm.s32 $0x6  }
0xad: {  	_ =	swait.ge [sflag:s25], $0x50  }
0xae: {  	[sflag:s25] =	ssyncset.done $0x0  }
0xaf: {  	[sflag:s25] =	ssyncadd.s32 $0xFFFFFFB0  }
0xb0: {  	_ =	swait.ge [sflag:s25], $0x50  }
0xb1: {  	[sflag:s25] =	ssyncset.done $0x0  }
0xb2: {  	s31 =	simm.s32 $0x280;
	[sflag:s25] =	ssyncadd.s32 $0xFFFFFFB0  }
0xb3: {  	[tilespmem:s14], [sflag:$0xA] =	stream.indirect.gather [hbm4b:s17+s7], $0x80, s31, s7, $0xb8;
	[tilespmem:$0x1E800] =	vst v63  }
0xb4: {  	_ =	swait.ge [sflag:s26], $0x2800  }
0xb5: {  	[sflag:s26] =	ssyncset.done $0x0  }
0xb6: {  	[sflag:s26] =	ssyncadd.s32 $0xFFFFD800  }
0xb7: {  	_ =	swait.ge [sflag:s21], $0x2800  }
0xb8: {  	[sflag:s21] =	ssyncset.done $0x0  }
0xb9: {  	s22 =	simm.s32 $0x580;
	s12 =	sld [smem:$0x7DF];
	[sflag:s21] =	ssyncadd.s32 $0xFFFFD800  }
0xba: {  	[spmem:s2] =	stream.indirect.scatter.add.f32 [tilespmem:s20], [sflag:$0xD], $0x80, s22, s7, $0xb8;
	[tilespmem:$0x1E800] =	vst v63  }
0xbb: {  	s30 =	simm.s32 $0x80  }
0xbc: {  	[tilespmem:s30], [sflag:$0x2] =	stream.linear.gather [hbm4b:s12+s3], $0x50, $0x38;
	[tilespmem:$0x1E800] =	vst v63  }
0xbd: {  	s12 =	sld [smem:$0x7E0];
	_ =	sdelay $0x1  }
0xbe: {  	s10 =	simm.s32 $0x480  }
0xbf: {  	[tilespmem:s10], [sflag:$0x2] =	stream.linear.gather [hbm4b:s12+s3], $0x50, $0x38;
	[tilespmem:$0x1E800] =	vst v63  }
0xc0: {  	_ =	swait.ge [sflag:s28], $0x50  }
0xc1: {  	[sflag:s28] =	ssyncset.done $0x0  }
0xc2: {  	[sflag:s28] =	ssyncadd.s32 $0xFFFFFFB0  }
0xc3: {  	_ =	swait.ge [sflag:s28], $0x50  }
0xc4: {  	[sflag:s28] =	ssyncset.done $0x0  }
0xc5: {  	s15 =	simm.s32 $0x300;
	[sflag:s28] =	ssyncadd.s32 $0xFFFFFFB0  }
0xc6: {  	[tilespmem:s18], [sflag:$0xB] =	stream.indirect.gather [hbm4b:s17+s7], $0x80, s15, s7, $0xb8;
	[tilespmem:$0x1E800] =	vst v63  }
0xc7: {  	_ =	swait.ge [sflag:s1], $0x2800  }
0xc8: {  	[sflag:s1] =	ssyncset.done $0x0  }
0xc9: {  	[sflag:s1] =	ssyncadd.s32 $0xFFFFD800  }
0xca: {  	_ =	swait.ge [sflag:s21], $0x2800  }
0xcb: {  	[sflag:s21] =	ssyncset.done $0x0  }
0xcc: {  	s10 =	simm.s32 $0x600;
	s15 =	sld [smem:$0x7E1];
	[sflag:s21] =	ssyncadd.s32 $0xFFFFD800  }
0xcd: {  	[spmem:s2] =	stream.indirect.scatter.add.f32 [tilespmem:s13], [sflag:$0xD], $0x80, s10, s7, $0xb8;
	[tilespmem:$0x1E800] =	vst v63  }
0xce: {  	s12 =	simm.s32 $0x100  }
0xcf: {  	[tilespmem:s12], [sflag:$0x3] =	stream.linear.gather [hbm4b:s15+s3], $0x50, $0x38;
	[tilespmem:$0x1E800] =	vst v63  }
0xd0: {  	s15 =	sld [smem:$0x7E2];
	_ =	sdelay $0x2  }
0xd1: {  	[tilespmem:s8], [sflag:$0x3] =	stream.linear.gather [hbm4b:s15+s3], $0x50, $0x38;
	[tilespmem:$0x1E800] =	vst v63  }
0xd2: {  	_ =	swait.ge [sflag:s29], $0x50  }
0xd3: {  	[sflag:s29] =	ssyncset.done $0x0  }
0xd4: {  	[sflag:s29] =	ssyncadd.s32 $0xFFFFFFB0  }
0xd5: {  	_ =	swait.ge [sflag:s29], $0x50  }
0xd6: {  	[sflag:s29] =	ssyncset.done $0x0  }
0xd7: {  	s5 =	simm.s32 $0x380;
	[sflag:s29] =	ssyncadd.s32 $0xFFFFFFB0  }
0xd8: {  	[tilespmem:s20], [sflag:$0xC] =	stream.indirect.gather [hbm4b:s17+s7], $0x80, s5, s7, $0xb8;
	[tilespmem:$0x1E800] =	vst v63  }
0xd9: {  	_ =	swait.ge [sflag:s19], $0x2800  }
0xda: {  	[sflag:s19] =	ssyncset.done $0x0  }
0xdb: {  	[sflag:s19] =	ssyncadd.s32 $0xFFFFD800  }
0xdc: {  	_ =	swait.ge [sflag:s21], $0x2800  }
0xdd: {  	[sflag:s21] =	ssyncset.done $0x0  }
0xde: {  	s5 =	simm.s32 $0x680;
	s8 =	sld [smem:$0x7E3];
	[sflag:s21] =	ssyncadd.s32 $0xFFFFD800  }
0xdf: {  	[spmem:s2] =	stream.indirect.scatter.add.f32 [tilespmem:s14], [sflag:$0xD], $0x80, s5, s7, $0xb8;
	[tilespmem:$0x1E800] =	vst v63  }
0xe0: {  	s15 =	simm.s32 $0x180  }
0xe1: {  	[tilespmem:s15], [sflag:$0x4] =	stream.linear.gather [hbm4b:s8+s3], $0x50, $0x38;
	[tilespmem:$0x1E800] =	vst v63  }
0xe2: {  	s8 =	sld [smem:$0x7E4];
	_ =	sdelay $0x2  }
0xe3: {  	[tilespmem:s22], [sflag:$0x4] =	stream.linear.gather [hbm4b:s8+s3], $0x50, $0x38;
	[tilespmem:$0x1E800] =	vst v63  }
0xe4: {  	_ =	swait.ge [sflag:s6], $0x50  }
0xe5: {  	[sflag:s6] =	ssyncset.done $0x0  }
0xe6: {  	[sflag:s6] =	ssyncadd.s32 $0xFFFFFFB0  }
0xe7: {  	_ =	swait.ge [sflag:s6], $0x50  }
0xe8: {  	[sflag:s6] =	ssyncset.done $0x0  }
0xe9: {  	[sflag:s6] =	ssyncadd.s32 $0xFFFFFFB0  }
0xea: {  	[tilespmem:s13], [sflag:$0x9] =	stream.indirect.gather [hbm4b:s17+s7], $0x80, s3, s7, $0xb8;
	[tilespmem:$0x1E800] =	vst v63  }
0xeb: {  	_ =	swait.ge [sflag:s4], $0x2800  }
0xec: {  	[sflag:s4] =	ssyncset.done $0x0  }
0xed: {  	[sflag:s4] =	ssyncadd.s32 $0xFFFFD800  }
0xee: {  	_ =	swait.ge [sflag:s21], $0x2800  }
0xef: {  	[sflag:s21] =	ssyncset.done $0x0  }
0xf0: {  	s8 =	simm.s32 $0x700;
	s0 =	sld [smem:$0x7E5];
	[sflag:s21] =	ssyncadd.s32 $0xFFFFD800  }
0xf1: {  	[spmem:s2] =	stream.indirect.scatter.add.f32 [tilespmem:s18], [sflag:$0xD], $0x80, s8, s7, $0xb8;
	[tilespmem:$0x1E800] =	vst v63  }
0xf2: {  	s22 =	simm.s32 $0x200  }
0xf3: {  	[tilespmem:s22], [sflag:$0x5] =	stream.linear.gather [hbm4b:s0+s3], $0x50, $0x38;
	[tilespmem:$0x1E800] =	vst v63  }
0xf4: {  	s22 =	sld [smem:$0x7E6];
	_ =	sdelay $0x2  }
0xf5: {  	[tilespmem:s10], [sflag:$0x5] =	stream.linear.gather [hbm4b:s22+s3], $0x50, $0x38;
	[tilespmem:$0x1E800] =	vst v63  }
0xf6: {  	_ =	swait.ge [sflag:s9], $0x50  }
0xf7: {  	[sflag:s9] =	ssyncset.done $0x0  }
0xf8: {  	[sflag:s9] =	ssyncadd.s32 $0xFFFFFFB0  }
0xf9: {  	_ =	swait.ge [sflag:s9], $0x50  }
0xfa: {  	[sflag:s9] =	ssyncset.done $0x0  }
0xfb: {  	[sflag:s9] =	ssyncadd.s32 $0xFFFFFFB0  }
0xfc: {  	[tilespmem:s14], [sflag:$0xA] =	stream.indirect.gather [hbm4b:s17+s7], $0x80, s30, s7, $0xb8;
	[tilespmem:$0x1E800] =	vst v63  }
0xfd: {  	_ =	swait.ge [sflag:s26], $0x2800  }
0xfe: {  	[sflag:s26] =	ssyncset.done $0x0  }
0xff: {  	[sflag:s26] =	ssyncadd.s32 $0xFFFFD800  }
0x100: {  	_ =	swait.ge [sflag:s21], $0x2800  }
0x101: {  	[sflag:s21] =	ssyncset.done $0x0  }
0x102: {  	s22 =	simm.s32 $0x780;
	s10 =	sld [smem:$0x7E7];
	[sflag:s21] =	ssyncadd.s32 $0xFFFFD800  }
0x103: {  	[spmem:s2] =	stream.indirect.scatter.add.f32 [tilespmem:s20], [sflag:$0xD], $0x80, s22, s7, $0xb8;
	[tilespmem:$0x1E800] =	vst v63  }
0x104: {  	s31 =	simm.s32 $0x280  }
0x105: {  	[tilespmem:s31], [sflag:$0x6] =	stream.linear.gather [hbm4b:s10+s3], $0x50, $0x38;
	[tilespmem:$0x1E800] =	vst v63  }
0x106: {  	s31 =	sld [smem:$0x7E8];
	_ =	sdelay $0x2  }
0x107: {  	[tilespmem:s5], [sflag:$0x6] =	stream.linear.gather [hbm4b:s31+s3], $0x50, $0x38;
	[tilespmem:$0x1E800] =	vst v63  }
0x108: {  	_ =	swait.ge [sflag:s11], $0x50  }
0x109: {  	[sflag:s11] =	ssyncset.done $0x0  }
0x10a: {  	[sflag:s11] =	ssyncadd.s32 $0xFFFFFFB0  }
0x10b: {  	_ =	swait.ge [sflag:s11], $0x50  }
0x10c: {  	[sflag:s11] =	ssyncset.done $0x0  }
0x10d: {  	[sflag:s11] =	ssyncadd.s32 $0xFFFFFFB0  }
0x10e: {  	[tilespmem:s18], [sflag:$0xB] =	stream.indirect.gather [hbm4b:s17+s7], $0x80, s12, s7, $0xb8;
	[tilespmem:$0x1E800] =	vst v63  }
0x10f: {  	_ =	swait.ge [sflag:s1], $0x2800  }
0x110: {  	[sflag:s1] =	ssyncset.done $0x0  }
0x111: {  	[sflag:s1] =	ssyncadd.s32 $0xFFFFD800  }
0x112: {  	_ =	swait.ge [sflag:s21], $0x2800  }
0x113: {  	[sflag:s21] =	ssyncset.done $0x0  }
0x114: {  	s30 =	rddreg [dreg:$0x12];
	[sflag:s21] =	ssyncadd.s32 $0xFFFFD800  }
0x115: {  	[spmem:s2] =	stream.indirect.scatter.add.f32 [tilespmem:s13], [sflag:$0xD], $0x80, s23, s7, $0xb8;
	[tilespmem:$0x1E800] =	vst v63  }
0x116: {  	s12 =	simm.s32 $0x300;
	s5 =	rddreg [dreg:$0x11];
	s30 =	sadd.s32 $0x0, s30  }
0x117: {  	[tilespmem:s12], [sflag:$0x7] =	stream.linear.gather [hbm4b:s30+s3], $0x50, $0x38;
	[tilespmem:$0x1E800] =	vst v63  }
0x118: {  	s30 =	sadd.s32 $0x0, s5  }
0x119: {  	[tilespmem:s8], [sflag:$0x7] =	stream.linear.gather [hbm4b:s30+s3], $0x50, $0x38;
	[tilespmem:$0x1E800] =	vst v63  }
0x11a: {  	_ =	swait.ge [sflag:s16], $0x50  }
0x11b: {  	[sflag:s16] =	ssyncset.done $0x0  }
0x11c: {  	[sflag:s16] =	ssyncadd.s32 $0xFFFFFFB0  }
0x11d: {  	_ =	swait.ge [sflag:s16], $0x50  }
0x11e: {  	[sflag:s16] =	ssyncset.done $0x0  }
0x11f: {  	s15 =	simm.s32 $0x180;
	[sflag:s16] =	ssyncadd.s32 $0xFFFFFFB0  }
0x120: {  	[tilespmem:s20], [sflag:$0xC] =	stream.indirect.gather [hbm4b:s17+s7], $0x80, s15, s7, $0xb8;
	[tilespmem:$0x1E800] =	vst v63  }
0x121: {  	_ =	swait.ge [sflag:s19], $0x2800  }
0x122: {  	[sflag:s19] =	ssyncset.done $0x0  }
0x123: {  	[sflag:s19] =	ssyncadd.s32 $0xFFFFD800  }
0x124: {  	_ =	swait.ge [sflag:s21], $0x2800  }
0x125: {  	[sflag:s21] =	ssyncset.done $0x0  }
0x126: {  	s12 =	simm.s32 $0x480;
	s30 =	rddreg [dreg:$0x10];
	[sflag:s21] =	ssyncadd.s32 $0xFFFFD800  }
0x127: {  	[spmem:s2] =	stream.indirect.scatter.add.f32 [tilespmem:s14], [sflag:$0xD], $0x80, s12, s7, $0xb8;
	[tilespmem:$0x1E800] =	vst v63  }
0x128: {  	s0 =	simm.s32 $0x380;
	s16 =	rddreg [dreg:$0xf];
	s30 =	sadd.s32 $0x0, s30  }
0x129: {  	[tilespmem:s0], [sflag:$0x8] =	stream.linear.gather [hbm4b:s30+s3], $0x50, $0x38;
	[tilespmem:$0x1E800] =	vst v63  }
0x12a: {  	s30 =	sadd.s32 $0x0, s16  }
0x12b: {  	[tilespmem:s22], [sflag:$0x8] =	stream.linear.gather [hbm4b:s30+s3], $0x50, $0x38;
	[tilespmem:$0x1E800] =	vst v63  }
0x12c: {  	_ =	swait.ge [sflag:s24], $0x50  }
0x12d: {  	[sflag:s24] =	ssyncset.done $0x0  }
0x12e: {  	[sflag:s24] =	ssyncadd.s32 $0xFFFFFFB0  }
0x12f: {  	_ =	swait.ge [sflag:s24], $0x50  }
0x130: {  	[sflag:s24] =	ssyncset.done $0x0  }
0x131: {  	s5 =	simm.s32 $0x200;
	[sflag:s24] =	ssyncadd.s32 $0xFFFFFFB0  }
0x132: {  	[tilespmem:s13], [sflag:$0x9] =	stream.indirect.gather [hbm4b:s17+s7], $0x80, s5, s7, $0xb8;
	[tilespmem:$0x1E800] =	vst v63  }
0x133: {  	_ =	swait.ge [sflag:s4], $0x2800  }
0x134: {  	[sflag:s4] =	ssyncset.done $0x0  }
0x135: {  	[sflag:s4] =	ssyncadd.s32 $0xFFFFD800  }
0x136: {  	_ =	swait.ge [sflag:s21], $0x2800  }
0x137: {  	[sflag:s21] =	ssyncset.done $0x0  }
0x138: {  	s15 =	simm.s32 $0x500;
	s30 =	rddreg [dreg:$0xe];
	[sflag:s21] =	ssyncadd.s32 $0xFFFFD800  }
0x139: {  	[spmem:s2] =	stream.indirect.scatter.add.f32 [tilespmem:s18], [sflag:$0xD], $0x80, s15, s7, $0xb8;
	[tilespmem:$0x1E800] =	vst v63  }
0x13a: {  	s24 =	rddreg [dreg:$0xd];
	s30 =	sadd.s32 $0x0, s30  }
0x13b: {  	[tilespmem:s3], [sflag:$0x1] =	stream.linear.gather [hbm4b:s30+s3], $0x50, $0x38;
	[tilespmem:$0x1E800] =	vst v63  }
0x13c: {  	s30 =	sadd.s32 $0x0, s24  }
0x13d: {  	[tilespmem:s23], [sflag:$0x1] =	stream.linear.gather [hbm4b:s30+s3], $0x50, $0x38;
	[tilespmem:$0x1E800] =	vst v63  }
0x13e: {  	_ =	swait.ge [sflag:s25], $0x50  }
0x13f: {  	[sflag:s25] =	ssyncset.done $0x0  }
0x140: {  	[sflag:s25] =	ssyncadd.s32 $0xFFFFFFB0  }
0x141: {  	_ =	swait.ge [sflag:s25], $0x50  }
0x142: {  	[sflag:s25] =	ssyncset.done $0x0  }
0x143: {  	s24 =	simm.s32 $0x280;
	[sflag:s25] =	ssyncadd.s32 $0xFFFFFFB0  }
0x144: {  	[tilespmem:s14], [sflag:$0xA] =	stream.indirect.gather [hbm4b:s17+s7], $0x80, s24, s7, $0xb8;
	[tilespmem:$0x1E800] =	vst v63  }
0x145: {  	_ =	swait.ge [sflag:s26], $0x2800  }
0x146: {  	[sflag:s26] =	ssyncset.done $0x0  }
0x147: {  	[sflag:s26] =	ssyncadd.s32 $0xFFFFD800  }
0x148: {  	_ =	swait.ge [sflag:s21], $0x2800  }
0x149: {  	[sflag:s21] =	ssyncset.done $0x0  }
0x14a: {  	s16 =	simm.s32 $0x580;
	s30 =	rddreg [dreg:$0xc];
	[sflag:s21] =	ssyncadd.s32 $0xFFFFD800  }
0x14b: {  	[spmem:s2] =	stream.indirect.scatter.add.f32 [tilespmem:s20], [sflag:$0xD], $0x80, s16, s7, $0xb8;
	[tilespmem:$0x1E800] =	vst v63  }
0x14c: {  	s8 =	simm.s32 $0x80;
	s25 =	rddreg [dreg:$0xb];
	s30 =	sadd.s32 $0x0, s30  }
0x14d: {  	[tilespmem:s8], [sflag:$0x2] =	stream.linear.gather [hbm4b:s30+s3], $0x50, $0x38;
	[tilespmem:$0x1E800] =	vst v63  }
0x14e: {  	s30 =	sadd.s32 $0x0, s25  }
0x14f: {  	[tilespmem:s12], [sflag:$0x2] =	stream.linear.gather [hbm4b:s30+s3], $0x50, $0x38;
	[tilespmem:$0x1E800] =	vst v63  }
0x150: {  	_ =	swait.ge [sflag:s28], $0x50  }
0x151: {  	[sflag:s28] =	ssyncset.done $0x0  }
0x152: {  	[sflag:s28] =	ssyncadd.s32 $0xFFFFFFB0  }
0x153: {  	_ =	swait.ge [sflag:s28], $0x50  }
0x154: {  	[sflag:s28] =	ssyncset.done $0x0  }
0x155: {  	s31 =	simm.s32 $0x300;
	[sflag:s28] =	ssyncadd.s32 $0xFFFFFFB0  }
0x156: {  	[tilespmem:s18], [sflag:$0xB] =	stream.indirect.gather [hbm4b:s17+s7], $0x80, s31, s7, $0xb8;
	[tilespmem:$0x1E800] =	vst v63  }
0x157: {  	_ =	swait.ge [sflag:s1], $0x2800  }
0x158: {  	[sflag:s1] =	ssyncset.done $0x0  }
0x159: {  	[sflag:s1] =	ssyncadd.s32 $0xFFFFD800  }
0x15a: {  	_ =	swait.ge [sflag:s21], $0x2800  }
0x15b: {  	[sflag:s21] =	ssyncset.done $0x0  }
0x15c: {  	s25 =	simm.s32 $0x600;
	s30 =	rddreg [dreg:$0xa];
	[sflag:s21] =	ssyncadd.s32 $0xFFFFD800  }
0x15d: {  	[spmem:s2] =	stream.indirect.scatter.add.f32 [tilespmem:s13], [sflag:$0xD], $0x80, s25, s7, $0xb8;
	[tilespmem:$0x1E800] =	vst v63  }
0x15e: {  	s10 =	simm.s32 $0x100;
	s23 =	rddreg [dreg:$0x9];
	s30 =	sadd.s32 $0x0, s30  }
0x15f: {  	[tilespmem:s10], [sflag:$0x3] =	stream.linear.gather [hbm4b:s30+s3], $0x50, $0x38;
	[tilespmem:$0x1E800] =	vst v63  }
0x160: {  	s30 =	sadd.s32 $0x0, s23  }
0x161: {  	[tilespmem:s15], [sflag:$0x3] =	stream.linear.gather [hbm4b:s30+s3], $0x50, $0x38;
	[tilespmem:$0x1E800] =	vst v63  }
0x162: {  	_ =	swait.ge [sflag:s29], $0x50  }
0x163: {  	[sflag:s29] =	ssyncset.done $0x0  }
0x164: {  	[sflag:s29] =	ssyncadd.s32 $0xFFFFFFB0  }
0x165: {  	_ =	swait.ge [sflag:s29], $0x50  }
0x166: {  	[sflag:s29] =	ssyncset.done $0x0  }
0x167: {  	[sflag:s29] =	ssyncadd.s32 $0xFFFFFFB0  }
0x168: {  	[tilespmem:s20], [sflag:$0xC] =	stream.indirect.gather [hbm4b:s17+s7], $0x80, s0, s7, $0xb8;
	[tilespmem:$0x1E800] =	vst v63  }
0x169: {  	_ =	swait.ge [sflag:s19], $0x2800  }
0x16a: {  	[sflag:s19] =	ssyncset.done $0x0  }
0x16b: {  	[sflag:s19] =	ssyncadd.s32 $0xFFFFD800  }
0x16c: {  	_ =	swait.ge [sflag:s21], $0x2800  }
0x16d: {  	[sflag:s21] =	ssyncset.done $0x0  }
0x16e: {  	s12 =	simm.s32 $0x680;
	s30 =	rddreg [dreg:$0x8];
	[sflag:s21] =	ssyncadd.s32 $0xFFFFD800  }
0x16f: {  	[spmem:s2] =	stream.indirect.scatter.add.f32 [tilespmem:s14], [sflag:$0xD], $0x80, s12, s7, $0xb8;
	[tilespmem:$0x1E800] =	vst v63  }
0x170: {  	s15 =	simm.s32 $0x180;
	s0 =	rddreg [dreg:$0x7];
	s30 =	sadd.s32 $0x0, s30  }
0x171: {  	[tilespmem:s15], [sflag:$0x4] =	stream.linear.gather [hbm4b:s30+s3], $0x50, $0x38;
	[tilespmem:$0x1E800] =	vst v63  }
0x172: {  	s30 =	sadd.s32 $0x0, s0  }
0x173: {  	[tilespmem:s16], [sflag:$0x4] =	stream.linear.gather [hbm4b:s30+s3], $0x50, $0x38;
	[tilespmem:$0x1E800] =	vst v63  }
0x174: {  	_ =	swait.ge [sflag:s6], $0x50  }
0x175: {  	[sflag:s6] =	ssyncset.done $0x0  }
0x176: {  	[sflag:s6] =	ssyncadd.s32 $0xFFFFFFB0  }
0x177: {  	_ =	swait.ge [sflag:s6], $0x50  }
0x178: {  	[sflag:s6] =	ssyncset.done $0x0  }
0x179: {  	[sflag:s6] =	ssyncadd.s32 $0xFFFFFFB0  }
0x17a: {  	[tilespmem:s13], [sflag:$0x9] =	stream.indirect.gather [hbm4b:s17+s7], $0x80, s3, s7, $0xb8;
	[tilespmem:$0x1E800] =	vst v63  }
0x17b: {  	_ =	swait.ge [sflag:s4], $0x2800  }
0x17c: {  	[sflag:s4] =	ssyncset.done $0x0  }
0x17d: {  	[sflag:s4] =	ssyncadd.s32 $0xFFFFD800  }
0x17e: {  	_ =	swait.ge [sflag:s21], $0x2800  }
0x17f: {  	[sflag:s21] =	ssyncset.done $0x0  }
0x180: {  	s23 =	simm.s32 $0x700;
	s30 =	rddreg [dreg:$0x6];
	[sflag:s21] =	ssyncadd.s32 $0xFFFFD800  }
0x181: {  	[spmem:s2] =	stream.indirect.scatter.add.f32 [tilespmem:s18], [sflag:$0xD], $0x80, s23, s7, $0xb8;
	[tilespmem:$0x1E800] =	vst v63  }
0x182: {  	s19 =	rddreg [dreg:$0x5];
	s30 =	sadd.s32 $0x0, s30  }
0x183: {  	[tilespmem:s5], [sflag:$0x5] =	stream.linear.gather [hbm4b:s30+s3], $0x50, $0x38;
	[tilespmem:$0x1E800] =	vst v63  }
0x184: {  	s30 =	sadd.s32 $0x0, s19  }
0x185: {  	[tilespmem:s25], [sflag:$0x5] =	stream.linear.gather [hbm4b:s30+s3], $0x50, $0x38;
	[tilespmem:$0x1E800] =	vst v63  }
0x186: {  	_ =	swait.ge [sflag:s9], $0x50  }
0x187: {  	[sflag:s9] =	ssyncset.done $0x0  }
0x188: {  	[sflag:s9] =	ssyncadd.s32 $0xFFFFFFB0  }
0x189: {  	_ =	swait.ge [sflag:s9], $0x50  }
0x18a: {  	[sflag:s9] =	ssyncset.done $0x0  }
0x18b: {  	[sflag:s9] =	ssyncadd.s32 $0xFFFFFFB0  }
0x18c: {  	[tilespmem:s14], [sflag:$0xA] =	stream.indirect.gather [hbm4b:s17+s7], $0x80, s8, s7, $0xb8;
	[tilespmem:$0x1E800] =	vst v63  }
0x18d: {  	_ =	swait.ge [sflag:s26], $0x2800  }
0x18e: {  	[sflag:s26] =	ssyncset.done $0x0  }
0x18f: {  	[sflag:s26] =	ssyncadd.s32 $0xFFFFD800  }
0x190: {  	_ =	swait.ge [sflag:s21], $0x2800  }
0x191: {  	[sflag:s21] =	ssyncset.done $0x0  }
0x192: {  	s22 =	simm.s32 $0x780;
	s30 =	rddreg [dreg:$0x4];
	[sflag:s21] =	ssyncadd.s32 $0xFFFFD800  }
0x193: {  	[spmem:s2] =	stream.indirect.scatter.add.f32 [tilespmem:s20], [sflag:$0xD], $0x80, s22, s7, $0xb8;
	[tilespmem:$0x1E800] =	vst v63  }
0x194: {  	s25 =	rddreg [dreg:$0x3];
	s30 =	sadd.s32 $0x0, s30  }
0x195: {  	[tilespmem:s24], [sflag:$0x6] =	stream.linear.gather [hbm4b:s30+s3], $0x50, $0x38;
	[tilespmem:$0x1E800] =	vst v63  }
0x196: {  	s30 =	sadd.s32 $0x0, s25  }
0x197: {  	[tilespmem:s12], [sflag:$0x6] =	stream.linear.gather [hbm4b:s30+s3], $0x50, $0x38;
	[tilespmem:$0x1E800] =	vst v63  }
0x198: {  	_ =	swait.ge [sflag:s11], $0x50  }
0x199: {  	[sflag:s11] =	ssyncset.done $0x0  }
0x19a: {  	[sflag:s11] =	ssyncadd.s32 $0xFFFFFFB0  }
0x19b: {  	_ =	swait.ge [sflag:s11], $0x50  }
0x19c: {  	[sflag:s11] =	ssyncset.done $0x0  }
0x19d: {  	s30 =	simm.s32 $0x50;
	[sflag:s11] =	ssyncadd.s32 $0xFFFFFFB0  }
.LBB2_2:
0x19e: {  	s14 =	simm.s32 $0x100;
	s6 =	simm.s32 $0x5800;
	s16 =	simm.s32 $0x9  }
0x19f: {  	[tilespmem:s6], [sflag:$0xB] =	stream.indirect.gather [hbm4b:s17+s7], $0x80, s14, s7, $0xb8;
	[tilespmem:$0x1E800] =	vst v63  }
0x1a0: {  	_ =	swait.ge [sflag:s16], $0x2800  }
0x1a1: {  	[sflag:s16] =	ssyncset.done $0x0  }
0x1a2: {  	[sflag:s16] =	ssyncadd.s32 $0xFFFFD800  }
0x1a3: {  	_ =	swait.ge [sflag:s21], $0x2800  }
0x1a4: {  	s31 =	smov.u32 s30;
	s4 =	simm.s32 $0x400;
	[sflag:s21] =	ssyncset.done $0x0  }
0x1a5: {  	s12 =	simm.s32 $0x800;
	s1 =	rddreg [dreg:$0x12];
	[sflag:s21] =	ssyncadd.s32 $0xFFFFD800  }
0x1a6: {  	[spmem:s2] =	stream.indirect.scatter.add.f32 [tilespmem:s12], [sflag:$0xD], $0x80, s4, s7, $0xb8;
	[tilespmem:$0x1E800] =	vst v63  }
0x1a7: {  	s9 =	simm.s32 $0x300;
	s0 =	rddreg [dreg:$0x11];
	s1 =	sadd.s32 s31, s1  }
0x1a8: {  	[tilespmem:s9], [sflag:$0x7] =	stream.linear.gather [hbm4b:s1+s3], $0x50, $0x38;
	[tilespmem:$0x1E800] =	vst v63  }
0x1a9: {  	s11 =	simm.s32 $0x700;
	s8 =	simm.s32 $0x4;
	s0 =	sadd.s32 s31, s0  }
0x1aa: {  	[tilespmem:s11], [sflag:$0x7] =	stream.linear.gather [hbm4b:s0+s3], $0x50, $0x38;
	[tilespmem:$0x1E800] =	vst v63  }
0x1ab: {  	_ =	swait.ge [sflag:s8], $0x50  }
0x1ac: {  	[sflag:s8] =	ssyncset.done $0x0  }
0x1ad: {  	[sflag:s8] =	ssyncadd.s32 $0xFFFFFFB0  }
0x1ae: {  	_ =	swait.ge [sflag:s8], $0x50  }
0x1af: {  	s22 =	simm.s32 $0x180;
	[sflag:s8] =	ssyncset.done $0x0  }
0x1b0: {  	s13 =	simm.s32 $0x8000;
	s23 =	simm.s32 $0xA;
	[sflag:s8] =	ssyncadd.s32 $0xFFFFFFB0  }
0x1b1: {  	[tilespmem:s13], [sflag:$0xC] =	stream.indirect.gather [hbm4b:s17+s7], $0x80, s22, s7, $0xb8;
	[tilespmem:$0x1E800] =	vst v63  }
0x1b2: {  	_ =	swait.ge [sflag:s23], $0x2800  }
0x1b3: {  	[sflag:s23] =	ssyncset.done $0x0  }
0x1b4: {  	[sflag:s23] =	ssyncadd.s32 $0xFFFFD800  }
0x1b5: {  	_ =	swait.ge [sflag:s21], $0x2800  }
0x1b6: {  	s5 =	simm.s32 $0x480;
	[sflag:s21] =	ssyncset.done $0x0  }
0x1b7: {  	s18 =	simm.s32 $0x3000;
	s10 =	rddreg [dreg:$0x10];
	[sflag:s21] =	ssyncadd.s32 $0xFFFFD800  }
0x1b8: {  	[spmem:s2] =	stream.indirect.scatter.add.f32 [tilespmem:s18], [sflag:$0xD], $0x80, s5, s7, $0xb8;
	[tilespmem:$0x1E800] =	vst v63  }
0x1b9: {  	s19 =	simm.s32 $0x380;
	s15 =	rddreg [dreg:$0xf];
	s0 =	sadd.s32 s31, s10  }
0x1ba: {  	[tilespmem:s19], [sflag:$0x8] =	stream.linear.gather [hbm4b:s0+s3], $0x50, $0x38;
	[tilespmem:$0x1E800] =	vst v63  }
0x1bb: {  	s24 =	simm.s32 $0x780;
	s25 =	simm.s32 $0x5;
	s20 =	sadd.s32 s31, s15  }
0x1bc: {  	[tilespmem:s24], [sflag:$0x8] =	stream.linear.gather [hbm4b:s20+s3], $0x50, $0x38;
	[tilespmem:$0x1E800] =	vst v63  }
0x1bd: {  	_ =	swait.ge [sflag:s25], $0x50  }
0x1be: {  	[sflag:s25] =	ssyncset.done $0x0  }
0x1bf: {  	[sflag:s25] =	ssyncadd.s32 $0xFFFFFFB0  }
0x1c0: {  	_ =	swait.ge [sflag:s25], $0x50  }
0x1c1: {  	[sflag:s25] =	ssyncset.done $0x0  }
0x1c2: {  	s8 =	simm.s32 $0x200;
	[sflag:s25] =	ssyncadd.s32 $0xFFFFFFB0;
	s25 =	simm.s32 $0xB  }
0x1c3: {  	[tilespmem:s12], [sflag:$0x9] =	stream.indirect.gather [hbm4b:s17+s7], $0x80, s8, s7, $0xb8;
	[tilespmem:$0x1E800] =	vst v63  }
0x1c4: {  	_ =	swait.ge [sflag:s25], $0x2800  }
0x1c5: {  	[sflag:s25] =	ssyncset.done $0x0  }
0x1c6: {  	[sflag:s25] =	ssyncadd.s32 $0xFFFFD800  }
0x1c7: {  	_ =	swait.ge [sflag:s21], $0x2800  }
0x1c8: {  	[sflag:s21] =	ssyncset.done $0x0  }
0x1c9: {  	s15 =	simm.s32 $0x500;
	s1 =	rddreg [dreg:$0xe];
	[sflag:s21] =	ssyncadd.s32 $0xFFFFD800  }
0x1ca: {  	[spmem:s2] =	stream.indirect.scatter.add.f32 [tilespmem:s6], [sflag:$0xD], $0x80, s15, s7, $0xb8;
	[tilespmem:$0x1E800] =	vst v63  }
0x1cb: {  	s10 =	rddreg [dreg:$0xd];
	s0 =	sadd.s32 s31, s1  }
0x1cc: {  	[tilespmem:s3], [sflag:$0x1] =	stream.linear.gather [hbm4b:s0+s3], $0x50, $0x38;
	[tilespmem:$0x1E800] =	vst v63  }
0x1cd: {  	s20 =	sadd.s32 s31, s10;
	s1 =	simm.s32 $0x6  }
0x1ce: {  	[tilespmem:s4], [sflag:$0x1] =	stream.linear.gather [hbm4b:s20+s3], $0x50, $0x38;
	[tilespmem:$0x1E800] =	vst v63  }
0x1cf: {  	_ =	swait.ge [sflag:s1], $0x50  }
0x1d0: {  	[sflag:s1] =	ssyncset.done $0x0  }
0x1d1: {  	[sflag:s1] =	ssyncadd.s32 $0xFFFFFFB0  }
0x1d2: {  	_ =	swait.ge [sflag:s1], $0x50  }
0x1d3: {  	[sflag:s1] =	ssyncset.done $0x0  }
0x1d4: {  	s10 =	simm.s32 $0x280;
	[sflag:s1] =	ssyncadd.s32 $0xFFFFFFB0  }
0x1d5: {  	[tilespmem:s18], [sflag:$0xA] =	stream.indirect.gather [hbm4b:s17+s7], $0x80, s10, s7, $0xb8;
	[tilespmem:$0x1E800] =	vst v63  }
0x1d6: {  	_ =	swait.ge [sflag:s26], $0x2800  }
0x1d7: {  	[sflag:s26] =	ssyncset.done $0x0  }
0x1d8: {  	[sflag:s26] =	ssyncadd.s32 $0xFFFFD800  }
0x1d9: {  	_ =	swait.ge [sflag:s21], $0x2800  }
0x1da: {  	[sflag:s21] =	ssyncset.done $0x0  }
0x1db: {  	s20 =	simm.s32 $0x580;
	s4 =	rddreg [dreg:$0xc];
	[sflag:s21] =	ssyncadd.s32 $0xFFFFD800  }
0x1dc: {  	[spmem:s2] =	stream.indirect.scatter.add.f32 [tilespmem:s13], [sflag:$0xD], $0x80, s20, s7, $0xb8;
	[tilespmem:$0x1E800] =	vst v63  }
0x1dd: {  	s1 =	rddreg [dreg:$0xb];
	s0 =	sadd.s32 s31, s4;
	s4 =	simm.s32 $0x80  }
0x1de: {  	[tilespmem:s4], [sflag:$0x2] =	stream.linear.gather [hbm4b:s0+s3], $0x50, $0x38;
	[tilespmem:$0x1E800] =	vst v63  }
0x1df: {  	s1 =	sadd.s32 s31, s1  }
0x1e0: {  	[tilespmem:s5], [sflag:$0x2] =	stream.linear.gather [hbm4b:s1+s3], $0x50, $0x38;
	[tilespmem:$0x1E800] =	vst v63  }
0x1e1: {  	_ =	swait.ge [sflag:s28], $0x50  }
0x1e2: {  	[sflag:s28] =	ssyncset.done $0x0  }
0x1e3: {  	[sflag:s28] =	ssyncadd.s32 $0xFFFFFFB0  }
0x1e4: {  	_ =	swait.ge [sflag:s28], $0x50  }
0x1e5: {  	[sflag:s28] =	ssyncset.done $0x0  }
0x1e6: {  	[sflag:s28] =	ssyncadd.s32 $0xFFFFFFB0  }
0x1e7: {  	[tilespmem:s6], [sflag:$0xB] =	stream.indirect.gather [hbm4b:s17+s7], $0x80, s9, s7, $0xb8;
	[tilespmem:$0x1E800] =	vst v63  }
0x1e8: {  	_ =	swait.ge [sflag:s16], $0x2800  }
0x1e9: {  	[sflag:s16] =	ssyncset.done $0x0  }
0x1ea: {  	[sflag:s16] =	ssyncadd.s32 $0xFFFFD800  }
0x1eb: {  	_ =	swait.ge [sflag:s21], $0x2800  }
0x1ec: {  	[sflag:s21] =	ssyncset.done $0x0  }
0x1ed: {  	s5 =	simm.s32 $0x600;
	s1 =	rddreg [dreg:$0xa];
	[sflag:s21] =	ssyncadd.s32 $0xFFFFD800  }
0x1ee: {  	[spmem:s2] =	stream.indirect.scatter.add.f32 [tilespmem:s12], [sflag:$0xD], $0x80, s5, s7, $0xb8;
	[tilespmem:$0x1E800] =	vst v63  }
0x1ef: {  	s9 =	rddreg [dreg:$0x9];
	s0 =	sadd.s32 s31, s1  }
0x1f0: {  	[tilespmem:s14], [sflag:$0x3] =	stream.linear.gather [hbm4b:s0+s3], $0x50, $0x38;
	[tilespmem:$0x1E800] =	vst v63  }
0x1f1: {  	s16 =	sadd.s32 s31, s9  }
0x1f2: {  	[tilespmem:s15], [sflag:$0x3] =	stream.linear.gather [hbm4b:s16+s3], $0x50, $0x38;
	[tilespmem:$0x1E800] =	vst v63  }
0x1f3: {  	_ =	swait.ge [sflag:s29], $0x50  }
0x1f4: {  	[sflag:s29] =	ssyncset.done $0x0  }
0x1f5: {  	[sflag:s29] =	ssyncadd.s32 $0xFFFFFFB0  }
0x1f6: {  	_ =	swait.ge [sflag:s29], $0x50  }
0x1f7: {  	[sflag:s29] =	ssyncset.done $0x0  }
0x1f8: {  	[sflag:s29] =	ssyncadd.s32 $0xFFFFFFB0  }
0x1f9: {  	[tilespmem:s13], [sflag:$0xC] =	stream.indirect.gather [hbm4b:s17+s7], $0x80, s19, s7, $0xb8;
	[tilespmem:$0x1E800] =	vst v63  }
0x1fa: {  	_ =	swait.ge [sflag:s23], $0x2800  }
0x1fb: {  	[sflag:s23] =	ssyncset.done $0x0  }
0x1fc: {  	[sflag:s23] =	ssyncadd.s32 $0xFFFFD800  }
0x1fd: {  	_ =	swait.ge [sflag:s21], $0x2800  }
0x1fe: {  	[sflag:s21] =	ssyncset.done $0x0  }
0x1ff: {  	s14 =	simm.s32 $0x680;
	s19 =	rddreg [dreg:$0x8];
	[sflag:s21] =	ssyncadd.s32 $0xFFFFD800  }
0x200: {  	[spmem:s2] =	stream.indirect.scatter.add.f32 [tilespmem:s18], [sflag:$0xD], $0x80, s14, s7, $0xb8;
	[tilespmem:$0x1E800] =	vst v63  }
0x201: {  	s23 =	rddreg [dreg:$0x7];
	s0 =	sadd.s32 s31, s19  }
0x202: {  	[tilespmem:s22], [sflag:$0x4] =	stream.linear.gather [hbm4b:s0+s3], $0x50, $0x38;
	[tilespmem:$0x1E800] =	vst v63  }
0x203: {  	s9 =	simm.s32 $0x1;
	s1 =	sadd.s32 s31, s23  }
0x204: {  	[tilespmem:s20], [sflag:$0x4] =	stream.linear.gather [hbm4b:s1+s3], $0x50, $0x38;
	[tilespmem:$0x1E800] =	vst v63  }
0x205: {  	_ =	swait.ge [sflag:s9], $0x50  }
0x206: {  	[sflag:s9] =	ssyncset.done $0x0  }
0x207: {  	[sflag:s9] =	ssyncadd.s32 $0xFFFFFFB0  }
0x208: {  	_ =	swait.ge [sflag:s9], $0x50  }
0x209: {  	[sflag:s9] =	ssyncset.done $0x0  }
0x20a: {  	[sflag:s9] =	ssyncadd.s32 $0xFFFFFFB0  }
0x20b: {  	[tilespmem:s12], [sflag:$0x9] =	stream.indirect.gather [hbm4b:s17+s7], $0x80, s3, s7, $0xb8;
	[tilespmem:$0x1E800] =	vst v63  }
0x20c: {  	_ =	swait.ge [sflag:s25], $0x2800  }
0x20d: {  	[sflag:s25] =	ssyncset.done $0x0  }
0x20e: {  	[sflag:s25] =	ssyncadd.s32 $0xFFFFD800  }
0x20f: {  	_ =	swait.ge [sflag:s21], $0x2800  }
0x210: {  	[sflag:s21] =	ssyncset.done $0x0  }
0x211: {  	s15 =	rddreg [dreg:$0x6];
	[sflag:s21] =	ssyncadd.s32 $0xFFFFD800  }
0x212: {  	[spmem:s2] =	stream.indirect.scatter.add.f32 [tilespmem:s6], [sflag:$0xD], $0x80, s11, s7, $0xb8;
	[tilespmem:$0x1E800] =	vst v63  }
0x213: {  	s16 =	rddreg [dreg:$0x5];
	s0 =	sadd.s32 s31, s15  }
0x214: {  	[tilespmem:s8], [sflag:$0x5] =	stream.linear.gather [hbm4b:s0+s3], $0x50, $0x38;
	[tilespmem:$0x1E800] =	vst v63  }
0x215: {  	s20 =	simm.s32 $0x2;
	s19 =	sadd.s32 s31, s16  }
0x216: {  	[tilespmem:s5], [sflag:$0x5] =	stream.linear.gather [hbm4b:s19+s3], $0x50, $0x38;
	[tilespmem:$0x1E800] =	vst v63  }
0x217: {  	_ =	swait.ge [sflag:s20], $0x50  }
0x218: {  	[sflag:s20] =	ssyncset.done $0x0  }
0x219: {  	[sflag:s20] =	ssyncadd.s32 $0xFFFFFFB0  }
0x21a: {  	_ =	swait.ge [sflag:s20], $0x50  }
0x21b: {  	[sflag:s20] =	ssyncset.done $0x0  }
0x21c: {  	[sflag:s20] =	ssyncadd.s32 $0xFFFFFFB0  }
0x21d: {  	[tilespmem:s18], [sflag:$0xA] =	stream.indirect.gather [hbm4b:s17+s7], $0x80, s4, s7, $0xb8;
	[tilespmem:$0x1E800] =	vst v63  }
0x21e: {  	_ =	swait.ge [sflag:s26], $0x2800  }
0x21f: {  	[sflag:s26] =	ssyncset.done $0x0  }
0x220: {  	[sflag:s26] =	ssyncadd.s32 $0xFFFFD800  }
0x221: {  	_ =	swait.ge [sflag:s21], $0x2800  }
0x222: {  	[sflag:s21] =	ssyncset.done $0x0  }
0x223: {  	s22 =	rddreg [dreg:$0x4];
	[sflag:s21] =	ssyncadd.s32 $0xFFFFD800  }
0x224: {  	[spmem:s2] =	stream.indirect.scatter.add.f32 [tilespmem:s13], [sflag:$0xD], $0x80, s24, s7, $0xb8;
	[tilespmem:$0x1E800] =	vst v63  }
0x225: {  	s23 =	rddreg [dreg:$0x3];
	s0 =	sadd.s32 s31, s22  }
0x226: {  	[tilespmem:s10], [sflag:$0x6] =	stream.linear.gather [hbm4b:s0+s3], $0x50, $0x38;
	[tilespmem:$0x1E800] =	vst v63  }
0x227: {  	s25 =	sadd.s32 s31, s23;
	s31 =	simm.s32 $0x3  }
0x228: {  	[tilespmem:s14], [sflag:$0x6] =	stream.linear.gather [hbm4b:s25+s3], $0x50, $0x38;
	[tilespmem:$0x1E800] =	vst v63  }
0x229: {  	p0 =	sne.s32 s30, $0x3C0;
	_ =	swait.ge [sflag:s31], $0x50  }
.Ltmp0:
0x22a: {  	[sflag:s31] =	ssyncset.done $0x0;
	(pc) =	sbr.rel @p0 .LBB2_2-.Ltmp0, $4  }
0x22b: {  	[sflag:s31] =	ssyncadd.s32 $0xFFFFFFB0  }
0x22c: {  	_ =	swait.ge [sflag:s31], $0x50  }
0x22d: {  	s30 =	sadd.s32 $0x50, s30;
	[sflag:s31] =	ssyncset.done $0x0  }
0x22e: {  	s4 =	simm.s32 $0x280;
	s10 =	simm.s32 $0x680;
	[sflag:s31] =	ssyncadd.s32 $0xFFFFFFB0  }
0x22f: {  	s5 =	simm.s32 $0x100;
	s6 =	simm.s32 $0x5800;
	s31 =	simm.s32 $0x9  }
0x230: {  	[tilespmem:s6], [sflag:$0xB] =	stream.indirect.gather [hbm4b:s17+s7], $0x80, s5, s7, $0xb8;
	[tilespmem:$0x1E800] =	vst v63  }
0x231: {  	_ =	swait.ge [sflag:s31], $0x2800  }
0x232: {  	[sflag:s31] =	ssyncset.done $0x0  }
0x233: {  	[sflag:s31] =	ssyncadd.s32 $0xFFFFD800  }
0x234: {  	_ =	swait.ge [sflag:s21], $0x2800  }
0x235: {  	s11 =	simm.s32 $0x400;
	[sflag:s21] =	ssyncset.done $0x0  }
0x236: {  	s12 =	simm.s32 $0x800;
	s0 =	sld [smem:$0x7E9];
	[sflag:s21] =	ssyncadd.s32 $0xFFFFD800  }
0x237: {  	[spmem:s2] =	stream.indirect.scatter.add.f32 [tilespmem:s12], [sflag:$0xD], $0x80, s11, s7, $0xb8;
	[tilespmem:$0x1E800] =	vst v63  }
0x238: {  	s9 =	simm.s32 $0x300;
	s13 =	sld [smem:$0x7EA]  }
0x239: {  	[tilespmem:s9], [sflag:$0x7] =	stream.linear.gather [hbm4b:s0+s3], $0x50, $0x38;
	[tilespmem:$0x1E800] =	vst v63  }
0x23a: {  	s1 =	simm.s32 $0x700;
	s16 =	simm.s32 $0x4  }
0x23b: {  	[tilespmem:s1], [sflag:$0x7] =	stream.linear.gather [hbm4b:s13+s3], $0x50, $0x38;
	[tilespmem:$0x1E800] =	vst v63  }
0x23c: {  	_ =	swait.ge [sflag:s16], $0x50  }
0x23d: {  	[sflag:s16] =	ssyncset.done $0x0  }
0x23e: {  	[sflag:s16] =	ssyncadd.s32 $0xFFFFFFB0  }
0x23f: {  	_ =	swait.ge [sflag:s16], $0x50  }
0x240: {  	s15 =	simm.s32 $0x180;
	[sflag:s16] =	ssyncset.done $0x0  }
0x241: {  	s23 =	simm.s32 $0xA;
	s13 =	simm.s32 $0x8000;
	[sflag:s16] =	ssyncadd.s32 $0xFFFFFFB0  }
0x242: {  	[tilespmem:s13], [sflag:$0xC] =	stream.indirect.gather [hbm4b:s17+s7], $0x80, s15, s7, $0xb8;
	[tilespmem:$0x1E800] =	vst v63  }
0x243: {  	_ =	swait.ge [sflag:s23], $0x2800  }
0x244: {  	[sflag:s23] =	ssyncset.done $0x0  }
0x245: {  	[sflag:s23] =	ssyncadd.s32 $0xFFFFD800  }
0x246: {  	_ =	swait.ge [sflag:s21], $0x2800  }
0x247: {  	s30 =	simm.s32 $0x480;
	[sflag:s21] =	ssyncset.done $0x0  }
0x248: {  	s18 =	simm.s32 $0x3000;
	s14 =	sld [smem:$0x7EB];
	[sflag:s21] =	ssyncadd.s32 $0xFFFFD800  }
0x249: {  	[spmem:s2] =	stream.indirect.scatter.add.f32 [tilespmem:s18], [sflag:$0xD], $0x80, s30, s7, $0xb8;
	[tilespmem:$0x1E800] =	vst v63  }
0x24a: {  	s19 =	simm.s32 $0x380;
	s20 =	sld [smem:$0x7EC]  }
0x24b: {  	[tilespmem:s19], [sflag:$0x8] =	stream.linear.gather [hbm4b:s14+s3], $0x50, $0x38;
	[tilespmem:$0x1E800] =	vst v63  }
0x24c: {  	s24 =	simm.s32 $0x780;
	s1 =	simm.s32 $0x5  }
0x24d: {  	[tilespmem:s24], [sflag:$0x8] =	stream.linear.gather [hbm4b:s20+s3], $0x50, $0x38;
	[tilespmem:$0x1E800] =	vst v63  }
0x24e: {  	_ =	swait.ge [sflag:s1], $0x50  }
0x24f: {  	[sflag:s1] =	ssyncset.done $0x0  }
0x250: {  	[sflag:s1] =	ssyncadd.s32 $0xFFFFFFB0  }
0x251: {  	_ =	swait.ge [sflag:s1], $0x50  }
0x252: {  	[sflag:s1] =	ssyncset.done $0x0  }
0x253: {  	s8 =	simm.s32 $0x200;
	s25 =	simm.s32 $0xB;
	[sflag:s1] =	ssyncadd.s32 $0xFFFFFFB0  }
0x254: {  	[tilespmem:s12], [sflag:$0x9] =	stream.indirect.gather [hbm4b:s17+s7], $0x80, s8, s7, $0xb8;
	[tilespmem:$0x1E800] =	vst v63  }
0x255: {  	_ =	swait.ge [sflag:s25], $0x2800  }
0x256: {  	[sflag:s25] =	ssyncset.done $0x0  }
0x257: {  	[sflag:s25] =	ssyncadd.s32 $0xFFFFD800  }
0x258: {  	_ =	swait.ge [sflag:s21], $0x2800  }
0x259: {  	[sflag:s21] =	ssyncset.done $0x0  }
0x25a: {  	s14 =	simm.s32 $0x500;
	s22 =	sld [smem:$0x7ED];
	[sflag:s21] =	ssyncadd.s32 $0xFFFFD800  }
0x25b: {  	[spmem:s2] =	stream.indirect.scatter.add.f32 [tilespmem:s6], [sflag:$0xD], $0x80, s14, s7, $0xb8;
	[tilespmem:$0x1E800] =	vst v63  }
0x25c: {  	s20 =	sld [smem:$0x7EE]  }
0x25d: {  	[tilespmem:s3], [sflag:$0x1] =	stream.linear.gather [hbm4b:s22+s3], $0x50, $0x38;
	[tilespmem:$0x1E800] =	vst v63  }
0x25e: {  	s22 =	simm.s32 $0x6  }
0x25f: {  	[tilespmem:s11], [sflag:$0x1] =	stream.linear.gather [hbm4b:s20+s3], $0x50, $0x38;
	[tilespmem:$0x1E800] =	vst v63  }
0x260: {  	_ =	swait.ge [sflag:s22], $0x50  }
0x261: {  	[sflag:s22] =	ssyncset.done $0x0  }
0x262: {  	[sflag:s22] =	ssyncadd.s32 $0xFFFFFFB0  }
0x263: {  	_ =	swait.ge [sflag:s22], $0x50  }
0x264: {  	[sflag:s22] =	ssyncset.done $0x0  }
0x265: {  	[sflag:s22] =	ssyncadd.s32 $0xFFFFFFB0  }
0x266: {  	[tilespmem:s18], [sflag:$0xA] =	stream.indirect.gather [hbm4b:s17+s7], $0x80, s4, s7, $0xb8;
	[tilespmem:$0x1E800] =	vst v63  }
0x267: {  	_ =	swait.ge [sflag:s26], $0x2800  }
0x268: {  	[sflag:s26] =	ssyncset.done $0x0  }
0x269: {  	[sflag:s26] =	ssyncadd.s32 $0xFFFFD800  }
0x26a: {  	_ =	swait.ge [sflag:s21], $0x2800  }
0x26b: {  	[sflag:s21] =	ssyncset.done $0x0  }
0x26c: {  	s22 =	simm.s32 $0x580;
	s20 =	sld [smem:$0x7EF];
	[sflag:s21] =	ssyncadd.s32 $0xFFFFD800  }
0x26d: {  	[spmem:s2] =	stream.indirect.scatter.add.f32 [tilespmem:s13], [sflag:$0xD], $0x80, s22, s7, $0xb8;
	[tilespmem:$0x1E800] =	vst v63  }
0x26e: {  	s4 =	simm.s32 $0x80  }
0x26f: {  	[tilespmem:s4], [sflag:$0x2] =	stream.linear.gather [hbm4b:s20+s3], $0x50, $0x38;
	[tilespmem:$0x1E800] =	vst v63  }
0x270: {  	s20 =	sld [smem:$0x7F0];
	_ =	sdelay $0x2  }
0x271: {  	[tilespmem:s30], [sflag:$0x2] =	stream.linear.gather [hbm4b:s20+s3], $0x50, $0x38;
	[tilespmem:$0x1E800] =	vst v63  }
0x272: {  	_ =	swait.ge [sflag:s28], $0x50  }
0x273: {  	[sflag:s28] =	ssyncset.done $0x0  }
0x274: {  	[sflag:s28] =	ssyncadd.s32 $0xFFFFFFB0  }
0x275: {  	_ =	swait.ge [sflag:s28], $0x50  }
0x276: {  	[sflag:s28] =	ssyncset.done $0x0  }
0x277: {  	[sflag:s28] =	ssyncadd.s32 $0xFFFFFFB0  }
0x278: {  	[tilespmem:s6], [sflag:$0xB] =	stream.indirect.gather [hbm4b:s17+s7], $0x80, s9, s7, $0xb8;
	[tilespmem:$0x1E800] =	vst v63  }
0x279: {  	_ =	swait.ge [sflag:s31], $0x2800  }
0x27a: {  	[sflag:s31] =	ssyncset.done $0x0  }
0x27b: {  	[sflag:s31] =	ssyncadd.s32 $0xFFFFD800  }
0x27c: {  	_ =	swait.ge [sflag:s21], $0x2800  }
0x27d: {  	[sflag:s21] =	ssyncset.done $0x0  }
0x27e: {  	s20 =	simm.s32 $0x600;
	s9 =	sld [smem:$0x7F1];
	[sflag:s21] =	ssyncadd.s32 $0xFFFFD800  }
0x27f: {  	[spmem:s2] =	stream.indirect.scatter.add.f32 [tilespmem:s12], [sflag:$0xD], $0x80, s20, s7, $0xb8;
	[tilespmem:$0x1E800] =	vst v63  }
0x280: {  	_ = 	snop  }
0x281: {  	[tilespmem:s5], [sflag:$0x3] =	stream.linear.gather [hbm4b:s9+s3], $0x50, $0x38;
	[tilespmem:$0x1E800] =	vst v63  }
0x282: {  	s9 =	sld [smem:$0x7F2];
	_ =	sdelay $0x2  }
0x283: {  	[tilespmem:s14], [sflag:$0x3] =	stream.linear.gather [hbm4b:s9+s3], $0x50, $0x38;
	[tilespmem:$0x1E800] =	vst v63  }
0x284: {  	_ =	swait.ge [sflag:s29], $0x50  }
0x285: {  	[sflag:s29] =	ssyncset.done $0x0  }
0x286: {  	[sflag:s29] =	ssyncadd.s32 $0xFFFFFFB0  }
0x287: {  	_ =	swait.ge [sflag:s29], $0x50  }
0x288: {  	[sflag:s29] =	ssyncset.done $0x0  }
0x289: {  	[sflag:s29] =	ssyncadd.s32 $0xFFFFFFB0  }
0x28a: {  	[tilespmem:s13], [sflag:$0xC] =	stream.indirect.gather [hbm4b:s17+s7], $0x80, s19, s7, $0xb8;
	[tilespmem:$0x1E800] =	vst v63  }
0x28b: {  	_ =	swait.ge [sflag:s23], $0x2800  }
0x28c: {  	[sflag:s23] =	ssyncset.done $0x0  }
0x28d: {  	[sflag:s23] =	ssyncadd.s32 $0xFFFFD800  }
0x28e: {  	_ =	swait.ge [sflag:s21], $0x2800  }
0x28f: {  	[sflag:s21] =	ssyncset.done $0x0  }
0x290: {  	[sflag:s21] =	ssyncadd.s32 $0xFFFFD800  }
0x291: {  	[spmem:s2] =	stream.indirect.scatter.add.f32 [tilespmem:s18], [sflag:$0xD], $0x80, s10, s7, $0xb8;
	[tilespmem:$0x1E800] =	vst v63  }
0x292: {  	s10 =	sld [smem:$0x7F5];
	_ =	sdelay $0x1  }
0x293: {  	s19 =	sld [smem:$0x7F6]  }
0x294: {  	[tilespmem:s15], [sflag:$0x4] =	stream.linear.gather [hbm4b:s10+s3], $0x50, $0x38;
	[tilespmem:$0x1E800] =	vst v63  }
0x295: {  	s9 =	simm.s32 $0x1  }
0x296: {  	[tilespmem:s22], [sflag:$0x4] =	stream.linear.gather [hbm4b:s19+s3], $0x50, $0x38;
	[tilespmem:$0x1E800] =	vst v63  }
0x297: {  	_ =	swait.ge [sflag:s9], $0x50  }
0x298: {  	[sflag:s9] =	ssyncset.done $0x0  }
0x299: {  	[sflag:s9] =	ssyncadd.s32 $0xFFFFFFB0  }
0x29a: {  	_ =	swait.ge [sflag:s9], $0x50  }
0x29b: {  	[sflag:s9] =	ssyncset.done $0x0  }
0x29c: {  	[sflag:s9] =	ssyncadd.s32 $0xFFFFFFB0  }
0x29d: {  	[tilespmem:s12], [sflag:$0x9] =	stream.indirect.gather [hbm4b:s17+s7], $0x80, s3, s7, $0xb8;
	[tilespmem:$0x1E800] =	vst v63  }
0x29e: {  	_ =	swait.ge [sflag:s25], $0x2800  }
0x29f: {  	[sflag:s25] =	ssyncset.done $0x0  }
0x2a0: {  	[sflag:s25] =	ssyncadd.s32 $0xFFFFD800  }
0x2a1: {  	_ =	swait.ge [sflag:s21], $0x2800  }
0x2a2: {  	[sflag:s21] =	ssyncset.done $0x0  }
0x2a3: {  	s10 =	simm.s32 $0x700;
	s19 =	sld [smem:$0x7F8];
	[sflag:s21] =	ssyncadd.s32 $0xFFFFD800  }
0x2a4: {  	[spmem:s2] =	stream.indirect.scatter.add.f32 [tilespmem:s6], [sflag:$0xD], $0x80, s10, s7, $0xb8;
	[tilespmem:$0x1E800] =	vst v63  }
0x2a5: {  	s9 =	sld [smem:$0x7F7]  }
0x2a6: {  	[tilespmem:s8], [sflag:$0x5] =	stream.linear.gather [hbm4b:s19+s3], $0x50, $0x38;
	[tilespmem:$0x1E800] =	vst v63  }
0x2a7: {  	s10 =	simm.s32 $0x2  }
0x2a8: {  	[tilespmem:s20], [sflag:$0x5] =	stream.linear.gather [hbm4b:s9+s3], $0x50, $0x38;
	[tilespmem:$0x1E800] =	vst v63  }
0x2a9: {  	_ =	swait.ge [sflag:s10], $0x50  }
0x2aa: {  	[sflag:s10] =	ssyncset.done $0x0  }
0x2ab: {  	[sflag:s10] =	ssyncadd.s32 $0xFFFFFFB0  }
0x2ac: {  	_ =	swait.ge [sflag:s10], $0x50  }
0x2ad: {  	[sflag:s10] =	ssyncset.done $0x0  }
0x2ae: {  	[sflag:s10] =	ssyncadd.s32 $0xFFFFFFB0  }
0x2af: {  	[tilespmem:s18], [sflag:$0xA] =	stream.indirect.gather [hbm4b:s17+s7], $0x80, s4, s7, $0xb8;
	[tilespmem:$0x1E800] =	vst v63  }
0x2b0: {  	_ =	swait.ge [sflag:s26], $0x2800  }
0x2b1: {  	[sflag:s26] =	ssyncset.done $0x0  }
0x2b2: {  	[sflag:s26] =	ssyncadd.s32 $0xFFFFD800  }
0x2b3: {  	_ =	swait.ge [sflag:s21], $0x2800  }
0x2b4: {  	[sflag:s21] =	ssyncset.done $0x0  }
0x2b5: {  	s19 =	simm.s32 $0x3;
	[sflag:s21] =	ssyncadd.s32 $0xFFFFD800  }
0x2b6: {  	[spmem:s2] =	stream.indirect.scatter.add.f32 [tilespmem:s13], [sflag:$0xD], $0x80, s24, s7, $0xb8;
	[tilespmem:$0x1E800] =	vst v63  }
0x2b7: {  	_ =	swait.ge [sflag:s19], $0x50  }
0x2b8: {  	[sflag:s19] =	ssyncset.done $0x0  }
0x2b9: {  	[sflag:s19] =	ssyncadd.s32 $0xFFFFFFB0  }
0x2ba: {  	_ =	swait.ge [sflag:s19], $0x50  }
0x2bb: {  	[sflag:s19] =	ssyncset.done $0x0  }
0x2bc: {  	[sflag:s19] =	ssyncadd.s32 $0xFFFFFFB0  }
0x2bd: {  	[tilespmem:s6], [sflag:$0xB] =	stream.indirect.gather [hbm4b:s17+s7], $0x80, s5, s7, $0xb8;
	[tilespmem:$0x1E800] =	vst v63  }
0x2be: {  	_ =	swait.ge [sflag:s31], $0x2800  }
0x2bf: {  	[sflag:s31] =	ssyncset.done $0x0  }
0x2c0: {  	[sflag:s31] =	ssyncadd.s32 $0xFFFFD800  }
0x2c1: {  	_ =	swait.ge [sflag:s21], $0x2800  }
0x2c2: {  	[sflag:s21] =	ssyncset.done $0x0  }
0x2c3: {  	[sflag:s21] =	ssyncadd.s32 $0xFFFFD800  }
0x2c4: {  	[spmem:s2] =	stream.indirect.scatter.add.f32 [tilespmem:s12], [sflag:$0xD], $0x80, s11, s7, $0xb8;
	[tilespmem:$0x1E800] =	vst v63  }
0x2c5: {  	_ =	swait.ge [sflag:s16], $0x50  }
0x2c6: {  	[sflag:s16] =	ssyncset.done $0x0  }
0x2c7: {  	[sflag:s16] =	ssyncadd.s32 $0xFFFFFFB0  }
0x2c8: {  	_ =	swait.ge [sflag:s16], $0x50  }
0x2c9: {  	[sflag:s16] =	ssyncset.done $0x0  }
0x2ca: {  	[sflag:s16] =	ssyncadd.s32 $0xFFFFFFB0  }
0x2cb: {  	[tilespmem:s13], [sflag:$0xC] =	stream.indirect.gather [hbm4b:s17+s7], $0x80, s15, s7, $0xb8;
	[tilespmem:$0x1E800] =	vst v63  }
0x2cc: {  	_ =	swait.ge [sflag:s23], $0x2800  }
0x2cd: {  	[sflag:s23] =	ssyncset.done $0x0  }
0x2ce: {  	[sflag:s23] =	ssyncadd.s32 $0xFFFFD800  }
0x2cf: {  	_ =	swait.ge [sflag:s21], $0x2800  }
0x2d0: {  	[sflag:s21] =	ssyncset.done $0x0  }
0x2d1: {  	[sflag:s21] =	ssyncadd.s32 $0xFFFFD800  }
0x2d2: {  	[spmem:s2] =	stream.indirect.scatter.add.f32 [tilespmem:s18], [sflag:$0xD], $0x80, s30, s7, $0xb8;
	[tilespmem:$0x1E800] =	vst v63  }
0x2d3: {  	_ =	swait.ge [sflag:s1], $0x50  }
0x2d4: {  	[sflag:s1] =	ssyncset.done $0x0  }
0x2d5: {  	[sflag:s1] =	ssyncadd.s32 $0xFFFFFFB0  }
0x2d6: {  	_ =	swait.ge [sflag:s1], $0x50  }
0x2d7: {  	[sflag:s1] =	ssyncset.done $0x0  }
0x2d8: {  	[sflag:s1] =	ssyncadd.s32 $0xFFFFFFB0  }
0x2d9: {  	[tilespmem:s12], [sflag:$0x9] =	stream.indirect.gather [hbm4b:s17+s7], $0x80, s8, s7, $0xb8;
	[tilespmem:$0x1E800] =	vst v63  }
0x2da: {  	_ =	swait.ge [sflag:s25], $0x2800  }
0x2db: {  	[sflag:s25] =	ssyncset.done $0x0  }
0x2dc: {  	[sflag:s25] =	ssyncadd.s32 $0xFFFFD800  }
0x2dd: {  	_ =	swait.ge [sflag:s21], $0x2800  }
0x2de: {  	[sflag:s21] =	ssyncset.done $0x0  }
0x2df: {  	[sflag:s21] =	ssyncadd.s32 $0xFFFFD800  }
0x2e0: {  	[spmem:s2] =	stream.indirect.scatter.add.f32 [tilespmem:s6], [sflag:$0xD], $0x80, s14, s7, $0xb8;
	[tilespmem:$0x1E800] =	vst v63  }
0x2e1: {  	_ =	swait.ge [sflag:s26], $0x2800  }
0x2e2: {  	[sflag:s26] =	ssyncset.done $0x0  }
0x2e3: {  	[sflag:s26] =	ssyncadd.s32 $0xFFFFD800  }
0x2e4: {  	_ =	swait.ge [sflag:s21], $0x2800  }
0x2e5: {  	[sflag:s21] =	ssyncset.done $0x0  }
0x2e6: {  	[sflag:s21] =	ssyncadd.s32 $0xFFFFD800  }
0x2e7: {  	[spmem:s2] =	stream.indirect.scatter.add.f32 [tilespmem:s13], [sflag:$0xD], $0x80, s22, s7, $0xb8;
	[tilespmem:$0x1E800] =	vst v63  }
0x2e8: {  	_ =	swait.ge [sflag:s31], $0x2800  }
0x2e9: {  	[sflag:s31] =	ssyncset.done $0x0  }
0x2ea: {  	[sflag:s31] =	ssyncadd.s32 $0xFFFFD800  }
0x2eb: {  	_ =	swait.ge [sflag:s21], $0x2800  }
0x2ec: {  	[sflag:s21] =	ssyncset.done $0x0  }
0x2ed: {  	[sflag:s21] =	ssyncadd.s32 $0xFFFFD800  }
0x2ee: {  	[spmem:s2] =	stream.indirect.scatter.add.f32 [tilespmem:s12], [sflag:$0xD], $0x80, s20, s7, $0xb8;
	[tilespmem:$0x1E800] =	vst v63  }
0x2ef: {  	_ =	swait.ge [sflag:s21], $0x2800  }
0x2f0: {  	[sflag:s21] =	ssyncset.done $0x0  }
0x2f1: {  	[sflag:s21] =	ssyncadd.s32 $0xFFFFD800  }
0x2f2: {  	[bflag:$0x0] =	sbarrier.arrive $0xFFFF  }
0x2f3: {  	s30 =	sld [smem:$0x7FD]  }
0x2f4: {  	s23 =	sld [smem:$0x7FB]  }
0x2f5: {  	s24 =	sld [smem:$0x7DB];
	_ =	sdelay $0x1  }
0x2f6: {  	s1 =	simm.s32 $0xE  }
0x2f7: {  	[hbm:s23], [sflag:s30] =	dma.local [spmem:s24], $0x2800  }
0x2f8: {  	_ =	swait.ge [sflag:s1], $0x2800  }
0x2f9: {  	s25 =	sld [smem:$0x7DA]  }
0x2fa: {  	s31 =	sld [smem:$0x7FC];
	_ =	sdelay $0x1  }
0x2fb: {  	s4 =	sadd.s32 $0x1, s25  }
0x2fc: {  	p0 =	sne.s32 s4, s31  }
.Ltmp1:
0x2fd: {  	_ = 	snop;
	(pc) =	sbr.rel @p0 .LBB2_1-.Ltmp1, $3  }
0x2fe: {  	_ =	sdelay $0x1  }
0x2ff: {  	[sflag:s1] =	ssyncset.done $0x0  }
0x300: {  	[sflag:s1] =	ssyncadd.s32 $0xFFFFD800  }
0x301: {  	_ =	sfence.sel $0x180000  }
0x302: {  	[bflag:$0x0] =	sbarrier.arrive $0xFFFF  }
0x303: {  	_ =	strace $0x9000004A  }
0x304: {  	s0 =	stileid.u32;
	[bflag:$0x2] =	sbarrier.arrive $0xFFFF  }
0x305: {  	p0 =	sne.s32 s0, $0x0;
	s0 =	rddreg [dreg:$0x2]  }
0x306: {  	s0 =	sadd.s32 @!p0 $0x100000, s0  }
0x307: {  	[sflag:s0] =	ssyncadd.tile.s32 @!p0 $0x1;
	_ =	shalt  }
.Lfunc_end2:
_tile_overlayer_lowered:
.L_overlay_start_2:
0x308: {  	(tag) =	ssettag $0x2  }
0x309: {  	s0 =	rddreg [dreg:$0x0];
	s2 =	stileid.u32  }
0x30a: {  	s1 =	rddreg [dreg:$0x1];
	p0 =	sne.s32 s2, $0x0  }
0x30b: {  	s3 =	rddreg [dreg:$0x2];
	[bflag:$0x3] =	sbarrier.arrive $0xFFFF;
	s2 =	simm.s32 @!p0 $0x1C0E  }
0x30c: {  	[timem:s3], [sflag:s2] =	dma.local @!p0 [hbm:s0], s1  }
0x30d: {  	s0 =	simm.s32 @!p0 $0xE  }
0x30e: {  	_ =	swait.ge @!p0 [sflag:s0], s1  }
0x30f: {  	s1 =	ssub.s32 @!p0 $0x0, s1;
	[sflag:s0] =	ssyncset.done @!p0 $0x0  }
0x310: {  	[sflag:s0] =	ssyncadd.s32 @!p0 s1  }
0x311: {  	[bflag:$0x3] =	sbarrier.arrive $0xFFFF  }
0x312: {  	_ =	shalt  }

</sc_bundles>
